<compile_context>
chip_gen: v7x
topology: tpu7x:2x2x1
jax: 0.10.2.dev20260603
libtpu: 0.0.44.dev20260713+nightly
codegen_flags: <defaults>
</compile_context>

<pallas_src>
import functools

import jax
import jax.numpy as jnp
from jax import lax
from jax.experimental import pallas as pl
from jax.experimental.pallas import tpu as pltpu
from jax.experimental.pallas import tpu_sc as plsc

DIM = 1024
B = 4
S = 4096
N = B * S
TYPES = 3
LN_EPS = 1e-5
L = 16
NC = 2
NS = 16
NW = NC * NS
TPW = N // NW
CHUNK = 16
NCHUNK = TPW // CHUNK
NPAIR = NCHUNK // 2
VPT = DIM // L


def _rsqrt16(x):
    xi = lax.bitcast_convert_type(x, jnp.int32)
    yi = jnp.int32(0x5F3759DF) - (xi >> 1)
    y = lax.bitcast_convert_type(yi, jnp.float32)
    half = x * 0.5
    for _ in range(4):
        y = y * (1.5 - half * y * y)
    return y


@functools.partial(
    pl.kernel,
    out_type=jax.ShapeDtypeStruct((N, DIM), jnp.float32),
    mesh=plsc.VectorSubcoreMesh(core_axis_name="c", subcore_axis_name="s"),
    compiler_params=pltpu.CompilerParams(needs_layout_passes=False),
    scratch_types=[
        pltpu.VMEM((TPW,), jnp.int32),
        pltpu.VMEM((TPW,), jnp.int32),
        pltpu.VMEM((TPW,), jnp.int32),
        pltpu.VMEM((TPW,), jnp.int32),
        pltpu.VMEM((CHUNK, DIM), jnp.float32),
        pltpu.VMEM((CHUNK, DIM // 2), jnp.int32),
        pltpu.VMEM((CHUNK, DIM), jnp.float32),
        pltpu.VMEM((CHUNK, DIM), jnp.float32),
        pltpu.VMEM((CHUNK, DIM // 2), jnp.int32),
        pltpu.VMEM((CHUNK, DIM), jnp.float32),
        pltpu.VMEM((2, CHUNK, L), jnp.float32),
        pltpu.VMEM((DIM,), jnp.float32),
        pltpu.VMEM((DIM,), jnp.float32),
        pltpu.SemaphoreType.DMA,
        pltpu.SemaphoreType.DMA,
        pltpu.SemaphoreType.DMA,
        pltpu.SemaphoreType.DMA,
    ],
)
def _emb_ln_kernel(tok_hbm, seg_hbm, pos_hbm, ttab_hbm, ptab_hbm,
                   segtab_hbm, gam_hbm, bet_hbm, out_hbm,
                   tok_i, seg_i, pos_i, cmb_i,
                   a0, b0, c0, a1, b1, c1,
                   stats, gam_v, bet_v, gsem0, gsem1, osem0, osem1):
    wid = lax.axis_index("s") * NC + lax.axis_index("c")
    base = wid * TPW
    pltpu.sync_copy(gam_hbm, gam_v)
    pltpu.sync_copy(bet_hbm, bet_v)
    pltpu.sync_copy(tok_hbm.at[pl.ds(base, TPW)], tok_i)
    pltpu.sync_copy(seg_hbm.at[pl.ds(base, TPW)], seg_i)
    pltpu.sync_copy(pos_hbm.at[pl.ds(base, TPW)], pos_i)

    def idx_body(i):
        cmb_i[pl.ds(i * L, L)] = seg_i[pl.ds(i * L, L)] + TYPES * wid

    plsc.parallel_loop(0, TPW // L, unroll=4)(idx_body)

    def fire_gathers(c, ba, bb, bc, gsem):
        loc = c * CHUNK
        pltpu.async_copy(ttab_hbm.at[tok_i.at[pl.ds(loc, CHUNK)]], ba, gsem)
        pltpu.async_copy(segtab_hbm.at[cmb_i.at[pl.ds(loc, CHUNK)]], bb, gsem)
        pltpu.async_copy(ptab_hbm.at[pos_i.at[pl.ds(loc, CHUNK)]], bc, gsem)

    def drain_gathers(c, ba, bb, bc, gsem):
        loc = c * CHUNK
        pltpu.make_async_copy(
            ttab_hbm.at[tok_i.at[pl.ds(loc, CHUNK)]], ba, gsem).wait()
        pltpu.make_async_copy(
            segtab_hbm.at[cmb_i.at[pl.ds(loc, CHUNK)]], bb, gsem).wait()
        pltpu.make_async_copy(
            ptab_hbm.at[pos_i.at[pl.ds(loc, CHUNK)]], bc, gsem).wait()

    def fire_out(c, ba, osem):
        return pltpu.async_copy(
            ba, out_hbm.at[pl.ds(base + c * CHUNK, CHUNK)], osem)

    def drain_out(c, ba, osem):
        pltpu.make_async_copy(
            ba, out_hbm.at[pl.ds(base + c * CHUNK, CHUNK)], osem).wait()

    def compute_chunk(ba, bb, bc):
        def tok_body(t):
            def pass1(jj, acc):
                sv, qv = acc
                sg0, sg1 = plsc.unpack(
                    plsc.bitcast(bb[t, pl.ds(jj * L, L)], jnp.bfloat16),
                    format=plsc.PackFormat.INTERLEAVED)
                j0 = jj * 2 * L
                s0 = ba[t, pl.ds(j0, L)] + sg0 + bc[t, pl.ds(j0, L)]
                s1 = ba[t, pl.ds(j0 + L, L)] + sg1 + bc[t, pl.ds(j0 + L, L)]
                ba[t, pl.ds(j0, L)] = s0
                ba[t, pl.ds(j0 + L, L)] = s1
                return sv + (s0 + s1), qv + (s0 * s0 + s1 * s1)

            zeros = jnp.zeros((L,), jnp.float32)
            sv, qv = plsc.parallel_loop(
                0, VPT // 2, carry=(zeros, zeros), unroll=4)(pass1)
            mean = jnp.sum(sv) * (1.0 / DIM)
            var = jnp.sum(qv) * (1.0 / DIM) - mean * mean
            stats[0, t, :] = jnp.full((L,), mean, jnp.float32)
            stats[1, t, :] = _rsqrt16(
                jnp.full((L,), var + LN_EPS, jnp.float32))

        plsc.parallel_loop(0, CHUNK)(tok_body)

        for t0 in range(0, CHUNK, 4):
            st = tuple(stats[0, t0 + i, :] for i in range(4)) + tuple(
                stats[1, t0 + i, :] for i in range(4))

            def pass2(j, carry, t0=t0):
                g = gam_v[pl.ds(j * L, L)]
                bt = bet_v[pl.ds(j * L, L)]
                for i in range(4):
                    s = ba[t0 + i, pl.ds(j * L, L)]
                    ba[t0 + i, pl.ds(j * L, L)] = (
                        (s - carry[i]) * carry[4 + i] * g + bt)
                return carry

            plsc.parallel_loop(0, VPT, carry=st, unroll=2)(pass2)

    fire_gathers(0, a0, b0, c0, gsem0)

    def pair_body(g, carry):
        ch0 = 2 * g
        ch1 = 2 * g + 1

        @pl.when(g > 0)
        def _():
            drain_out(ch1 - 2, a1, osem1)

        fire_gathers(ch1, a1, b1, c1, gsem1)

        drain_gathers(ch0, a0, b0, c0, gsem0)
        compute_chunk(a0, b0, c0)
        out0 = fire_out(ch0, a0, osem0)

        @pl.when(g < NPAIR - 1)
        def _():
            out0.wait()
            fire_gathers(ch0 + 2, a0, b0, c0, gsem0)

        drain_gathers(ch1, a1, b1, c1, gsem1)
        compute_chunk(a1, b1, c1)
        fire_out(ch1, a1, osem1)
        return carry

    lax.fori_loop(0, NPAIR, pair_body, 0)

    drain_out(NCHUNK - 2, a0, osem0)
    drain_out(NCHUNK - 1, a1, osem1)


def kernel(batched_tokens, batched_segments, batched_positions,
           tokens_table, positions_table, ln_gamma, ln_beta):
    tok = batched_tokens.reshape(N)
    seg = batched_segments.reshape(N)
    pos = batched_positions.reshape(N)
    t16 = tokens_table[:TYPES].astype(jnp.bfloat16).reshape(
        TYPES, VPT // 2, 2, L)
    packed = lax.bitcast_convert_type(
        t16.transpose(0, 1, 3, 2), jnp.int32).reshape(TYPES, DIM // 2)
    seg_table = jnp.tile(packed, (NW, 1))
    out = _emb_ln_kernel(tok, seg, pos, tokens_table, positions_table,
                         seg_table, ln_gamma, ln_beta)
    return out.reshape(B, S, DIM)

# --- scband reference (transcript-rebuilt; emitter-appended) ---
"""Pipeline reference for scband-embedding-layer-66692252172726 (READ-ONLY COPY).

The authoritative reference and input builder live on the scoring server;
editing this copy changes nothing except your own understanding.
"""

import jax, jax.numpy as jnp
import numpy as np

VOCAB = 30522
DIM = 1024
MAXPOS = 4096
TYPES = 3
B = 4
S = 4096
LN_EPS = 1e-5


def setup_inputs(seed: int = 0) -> dict:
    key = jax.random.key(seed)
    k1, k2, k3, k4, k5 = jax.random.split(key, 5)
    batched_tokens = jax.random.randint(k1, (B, S), 0, VOCAB, dtype=jnp.int32)
    batched_segments = jax.random.randint(k2, (B, S), 0, TYPES, dtype=jnp.int32)
    batched_positions = jax.random.randint(k3, (B, S), 0, MAXPOS, dtype=jnp.int32)
    # shared token embedding table (the `sharing_embedding` module weight)
    tokens_table = jax.random.normal(k4, (VOCAB, DIM), dtype=jnp.float32) * 0.02
    # position embedding table, truncated-normal init approximated by scaled normal
    positions_table = jax.random.normal(k5, (MAXPOS, DIM), dtype=jnp.float32) * 0.02
    ln_gamma = jnp.ones((DIM,), dtype=jnp.float32)
    ln_beta = jnp.zeros((DIM,), dtype=jnp.float32)
    return {
        "batched_tokens": batched_tokens,
        "batched_segments": batched_segments,
        "batched_positions": batched_positions,
        "tokens_table": tokens_table,
        "positions_table": positions_table,
        "ln_gamma": ln_gamma,
        "ln_beta": ln_beta,
    }


def reference(batched_tokens, batched_segments, batched_positions, tokens_table, positions_table, ln_gamma, ln_beta):
    # NOTE: the original forward looks up BOTH tokens and segments in the shared
    # token embedding table (tokens_embedding_layer), which we reproduce faithfully.
    tokens_embedding = jnp.take(tokens_table, batched_tokens, axis=0)
    segments_embedding = jnp.take(tokens_table, batched_segments, axis=0)
    positions_embedding = jnp.take(positions_table, batched_positions, axis=0)
    embedding = tokens_embedding + segments_embedding + positions_embedding
    # LayerNorm over last dim (torch uses biased variance)
    mean = jnp.mean(embedding, axis=-1, keepdims=True)
    var = jnp.mean(jnp.square(embedding - mean), axis=-1, keepdims=True)
    normed = (embedding - mean) / jnp.sqrt(var + LN_EPS)
    out = normed * ln_gamma + ln_beta
    # Dropout is identity at inference
    return out

if __name__ == "__main__":
    import jax
    _d = setup_inputs()
    print(jax.jit(kernel)(*tuple(_d.values())))

</pallas_src>

<mosaic_0001>
#map = affine_map<(d0, d1) -> (0)>
#map1 = affine_map<(d0, d1) -> (0, 0)>
module attributes {stable_mosaic.version = 14 : i64} {
  func.func @_emb_ln_kernel(%arg0: i32, %arg1: i32, %arg2: memref<16384xi32, #tpu.memory_space<hbm>>, %arg3: memref<16384xi32, #tpu.memory_space<hbm>>, %arg4: memref<16384xi32, #tpu.memory_space<hbm>>, %arg5: memref<30522x1024xf32, #tpu.memory_space<hbm>>, %arg6: memref<4096x1024xf32, #tpu.memory_space<hbm>>, %arg7: memref<96x512xi32, #tpu.memory_space<hbm>>, %arg8: memref<1024xf32, #tpu.memory_space<hbm>>, %arg9: memref<1024xf32, #tpu.memory_space<hbm>>, %arg10: memref<16384x1024xf32, #tpu.memory_space<hbm>>, %arg11: memref<512xi32, #tpu.memory_space<vmem>>, %arg12: memref<512xi32, #tpu.memory_space<vmem>>, %arg13: memref<512xi32, #tpu.memory_space<vmem>>, %arg14: memref<512xi32, #tpu.memory_space<vmem>>, %arg15: memref<16x1024xf32, #tpu.memory_space<vmem>>, %arg16: memref<16x512xi32, #tpu.memory_space<vmem>>, %arg17: memref<16x1024xf32, #tpu.memory_space<vmem>>, %arg18: memref<16x1024xf32, #tpu.memory_space<vmem>>, %arg19: memref<16x512xi32, #tpu.memory_space<vmem>>, %arg20: memref<16x1024xf32, #tpu.memory_space<vmem>>, %arg21: memref<2x16x16xf32, #tpu.memory_space<vmem>>, %arg22: memref<1024xf32, #tpu.memory_space<vmem>>, %arg23: memref<1024xf32, #tpu.memory_space<vmem>>, %arg24: memref<!tpu.dma_semaphore, #tpu.memory_space<semaphore_mem>>, %arg25: memref<!tpu.dma_semaphore, #tpu.memory_space<semaphore_mem>>, %arg26: memref<!tpu.dma_semaphore, #tpu.memory_space<semaphore_mem>>, %arg27: memref<!tpu.dma_semaphore, #tpu.memory_space<semaphore_mem>>) attributes {dimension_semantics = [#tpu.dimension_semantics<core_parallel>, #tpu.dimension_semantics<subcore_parallel>], iteration_bounds = array<i64: 2, 16>, scalar_prefetch = 0 : i64, scratch_operands = 17 : i64, tpu.core_type = #tpu.core_type<sc_vector_subcore>, window_params = [{transform_indices = #map}, {transform_indices = #map}, {transform_indices = #map}, {transform_indices = #map1}, {transform_indices = #map1}, {transform_indices = #map1}, {transform_indices = #map}, {transform_indices = #map}, {transform_indices = #map1}]} {
    %mul3A = arith.constant 2 : i32
    %mul3A_0 = arith.muli %arg1, %mul3A : i32
    %add3A = arith.addi %mul3A_0, %arg0 : i32
    %mul3A_1 = arith.constant 512 : i32
    %mul3A_2 = arith.muli %add3A, %mul3A_1 : i32
    "tpu.region"() ({
      %run_scoped3A = tpu.sem_alloc : memref<!tpu.dma_semaphore, #tpu.memory_space<semaphore_mem>>
      tpu.enqueue_dma source(%arg8 : memref<1024xf32, #tpu.memory_space<hbm>>) target(%arg22 : memref<1024xf32, #tpu.memory_space<vmem>>) target_semaphore(%run_scoped3A : memref<!tpu.dma_semaphore, #tpu.memory_space<semaphore_mem>>)
      tpu.wait_dma2 semaphore(%run_scoped3A : memref<!tpu.dma_semaphore, #tpu.memory_space<semaphore_mem>>) src(%arg8 : memref<1024xf32, #tpu.memory_space<hbm>>) dst(%arg22 : memref<1024xf32, #tpu.memory_space<vmem>>)
      tpu.yield
    }) : () -> ()
    "tpu.region"() ({
      %run_scoped3A = tpu.sem_alloc : memref<!tpu.dma_semaphore, #tpu.memory_space<semaphore_mem>>
      tpu.enqueue_dma source(%arg9 : memref<1024xf32, #tpu.memory_space<hbm>>) target(%arg23 : memref<1024xf32, #tpu.memory_space<vmem>>) target_semaphore(%run_scoped3A : memref<!tpu.dma_semaphore, #tpu.memory_space<semaphore_mem>>)
      tpu.wait_dma2 semaphore(%run_scoped3A : memref<!tpu.dma_semaphore, #tpu.memory_space<semaphore_mem>>) src(%arg9 : memref<1024xf32, #tpu.memory_space<hbm>>) dst(%arg23 : memref<1024xf32, #tpu.memory_space<vmem>>)
      tpu.yield
    }) : () -> ()
    "tpu.region"() ({
      %run_scoped3A = tpu.sem_alloc : memref<!tpu.dma_semaphore, #tpu.memory_space<semaphore_mem>>
      %dma_start3A_35 = tpu.memref_slice %arg2[%mul3A_2] : memref<16384xi32, #tpu.memory_space<hbm>> -> memref<512xi32, #tpu.memory_space<hbm>>
      %dma_start3A_36 = tpu.memref_slice %arg2[%mul3A_2] : memref<16384xi32, #tpu.memory_space<hbm>> -> memref<512xi32, #tpu.memory_space<hbm>>
      tpu.enqueue_dma source(%dma_start3A_36 : memref<512xi32, #tpu.memory_space<hbm>>) target(%arg11 : memref<512xi32, #tpu.memory_space<vmem>>) target_semaphore(%run_scoped3A : memref<!tpu.dma_semaphore, #tpu.memory_space<semaphore_mem>>)
      %dma_wait3A_37 = tpu.memref_slice %arg2[%mul3A_2] : memref<16384xi32, #tpu.memory_space<hbm>> -> memref<512xi32, #tpu.memory_space<hbm>>
      %dma_wait3A_38 = tpu.memref_slice %arg2[%mul3A_2] : memref<16384xi32, #tpu.memory_space<hbm>> -> memref<512xi32, #tpu.memory_space<hbm>>
      tpu.wait_dma2 semaphore(%run_scoped3A : memref<!tpu.dma_semaphore, #tpu.memory_space<semaphore_mem>>) src(%dma_wait3A_38 : memref<512xi32, #tpu.memory_space<hbm>>) dst(%arg11 : memref<512xi32, #tpu.memory_space<vmem>>)
      tpu.yield
    }) : () -> ()
    "tpu.region"() ({
      %run_scoped3A = tpu.sem_alloc : memref<!tpu.dma_semaphore, #tpu.memory_space<semaphore_mem>>
      %dma_start3A_35 = tpu.memref_slice %arg3[%mul3A_2] : memref<16384xi32, #tpu.memory_space<hbm>> -> memref<512xi32, #tpu.memory_space<hbm>>
      %dma_start3A_36 = tpu.memref_slice %arg3[%mul3A_2] : memref<16384xi32, #tpu.memory_space<hbm>> -> memref<512xi32, #tpu.memory_space<hbm>>
      tpu.enqueue_dma source(%dma_start3A_36 : memref<512xi32, #tpu.memory_space<hbm>>) target(%arg12 : memref<512xi32, #tpu.memory_space<vmem>>) target_semaphore(%run_scoped3A : memref<!tpu.dma_semaphore, #tpu.memory_space<semaphore_mem>>)
      %dma_wait3A_37 = tpu.memref_slice %arg3[%mul3A_2] : memref<16384xi32, #tpu.memory_space<hbm>> -> memref<512xi32, #tpu.memory_space<hbm>>
      %dma_wait3A_38 = tpu.memref_slice %arg3[%mul3A_2] : memref<16384xi32, #tpu.memory_space<hbm>> -> memref<512xi32, #tpu.memory_space<hbm>>
      tpu.wait_dma2 semaphore(%run_scoped3A : memref<!tpu.dma_semaphore, #tpu.memory_space<semaphore_mem>>) src(%dma_wait3A_38 : memref<512xi32, #tpu.memory_space<hbm>>) dst(%arg12 : memref<512xi32, #tpu.memory_space<vmem>>)
      tpu.yield
    }) : () -> ()
    "tpu.region"() ({
      %run_scoped3A = tpu.sem_alloc : memref<!tpu.dma_semaphore, #tpu.memory_space<semaphore_mem>>
      %dma_start3A_35 = tpu.memref_slice %arg4[%mul3A_2] : memref<16384xi32, #tpu.memory_space<hbm>> -> memref<512xi32, #tpu.memory_space<hbm>>
      %dma_start3A_36 = tpu.memref_slice %arg4[%mul3A_2] : memref<16384xi32, #tpu.memory_space<hbm>> -> memref<512xi32, #tpu.memory_space<hbm>>
      tpu.enqueue_dma source(%dma_start3A_36 : memref<512xi32, #tpu.memory_space<hbm>>) target(%arg13 : memref<512xi32, #tpu.memory_space<vmem>>) target_semaphore(%run_scoped3A : memref<!tpu.dma_semaphore, #tpu.memory_space<semaphore_mem>>)
      %dma_wait3A_37 = tpu.memref_slice %arg4[%mul3A_2] : memref<16384xi32, #tpu.memory_space<hbm>> -> memref<512xi32, #tpu.memory_space<hbm>>
      %dma_wait3A_38 = tpu.memref_slice %arg4[%mul3A_2] : memref<16384xi32, #tpu.memory_space<hbm>> -> memref<512xi32, #tpu.memory_space<hbm>>
      tpu.wait_dma2 semaphore(%run_scoped3A : memref<!tpu.dma_semaphore, #tpu.memory_space<semaphore_mem>>) src(%dma_wait3A_38 : memref<512xi32, #tpu.memory_space<hbm>>) dst(%arg13 : memref<512xi32, #tpu.memory_space<vmem>>)
      tpu.yield
    }) : () -> ()
    %parallel_loop3A = arith.constant 0 : i32
    %parallel_loop3A_3 = arith.constant 32 : i32
    %parallel_loop3A_4 = arith.constant 1 : i32
    scf.for %parallel_loop3A_35 = %parallel_loop3A to %parallel_loop3A_3 step %parallel_loop3A_4  : i32 {
      %parallel_loop3A_36 = arith.constant 16 : i32
      %parallel_loop3A_37 = arith.muli %parallel_loop3A_35, %parallel_loop3A_36 : i32
      %parallel_loop3A_38 = arith.index_cast %parallel_loop3A_37 : i32 to index
      %parallel_loop3A_39 = tpu.vector_load %arg12[%parallel_loop3A_38] {strides = array<i32>} : memref<512xi32, #tpu.memory_space<vmem>>, vector<16xi32>,
      %parallel_loop3A_40 = arith.constant 3 : i32
      %parallel_loop3A_41 = arith.muli %parallel_loop3A_40, %add3A : i32
      %parallel_loop3A_42 = vector.broadcast %parallel_loop3A_41 : i32 to vector<16xi32>
      %parallel_loop3A_43 = arith.addi %parallel_loop3A_39, %parallel_loop3A_42 : vector<16xi32>
      %parallel_loop3A_44 = arith.constant 16 : i32
      %parallel_loop3A_45 = arith.muli %parallel_loop3A_35, %parallel_loop3A_44 : i32
      %parallel_loop3A_46 = arith.index_cast %parallel_loop3A_45 : i32 to index
      %parallel_loop3A_47 = tpu.vector_load %arg14[%parallel_loop3A_46] {strides = array<i32>} : memref<512xi32, #tpu.memory_space<vmem>>, vector<16xi32>,
      tpu.vector_store %arg14[%parallel_loop3A_46], %parallel_loop3A_43 {strides = array<i32>} : memref<512xi32, #tpu.memory_space<vmem>>, vector<16xi32>,
    } {sc.loop_unroll_factor = 4 : i64, sc.parallel_access}
    %dma_start3A = arith.constant 0 : i32
    %dma_start3A_5 = tpu.memref_slice %arg11[%dma_start3A] : memref<512xi32, #tpu.memory_space<vmem>> -> memref<16xi32, #tpu.memory_space<vmem>>
    %dma_start3A_6 = arith.constant 0 : i32
    %dma_start3A_7 = arith.constant 0 : i32
    %dma_start3A_8 = tpu.memref_slice %arg5[%dma_start3A_6, %dma_start3A_7] : memref<30522x1024xf32, #tpu.memory_space<hbm>> -> memref<30522x1024xf32, #tpu.memory_space<hbm>>
    tpu.enqueue_indirect_dma source(%dma_start3A_8 : memref<30522x1024xf32, #tpu.memory_space<hbm>>) target(%arg15 : memref<16x1024xf32, #tpu.memory_space<vmem>>) offsets(%dma_start3A_5 : memref<16xi32, #tpu.memory_space<vmem>>) semaphore(%arg24 : memref<!tpu.dma_semaphore, #tpu.memory_space<semaphore_mem>>)
    %dma_start3A_9 = arith.constant 0 : i32
    %dma_start3A_10 = tpu.memref_slice %arg14[%dma_start3A_9] : memref<512xi32, #tpu.memory_space<vmem>> -> memref<16xi32, #tpu.memory_space<vmem>>
    %dma_start3A_11 = arith.constant 0 : i32
    %dma_start3A_12 = arith.constant 0 : i32
    %dma_start3A_13 = tpu.memref_slice %arg7[%dma_start3A_11, %dma_start3A_12] : memref<96x512xi32, #tpu.memory_space<hbm>> -> memref<96x512xi32, #tpu.memory_space<hbm>>
    tpu.enqueue_indirect_dma source(%dma_start3A_13 : memref<96x512xi32, #tpu.memory_space<hbm>>) target(%arg16 : memref<16x512xi32, #tpu.memory_space<vmem>>) offsets(%dma_start3A_10 : memref<16xi32, #tpu.memory_space<vmem>>) semaphore(%arg24 : memref<!tpu.dma_semaphore, #tpu.memory_space<semaphore_mem>>)
    %dma_start3A_14 = arith.constant 0 : i32
    %dma_start3A_15 = tpu.memref_slice %arg13[%dma_start3A_14] : memref<512xi32, #tpu.memory_space<vmem>> -> memref<16xi32, #tpu.memory_space<vmem>>
    %dma_start3A_16 = arith.constant 0 : i32
    %dma_start3A_17 = arith.constant 0 : i32
    %dma_start3A_18 = tpu.memref_slice %arg6[%dma_start3A_16, %dma_start3A_17] : memref<4096x1024xf32, #tpu.memory_space<hbm>> -> memref<4096x1024xf32, #tpu.memory_space<hbm>>
    tpu.enqueue_indirect_dma source(%dma_start3A_18 : memref<4096x1024xf32, #tpu.memory_space<hbm>>) target(%arg17 : memref<16x1024xf32, #tpu.memory_space<vmem>>) offsets(%dma_start3A_15 : memref<16xi32, #tpu.memory_space<vmem>>) semaphore(%arg24 : memref<!tpu.dma_semaphore, #tpu.memory_space<semaphore_mem>>)
    %scan3A = arith.constant 0 : i32
    %scan3A_19 = arith.constant 0 : i32
    %scan3A_20 = arith.constant 16 : i32
    %scan3A_21 = arith.addi %scan3A_19, %scan3A_20 : i32
    %scan3A_22 = arith.constant 1 : i32
    scf.for %scan3A_35 = %scan3A_19 to %scan3A_21 step %scan3A_22  : i32 {
      %mul3A_36 = arith.constant 2 : i32
      %mul3A_37 = arith.muli %mul3A_36, %scan3A_35 : i32
      %mul3A_38 = arith.constant 2 : i32
      %mul3A_39 = arith.muli %mul3A_38, %scan3A_35 : i32
      %add3A_40 = arith.constant 1 : i32
      %add3A_41 = arith.addi %mul3A_39, %add3A_40 : i32
      %gt3A = arith.constant 0 : i32
      %gt3A_42 = arith.cmpi sgt, %scan3A_35, %gt3A : i32
      %convert_element_type3A = arith.extui %gt3A_42 : i1 to i32
      %cond3A = arith.constant 0 : i32
      %cond3A_43 = arith.cmpi ne, %convert_element_type3A, %cond3A : i32
      scf.if %cond3A_43 {
        %sub3A = arith.constant 2 : i32
        %sub3A_525 = arith.subi %add3A_41, %sub3A : i32
        %mul3A_526 = arith.constant 16 : i32
        %mul3A_527 = arith.muli %sub3A_525, %mul3A_526 : i32
        %add3A_528 = arith.addi %mul3A_2, %mul3A_527 : i32
        %dma_wait3A_529 = arith.constant 0 : i32
        %dma_wait3A_530 = tpu.memref_slice %arg10[%add3A_528, %dma_wait3A_529] : memref<16384x1024xf32, #tpu.memory_space<hbm>> -> memref<16x1024xf32, #tpu.memory_space<hbm>>
        %dma_wait3A_531 = arith.constant 0 : i32
        %dma_wait3A_532 = tpu.memref_slice %arg10[%add3A_528, %dma_wait3A_531] : memref<16384x1024xf32, #tpu.memory_space<hbm>> -> memref<16x1024xf32, #tpu.memory_space<hbm>>
        tpu.wait_dma2 semaphore(%arg27 : memref<!tpu.dma_semaphore, #tpu.memory_space<semaphore_mem>>) src(%arg18 : memref<16x1024xf32, #tpu.memory_space<vmem>>) dst(%dma_wait3A_532 : memref<16x1024xf32, #tpu.memory_space<hbm>>)
      } else {
      }
      %mul3A_44 = arith.constant 16 : i32
      %mul3A_45 = arith.muli %add3A_41, %mul3A_44 : i32
      %dma_start3A_46 = tpu.memref_slice %arg11[%mul3A_45] : memref<512xi32, #tpu.memory_space<vmem>> -> memref<16xi32, #tpu.memory_space<vmem>>
      %dma_start3A_47 = arith.constant 0 : i32
      %dma_start3A_48 = arith.constant 0 : i32
      %dma_start3A_49 = tpu.memref_slice %arg5[%dma_start3A_47, %dma_start3A_48] : memref<30522x1024xf32, #tpu.memory_space<hbm>> -> memref<30522x1024xf32, #tpu.memory_space<hbm>>
      tpu.enqueue_indirect_dma source(%dma_start3A_49 : memref<30522x1024xf32, #tpu.memory_space<hbm>>) target(%arg18 : memref<16x1024xf32, #tpu.memory_space<vmem>>) offsets(%dma_start3A_46 : memref<16xi32, #tpu.memory_space<vmem>>) semaphore(%arg25 : memref<!tpu.dma_semaphore, #tpu.memory_space<semaphore_mem>>)
      %dma_start3A_50 = tpu.memref_slice %arg14[%mul3A_45] : memref<512xi32, #tpu.memory_space<vmem>> -> memref<16xi32, #tpu.memory_space<vmem>>
      %dma_start3A_51 = arith.constant 0 : i32
      %dma_start3A_52 = arith.constant 0 : i32
      %dma_start3A_53 = tpu.memref_slice %arg7[%dma_start3A_51, %dma_start3A_52] : memref<96x512xi32, #tpu.memory_space<hbm>> -> memref<96x512xi32, #tpu.memory_space<hbm>>
      tpu.enqueue_indirect_dma source(%dma_start3A_53 : memref<96x512xi32, #tpu.memory_space<hbm>>) target(%arg19 : memref<16x512xi32, #tpu.memory_space<vmem>>) offsets(%dma_start3A_50 : memref<16xi32, #tpu.memory_space<vmem>>) semaphore(%arg25 : memref<!tpu.dma_semaphore, #tpu.memory_space<semaphore_mem>>)
      %dma_start3A_54 = tpu.memref_slice %arg13[%mul3A_45] : memref<512xi32, #tpu.memory_space<vmem>> -> memref<16xi32, #tpu.memory_space<vmem>>
      %dma_start3A_55 = arith.constant 0 : i32
      %dma_start3A_56 = arith.constant 0 : i32
      %dma_start3A_57 = tpu.memref_slice %arg6[%dma_start3A_55, %dma_start3A_56] : memref<4096x1024xf32, #tpu.memory_space<hbm>> -> memref<4096x1024xf32, #tpu.memory_space<hbm>>
      tpu.enqueue_indirect_dma source(%dma_start3A_57 : memref<4096x1024xf32, #tpu.memory_space<hbm>>) target(%arg20 : memref<16x1024xf32, #tpu.memory_space<vmem>>) offsets(%dma_start3A_54 : memref<16xi32, #tpu.memory_space<vmem>>) semaphore(%arg25 : memref<!tpu.dma_semaphore, #tpu.memory_space<semaphore_mem>>)
      %mul3A_58 = arith.constant 16 : i32
      %mul3A_59 = arith.muli %mul3A_37, %mul3A_58 : i32
      %dma_wait3A_60 = tpu.memref_slice %arg11[%mul3A_59] : memref<512xi32, #tpu.memory_space<vmem>> -> memref<16xi32, #tpu.memory_space<vmem>>
      %dma_wait3A_61 = arith.constant 0 : i32
      %dma_wait3A_62 = arith.constant 0 : i32
      %dma_wait3A_63 = tpu.memref_slice %arg5[%dma_wait3A_61, %dma_wait3A_62] : memref<30522x1024xf32, #tpu.memory_space<hbm>> -> memref<30522x1024xf32, #tpu.memory_space<hbm>>
      tpu.wait_indirect_dma semaphore(%arg24 : memref<!tpu.dma_semaphore, #tpu.memory_space<semaphore_mem>>) src(%dma_wait3A_63 : memref<30522x1024xf32, #tpu.memory_space<hbm>>) dst(%arg15 : memref<16x1024xf32, #tpu.memory_space<vmem>>)
      %dma_wait3A_64 = tpu.memref_slice %arg14[%mul3A_59] : memref<512xi32, #tpu.memory_space<vmem>> -> memref<16xi32, #tpu.memory_space<vmem>>
      %dma_wait3A_65 = arith.constant 0 : i32
      %dma_wait3A_66 = arith.constant 0 : i32
      %dma_wait3A_67 = tpu.memref_slice %arg7[%dma_wait3A_65, %dma_wait3A_66] : memref<96x512xi32, #tpu.memory_space<hbm>> -> memref<96x512xi32, #tpu.memory_space<hbm>>
      tpu.wait_indirect_dma semaphore(%arg24 : memref<!tpu.dma_semaphore, #tpu.memory_space<semaphore_mem>>) src(%dma_wait3A_67 : memref<96x512xi32, #tpu.memory_space<hbm>>) dst(%arg16 : memref<16x512xi32, #tpu.memory_space<vmem>>)
      %dma_wait3A_68 = tpu.memref_slice %arg13[%mul3A_59] : memref<512xi32, #tpu.memory_space<vmem>> -> memref<16xi32, #tpu.memory_space<vmem>>
      %dma_wait3A_69 = arith.constant 0 : i32
      %dma_wait3A_70 = arith.constant 0 : i32
      %dma_wait3A_71 = tpu.memref_slice %arg6[%dma_wait3A_69, %dma_wait3A_70] : memref<4096x1024xf32, #tpu.memory_space<hbm>> -> memref<4096x1024xf32, #tpu.memory_space<hbm>>
      tpu.wait_indirect_dma semaphore(%arg24 : memref<!tpu.dma_semaphore, #tpu.memory_space<semaphore_mem>>) src(%dma_wait3A_71 : memref<4096x1024xf32, #tpu.memory_space<hbm>>) dst(%arg17 : memref<16x1024xf32, #tpu.memory_space<vmem>>)
      %parallel_loop3A_72 = arith.constant 0 : i32
      %parallel_loop3A_73 = arith.constant 16 : i32
      %parallel_loop3A_74 = arith.constant 1 : i32
      scf.for %parallel_loop3A_525 = %parallel_loop3A_72 to %parallel_loop3A_73 step %parallel_loop3A_74  : i32 {
        %parallel_loop3A_526 = arith.constant 0.000000e+00 : f32
        %parallel_loop3A_527 = vector.broadcast %parallel_loop3A_526 : f32 to vector<16xf32>
        %parallel_loop3A_528 = arith.constant 0 : i32
        %parallel_loop3A_529 = arith.constant 32 : i32
        %parallel_loop3A_530 = arith.constant 1 : i32
        %parallel_loop3A_531:2 = scf.for %parallel_loop3A_595 = %parallel_loop3A_528 to %parallel_loop3A_529 step %parallel_loop3A_530 iter_args(%parallel_loop3A_596 = %parallel_loop3A_527, %parallel_loop3A_597 = %parallel_loop3A_527) -> (vector<16xf32>, vector<16xf32>)  : i32 {
          %parallel_loop3A_598 = arith.constant 16 : i32
          %parallel_loop3A_599 = arith.muli %parallel_loop3A_595, %parallel_loop3A_598 : i32
          %parallel_loop3A_600 = arith.index_cast %parallel_loop3A_525 : i32 to index
          %parallel_loop3A_601 = arith.index_cast %parallel_loop3A_599 : i32 to index
          %parallel_loop3A_602 = tpu.vector_load %arg16[%parallel_loop3A_600, %parallel_loop3A_601] {strides = array<i32>} : memref<16x512xi32, #tpu.memory_space<vmem>>, vector<16xi32>,
          %parallel_loop3A_603 = vector.bitcast %parallel_loop3A_602 : vector<16xi32> to vector<32xbf16>
          %parallel_loop3A_604 = tpu.unpack_subelements %parallel_loop3A_603, 0 {pack_format = #tpu.pack_format<interleaved>} : vector<32xbf16> -> vector<16xf32>
          %parallel_loop3A_605 = tpu.unpack_subelements %parallel_loop3A_603, 1 {pack_format = #tpu.pack_format<interleaved>} : vector<32xbf16> -> vector<16xf32>
          %parallel_loop3A_606 = arith.constant 2 : i32
          %parallel_loop3A_607 = arith.muli %parallel_loop3A_595, %parallel_loop3A_606 : i32
          %parallel_loop3A_608 = arith.constant 16 : i32
          %parallel_loop3A_609 = arith.muli %parallel_loop3A_607, %parallel_loop3A_608 : i32
          %parallel_loop3A_610 = arith.index_cast %parallel_loop3A_525 : i32 to index
          %parallel_loop3A_611 = arith.index_cast %parallel_loop3A_609 : i32 to index
          %parallel_loop3A_612 = tpu.vector_load %arg15[%parallel_loop3A_610, %parallel_loop3A_611] {strides = array<i32>} : memref<16x1024xf32, #tpu.memory_space<vmem>>, vector<16xf32>,
          %parallel_loop3A_613 = arith.addf %parallel_loop3A_612, %parallel_loop3A_604 : vector<16xf32>
          %parallel_loop3A_614 = arith.index_cast %parallel_loop3A_525 : i32 to index
          %parallel_loop3A_615 = arith.index_cast %parallel_loop3A_609 : i32 to index
          %parallel_loop3A_616 = tpu.vector_load %arg17[%parallel_loop3A_614, %parallel_loop3A_615] {strides = array<i32>} : memref<16x1024xf32, #tpu.memory_space<vmem>>, vector<16xf32>,
          %parallel_loop3A_617 = arith.addf %parallel_loop3A_613, %parallel_loop3A_616 : vector<16xf32>
          %parallel_loop3A_618 = arith.constant 16 : i32
          %parallel_loop3A_619 = arith.addi %parallel_loop3A_609, %parallel_loop3A_618 : i32
          %parallel_loop3A_620 = arith.index_cast %parallel_loop3A_525 : i32 to index
          %parallel_loop3A_621 = arith.index_cast %parallel_loop3A_619 : i32 to index
          %parallel_loop3A_622 = tpu.vector_load %arg15[%parallel_loop3A_620, %parallel_loop3A_621] {strides = array<i32>} : memref<16x1024xf32, #tpu.memory_space<vmem>>, vector<16xf32>,
          %parallel_loop3A_623 = arith.addf %parallel_loop3A_622, %parallel_loop3A_605 : vector<16xf32>
          %parallel_loop3A_624 = arith.constant 16 : i32
          %parallel_loop3A_625 = arith.addi %parallel_loop3A_609, %parallel_loop3A_624 : i32
          %parallel_loop3A_626 = arith.index_cast %parallel_loop3A_525 : i32 to index
          %parallel_loop3A_627 = arith.index_cast %parallel_loop3A_625 : i32 to index
          %parallel_loop3A_628 = tpu.vector_load %arg17[%parallel_loop3A_626, %parallel_loop3A_627] {strides = array<i32>} : memref<16x1024xf32, #tpu.memory_space<vmem>>, vector<16xf32>,
          %parallel_loop3A_629 = arith.addf %parallel_loop3A_623, %parallel_loop3A_628 : vector<16xf32>
          %parallel_loop3A_630 = arith.index_cast %parallel_loop3A_525 : i32 to index
          %parallel_loop3A_631 = arith.index_cast %parallel_loop3A_609 : i32 to index
          %parallel_loop3A_632 = tpu.vector_load %arg15[%parallel_loop3A_630, %parallel_loop3A_631] {strides = array<i32>} : memref<16x1024xf32, #tpu.memory_space<vmem>>, vector<16xf32>,
          tpu.vector_store %arg15[%parallel_loop3A_630, %parallel_loop3A_631], %parallel_loop3A_617 {strides = array<i32>} : memref<16x1024xf32, #tpu.memory_space<vmem>>, vector<16xf32>,
          %parallel_loop3A_633 = arith.constant 16 : i32
          %parallel_loop3A_634 = arith.addi %parallel_loop3A_609, %parallel_loop3A_633 : i32
          %parallel_loop3A_635 = arith.index_cast %parallel_loop3A_525 : i32 to index
          %parallel_loop3A_636 = arith.index_cast %parallel_loop3A_634 : i32 to index
          %parallel_loop3A_637 = tpu.vector_load %arg15[%parallel_loop3A_635, %parallel_loop3A_636] {strides = array<i32>} : memref<16x1024xf32, #tpu.memory_space<vmem>>, vector<16xf32>,
          tpu.vector_store %arg15[%parallel_loop3A_635, %parallel_loop3A_636], %parallel_loop3A_629 {strides = array<i32>} : memref<16x1024xf32, #tpu.memory_space<vmem>>, vector<16xf32>,
          %parallel_loop3A_638 = arith.addf %parallel_loop3A_617, %parallel_loop3A_629 : vector<16xf32>
          %parallel_loop3A_639 = arith.addf %parallel_loop3A_596, %parallel_loop3A_638 : vector<16xf32>
          %parallel_loop3A_640 = arith.mulf %parallel_loop3A_617, %parallel_loop3A_617 : vector<16xf32>
          %parallel_loop3A_641 = arith.mulf %parallel_loop3A_629, %parallel_loop3A_629 : vector<16xf32>
          %parallel_loop3A_642 = arith.addf %parallel_loop3A_640, %parallel_loop3A_641 : vector<16xf32>
          %parallel_loop3A_643 = arith.addf %parallel_loop3A_597, %parallel_loop3A_642 : vector<16xf32>
          scf.yield %parallel_loop3A_639, %parallel_loop3A_643 : vector<16xf32>, vector<16xf32>
        } {sc.loop_unroll_factor = 4 : i64, sc.parallel_access}
        %parallel_loop3A_532 = arith.constant true
        %parallel_loop3A_533 = vector.broadcast %parallel_loop3A_532 : i1 to vector<16xi1>
        %parallel_loop3A_534 = tpu.scan <sum>, %parallel_loop3A_531#0 masked %parallel_loop3A_533 : vector<16xf32>, vector<16xi1> -> vector<16xf32>
        %parallel_loop3A_535 = vector.extract %parallel_loop3A_534[15] : f32 from vector<16xf32>
        %parallel_loop3A_536 = arith.constant 9.765625E-4 : f32
        %parallel_loop3A_537 = arith.mulf %parallel_loop3A_535, %parallel_loop3A_536 : f32
        %parallel_loop3A_538 = arith.constant true
        %parallel_loop3A_539 = vector.broadcast %parallel_loop3A_538 : i1 to vector<16xi1>
        %parallel_loop3A_540 = tpu.scan <sum>, %parallel_loop3A_531#1 masked %parallel_loop3A_539 : vector<16xf32>, vector<16xi1> -> vector<16xf32>
        %parallel_loop3A_541 = vector.extract %parallel_loop3A_540[15] : f32 from vector<16xf32>
        %parallel_loop3A_542 = arith.constant 9.765625E-4 : f32
        %parallel_loop3A_543 = arith.mulf %parallel_loop3A_541, %parallel_loop3A_542 : f32
        %parallel_loop3A_544 = arith.mulf %parallel_loop3A_537, %parallel_loop3A_537 : f32
        %parallel_loop3A_545 = arith.subf %parallel_loop3A_543, %parallel_loop3A_544 : f32
        %parallel_loop3A_546 = vector.broadcast %parallel_loop3A_537 : f32 to vector<16xf32>
        %parallel_loop3A_547 = arith.constant 0 : i32
        %parallel_loop3A_548 = arith.index_cast %parallel_loop3A_547 : i32 to index
        %parallel_loop3A_549 = arith.index_cast %parallel_loop3A_525 : i32 to index
        %parallel_loop3A_550 = arith.constant 0 : index
        %parallel_loop3A_551 = tpu.vector_load %arg21[%parallel_loop3A_548, %parallel_loop3A_549, %parallel_loop3A_550] {strides = array<i32>} : memref<2x16x16xf32, #tpu.memory_space<vmem>>, vector<16xf32>,
        tpu.vector_store %arg21[%parallel_loop3A_548, %parallel_loop3A_549, %parallel_loop3A_550], %parallel_loop3A_546 {strides = array<i32>} : memref<2x16x16xf32, #tpu.memory_space<vmem>>, vector<16xf32>,
        %parallel_loop3A_552 = arith.constant 9.99999974E-6 : f32
        %parallel_loop3A_553 = arith.addf %parallel_loop3A_545, %parallel_loop3A_552 : f32
        %parallel_loop3A_554 = vector.broadcast %parallel_loop3A_553 : f32 to vector<16xf32>
        %parallel_loop3A_555 = tpu.bitcast %parallel_loop3A_554 : vector<16xf32> -> vector<16xi32>
        %parallel_loop3A_556 = arith.constant 1 : i32
        %parallel_loop3A_557 = vector.broadcast %parallel_loop3A_556 : i32 to vector<16xi32>
        %parallel_loop3A_558 = arith.shrsi %parallel_loop3A_555, %parallel_loop3A_557 : vector<16xi32>
        %parallel_loop3A_559 = arith.constant 1597463007 : i32
        %parallel_loop3A_560 = vector.broadcast %parallel_loop3A_559 : i32 to vector<16xi32>
        %parallel_loop3A_561 = arith.subi %parallel_loop3A_560, %parallel_loop3A_558 : vector<16xi32>
        %parallel_loop3A_562 = tpu.bitcast %parallel_loop3A_561 : vector<16xi32> -> vector<16xf32>
        %parallel_loop3A_563 = arith.constant 5.000000e-01 : f32
        %parallel_loop3A_564 = vector.broadcast %parallel_loop3A_563 : f32 to vector<16xf32>
        %parallel_loop3A_565 = arith.mulf %parallel_loop3A_554, %parallel_loop3A_564 : vector<16xf32>
        %parallel_loop3A_566 = arith.mulf %parallel_loop3A_565, %parallel_loop3A_562 : vector<16xf32>
        %parallel_loop3A_567 = arith.mulf %parallel_loop3A_566, %parallel_loop3A_562 : vector<16xf32>
        %parallel_loop3A_568 = arith.constant 1.500000e+00 : f32
        %parallel_loop3A_569 = vector.broadcast %parallel_loop3A_568 : f32 to vector<16xf32>
        %parallel_loop3A_570 = arith.subf %parallel_loop3A_569, %parallel_loop3A_567 : vector<16xf32>
        %parallel_loop3A_571 = arith.mulf %parallel_loop3A_562, %parallel_loop3A_570 : vector<16xf32>
        %parallel_loop3A_572 = arith.mulf %parallel_loop3A_565, %parallel_loop3A_571 : vector<16xf32>
        %parallel_loop3A_573 = arith.mulf %parallel_loop3A_572, %parallel_loop3A_571 : vector<16xf32>
        %parallel_loop3A_574 = arith.constant 1.500000e+00 : f32
        %parallel_loop3A_575 = vector.broadcast %parallel_loop3A_574 : f32 to vector<16xf32>
        %parallel_loop3A_576 = arith.subf %parallel_loop3A_575, %parallel_loop3A_573 : vector<16xf32>
        %parallel_loop3A_577 = arith.mulf %parallel_loop3A_571, %parallel_loop3A_576 : vector<16xf32>
        %parallel_loop3A_578 = arith.mulf %parallel_loop3A_565, %parallel_loop3A_577 : vector<16xf32>
        %parallel_loop3A_579 = arith.mulf %parallel_loop3A_578, %parallel_loop3A_577 : vector<16xf32>
        %parallel_loop3A_580 = arith.constant 1.500000e+00 : f32
        %parallel_loop3A_581 = vector.broadcast %parallel_loop3A_580 : f32 to vector<16xf32>
        %parallel_loop3A_582 = arith.subf %parallel_loop3A_581, %parallel_loop3A_579 : vector<16xf32>
        %parallel_loop3A_583 = arith.mulf %parallel_loop3A_577, %parallel_loop3A_582 : vector<16xf32>
        %parallel_loop3A_584 = arith.mulf %parallel_loop3A_565, %parallel_loop3A_583 : vector<16xf32>
        %parallel_loop3A_585 = arith.mulf %parallel_loop3A_584, %parallel_loop3A_583 : vector<16xf32>
        %parallel_loop3A_586 = arith.constant 1.500000e+00 : f32
        %parallel_loop3A_587 = vector.broadcast %parallel_loop3A_586 : f32 to vector<16xf32>
        %parallel_loop3A_588 = arith.subf %parallel_loop3A_587, %parallel_loop3A_585 : vector<16xf32>
        %parallel_loop3A_589 = arith.mulf %parallel_loop3A_583, %parallel_loop3A_588 : vector<16xf32>
        %parallel_loop3A_590 = arith.constant 1 : i32
        %parallel_loop3A_591 = arith.index_cast %parallel_loop3A_590 : i32 to index
        %parallel_loop3A_592 = arith.index_cast %parallel_loop3A_525 : i32 to index
        %parallel_loop3A_593 = arith.constant 0 : index
        %parallel_loop3A_594 = tpu.vector_load %arg21[%parallel_loop3A_591, %parallel_loop3A_592, %parallel_loop3A_593] {strides = array<i32>} : memref<2x16x16xf32, #tpu.memory_space<vmem>>, vector<16xf32>,
        tpu.vector_store %arg21[%parallel_loop3A_591, %parallel_loop3A_592, %parallel_loop3A_593], %parallel_loop3A_589 {strides = array<i32>} : memref<2x16x16xf32, #tpu.memory_space<vmem>>, vector<16xf32>,
      } {sc.loop_unroll_factor = 1 : i64, sc.parallel_access}
      %get3A = arith.constant 0 : i32
      %get3A_75 = arith.constant 0 : i32
      %get3A_76 = arith.index_cast %get3A : i32 to index
      %get3A_77 = arith.index_cast %get3A_75 : i32 to index
      %get3A_78 = arith.constant 0 : index
      %get3A_79 = tpu.vector_load %arg21[%get3A_76, %get3A_77, %get3A_78] {strides = array<i32>} : memref<2x16x16xf32, #tpu.memory_space<vmem>>, vector<16xf32>,
      %get3A_80 = arith.constant 0 : i32
      %get3A_81 = arith.constant 1 : i32
      %get3A_82 = arith.index_cast %get3A_80 : i32 to index
      %get3A_83 = arith.index_cast %get3A_81 : i32 to index
      %get3A_84 = arith.constant 0 : index
      %get3A_85 = tpu.vector_load %arg21[%get3A_82, %get3A_83, %get3A_84] {strides = array<i32>} : memref<2x16x16xf32, #tpu.memory_space<vmem>>, vector<16xf32>,
      %get3A_86 = arith.constant 0 : i32
      %get3A_87 = arith.constant 2 : i32
      %get3A_88 = arith.index_cast %get3A_86 : i32 to index
      %get3A_89 = arith.index_cast %get3A_87 : i32 to index
      %get3A_90 = arith.constant 0 : index
      %get3A_91 = tpu.vector_load %arg21[%get3A_88, %get3A_89, %get3A_90] {strides = array<i32>} : memref<2x16x16xf32, #tpu.memory_space<vmem>>, vector<16xf32>,
      %get3A_92 = arith.constant 0 : i32
      %get3A_93 = arith.constant 3 : i32
      %get3A_94 = arith.index_cast %get3A_92 : i32 to index
      %get3A_95 = arith.index_cast %get3A_93 : i32 to index
      %get3A_96 = arith.constant 0 : index
      %get3A_97 = tpu.vector_load %arg21[%get3A_94, %get3A_95, %get3A_96] {strides = array<i32>} : memref<2x16x16xf32, #tpu.memory_space<vmem>>, vector<16xf32>,
      %get3A_98 = arith.constant 1 : i32
      %get3A_99 = arith.constant 0 : i32
      %get3A_100 = arith.index_cast %get3A_98 : i32 to index
      %get3A_101 = arith.index_cast %get3A_99 : i32 to index
      %get3A_102 = arith.constant 0 : index
      %get3A_103 = tpu.vector_load %arg21[%get3A_100, %get3A_101, %get3A_102] {strides = array<i32>} : memref<2x16x16xf32, #tpu.memory_space<vmem>>, vector<16xf32>,
      %get3A_104 = arith.constant 1 : i32
      %get3A_105 = arith.constant 1 : i32
      %get3A_106 = arith.index_cast %get3A_104 : i32 to index
      %get3A_107 = arith.index_cast %get3A_105 : i32 to index
      %get3A_108 = arith.constant 0 : index
      %get3A_109 = tpu.vector_load %arg21[%get3A_106, %get3A_107, %get3A_108] {strides = array<i32>} : memref<2x16x16xf32, #tpu.memory_space<vmem>>, vector<16xf32>,
      %get3A_110 = arith.constant 1 : i32
      %get3A_111 = arith.constant 2 : i32
      %get3A_112 = arith.index_cast %get3A_110 : i32 to index
      %get3A_113 = arith.index_cast %get3A_111 : i32 to index
      %get3A_114 = arith.constant 0 : index
      %get3A_115 = tpu.vector_load %arg21[%get3A_112, %get3A_113, %get3A_114] {strides = array<i32>} : memref<2x16x16xf32, #tpu.memory_space<vmem>>, vector<16xf32>,
      %get3A_116 = arith.constant 1 : i32
      %get3A_117 = arith.constant 3 : i32
      %get3A_118 = arith.index_cast %get3A_116 : i32 to index
      %get3A_119 = arith.index_cast %get3A_117 : i32 to index
      %get3A_120 = arith.constant 0 : index
      %get3A_121 = tpu.vector_load %arg21[%get3A_118, %get3A_119, %get3A_120] {strides = array<i32>} : memref<2x16x16xf32, #tpu.memory_space<vmem>>, vector<16xf32>,
      %parallel_loop3A_122 = arith.constant 0 : i32
      %parallel_loop3A_123 = arith.constant 64 : i32
      %parallel_loop3A_124 = arith.constant 1 : i32
      %parallel_loop3A_125:8 = scf.for %parallel_loop3A_525 = %parallel_loop3A_122 to %parallel_loop3A_123 step %parallel_loop3A_124 iter_args(%parallel_loop3A_526 = %get3A_79, %parallel_loop3A_527 = %get3A_85, %parallel_loop3A_528 = %get3A_91, %parallel_loop3A_529 = %get3A_97, %parallel_loop3A_530 = %get3A_103, %parallel_loop3A_531 = %get3A_109, %parallel_loop3A_532 = %get3A_115, %parallel_loop3A_533 = %get3A_121) -> (vector<16xf32>, vector<16xf32>, vector<16xf32>, vector<16xf32>, vector<16xf32>, vector<16xf32>, vector<16xf32>, vector<16xf32>)  : i32 {
        %parallel_loop3A_534 = arith.constant 16 : i32
        %parallel_loop3A_535 = arith.muli %parallel_loop3A_525, %parallel_loop3A_534 : i32
        %parallel_loop3A_536 = arith.index_cast %parallel_loop3A_535 : i32 to index
        %parallel_loop3A_537 = tpu.vector_load %arg22[%parallel_loop3A_536] {strides = array<i32>} : memref<1024xf32, #tpu.memory_space<vmem>>, vector<16xf32>,
        %parallel_loop3A_538 = arith.constant 16 : i32
        %parallel_loop3A_539 = arith.muli %parallel_loop3A_525, %parallel_loop3A_538 : i32
        %parallel_loop3A_540 = arith.index_cast %parallel_loop3A_539 : i32 to index
        %parallel_loop3A_541 = tpu.vector_load %arg23[%parallel_loop3A_540] {strides = array<i32>} : memref<1024xf32, #tpu.memory_space<vmem>>, vector<16xf32>,
        %parallel_loop3A_542 = arith.constant 16 : i32
        %parallel_loop3A_543 = arith.muli %parallel_loop3A_525, %parallel_loop3A_542 : i32
        %parallel_loop3A_544 = arith.constant 0 : i32
        %parallel_loop3A_545 = arith.index_cast %parallel_loop3A_544 : i32 to index
        %parallel_loop3A_546 = arith.index_cast %parallel_loop3A_543 : i32 to index
        %parallel_loop3A_547 = tpu.vector_load %arg15[%parallel_loop3A_545, %parallel_loop3A_546] {strides = array<i32>} : memref<16x1024xf32, #tpu.memory_space<vmem>>, vector<16xf32>,
        %parallel_loop3A_548 = arith.subf %parallel_loop3A_547, %parallel_loop3A_526 : vector<16xf32>
        %parallel_loop3A_549 = arith.mulf %parallel_loop3A_548, %parallel_loop3A_530 : vector<16xf32>
        %parallel_loop3A_550 = arith.mulf %parallel_loop3A_549, %parallel_loop3A_537 : vector<16xf32>
        %parallel_loop3A_551 = arith.addf %parallel_loop3A_550, %parallel_loop3A_541 : vector<16xf32>
        %parallel_loop3A_552 = arith.constant 16 : i32
        %parallel_loop3A_553 = arith.muli %parallel_loop3A_525, %parallel_loop3A_552 : i32
        %parallel_loop3A_554 = arith.constant 0 : i32
        %parallel_loop3A_555 = arith.index_cast %parallel_loop3A_554 : i32 to index
        %parallel_loop3A_556 = arith.index_cast %parallel_loop3A_553 : i32 to index
        %parallel_loop3A_557 = tpu.vector_load %arg15[%parallel_loop3A_555, %parallel_loop3A_556] {strides = array<i32>} : memref<16x1024xf32, #tpu.memory_space<vmem>>, vector<16xf32>,
        tpu.vector_store %arg15[%parallel_loop3A_555, %parallel_loop3A_556], %parallel_loop3A_551 {strides = array<i32>} : memref<16x1024xf32, #tpu.memory_space<vmem>>, vector<16xf32>,
        %parallel_loop3A_558 = arith.constant 16 : i32
        %parallel_loop3A_559 = arith.muli %parallel_loop3A_525, %parallel_loop3A_558 : i32
        %parallel_loop3A_560 = arith.constant 1 : i32
        %parallel_loop3A_561 = arith.index_cast %parallel_loop3A_560 : i32 to index
        %parallel_loop3A_562 = arith.index_cast %parallel_loop3A_559 : i32 to index
        %parallel_loop3A_563 = tpu.vector_load %arg15[%parallel_loop3A_561, %parallel_loop3A_562] {strides = array<i32>} : memref<16x1024xf32, #tpu.memory_space<vmem>>, vector<16xf32>,
        %parallel_loop3A_564 = arith.subf %parallel_loop3A_563, %parallel_loop3A_527 : vector<16xf32>
        %parallel_loop3A_565 = arith.mulf %parallel_loop3A_564, %parallel_loop3A_531 : vector<16xf32>
        %parallel_loop3A_566 = arith.mulf %parallel_loop3A_565, %parallel_loop3A_537 : vector<16xf32>
        %parallel_loop3A_567 = arith.addf %parallel_loop3A_566, %parallel_loop3A_541 : vector<16xf32>
        %parallel_loop3A_568 = arith.constant 16 : i32
        %parallel_loop3A_569 = arith.muli %parallel_loop3A_525, %parallel_loop3A_568 : i32
        %parallel_loop3A_570 = arith.constant 1 : i32
        %parallel_loop3A_571 = arith.index_cast %parallel_loop3A_570 : i32 to index
        %parallel_loop3A_572 = arith.index_cast %parallel_loop3A_569 : i32 to index
        %parallel_loop3A_573 = tpu.vector_load %arg15[%parallel_loop3A_571, %parallel_loop3A_572] {strides = array<i32>} : memref<16x1024xf32, #tpu.memory_space<vmem>>, vector<16xf32>,
        tpu.vector_store %arg15[%parallel_loop3A_571, %parallel_loop3A_572], %parallel_loop3A_567 {strides = array<i32>} : memref<16x1024xf32, #tpu.memory_space<vmem>>, vector<16xf32>,
        %parallel_loop3A_574 = arith.constant 16 : i32
        %parallel_loop3A_575 = arith.muli %parallel_loop3A_525, %parallel_loop3A_574 : i32
        %parallel_loop3A_576 = arith.constant 2 : i32
        %parallel_loop3A_577 = arith.index_cast %parallel_loop3A_576 : i32 to index
        %parallel_loop3A_578 = arith.index_cast %parallel_loop3A_575 : i32 to index
        %parallel_loop3A_579 = tpu.vector_load %arg15[%parallel_loop3A_577, %parallel_loop3A_578] {strides = array<i32>} : memref<16x1024xf32, #tpu.memory_space<vmem>>, vector<16xf32>,
        %parallel_loop3A_580 = arith.subf %parallel_loop3A_579, %parallel_loop3A_528 : vector<16xf32>
        %parallel_loop3A_581 = arith.mulf %parallel_loop3A_580, %parallel_loop3A_532 : vector<16xf32>
        %parallel_loop3A_582 = arith.mulf %parallel_loop3A_581, %parallel_loop3A_537 : vector<16xf32>
        %parallel_loop3A_583 = arith.addf %parallel_loop3A_582, %parallel_loop3A_541 : vector<16xf32>
        %parallel_loop3A_584 = arith.constant 16 : i32
        %parallel_loop3A_585 = arith.muli %parallel_loop3A_525, %parallel_loop3A_584 : i32
        %parallel_loop3A_586 = arith.constant 2 : i32
        %parallel_loop3A_587 = arith.index_cast %parallel_loop3A_586 : i32 to index
        %parallel_loop3A_588 = arith.index_cast %parallel_loop3A_585 : i32 to index
        %parallel_loop3A_589 = tpu.vector_load %arg15[%parallel_loop3A_587, %parallel_loop3A_588] {strides = array<i32>} : memref<16x1024xf32, #tpu.memory_space<vmem>>, vector<16xf32>,
        tpu.vector_store %arg15[%parallel_loop3A_587, %parallel_loop3A_588], %parallel_loop3A_583 {strides = array<i32>} : memref<16x1024xf32, #tpu.memory_space<vmem>>, vector<16xf32>,
        %parallel_loop3A_590 = arith.constant 16 : i32
        %parallel_loop3A_591 = arith.muli %parallel_loop3A_525, %parallel_loop3A_590 : i32
        %parallel_loop3A_592 = arith.constant 3 : i32
        %parallel_loop3A_593 = arith.index_cast %parallel_loop3A_592 : i32 to index
        %parallel_loop3A_594 = arith.index_cast %parallel_loop3A_591 : i32 to index
        %parallel_loop3A_595 = tpu.vector_load %arg15[%parallel_loop3A_593, %parallel_loop3A_594] {strides = array<i32>} : memref<16x1024xf32, #tpu.memory_space<vmem>>, vector<16xf32>,
        %parallel_loop3A_596 = arith.subf %parallel_loop3A_595, %parallel_loop3A_529 : vector<16xf32>
        %parallel_loop3A_597 = arith.mulf %parallel_loop3A_596, %parallel_loop3A_533 : vector<16xf32>
        %parallel_loop3A_598 = arith.mulf %parallel_loop3A_597, %parallel_loop3A_537 : vector<16xf32>
        %parallel_loop3A_599 = arith.addf %parallel_loop3A_598, %parallel_loop3A_541 : vector<16xf32>
        %parallel_loop3A_600 = arith.constant 16 : i32
        %parallel_loop3A_601 = arith.muli %parallel_loop3A_525, %parallel_loop3A_600 : i32
        %parallel_loop3A_602 = arith.constant 3 : i32
        %parallel_loop3A_603 = arith.index_cast %parallel_loop3A_602 : i32 to index
        %parallel_loop3A_604 = arith.index_cast %parallel_loop3A_601 : i32 to index
        %parallel_loop3A_605 = tpu.vector_load %arg15[%parallel_loop3A_603, %parallel_loop3A_604] {strides = array<i32>} : memref<16x1024xf32, #tpu.memory_space<vmem>>, vector<16xf32>,
        tpu.vector_store %arg15[%parallel_loop3A_603, %parallel_loop3A_604], %parallel_loop3A_599 {strides = array<i32>} : memref<16x1024xf32, #tpu.memory_space<vmem>>, vector<16xf32>,
        scf.yield %parallel_loop3A_526, %parallel_loop3A_527, %parallel_loop3A_528, %parallel_loop3A_529, %parallel_loop3A_530, %parallel_loop3A_531, %parallel_loop3A_532, %parallel_loop3A_533 : vector<16xf32>, vector<16xf32>, vector<16xf32>, vector<16xf32>, vector<16xf32>, vector<16xf32>, vector<16xf32>, vector<16xf32>
      } {sc.loop_unroll_factor = 2 : i64, sc.parallel_access}
      %get3A_126 = arith.constant 0 : i32
      %get3A_127 = arith.constant 4 : i32
      %get3A_128 = arith.index_cast %get3A_126 : i32 to index
      %get3A_129 = arith.index_cast %get3A_127 : i32 to index
      %get3A_130 = arith.constant 0 : index
      %get3A_131 = tpu.vector_load %arg21[%get3A_128, %get3A_129, %get3A_130] {strides = array<i32>} : memref<2x16x16xf32, #tpu.memory_space<vmem>>, vector<16xf32>,
      %get3A_132 = arith.constant 0 : i32
      %get3A_133 = arith.constant 5 : i32
      %get3A_134 = arith.index_cast %get3A_132 : i32 to index
      %get3A_135 = arith.index_cast %get3A_133 : i32 to index
      %get3A_136 = arith.constant 0 : index
      %get3A_137 = tpu.vector_load %arg21[%get3A_134, %get3A_135, %get3A_136] {strides = array<i32>} : memref<2x16x16xf32, #tpu.memory_space<vmem>>, vector<16xf32>,
      %get3A_138 = arith.constant 0 : i32
      %get3A_139 = arith.constant 6 : i32
      %get3A_140 = arith.index_cast %get3A_138 : i32 to index
      %get3A_141 = arith.index_cast %get3A_139 : i32 to index
      %get3A_142 = arith.constant 0 : index
      %get3A_143 = tpu.vector_load %arg21[%get3A_140, %get3A_141, %get3A_142] {strides = array<i32>} : memref<2x16x16xf32, #tpu.memory_space<vmem>>, vector<16xf32>,
      %get3A_144 = arith.constant 0 : i32
      %get3A_145 = arith.constant 7 : i32
      %get3A_146 = arith.index_cast %get3A_144 : i32 to index
      %get3A_147 = arith.index_cast %get3A_145 : i32 to index
      %get3A_148 = arith.constant 0 : index
      %get3A_149 = tpu.vector_load %arg21[%get3A_146, %get3A_147, %get3A_148] {strides = array<i32>} : memref<2x16x16xf32, #tpu.memory_space<vmem>>, vector<16xf32>,
      %get3A_150 = arith.constant 1 : i32
      %get3A_151 = arith.constant 4 : i32
      %get3A_152 = arith.index_cast %get3A_150 : i32 to index
      %get3A_153 = arith.index_cast %get3A_151 : i32 to index
      %get3A_154 = arith.constant 0 : index
      %get3A_155 = tpu.vector_load %arg21[%get3A_152, %get3A_153, %get3A_154] {strides = array<i32>} : memref<2x16x16xf32, #tpu.memory_space<vmem>>, vector<16xf32>,
      %get3A_156 = arith.constant 1 : i32
      %get3A_157 = arith.constant 5 : i32
      %get3A_158 = arith.index_cast %get3A_156 : i32 to index
      %get3A_159 = arith.index_cast %get3A_157 : i32 to index
      %get3A_160 = arith.constant 0 : index
      %get3A_161 = tpu.vector_load %arg21[%get3A_158, %get3A_159, %get3A_160] {strides = array<i32>} : memref<2x16x16xf32, #tpu.memory_space<vmem>>, vector<16xf32>,
      %get3A_162 = arith.constant 1 : i32
      %get3A_163 = arith.constant 6 : i32
      %get3A_164 = arith.index_cast %get3A_162 : i32 to index
      %get3A_165 = arith.index_cast %get3A_163 : i32 to index
      %get3A_166 = arith.constant 0 : index
      %get3A_167 = tpu.vector_load %arg21[%get3A_164, %get3A_165, %get3A_166] {strides = array<i32>} : memref<2x16x16xf32, #tpu.memory_space<vmem>>, vector<16xf32>,
      %get3A_168 = arith.constant 1 : i32
      %get3A_169 = arith.constant 7 : i32
      %get3A_170 = arith.index_cast %get3A_168 : i32 to index
      %get3A_171 = arith.index_cast %get3A_169 : i32 to index
      %get3A_172 = arith.constant 0 : index
      %get3A_173 = tpu.vector_load %arg21[%get3A_170, %get3A_171, %get3A_172] {strides = array<i32>} : memref<2x16x16xf32, #tpu.memory_space<vmem>>, vector<16xf32>,
      %parallel_loop3A_174 = arith.constant 0 : i32
      %parallel_loop3A_175 = arith.constant 64 : i32
      %parallel_loop3A_176 = arith.constant 1 : i32
      %parallel_loop3A_177:8 = scf.for %parallel_loop3A_525 = %parallel_loop3A_174 to %parallel_loop3A_175 step %parallel_loop3A_176 iter_args(%parallel_loop3A_526 = %get3A_131, %parallel_loop3A_527 = %get3A_137, %parallel_loop3A_528 = %get3A_143, %parallel_loop3A_529 = %get3A_149, %parallel_loop3A_530 = %get3A_155, %parallel_loop3A_531 = %get3A_161, %parallel_loop3A_532 = %get3A_167, %parallel_loop3A_533 = %get3A_173) -> (vector<16xf32>, vector<16xf32>, vector<16xf32>, vector<16xf32>, vector<16xf32>, vector<16xf32>, vector<16xf32>, vector<16xf32>)  : i32 {
        %parallel_loop3A_534 = arith.constant 16 : i32
        %parallel_loop3A_535 = arith.muli %parallel_loop3A_525, %parallel_loop3A_534 : i32
        %parallel_loop3A_536 = arith.index_cast %parallel_loop3A_535 : i32 to index
        %parallel_loop3A_537 = tpu.vector_load %arg22[%parallel_loop3A_536] {strides = array<i32>} : memref<1024xf32, #tpu.memory_space<vmem>>, vector<16xf32>,
        %parallel_loop3A_538 = arith.constant 16 : i32
        %parallel_loop3A_539 = arith.muli %parallel_loop3A_525, %parallel_loop3A_538 : i32
        %parallel_loop3A_540 = arith.index_cast %parallel_loop3A_539 : i32 to index
        %parallel_loop3A_541 = tpu.vector_load %arg23[%parallel_loop3A_540] {strides = array<i32>} : memref<1024xf32, #tpu.memory_space<vmem>>, vector<16xf32>,
        %parallel_loop3A_542 = arith.constant 16 : i32
        %parallel_loop3A_543 = arith.muli %parallel_loop3A_525, %parallel_loop3A_542 : i32
        %parallel_loop3A_544 = arith.constant 4 : i32
        %parallel_loop3A_545 = arith.index_cast %parallel_loop3A_544 : i32 to index
        %parallel_loop3A_546 = arith.index_cast %parallel_loop3A_543 : i32 to index
        %parallel_loop3A_547 = tpu.vector_load %arg15[%parallel_loop3A_545, %parallel_loop3A_546] {strides = array<i32>} : memref<16x1024xf32, #tpu.memory_space<vmem>>, vector<16xf32>,
        %parallel_loop3A_548 = arith.subf %parallel_loop3A_547, %parallel_loop3A_526 : vector<16xf32>
        %parallel_loop3A_549 = arith.mulf %parallel_loop3A_548, %parallel_loop3A_530 : vector<16xf32>
        %parallel_loop3A_550 = arith.mulf %parallel_loop3A_549, %parallel_loop3A_537 : vector<16xf32>
        %parallel_loop3A_551 = arith.addf %parallel_loop3A_550, %parallel_loop3A_541 : vector<16xf32>
        %parallel_loop3A_552 = arith.constant 16 : i32
        %parallel_loop3A_553 = arith.muli %parallel_loop3A_525, %parallel_loop3A_552 : i32
        %parallel_loop3A_554 = arith.constant 4 : i32
        %parallel_loop3A_555 = arith.index_cast %parallel_loop3A_554 : i32 to index
        %parallel_loop3A_556 = arith.index_cast %parallel_loop3A_553 : i32 to index
        %parallel_loop3A_557 = tpu.vector_load %arg15[%parallel_loop3A_555, %parallel_loop3A_556] {strides = array<i32>} : memref<16x1024xf32, #tpu.memory_space<vmem>>, vector<16xf32>,
        tpu.vector_store %arg15[%parallel_loop3A_555, %parallel_loop3A_556], %parallel_loop3A_551 {strides = array<i32>} : memref<16x1024xf32, #tpu.memory_space<vmem>>, vector<16xf32>,
        %parallel_loop3A_558 = arith.constant 16 : i32
        %parallel_loop3A_559 = arith.muli %parallel_loop3A_525, %parallel_loop3A_558 : i32
        %parallel_loop3A_560 = arith.constant 5 : i32
        %parallel_loop3A_561 = arith.index_cast %parallel_loop3A_560 : i32 to index
        %parallel_loop3A_562 = arith.index_cast %parallel_loop3A_559 : i32 to index
        %parallel_loop3A_563 = tpu.vector_load %arg15[%parallel_loop3A_561, %parallel_loop3A_562] {strides = array<i32>} : memref<16x1024xf32, #tpu.memory_space<vmem>>, vector<16xf32>,
        %parallel_loop3A_564 = arith.subf %parallel_loop3A_563, %parallel_loop3A_527 : vector<16xf32>
        %parallel_loop3A_565 = arith.mulf %parallel_loop3A_564, %parallel_loop3A_531 : vector<16xf32>
        %parallel_loop3A_566 = arith.mulf %parallel_loop3A_565, %parallel_loop3A_537 : vector<16xf32>
        %parallel_loop3A_567 = arith.addf %parallel_loop3A_566, %parallel_loop3A_541 : vector<16xf32>
        %parallel_loop3A_568 = arith.constant 16 : i32
        %parallel_loop3A_569 = arith.muli %parallel_loop3A_525, %parallel_loop3A_568 : i32
        %parallel_loop3A_570 = arith.constant 5 : i32
        %parallel_loop3A_571 = arith.index_cast %parallel_loop3A_570 : i32 to index
        %parallel_loop3A_572 = arith.index_cast %parallel_loop3A_569 : i32 to index
        %parallel_loop3A_573 = tpu.vector_load %arg15[%parallel_loop3A_571, %parallel_loop3A_572] {strides = array<i32>} : memref<16x1024xf32, #tpu.memory_space<vmem>>, vector<16xf32>,
        tpu.vector_store %arg15[%parallel_loop3A_571, %parallel_loop3A_572], %parallel_loop3A_567 {strides = array<i32>} : memref<16x1024xf32, #tpu.memory_space<vmem>>, vector<16xf32>,
        %parallel_loop3A_574 = arith.constant 16 : i32
        %parallel_loop3A_575 = arith.muli %parallel_loop3A_525, %parallel_loop3A_574 : i32
        %parallel_loop3A_576 = arith.constant 6 : i32
        %parallel_loop3A_577 = arith.index_cast %parallel_loop3A_576 : i32 to index
        %parallel_loop3A_578 = arith.index_cast %parallel_loop3A_575 : i32 to index
        %parallel_loop3A_579 = tpu.vector_load %arg15[%parallel_loop3A_577, %parallel_loop3A_578] {strides = array<i32>} : memref<16x1024xf32, #tpu.memory_space<vmem>>, vector<16xf32>,
        %parallel_loop3A_580 = arith.subf %parallel_loop3A_579, %parallel_loop3A_528 : vector<16xf32>
        %parallel_loop3A_581 = arith.mulf %parallel_loop3A_580, %parallel_loop3A_532 : vector<16xf32>
        %parallel_loop3A_582 = arith.mulf %parallel_loop3A_581, %parallel_loop3A_537 : vector<16xf32>
        %parallel_loop3A_583 = arith.addf %parallel_loop3A_582, %parallel_loop3A_541 : vector<16xf32>
        %parallel_loop3A_584 = arith.constant 16 : i32
        %parallel_loop3A_585 = arith.muli %parallel_loop3A_525, %parallel_loop3A_584 : i32
        %parallel_loop3A_586 = arith.constant 6 : i32
        %parallel_loop3A_587 = arith.index_cast %parallel_loop3A_586 : i32 to index
        %parallel_loop3A_588 = arith.index_cast %parallel_loop3A_585 : i32 to index
        %parallel_loop3A_589 = tpu.vector_load %arg15[%parallel_loop3A_587, %parallel_loop3A_588] {strides = array<i32>} : memref<16x1024xf32, #tpu.memory_space<vmem>>, vector<16xf32>,
        tpu.vector_store %arg15[%parallel_loop3A_587, %parallel_loop3A_588], %parallel_loop3A_583 {strides = array<i32>} : memref<16x1024xf32, #tpu.memory_space<vmem>>, vector<16xf32>,
        %parallel_loop3A_590 = arith.constant 16 : i32
        %parallel_loop3A_591 = arith.muli %parallel_loop3A_525, %parallel_loop3A_590 : i32
        %parallel_loop3A_592 = arith.constant 7 : i32
        %parallel_loop3A_593 = arith.index_cast %parallel_loop3A_592 : i32 to index
        %parallel_loop3A_594 = arith.index_cast %parallel_loop3A_591 : i32 to index
        %parallel_loop3A_595 = tpu.vector_load %arg15[%parallel_loop3A_593, %parallel_loop3A_594] {strides = array<i32>} : memref<16x1024xf32, #tpu.memory_space<vmem>>, vector<16xf32>,
        %parallel_loop3A_596 = arith.subf %parallel_loop3A_595, %parallel_loop3A_529 : vector<16xf32>
        %parallel_loop3A_597 = arith.mulf %parallel_loop3A_596, %parallel_loop3A_533 : vector<16xf32>
        %parallel_loop3A_598 = arith.mulf %parallel_loop3A_597, %parallel_loop3A_537 : vector<16xf32>
        %parallel_loop3A_599 = arith.addf %parallel_loop3A_598, %parallel_loop3A_541 : vector<16xf32>
        %parallel_loop3A_600 = arith.constant 16 : i32
        %parallel_loop3A_601 = arith.muli %parallel_loop3A_525, %parallel_loop3A_600 : i32
        %parallel_loop3A_602 = arith.constant 7 : i32
        %parallel_loop3A_603 = arith.index_cast %parallel_loop3A_602 : i32 to index
        %parallel_loop3A_604 = arith.index_cast %parallel_loop3A_601 : i32 to index
        %parallel_loop3A_605 = tpu.vector_load %arg15[%parallel_loop3A_603, %parallel_loop3A_604] {strides = array<i32>} : memref<16x1024xf32, #tpu.memory_space<vmem>>, vector<16xf32>,
        tpu.vector_store %arg15[%parallel_loop3A_603, %parallel_loop3A_604], %parallel_loop3A_599 {strides = array<i32>} : memref<16x1024xf32, #tpu.memory_space<vmem>>, vector<16xf32>,
        scf.yield %parallel_loop3A_526, %parallel_loop3A_527, %parallel_loop3A_528, %parallel_loop3A_529, %parallel_loop3A_530, %parallel_loop3A_531, %parallel_loop3A_532, %parallel_loop3A_533 : vector<16xf32>, vector<16xf32>, vector<16xf32>, vector<16xf32>, vector<16xf32>, vector<16xf32>, vector<16xf32>, vector<16xf32>
      } {sc.loop_unroll_factor = 2 : i64, sc.parallel_access}
      %get3A_178 = arith.constant 0 : i32
      %get3A_179 = arith.constant 8 : i32
      %get3A_180 = arith.index_cast %get3A_178 : i32 to index
      %get3A_181 = arith.index_cast %get3A_179 : i32 to index
      %get3A_182 = arith.constant 0 : index
      %get3A_183 = tpu.vector_load %arg21[%get3A_180, %get3A_181, %get3A_182] {strides = array<i32>} : memref<2x16x16xf32, #tpu.memory_space<vmem>>, vector<16xf32>,
      %get3A_184 = arith.constant 0 : i32
      %get3A_185 = arith.constant 9 : i32
      %get3A_186 = arith.index_cast %get3A_184 : i32 to index
      %get3A_187 = arith.index_cast %get3A_185 : i32 to index
      %get3A_188 = arith.constant 0 : index
      %get3A_189 = tpu.vector_load %arg21[%get3A_186, %get3A_187, %get3A_188] {strides = array<i32>} : memref<2x16x16xf32, #tpu.memory_space<vmem>>, vector<16xf32>,
      %get3A_190 = arith.constant 0 : i32
      %get3A_191 = arith.constant 10 : i32
      %get3A_192 = arith.index_cast %get3A_190 : i32 to index
      %get3A_193 = arith.index_cast %get3A_191 : i32 to index
      %get3A_194 = arith.constant 0 : index
      %get3A_195 = tpu.vector_load %arg21[%get3A_192, %get3A_193, %get3A_194] {strides = array<i32>} : memref<2x16x16xf32, #tpu.memory_space<vmem>>, vector<16xf32>,
      %get3A_196 = arith.constant 0 : i32
      %get3A_197 = arith.constant 11 : i32
      %get3A_198 = arith.index_cast %get3A_196 : i32 to index
      %get3A_199 = arith.index_cast %get3A_197 : i32 to index
      %get3A_200 = arith.constant 0 : index
      %get3A_201 = tpu.vector_load %arg21[%get3A_198, %get3A_199, %get3A_200] {strides = array<i32>} : memref<2x16x16xf32, #tpu.memory_space<vmem>>, vector<16xf32>,
      %get3A_202 = arith.constant 1 : i32
      %get3A_203 = arith.constant 8 : i32
      %get3A_204 = arith.index_cast %get3A_202 : i32 to index
      %get3A_205 = arith.index_cast %get3A_203 : i32 to index
      %get3A_206 = arith.constant 0 : index
      %get3A_207 = tpu.vector_load %arg21[%get3A_204, %get3A_205, %get3A_206] {strides = array<i32>} : memref<2x16x16xf32, #tpu.memory_space<vmem>>, vector<16xf32>,
      %get3A_208 = arith.constant 1 : i32
      %get3A_209 = arith.constant 9 : i32
      %get3A_210 = arith.index_cast %get3A_208 : i32 to index
      %get3A_211 = arith.index_cast %get3A_209 : i32 to index
      %get3A_212 = arith.constant 0 : index
      %get3A_213 = tpu.vector_load %arg21[%get3A_210, %get3A_211, %get3A_212] {strides = array<i32>} : memref<2x16x16xf32, #tpu.memory_space<vmem>>, vector<16xf32>,
      %get3A_214 = arith.constant 1 : i32
      %get3A_215 = arith.constant 10 : i32
      %get3A_216 = arith.index_cast %get3A_214 : i32 to index
      %get3A_217 = arith.index_cast %get3A_215 : i32 to index
      %get3A_218 = arith.constant 0 : index
      %get3A_219 = tpu.vector_load %arg21[%get3A_216, %get3A_217, %get3A_218] {strides = array<i32>} : memref<2x16x16xf32, #tpu.memory_space<vmem>>, vector<16xf32>,
      %get3A_220 = arith.constant 1 : i32
      %get3A_221 = arith.constant 11 : i32
      %get3A_222 = arith.index_cast %get3A_220 : i32 to index
      %get3A_223 = arith.index_cast %get3A_221 : i32 to index
      %get3A_224 = arith.constant 0 : index
      %get3A_225 = tpu.vector_load %arg21[%get3A_222, %get3A_223, %get3A_224] {strides = array<i32>} : memref<2x16x16xf32, #tpu.memory_space<vmem>>, vector<16xf32>,
      %parallel_loop3A_226 = arith.constant 0 : i32
      %parallel_loop3A_227 = arith.constant 64 : i32
      %parallel_loop3A_228 = arith.constant 1 : i32
      %parallel_loop3A_229:8 = scf.for %parallel_loop3A_525 = %parallel_loop3A_226 to %parallel_loop3A_227 step %parallel_loop3A_228 iter_args(%parallel_loop3A_526 = %get3A_183, %parallel_loop3A_527 = %get3A_189, %parallel_loop3A_528 = %get3A_195, %parallel_loop3A_529 = %get3A_201, %parallel_loop3A_530 = %get3A_207, %parallel_loop3A_531 = %get3A_213, %parallel_loop3A_532 = %get3A_219, %parallel_loop3A_533 = %get3A_225) -> (vector<16xf32>, vector<16xf32>, vector<16xf32>, vector<16xf32>, vector<16xf32>, vector<16xf32>, vector<16xf32>, vector<16xf32>)  : i32 {
        %parallel_loop3A_534 = arith.constant 16 : i32
        %parallel_loop3A_535 = arith.muli %parallel_loop3A_525, %parallel_loop3A_534 : i32
        %parallel_loop3A_536 = arith.index_cast %parallel_loop3A_535 : i32 to index
        %parallel_loop3A_537 = tpu.vector_load %arg22[%parallel_loop3A_536] {strides = array<i32>} : memref<1024xf32, #tpu.memory_space<vmem>>, vector<16xf32>,
        %parallel_loop3A_538 = arith.constant 16 : i32
        %parallel_loop3A_539 = arith.muli %parallel_loop3A_525, %parallel_loop3A_538 : i32
        %parallel_loop3A_540 = arith.index_cast %parallel_loop3A_539 : i32 to index
        %parallel_loop3A_541 = tpu.vector_load %arg23[%parallel_loop3A_540] {strides = array<i32>} : memref<1024xf32, #tpu.memory_space<vmem>>, vector<16xf32>,
        %parallel_loop3A_542 = arith.constant 16 : i32
        %parallel_loop3A_543 = arith.muli %parallel_loop3A_525, %parallel_loop3A_542 : i32
        %parallel_loop3A_544 = arith.constant 8 : i32
        %parallel_loop3A_545 = arith.index_cast %parallel_loop3A_544 : i32 to index
        %parallel_loop3A_546 = arith.index_cast %parallel_loop3A_543 : i32 to index
        %parallel_loop3A_547 = tpu.vector_load %arg15[%parallel_loop3A_545, %parallel_loop3A_546] {strides = array<i32>} : memref<16x1024xf32, #tpu.memory_space<vmem>>, vector<16xf32>,
        %parallel_loop3A_548 = arith.subf %parallel_loop3A_547, %parallel_loop3A_526 : vector<16xf32>
        %parallel_loop3A_549 = arith.mulf %parallel_loop3A_548, %parallel_loop3A_530 : vector<16xf32>
        %parallel_loop3A_550 = arith.mulf %parallel_loop3A_549, %parallel_loop3A_537 : vector<16xf32>
        %parallel_loop3A_551 = arith.addf %parallel_loop3A_550, %parallel_loop3A_541 : vector<16xf32>
        %parallel_loop3A_552 = arith.constant 16 : i32
        %parallel_loop3A_553 = arith.muli %parallel_loop3A_525, %parallel_loop3A_552 : i32
        %parallel_loop3A_554 = arith.constant 8 : i32
        %parallel_loop3A_555 = arith.index_cast %parallel_loop3A_554 : i32 to index
        %parallel_loop3A_556 = arith.index_cast %parallel_loop3A_553 : i32 to index
        %parallel_loop3A_557 = tpu.vector_load %arg15[%parallel_loop3A_555, %parallel_loop3A_556] {strides = array<i32>} : memref<16x1024xf32, #tpu.memory_space<vmem>>, vector<16xf32>,
        tpu.vector_store %arg15[%parallel_loop3A_555, %parallel_loop3A_556], %parallel_loop3A_551 {strides = array<i32>} : memref<16x1024xf32, #tpu.memory_space<vmem>>, vector<16xf32>,
        %parallel_loop3A_558 = arith.constant 16 : i32
        %parallel_loop3A_559 = arith.muli %parallel_loop3A_525, %parallel_loop3A_558 : i32
        %parallel_loop3A_560 = arith.constant 9 : i32
        %parallel_loop3A_561 = arith.index_cast %parallel_loop3A_560 : i32 to index
        %parallel_loop3A_562 = arith.index_cast %parallel_loop3A_559 : i32 to index
        %parallel_loop3A_563 = tpu.vector_load %arg15[%parallel_loop3A_561, %parallel_loop3A_562] {strides = array<i32>} : memref<16x1024xf32, #tpu.memory_space<vmem>>, vector<16xf32>,
        %parallel_loop3A_564 = arith.subf %parallel_loop3A_563, %parallel_loop3A_527 : vector<16xf32>
        %parallel_loop3A_565 = arith.mulf %parallel_loop3A_564, %parallel_loop3A_531 : vector<16xf32>
        %parallel_loop3A_566 = arith.mulf %parallel_loop3A_565, %parallel_loop3A_537 : vector<16xf32>
        %parallel_loop3A_567 = arith.addf %parallel_loop3A_566, %parallel_loop3A_541 : vector<16xf32>
        %parallel_loop3A_568 = arith.constant 16 : i32
        %parallel_loop3A_569 = arith.muli %parallel_loop3A_525, %parallel_loop3A_568 : i32
        %parallel_loop3A_570 = arith.constant 9 : i32
        %parallel_loop3A_571 = arith.index_cast %parallel_loop3A_570 : i32 to index
        %parallel_loop3A_572 = arith.index_cast %parallel_loop3A_569 : i32 to index
        %parallel_loop3A_573 = tpu.vector_load %arg15[%parallel_loop3A_571, %parallel_loop3A_572] {strides = array<i32>} : memref<16x1024xf32, #tpu.memory_space<vmem>>, vector<16xf32>,
        tpu.vector_store %arg15[%parallel_loop3A_571, %parallel_loop3A_572], %parallel_loop3A_567 {strides = array<i32>} : memref<16x1024xf32, #tpu.memory_space<vmem>>, vector<16xf32>,
        %parallel_loop3A_574 = arith.constant 16 : i32
        %parallel_loop3A_575 = arith.muli %parallel_loop3A_525, %parallel_loop3A_574 : i32
        %parallel_loop3A_576 = arith.constant 10 : i32
        %parallel_loop3A_577 = arith.index_cast %parallel_loop3A_576 : i32 to index
        %parallel_loop3A_578 = arith.index_cast %parallel_loop3A_575 : i32 to index
        %parallel_loop3A_579 = tpu.vector_load %arg15[%parallel_loop3A_577, %parallel_loop3A_578] {strides = array<i32>} : memref<16x1024xf32, #tpu.memory_space<vmem>>, vector<16xf32>,
        %parallel_loop3A_580 = arith.subf %parallel_loop3A_579, %parallel_loop3A_528 : vector<16xf32>
        %parallel_loop3A_581 = arith.mulf %parallel_loop3A_580, %parallel_loop3A_532 : vector<16xf32>
        %parallel_loop3A_582 = arith.mulf %parallel_loop3A_581, %parallel_loop3A_537 : vector<16xf32>
        %parallel_loop3A_583 = arith.addf %parallel_loop3A_582, %parallel_loop3A_541 : vector<16xf32>
        %parallel_loop3A_584 = arith.constant 16 : i32
        %parallel_loop3A_585 = arith.muli %parallel_loop3A_525, %parallel_loop3A_584 : i32
        %parallel_loop3A_586 = arith.constant 10 : i32
        %parallel_loop3A_587 = arith.index_cast %parallel_loop3A_586 : i32 to index
        %parallel_loop3A_588 = arith.index_cast %parallel_loop3A_585 : i32 to index
        %parallel_loop3A_589 = tpu.vector_load %arg15[%parallel_loop3A_587, %parallel_loop3A_588] {strides = array<i32>} : memref<16x1024xf32, #tpu.memory_space<vmem>>, vector<16xf32>,
        tpu.vector_store %arg15[%parallel_loop3A_587, %parallel_loop3A_588], %parallel_loop3A_583 {strides = array<i32>} : memref<16x1024xf32, #tpu.memory_space<vmem>>, vector<16xf32>,
        %parallel_loop3A_590 = arith.constant 16 : i32
        %parallel_loop3A_591 = arith.muli %parallel_loop3A_525, %parallel_loop3A_590 : i32
        %parallel_loop3A_592 = arith.constant 11 : i32
        %parallel_loop3A_593 = arith.index_cast %parallel_loop3A_592 : i32 to index
        %parallel_loop3A_594 = arith.index_cast %parallel_loop3A_591 : i32 to index
        %parallel_loop3A_595 = tpu.vector_load %arg15[%parallel_loop3A_593, %parallel_loop3A_594] {strides = array<i32>} : memref<16x1024xf32, #tpu.memory_space<vmem>>, vector<16xf32>,
        %parallel_loop3A_596 = arith.subf %parallel_loop3A_595, %parallel_loop3A_529 : vector<16xf32>
        %parallel_loop3A_597 = arith.mulf %parallel_loop3A_596, %parallel_loop3A_533 : vector<16xf32>
        %parallel_loop3A_598 = arith.mulf %parallel_loop3A_597, %parallel_loop3A_537 : vector<16xf32>
        %parallel_loop3A_599 = arith.addf %parallel_loop3A_598, %parallel_loop3A_541 : vector<16xf32>
        %parallel_loop3A_600 = arith.constant 16 : i32
        %parallel_loop3A_601 = arith.muli %parallel_loop3A_525, %parallel_loop3A_600 : i32
        %parallel_loop3A_602 = arith.constant 11 : i32
        %parallel_loop3A_603 = arith.index_cast %parallel_loop3A_602 : i32 to index
        %parallel_loop3A_604 = arith.index_cast %parallel_loop3A_601 : i32 to index
        %parallel_loop3A_605 = tpu.vector_load %arg15[%parallel_loop3A_603, %parallel_loop3A_604] {strides = array<i32>} : memref<16x1024xf32, #tpu.memory_space<vmem>>, vector<16xf32>,
        tpu.vector_store %arg15[%parallel_loop3A_603, %parallel_loop3A_604], %parallel_loop3A_599 {strides = array<i32>} : memref<16x1024xf32, #tpu.memory_space<vmem>>, vector<16xf32>,
        scf.yield %parallel_loop3A_526, %parallel_loop3A_527, %parallel_loop3A_528, %parallel_loop3A_529, %parallel_loop3A_530, %parallel_loop3A_531, %parallel_loop3A_532, %parallel_loop3A_533 : vector<16xf32>, vector<16xf32>, vector<16xf32>, vector<16xf32>, vector<16xf32>, vector<16xf32>, vector<16xf32>, vector<16xf32>
      } {sc.loop_unroll_factor = 2 : i64, sc.parallel_access}
      %get3A_230 = arith.constant 0 : i32
      %get3A_231 = arith.constant 12 : i32
      %get3A_232 = arith.index_cast %get3A_230 : i32 to index
      %get3A_233 = arith.index_cast %get3A_231 : i32 to index
      %get3A_234 = arith.constant 0 : index
      %get3A_235 = tpu.vector_load %arg21[%get3A_232, %get3A_233, %get3A_234] {strides = array<i32>} : memref<2x16x16xf32, #tpu.memory_space<vmem>>, vector<16xf32>,
      %get3A_236 = arith.constant 0 : i32
      %get3A_237 = arith.constant 13 : i32
      %get3A_238 = arith.index_cast %get3A_236 : i32 to index
      %get3A_239 = arith.index_cast %get3A_237 : i32 to index
      %get3A_240 = arith.constant 0 : index
      %get3A_241 = tpu.vector_load %arg21[%get3A_238, %get3A_239, %get3A_240] {strides = array<i32>} : memref<2x16x16xf32, #tpu.memory_space<vmem>>, vector<16xf32>,
      %get3A_242 = arith.constant 0 : i32
      %get3A_243 = arith.constant 14 : i32
      %get3A_244 = arith.index_cast %get3A_242 : i32 to index
      %get3A_245 = arith.index_cast %get3A_243 : i32 to index
      %get3A_246 = arith.constant 0 : index
      %get3A_247 = tpu.vector_load %arg21[%get3A_244, %get3A_245, %get3A_246] {strides = array<i32>} : memref<2x16x16xf32, #tpu.memory_space<vmem>>, vector<16xf32>,
      %get3A_248 = arith.constant 0 : i32
      %get3A_249 = arith.constant 15 : i32
      %get3A_250 = arith.index_cast %get3A_248 : i32 to index
      %get3A_251 = arith.index_cast %get3A_249 : i32 to index
      %get3A_252 = arith.constant 0 : index
      %get3A_253 = tpu.vector_load %arg21[%get3A_250, %get3A_251, %get3A_252] {strides = array<i32>} : memref<2x16x16xf32, #tpu.memory_space<vmem>>, vector<16xf32>,
      %get3A_254 = arith.constant 1 : i32
      %get3A_255 = arith.constant 12 : i32
      %get3A_256 = arith.index_cast %get3A_254 : i32 to index
      %get3A_257 = arith.index_cast %get3A_255 : i32 to index
      %get3A_258 = arith.constant 0 : index
      %get3A_259 = tpu.vector_load %arg21[%get3A_256, %get3A_257, %get3A_258] {strides = array<i32>} : memref<2x16x16xf32, #tpu.memory_space<vmem>>, vector<16xf32>,
      %get3A_260 = arith.constant 1 : i32
      %get3A_261 = arith.constant 13 : i32
      %get3A_262 = arith.index_cast %get3A_260 : i32 to index
      %get3A_263 = arith.index_cast %get3A_261 : i32 to index
      %get3A_264 = arith.constant 0 : index
      %get3A_265 = tpu.vector_load %arg21[%get3A_262, %get3A_263, %get3A_264] {strides = array<i32>} : memref<2x16x16xf32, #tpu.memory_space<vmem>>, vector<16xf32>,
      %get3A_266 = arith.constant 1 : i32
      %get3A_267 = arith.constant 14 : i32
      %get3A_268 = arith.index_cast %get3A_266 : i32 to index
      %get3A_269 = arith.index_cast %get3A_267 : i32 to index
      %get3A_270 = arith.constant 0 : index
      %get3A_271 = tpu.vector_load %arg21[%get3A_268, %get3A_269, %get3A_270] {strides = array<i32>} : memref<2x16x16xf32, #tpu.memory_space<vmem>>, vector<16xf32>,
      %get3A_272 = arith.constant 1 : i32
      %get3A_273 = arith.constant 15 : i32
      %get3A_274 = arith.index_cast %get3A_272 : i32 to index
      %get3A_275 = arith.index_cast %get3A_273 : i32 to index
      %get3A_276 = arith.constant 0 : index
      %get3A_277 = tpu.vector_load %arg21[%get3A_274, %get3A_275, %get3A_276] {strides = array<i32>} : memref<2x16x16xf32, #tpu.memory_space<vmem>>, vector<16xf32>,
      %parallel_loop3A_278 = arith.constant 0 : i32
      %parallel_loop3A_279 = arith.constant 64 : i32
      %parallel_loop3A_280 = arith.constant 1 : i32
      %parallel_loop3A_281:8 = scf.for %parallel_loop3A_525 = %parallel_loop3A_278 to %parallel_loop3A_279 step %parallel_loop3A_280 iter_args(%parallel_loop3A_526 = %get3A_235, %parallel_loop3A_527 = %get3A_241, %parallel_loop3A_528 = %get3A_247, %parallel_loop3A_529 = %get3A_253, %parallel_loop3A_530 = %get3A_259, %parallel_loop3A_531 = %get3A_265, %parallel_loop3A_532 = %get3A_271, %parallel_loop3A_533 = %get3A_277) -> (vector<16xf32>, vector<16xf32>, vector<16xf32>, vector<16xf32>, vector<16xf32>, vector<16xf32>, vector<16xf32>, vector<16xf32>)  : i32 {
        %parallel_loop3A_534 = arith.constant 16 : i32
        %parallel_loop3A_535 = arith.muli %parallel_loop3A_525, %parallel_loop3A_534 : i32
        %parallel_loop3A_536 = arith.index_cast %parallel_loop3A_535 : i32 to index
        %parallel_loop3A_537 = tpu.vector_load %arg22[%parallel_loop3A_536] {strides = array<i32>} : memref<1024xf32, #tpu.memory_space<vmem>>, vector<16xf32>,
        %parallel_loop3A_538 = arith.constant 16 : i32
        %parallel_loop3A_539 = arith.muli %parallel_loop3A_525, %parallel_loop3A_538 : i32
        %parallel_loop3A_540 = arith.index_cast %parallel_loop3A_539 : i32 to index
        %parallel_loop3A_541 = tpu.vector_load %arg23[%parallel_loop3A_540] {strides = array<i32>} : memref<1024xf32, #tpu.memory_space<vmem>>, vector<16xf32>,
        %parallel_loop3A_542 = arith.constant 16 : i32
        %parallel_loop3A_543 = arith.muli %parallel_loop3A_525, %parallel_loop3A_542 : i32
        %parallel_loop3A_544 = arith.constant 12 : i32
        %parallel_loop3A_545 = arith.index_cast %parallel_loop3A_544 : i32 to index
        %parallel_loop3A_546 = arith.index_cast %parallel_loop3A_543 : i32 to index
        %parallel_loop3A_547 = tpu.vector_load %arg15[%parallel_loop3A_545, %parallel_loop3A_546] {strides = array<i32>} : memref<16x1024xf32, #tpu.memory_space<vmem>>, vector<16xf32>,
        %parallel_loop3A_548 = arith.subf %parallel_loop3A_547, %parallel_loop3A_526 : vector<16xf32>
        %parallel_loop3A_549 = arith.mulf %parallel_loop3A_548, %parallel_loop3A_530 : vector<16xf32>
        %parallel_loop3A_550 = arith.mulf %parallel_loop3A_549, %parallel_loop3A_537 : vector<16xf32>
        %parallel_loop3A_551 = arith.addf %parallel_loop3A_550, %parallel_loop3A_541 : vector<16xf32>
        %parallel_loop3A_552 = arith.constant 16 : i32
        %parallel_loop3A_553 = arith.muli %parallel_loop3A_525, %parallel_loop3A_552 : i32
        %parallel_loop3A_554 = arith.constant 12 : i32
        %parallel_loop3A_555 = arith.index_cast %parallel_loop3A_554 : i32 to index
        %parallel_loop3A_556 = arith.index_cast %parallel_loop3A_553 : i32 to index
        %parallel_loop3A_557 = tpu.vector_load %arg15[%parallel_loop3A_555, %parallel_loop3A_556] {strides = array<i32>} : memref<16x1024xf32, #tpu.memory_space<vmem>>, vector<16xf32>,
        tpu.vector_store %arg15[%parallel_loop3A_555, %parallel_loop3A_556], %parallel_loop3A_551 {strides = array<i32>} : memref<16x1024xf32, #tpu.memory_space<vmem>>, vector<16xf32>,
        %parallel_loop3A_558 = arith.constant 16 : i32
        %parallel_loop3A_559 = arith.muli %parallel_loop3A_525, %parallel_loop3A_558 : i32
        %parallel_loop3A_560 = arith.constant 13 : i32
        %parallel_loop3A_561 = arith.index_cast %parallel_loop3A_560 : i32 to index
        %parallel_loop3A_562 = arith.index_cast %parallel_loop3A_559 : i32 to index
        %parallel_loop3A_563 = tpu.vector_load %arg15[%parallel_loop3A_561, %parallel_loop3A_562] {strides = array<i32>} : memref<16x1024xf32, #tpu.memory_space<vmem>>, vector<16xf32>,
        %parallel_loop3A_564 = arith.subf %parallel_loop3A_563, %parallel_loop3A_527 : vector<16xf32>
        %parallel_loop3A_565 = arith.mulf %parallel_loop3A_564, %parallel_loop3A_531 : vector<16xf32>
        %parallel_loop3A_566 = arith.mulf %parallel_loop3A_565, %parallel_loop3A_537 : vector<16xf32>
        %parallel_loop3A_567 = arith.addf %parallel_loop3A_566, %parallel_loop3A_541 : vector<16xf32>
        %parallel_loop3A_568 = arith.constant 16 : i32
        %parallel_loop3A_569 = arith.muli %parallel_loop3A_525, %parallel_loop3A_568 : i32
        %parallel_loop3A_570 = arith.constant 13 : i32
        %parallel_loop3A_571 = arith.index_cast %parallel_loop3A_570 : i32 to index
        %parallel_loop3A_572 = arith.index_cast %parallel_loop3A_569 : i32 to index
        %parallel_loop3A_573 = tpu.vector_load %arg15[%parallel_loop3A_571, %parallel_loop3A_572] {strides = array<i32>} : memref<16x1024xf32, #tpu.memory_space<vmem>>, vector<16xf32>,
        tpu.vector_store %arg15[%parallel_loop3A_571, %parallel_loop3A_572], %parallel_loop3A_567 {strides = array<i32>} : memref<16x1024xf32, #tpu.memory_space<vmem>>, vector<16xf32>,
        %parallel_loop3A_574 = arith.constant 16 : i32
        %parallel_loop3A_575 = arith.muli %parallel_loop3A_525, %parallel_loop3A_574 : i32
        %parallel_loop3A_576 = arith.constant 14 : i32
        %parallel_loop3A_577 = arith.index_cast %parallel_loop3A_576 : i32 to index
        %parallel_loop3A_578 = arith.index_cast %parallel_loop3A_575 : i32 to index
        %parallel_loop3A_579 = tpu.vector_load %arg15[%parallel_loop3A_577, %parallel_loop3A_578] {strides = array<i32>} : memref<16x1024xf32, #tpu.memory_space<vmem>>, vector<16xf32>,
        %parallel_loop3A_580 = arith.subf %parallel_loop3A_579, %parallel_loop3A_528 : vector<16xf32>
        %parallel_loop3A_581 = arith.mulf %parallel_loop3A_580, %parallel_loop3A_532 : vector<16xf32>
        %parallel_loop3A_582 = arith.mulf %parallel_loop3A_581, %parallel_loop3A_537 : vector<16xf32>
        %parallel_loop3A_583 = arith.addf %parallel_loop3A_582, %parallel_loop3A_541 : vector<16xf32>
        %parallel_loop3A_584 = arith.constant 16 : i32
        %parallel_loop3A_585 = arith.muli %parallel_loop3A_525, %parallel_loop3A_584 : i32
        %parallel_loop3A_586 = arith.constant 14 : i32
        %parallel_loop3A_587 = arith.index_cast %parallel_loop3A_586 : i32 to index
        %parallel_loop3A_588 = arith.index_cast %parallel_loop3A_585 : i32 to index
        %parallel_loop3A_589 = tpu.vector_load %arg15[%parallel_loop3A_587, %parallel_loop3A_588] {strides = array<i32>} : memref<16x1024xf32, #tpu.memory_space<vmem>>, vector<16xf32>,
        tpu.vector_store %arg15[%parallel_loop3A_587, %parallel_loop3A_588], %parallel_loop3A_583 {strides = array<i32>} : memref<16x1024xf32, #tpu.memory_space<vmem>>, vector<16xf32>,
        %parallel_loop3A_590 = arith.constant 16 : i32
        %parallel_loop3A_591 = arith.muli %parallel_loop3A_525, %parallel_loop3A_590 : i32
        %parallel_loop3A_592 = arith.constant 15 : i32
        %parallel_loop3A_593 = arith.index_cast %parallel_loop3A_592 : i32 to index
        %parallel_loop3A_594 = arith.index_cast %parallel_loop3A_591 : i32 to index
        %parallel_loop3A_595 = tpu.vector_load %arg15[%parallel_loop3A_593, %parallel_loop3A_594] {strides = array<i32>} : memref<16x1024xf32, #tpu.memory_space<vmem>>, vector<16xf32>,
        %parallel_loop3A_596 = arith.subf %parallel_loop3A_595, %parallel_loop3A_529 : vector<16xf32>
        %parallel_loop3A_597 = arith.mulf %parallel_loop3A_596, %parallel_loop3A_533 : vector<16xf32>
        %parallel_loop3A_598 = arith.mulf %parallel_loop3A_597, %parallel_loop3A_537 : vector<16xf32>
        %parallel_loop3A_599 = arith.addf %parallel_loop3A_598, %parallel_loop3A_541 : vector<16xf32>
        %parallel_loop3A_600 = arith.constant 16 : i32
        %parallel_loop3A_601 = arith.muli %parallel_loop3A_525, %parallel_loop3A_600 : i32
        %parallel_loop3A_602 = arith.constant 15 : i32
        %parallel_loop3A_603 = arith.index_cast %parallel_loop3A_602 : i32 to index
        %parallel_loop3A_604 = arith.index_cast %parallel_loop3A_601 : i32 to index
        %parallel_loop3A_605 = tpu.vector_load %arg15[%parallel_loop3A_603, %parallel_loop3A_604] {strides = array<i32>} : memref<16x1024xf32, #tpu.memory_space<vmem>>, vector<16xf32>,
        tpu.vector_store %arg15[%parallel_loop3A_603, %parallel_loop3A_604], %parallel_loop3A_599 {strides = array<i32>} : memref<16x1024xf32, #tpu.memory_space<vmem>>, vector<16xf32>,
        scf.yield %parallel_loop3A_526, %parallel_loop3A_527, %parallel_loop3A_528, %parallel_loop3A_529, %parallel_loop3A_530, %parallel_loop3A_531, %parallel_loop3A_532, %parallel_loop3A_533 : vector<16xf32>, vector<16xf32>, vector<16xf32>, vector<16xf32>, vector<16xf32>, vector<16xf32>, vector<16xf32>, vector<16xf32>
      } {sc.loop_unroll_factor = 2 : i64, sc.parallel_access}
      %mul3A_282 = arith.constant 16 : i32
      %mul3A_283 = arith.muli %mul3A_37, %mul3A_282 : i32
      %add3A_284 = arith.addi %mul3A_2, %mul3A_283 : i32
      %dma_start3A_285 = arith.constant 0 : i32
      %dma_start3A_286 = tpu.memref_slice %arg10[%add3A_284, %dma_start3A_285] : memref<16384x1024xf32, #tpu.memory_space<hbm>> -> memref<16x1024xf32, #tpu.memory_space<hbm>>
      %dma_start3A_287 = arith.constant 0 : i32
      %dma_start3A_288 = tpu.memref_slice %arg10[%add3A_284, %dma_start3A_287] : memref<16384x1024xf32, #tpu.memory_space<hbm>> -> memref<16x1024xf32, #tpu.memory_space<hbm>>
      tpu.enqueue_dma source(%arg15 : memref<16x1024xf32, #tpu.memory_space<vmem>>) target(%dma_start3A_288 : memref<16x1024xf32, #tpu.memory_space<hbm>>) target_semaphore(%arg26 : memref<!tpu.dma_semaphore, #tpu.memory_space<semaphore_mem>>)
      %lt3A = arith.constant 15 : i32
      %lt3A_289 = arith.cmpi slt, %scan3A_35, %lt3A : i32
      %convert_element_type3A_290 = arith.extui %lt3A_289 : i1 to i32
      %cond3A_291 = arith.constant 0 : i32
      %cond3A_292 = arith.cmpi ne, %convert_element_type3A_290, %cond3A_291 : i32
      scf.if %cond3A_292 {
        %dma_wait3A_525 = arith.constant 0 : i32
        %dma_wait3A_526 = tpu.memref_slice %arg10[%add3A_284, %dma_wait3A_525] : memref<16384x1024xf32, #tpu.memory_space<hbm>> -> memref<16x1024xf32, #tpu.memory_space<hbm>>
        %dma_wait3A_527 = arith.constant 0 : i32
        %dma_wait3A_528 = tpu.memref_slice %arg10[%add3A_284, %dma_wait3A_527] : memref<16384x1024xf32, #tpu.memory_space<hbm>> -> memref<16x1024xf32, #tpu.memory_space<hbm>>
        tpu.wait_dma2 semaphore(%arg26 : memref<!tpu.dma_semaphore, #tpu.memory_space<semaphore_mem>>) src(%arg15 : memref<16x1024xf32, #tpu.memory_space<vmem>>) dst(%dma_wait3A_528 : memref<16x1024xf32, #tpu.memory_space<hbm>>)
        %add3A_529 = arith.constant 2 : i32
        %add3A_530 = arith.addi %mul3A_37, %add3A_529 : i32
        %mul3A_531 = arith.constant 16 : i32
        %mul3A_532 = arith.muli %add3A_530, %mul3A_531 : i32
        %dma_start3A_533 = tpu.memref_slice %arg11[%mul3A_532] : memref<512xi32, #tpu.memory_space<vmem>> -> memref<16xi32, #tpu.memory_space<vmem>>
        %dma_start3A_534 = arith.constant 0 : i32
        %dma_start3A_535 = arith.constant 0 : i32
        %dma_start3A_536 = tpu.memref_slice %arg5[%dma_start3A_534, %dma_start3A_535] : memref<30522x1024xf32, #tpu.memory_space<hbm>> -> memref<30522x1024xf32, #tpu.memory_space<hbm>>
        tpu.enqueue_indirect_dma source(%dma_start3A_536 : memref<30522x1024xf32, #tpu.memory_space<hbm>>) target(%arg15 : memref<16x1024xf32, #tpu.memory_space<vmem>>) offsets(%dma_start3A_533 : memref<16xi32, #tpu.memory_space<vmem>>) semaphore(%arg24 : memref<!tpu.dma_semaphore, #tpu.memory_space<semaphore_mem>>)
        %dma_start3A_537 = tpu.memref_slice %arg14[%mul3A_532] : memref<512xi32, #tpu.memory_space<vmem>> -> memref<16xi32, #tpu.memory_space<vmem>>
        %dma_start3A_538 = arith.constant 0 : i32
        %dma_start3A_539 = arith.constant 0 : i32
        %dma_start3A_540 = tpu.memref_slice %arg7[%dma_start3A_538, %dma_start3A_539] : memref<96x512xi32, #tpu.memory_space<hbm>> -> memref<96x512xi32, #tpu.memory_space<hbm>>
        tpu.enqueue_indirect_dma source(%dma_start3A_540 : memref<96x512xi32, #tpu.memory_space<hbm>>) target(%arg16 : memref<16x512xi32, #tpu.memory_space<vmem>>) offsets(%dma_start3A_537 : memref<16xi32, #tpu.memory_space<vmem>>) semaphore(%arg24 : memref<!tpu.dma_semaphore, #tpu.memory_space<semaphore_mem>>)
        %dma_start3A_541 = tpu.memref_slice %arg13[%mul3A_532] : memref<512xi32, #tpu.memory_space<vmem>> -> memref<16xi32, #tpu.memory_space<vmem>>
        %dma_start3A_542 = arith.constant 0 : i32
        %dma_start3A_543 = arith.constant 0 : i32
        %dma_start3A_544 = tpu.memref_slice %arg6[%dma_start3A_542, %dma_start3A_543] : memref<4096x1024xf32, #tpu.memory_space<hbm>> -> memref<4096x1024xf32, #tpu.memory_space<hbm>>
        tpu.enqueue_indirect_dma source(%dma_start3A_544 : memref<4096x1024xf32, #tpu.memory_space<hbm>>) target(%arg17 : memref<16x1024xf32, #tpu.memory_space<vmem>>) offsets(%dma_start3A_541 : memref<16xi32, #tpu.memory_space<vmem>>) semaphore(%arg24 : memref<!tpu.dma_semaphore, #tpu.memory_space<semaphore_mem>>)
      } else {
      }
      %mul3A_293 = arith.constant 16 : i32
      %mul3A_294 = arith.muli %add3A_41, %mul3A_293 : i32
      %dma_wait3A_295 = tpu.memref_slice %arg11[%mul3A_294] : memref<512xi32, #tpu.memory_space<vmem>> -> memref<16xi32, #tpu.memory_space<vmem>>
      %dma_wait3A_296 = arith.constant 0 : i32
      %dma_wait3A_297 = arith.constant 0 : i32
      %dma_wait3A_298 = tpu.memref_slice %arg5[%dma_wait3A_296, %dma_wait3A_297] : memref<30522x1024xf32, #tpu.memory_space<hbm>> -> memref<30522x1024xf32, #tpu.memory_space<hbm>>
      tpu.wait_indirect_dma semaphore(%arg25 : memref<!tpu.dma_semaphore, #tpu.memory_space<semaphore_mem>>) src(%dma_wait3A_298 : memref<30522x1024xf32, #tpu.memory_space<hbm>>) dst(%arg18 : memref<16x1024xf32, #tpu.memory_space<vmem>>)
      %dma_wait3A_299 = tpu.memref_slice %arg14[%mul3A_294] : memref<512xi32, #tpu.memory_space<vmem>> -> memref<16xi32, #tpu.memory_space<vmem>>
      %dma_wait3A_300 = arith.constant 0 : i32
      %dma_wait3A_301 = arith.constant 0 : i32
      %dma_wait3A_302 = tpu.memref_slice %arg7[%dma_wait3A_300, %dma_wait3A_301] : memref<96x512xi32, #tpu.memory_space<hbm>> -> memref<96x512xi32, #tpu.memory_space<hbm>>
      tpu.wait_indirect_dma semaphore(%arg25 : memref<!tpu.dma_semaphore, #tpu.memory_space<semaphore_mem>>) src(%dma_wait3A_302 : memref<96x512xi32, #tpu.memory_space<hbm>>) dst(%arg19 : memref<16x512xi32, #tpu.memory_space<vmem>>)
      %dma_wait3A_303 = tpu.memref_slice %arg13[%mul3A_294] : memref<512xi32, #tpu.memory_space<vmem>> -> memref<16xi32, #tpu.memory_space<vmem>>
      %dma_wait3A_304 = arith.constant 0 : i32
      %dma_wait3A_305 = arith.constant 0 : i32
      %dma_wait3A_306 = tpu.memref_slice %arg6[%dma_wait3A_304, %dma_wait3A_305] : memref<4096x1024xf32, #tpu.memory_space<hbm>> -> memref<4096x1024xf32, #tpu.memory_space<hbm>>
      tpu.wait_indirect_dma semaphore(%arg25 : memref<!tpu.dma_semaphore, #tpu.memory_space<semaphore_mem>>) src(%dma_wait3A_306 : memref<4096x1024xf32, #tpu.memory_space<hbm>>) dst(%arg20 : memref<16x1024xf32, #tpu.memory_space<vmem>>)
      %parallel_loop3A_307 = arith.constant 0 : i32
      %parallel_loop3A_308 = arith.constant 16 : i32
      %parallel_loop3A_309 = arith.constant 1 : i32
      scf.for %parallel_loop3A_525 = %parallel_loop3A_307 to %parallel_loop3A_308 step %parallel_loop3A_309  : i32 {
        %parallel_loop3A_526 = arith.constant 0.000000e+00 : f32
        %parallel_loop3A_527 = vector.broadcast %parallel_loop3A_526 : f32 to vector<16xf32>
        %parallel_loop3A_528 = arith.constant 0 : i32
        %parallel_loop3A_529 = arith.constant 32 : i32
        %parallel_loop3A_530 = arith.constant 1 : i32
        %parallel_loop3A_531:2 = scf.for %parallel_loop3A_595 = %parallel_loop3A_528 to %parallel_loop3A_529 step %parallel_loop3A_530 iter_args(%parallel_loop3A_596 = %parallel_loop3A_527, %parallel_loop3A_597 = %parallel_loop3A_527) -> (vector<16xf32>, vector<16xf32>)  : i32 {
          %parallel_loop3A_598 = arith.constant 16 : i32
          %parallel_loop3A_599 = arith.muli %parallel_loop3A_595, %parallel_loop3A_598 : i32
          %parallel_loop3A_600 = arith.index_cast %parallel_loop3A_525 : i32 to index
          %parallel_loop3A_601 = arith.index_cast %parallel_loop3A_599 : i32 to index
          %parallel_loop3A_602 = tpu.vector_load %arg19[%parallel_loop3A_600, %parallel_loop3A_601] {strides = array<i32>} : memref<16x512xi32, #tpu.memory_space<vmem>>, vector<16xi32>,
          %parallel_loop3A_603 = vector.bitcast %parallel_loop3A_602 : vector<16xi32> to vector<32xbf16>
          %parallel_loop3A_604 = tpu.unpack_subelements %parallel_loop3A_603, 0 {pack_format = #tpu.pack_format<interleaved>} : vector<32xbf16> -> vector<16xf32>
          %parallel_loop3A_605 = tpu.unpack_subelements %parallel_loop3A_603, 1 {pack_format = #tpu.pack_format<interleaved>} : vector<32xbf16> -> vector<16xf32>
          %parallel_loop3A_606 = arith.constant 2 : i32
          %parallel_loop3A_607 = arith.muli %parallel_loop3A_595, %parallel_loop3A_606 : i32
          %parallel_loop3A_608 = arith.constant 16 : i32
          %parallel_loop3A_609 = arith.muli %parallel_loop3A_607, %parallel_loop3A_608 : i32
          %parallel_loop3A_610 = arith.index_cast %parallel_loop3A_525 : i32 to index
          %parallel_loop3A_611 = arith.index_cast %parallel_loop3A_609 : i32 to index
          %parallel_loop3A_612 = tpu.vector_load %arg18[%parallel_loop3A_610, %parallel_loop3A_611] {strides = array<i32>} : memref<16x1024xf32, #tpu.memory_space<vmem>>, vector<16xf32>,
          %parallel_loop3A_613 = arith.addf %parallel_loop3A_612, %parallel_loop3A_604 : vector<16xf32>
          %parallel_loop3A_614 = arith.index_cast %parallel_loop3A_525 : i32 to index
          %parallel_loop3A_615 = arith.index_cast %parallel_loop3A_609 : i32 to index
          %parallel_loop3A_616 = tpu.vector_load %arg20[%parallel_loop3A_614, %parallel_loop3A_615] {strides = array<i32>} : memref<16x1024xf32, #tpu.memory_space<vmem>>, vector<16xf32>,
          %parallel_loop3A_617 = arith.addf %parallel_loop3A_613, %parallel_loop3A_616 : vector<16xf32>
          %parallel_loop3A_618 = arith.constant 16 : i32
          %parallel_loop3A_619 = arith.addi %parallel_loop3A_609, %parallel_loop3A_618 : i32
          %parallel_loop3A_620 = arith.index_cast %parallel_loop3A_525 : i32 to index
          %parallel_loop3A_621 = arith.index_cast %parallel_loop3A_619 : i32 to index
          %parallel_loop3A_622 = tpu.vector_load %arg18[%parallel_loop3A_620, %parallel_loop3A_621] {strides = array<i32>} : memref<16x1024xf32, #tpu.memory_space<vmem>>, vector<16xf32>,
          %parallel_loop3A_623 = arith.addf %parallel_loop3A_622, %parallel_loop3A_605 : vector<16xf32>
          %parallel_loop3A_624 = arith.constant 16 : i32
          %parallel_loop3A_625 = arith.addi %parallel_loop3A_609, %parallel_loop3A_624 : i32
          %parallel_loop3A_626 = arith.index_cast %parallel_loop3A_525 : i32 to index
          %parallel_loop3A_627 = arith.index_cast %parallel_loop3A_625 : i32 to index
          %parallel_loop3A_628 = tpu.vector_load %arg20[%parallel_loop3A_626, %parallel_loop3A_627] {strides = array<i32>} : memref<16x1024xf32, #tpu.memory_space<vmem>>, vector<16xf32>,
          %parallel_loop3A_629 = arith.addf %parallel_loop3A_623, %parallel_loop3A_628 : vector<16xf32>
          %parallel_loop3A_630 = arith.index_cast %parallel_loop3A_525 : i32 to index
          %parallel_loop3A_631 = arith.index_cast %parallel_loop3A_609 : i32 to index
          %parallel_loop3A_632 = tpu.vector_load %arg18[%parallel_loop3A_630, %parallel_loop3A_631] {strides = array<i32>} : memref<16x1024xf32, #tpu.memory_space<vmem>>, vector<16xf32>,
          tpu.vector_store %arg18[%parallel_loop3A_630, %parallel_loop3A_631], %parallel_loop3A_617 {strides = array<i32>} : memref<16x1024xf32, #tpu.memory_space<vmem>>, vector<16xf32>,
          %parallel_loop3A_633 = arith.constant 16 : i32
          %parallel_loop3A_634 = arith.addi %parallel_loop3A_609, %parallel_loop3A_633 : i32
          %parallel_loop3A_635 = arith.index_cast %parallel_loop3A_525 : i32 to index
          %parallel_loop3A_636 = arith.index_cast %parallel_loop3A_634 : i32 to index
          %parallel_loop3A_637 = tpu.vector_load %arg18[%parallel_loop3A_635, %parallel_loop3A_636] {strides = array<i32>} : memref<16x1024xf32, #tpu.memory_space<vmem>>, vector<16xf32>,
          tpu.vector_store %arg18[%parallel_loop3A_635, %parallel_loop3A_636], %parallel_loop3A_629 {strides = array<i32>} : memref<16x1024xf32, #tpu.memory_space<vmem>>, vector<16xf32>,
          %parallel_loop3A_638 = arith.addf %parallel_loop3A_617, %parallel_loop3A_629 : vector<16xf32>
          %parallel_loop3A_639 = arith.addf %parallel_loop3A_596, %parallel_loop3A_638 : vector<16xf32>
          %parallel_loop3A_640 = arith.mulf %parallel_loop3A_617, %parallel_loop3A_617 : vector<16xf32>
          %parallel_loop3A_641 = arith.mulf %parallel_loop3A_629, %parallel_loop3A_629 : vector<16xf32>
          %parallel_loop3A_642 = arith.addf %parallel_loop3A_640, %parallel_loop3A_641 : vector<16xf32>
          %parallel_loop3A_643 = arith.addf %parallel_loop3A_597, %parallel_loop3A_642 : vector<16xf32>
          scf.yield %parallel_loop3A_639, %parallel_loop3A_643 : vector<16xf32>, vector<16xf32>
        } {sc.loop_unroll_factor = 4 : i64, sc.parallel_access}
        %parallel_loop3A_532 = arith.constant true
        %parallel_loop3A_533 = vector.broadcast %parallel_loop3A_532 : i1 to vector<16xi1>
        %parallel_loop3A_534 = tpu.scan <sum>, %parallel_loop3A_531#0 masked %parallel_loop3A_533 : vector<16xf32>, vector<16xi1> -> vector<16xf32>
        %parallel_loop3A_535 = vector.extract %parallel_loop3A_534[15] : f32 from vector<16xf32>
        %parallel_loop3A_536 = arith.constant 9.765625E-4 : f32
        %parallel_loop3A_537 = arith.mulf %parallel_loop3A_535, %parallel_loop3A_536 : f32
        %parallel_loop3A_538 = arith.constant true
        %parallel_loop3A_539 = vector.broadcast %parallel_loop3A_538 : i1 to vector<16xi1>
        %parallel_loop3A_540 = tpu.scan <sum>, %parallel_loop3A_531#1 masked %parallel_loop3A_539 : vector<16xf32>, vector<16xi1> -> vector<16xf32>
        %parallel_loop3A_541 = vector.extract %parallel_loop3A_540[15] : f32 from vector<16xf32>
        %parallel_loop3A_542 = arith.constant 9.765625E-4 : f32
        %parallel_loop3A_543 = arith.mulf %parallel_loop3A_541, %parallel_loop3A_542 : f32
        %parallel_loop3A_544 = arith.mulf %parallel_loop3A_537, %parallel_loop3A_537 : f32
        %parallel_loop3A_545 = arith.subf %parallel_loop3A_543, %parallel_loop3A_544 : f32
        %parallel_loop3A_546 = vector.broadcast %parallel_loop3A_537 : f32 to vector<16xf32>
        %parallel_loop3A_547 = arith.constant 0 : i32
        %parallel_loop3A_548 = arith.index_cast %parallel_loop3A_547 : i32 to index
        %parallel_loop3A_549 = arith.index_cast %parallel_loop3A_525 : i32 to index
        %parallel_loop3A_550 = arith.constant 0 : index
        %parallel_loop3A_551 = tpu.vector_load %arg21[%parallel_loop3A_548, %parallel_loop3A_549, %parallel_loop3A_550] {strides = array<i32>} : memref<2x16x16xf32, #tpu.memory_space<vmem>>, vector<16xf32>,
        tpu.vector_store %arg21[%parallel_loop3A_548, %parallel_loop3A_549, %parallel_loop3A_550], %parallel_loop3A_546 {strides = array<i32>} : memref<2x16x16xf32, #tpu.memory_space<vmem>>, vector<16xf32>,
        %parallel_loop3A_552 = arith.constant 9.99999974E-6 : f32
        %parallel_loop3A_553 = arith.addf %parallel_loop3A_545, %parallel_loop3A_552 : f32
        %parallel_loop3A_554 = vector.broadcast %parallel_loop3A_553 : f32 to vector<16xf32>
        %parallel_loop3A_555 = tpu.bitcast %parallel_loop3A_554 : vector<16xf32> -> vector<16xi32>
        %parallel_loop3A_556 = arith.constant 1 : i32
        %parallel_loop3A_557 = vector.broadcast %parallel_loop3A_556 : i32 to vector<16xi32>
        %parallel_loop3A_558 = arith.shrsi %parallel_loop3A_555, %parallel_loop3A_557 : vector<16xi32>
        %parallel_loop3A_559 = arith.constant 1597463007 : i32
        %parallel_loop3A_560 = vector.broadcast %parallel_loop3A_559 : i32 to vector<16xi32>
        %parallel_loop3A_561 = arith.subi %parallel_loop3A_560, %parallel_loop3A_558 : vector<16xi32>
        %parallel_loop3A_562 = tpu.bitcast %parallel_loop3A_561 : vector<16xi32> -> vector<16xf32>
        %parallel_loop3A_563 = arith.constant 5.000000e-01 : f32
        %parallel_loop3A_564 = vector.broadcast %parallel_loop3A_563 : f32 to vector<16xf32>
        %parallel_loop3A_565 = arith.mulf %parallel_loop3A_554, %parallel_loop3A_564 : vector<16xf32>
        %parallel_loop3A_566 = arith.mulf %parallel_loop3A_565, %parallel_loop3A_562 : vector<16xf32>
        %parallel_loop3A_567 = arith.mulf %parallel_loop3A_566, %parallel_loop3A_562 : vector<16xf32>
        %parallel_loop3A_568 = arith.constant 1.500000e+00 : f32
        %parallel_loop3A_569 = vector.broadcast %parallel_loop3A_568 : f32 to vector<16xf32>
        %parallel_loop3A_570 = arith.subf %parallel_loop3A_569, %parallel_loop3A_567 : vector<16xf32>
        %parallel_loop3A_571 = arith.mulf %parallel_loop3A_562, %parallel_loop3A_570 : vector<16xf32>
        %parallel_loop3A_572 = arith.mulf %parallel_loop3A_565, %parallel_loop3A_571 : vector<16xf32>
        %parallel_loop3A_573 = arith.mulf %parallel_loop3A_572, %parallel_loop3A_571 : vector<16xf32>
        %parallel_loop3A_574 = arith.constant 1.500000e+00 : f32
        %parallel_loop3A_575 = vector.broadcast %parallel_loop3A_574 : f32 to vector<16xf32>
        %parallel_loop3A_576 = arith.subf %parallel_loop3A_575, %parallel_loop3A_573 : vector<16xf32>
        %parallel_loop3A_577 = arith.mulf %parallel_loop3A_571, %parallel_loop3A_576 : vector<16xf32>
        %parallel_loop3A_578 = arith.mulf %parallel_loop3A_565, %parallel_loop3A_577 : vector<16xf32>
        %parallel_loop3A_579 = arith.mulf %parallel_loop3A_578, %parallel_loop3A_577 : vector<16xf32>
        %parallel_loop3A_580 = arith.constant 1.500000e+00 : f32
        %parallel_loop3A_581 = vector.broadcast %parallel_loop3A_580 : f32 to vector<16xf32>
        %parallel_loop3A_582 = arith.subf %parallel_loop3A_581, %parallel_loop3A_579 : vector<16xf32>
        %parallel_loop3A_583 = arith.mulf %parallel_loop3A_577, %parallel_loop3A_582 : vector<16xf32>
        %parallel_loop3A_584 = arith.mulf %parallel_loop3A_565, %parallel_loop3A_583 : vector<16xf32>
        %parallel_loop3A_585 = arith.mulf %parallel_loop3A_584, %parallel_loop3A_583 : vector<16xf32>
        %parallel_loop3A_586 = arith.constant 1.500000e+00 : f32
        %parallel_loop3A_587 = vector.broadcast %parallel_loop3A_586 : f32 to vector<16xf32>
        %parallel_loop3A_588 = arith.subf %parallel_loop3A_587, %parallel_loop3A_585 : vector<16xf32>
        %parallel_loop3A_589 = arith.mulf %parallel_loop3A_583, %parallel_loop3A_588 : vector<16xf32>
        %parallel_loop3A_590 = arith.constant 1 : i32
        %parallel_loop3A_591 = arith.index_cast %parallel_loop3A_590 : i32 to index
        %parallel_loop3A_592 = arith.index_cast %parallel_loop3A_525 : i32 to index
        %parallel_loop3A_593 = arith.constant 0 : index
        %parallel_loop3A_594 = tpu.vector_load %arg21[%parallel_loop3A_591, %parallel_loop3A_592, %parallel_loop3A_593] {strides = array<i32>} : memref<2x16x16xf32, #tpu.memory_space<vmem>>, vector<16xf32>,
        tpu.vector_store %arg21[%parallel_loop3A_591, %parallel_loop3A_592, %parallel_loop3A_593], %parallel_loop3A_589 {strides = array<i32>} : memref<2x16x16xf32, #tpu.memory_space<vmem>>, vector<16xf32>,
      } {sc.loop_unroll_factor = 1 : i64, sc.parallel_access}
      %get3A_310 = arith.constant 0 : i32
      %get3A_311 = arith.constant 0 : i32
      %get3A_312 = arith.index_cast %get3A_310 : i32 to index
      %get3A_313 = arith.index_cast %get3A_311 : i32 to index
      %get3A_314 = arith.constant 0 : index
      %get3A_315 = tpu.vector_load %arg21[%get3A_312, %get3A_313, %get3A_314] {strides = array<i32>} : memref<2x16x16xf32, #tpu.memory_space<vmem>>, vector<16xf32>,
      %get3A_316 = arith.constant 0 : i32
      %get3A_317 = arith.constant 1 : i32
      %get3A_318 = arith.index_cast %get3A_316 : i32 to index
      %get3A_319 = arith.index_cast %get3A_317 : i32 to index
      %get3A_320 = arith.constant 0 : index
      %get3A_321 = tpu.vector_load %arg21[%get3A_318, %get3A_319, %get3A_320] {strides = array<i32>} : memref<2x16x16xf32, #tpu.memory_space<vmem>>, vector<16xf32>,
      %get3A_322 = arith.constant 0 : i32
      %get3A_323 = arith.constant 2 : i32
      %get3A_324 = arith.index_cast %get3A_322 : i32 to index
      %get3A_325 = arith.index_cast %get3A_323 : i32 to index
      %get3A_326 = arith.constant 0 : index
      %get3A_327 = tpu.vector_load %arg21[%get3A_324, %get3A_325, %get3A_326] {strides = array<i32>} : memref<2x16x16xf32, #tpu.memory_space<vmem>>, vector<16xf32>,
      %get3A_328 = arith.constant 0 : i32
      %get3A_329 = arith.constant 3 : i32
      %get3A_330 = arith.index_cast %get3A_328 : i32 to index
      %get3A_331 = arith.index_cast %get3A_329 : i32 to index
      %get3A_332 = arith.constant 0 : index
      %get3A_333 = tpu.vector_load %arg21[%get3A_330, %get3A_331, %get3A_332] {strides = array<i32>} : memref<2x16x16xf32, #tpu.memory_space<vmem>>, vector<16xf32>,
      %get3A_334 = arith.constant 1 : i32
      %get3A_335 = arith.constant 0 : i32
      %get3A_336 = arith.index_cast %get3A_334 : i32 to index
      %get3A_337 = arith.index_cast %get3A_335 : i32 to index
      %get3A_338 = arith.constant 0 : index
      %get3A_339 = tpu.vector_load %arg21[%get3A_336, %get3A_337, %get3A_338] {strides = array<i32>} : memref<2x16x16xf32, #tpu.memory_space<vmem>>, vector<16xf32>,
      %get3A_340 = arith.constant 1 : i32
      %get3A_341 = arith.constant 1 : i32
      %get3A_342 = arith.index_cast %get3A_340 : i32 to index
      %get3A_343 = arith.index_cast %get3A_341 : i32 to index
      %get3A_344 = arith.constant 0 : index
      %get3A_345 = tpu.vector_load %arg21[%get3A_342, %get3A_343, %get3A_344] {strides = array<i32>} : memref<2x16x16xf32, #tpu.memory_space<vmem>>, vector<16xf32>,
      %get3A_346 = arith.constant 1 : i32
      %get3A_347 = arith.constant 2 : i32
      %get3A_348 = arith.index_cast %get3A_346 : i32 to index
      %get3A_349 = arith.index_cast %get3A_347 : i32 to index
      %get3A_350 = arith.constant 0 : index
      %get3A_351 = tpu.vector_load %arg21[%get3A_348, %get3A_349, %get3A_350] {strides = array<i32>} : memref<2x16x16xf32, #tpu.memory_space<vmem>>, vector<16xf32>,
      %get3A_352 = arith.constant 1 : i32
      %get3A_353 = arith.constant 3 : i32
      %get3A_354 = arith.index_cast %get3A_352 : i32 to index
      %get3A_355 = arith.index_cast %get3A_353 : i32 to index
      %get3A_356 = arith.constant 0 : index
      %get3A_357 = tpu.vector_load %arg21[%get3A_354, %get3A_355, %get3A_356] {strides = array<i32>} : memref<2x16x16xf32, #tpu.memory_space<vmem>>, vector<16xf32>,
      %parallel_loop3A_358 = arith.constant 0 : i32
      %parallel_loop3A_359 = arith.constant 64 : i32
      %parallel_loop3A_360 = arith.constant 1 : i32
      %parallel_loop3A_361:8 = scf.for %parallel_loop3A_525 = %parallel_loop3A_358 to %parallel_loop3A_359 step %parallel_loop3A_360 iter_args(%parallel_loop3A_526 = %get3A_315, %parallel_loop3A_527 = %get3A_321, %parallel_loop3A_528 = %get3A_327, %parallel_loop3A_529 = %get3A_333, %parallel_loop3A_530 = %get3A_339, %parallel_loop3A_531 = %get3A_345, %parallel_loop3A_532 = %get3A_351, %parallel_loop3A_533 = %get3A_357) -> (vector<16xf32>, vector<16xf32>, vector<16xf32>, vector<16xf32>, vector<16xf32>, vector<16xf32>, vector<16xf32>, vector<16xf32>)  : i32 {
        %parallel_loop3A_534 = arith.constant 16 : i32
        %parallel_loop3A_535 = arith.muli %parallel_loop3A_525, %parallel_loop3A_534 : i32
        %parallel_loop3A_536 = arith.index_cast %parallel_loop3A_535 : i32 to index
        %parallel_loop3A_537 = tpu.vector_load %arg22[%parallel_loop3A_536] {strides = array<i32>} : memref<1024xf32, #tpu.memory_space<vmem>>, vector<16xf32>,
        %parallel_loop3A_538 = arith.constant 16 : i32
        %parallel_loop3A_539 = arith.muli %parallel_loop3A_525, %parallel_loop3A_538 : i32
        %parallel_loop3A_540 = arith.index_cast %parallel_loop3A_539 : i32 to index
        %parallel_loop3A_541 = tpu.vector_load %arg23[%parallel_loop3A_540] {strides = array<i32>} : memref<1024xf32, #tpu.memory_space<vmem>>, vector<16xf32>,
        %parallel_loop3A_542 = arith.constant 16 : i32
        %parallel_loop3A_543 = arith.muli %parallel_loop3A_525, %parallel_loop3A_542 : i32
        %parallel_loop3A_544 = arith.constant 0 : i32
        %parallel_loop3A_545 = arith.index_cast %parallel_loop3A_544 : i32 to index
        %parallel_loop3A_546 = arith.index_cast %parallel_loop3A_543 : i32 to index
        %parallel_loop3A_547 = tpu.vector_load %arg18[%parallel_loop3A_545, %parallel_loop3A_546] {strides = array<i32>} : memref<16x1024xf32, #tpu.memory_space<vmem>>, vector<16xf32>,
        %parallel_loop3A_548 = arith.subf %parallel_loop3A_547, %parallel_loop3A_526 : vector<16xf32>
        %parallel_loop3A_549 = arith.mulf %parallel_loop3A_548, %parallel_loop3A_530 : vector<16xf32>
        %parallel_loop3A_550 = arith.mulf %parallel_loop3A_549, %parallel_loop3A_537 : vector<16xf32>
        %parallel_loop3A_551 = arith.addf %parallel_loop3A_550, %parallel_loop3A_541 : vector<16xf32>
        %parallel_loop3A_552 = arith.constant 16 : i32
        %parallel_loop3A_553 = arith.muli %parallel_loop3A_525, %parallel_loop3A_552 : i32
        %parallel_loop3A_554 = arith.constant 0 : i32
        %parallel_loop3A_555 = arith.index_cast %parallel_loop3A_554 : i32 to index
        %parallel_loop3A_556 = arith.index_cast %parallel_loop3A_553 : i32 to index
        %parallel_loop3A_557 = tpu.vector_load %arg18[%parallel_loop3A_555, %parallel_loop3A_556] {strides = array<i32>} : memref<16x1024xf32, #tpu.memory_space<vmem>>, vector<16xf32>,
        tpu.vector_store %arg18[%parallel_loop3A_555, %parallel_loop3A_556], %parallel_loop3A_551 {strides = array<i32>} : memref<16x1024xf32, #tpu.memory_space<vmem>>, vector<16xf32>,
        %parallel_loop3A_558 = arith.constant 16 : i32
        %parallel_loop3A_559 = arith.muli %parallel_loop3A_525, %parallel_loop3A_558 : i32
        %parallel_loop3A_560 = arith.constant 1 : i32
        %parallel_loop3A_561 = arith.index_cast %parallel_loop3A_560 : i32 to index
        %parallel_loop3A_562 = arith.index_cast %parallel_loop3A_559 : i32 to index
        %parallel_loop3A_563 = tpu.vector_load %arg18[%parallel_loop3A_561, %parallel_loop3A_562] {strides = array<i32>} : memref<16x1024xf32, #tpu.memory_space<vmem>>, vector<16xf32>,
        %parallel_loop3A_564 = arith.subf %parallel_loop3A_563, %parallel_loop3A_527 : vector<16xf32>
        %parallel_loop3A_565 = arith.mulf %parallel_loop3A_564, %parallel_loop3A_531 : vector<16xf32>
        %parallel_loop3A_566 = arith.mulf %parallel_loop3A_565, %parallel_loop3A_537 : vector<16xf32>
        %parallel_loop3A_567 = arith.addf %parallel_loop3A_566, %parallel_loop3A_541 : vector<16xf32>
        %parallel_loop3A_568 = arith.constant 16 : i32
        %parallel_loop3A_569 = arith.muli %parallel_loop3A_525, %parallel_loop3A_568 : i32
        %parallel_loop3A_570 = arith.constant 1 : i32
        %parallel_loop3A_571 = arith.index_cast %parallel_loop3A_570 : i32 to index
        %parallel_loop3A_572 = arith.index_cast %parallel_loop3A_569 : i32 to index
        %parallel_loop3A_573 = tpu.vector_load %arg18[%parallel_loop3A_571, %parallel_loop3A_572] {strides = array<i32>} : memref<16x1024xf32, #tpu.memory_space<vmem>>, vector<16xf32>,
        tpu.vector_store %arg18[%parallel_loop3A_571, %parallel_loop3A_572], %parallel_loop3A_567 {strides = array<i32>} : memref<16x1024xf32, #tpu.memory_space<vmem>>, vector<16xf32>,
        %parallel_loop3A_574 = arith.constant 16 : i32
        %parallel_loop3A_575 = arith.muli %parallel_loop3A_525, %parallel_loop3A_574 : i32
        %parallel_loop3A_576 = arith.constant 2 : i32
        %parallel_loop3A_577 = arith.index_cast %parallel_loop3A_576 : i32 to index
        %parallel_loop3A_578 = arith.index_cast %parallel_loop3A_575 : i32 to index
        %parallel_loop3A_579 = tpu.vector_load %arg18[%parallel_loop3A_577, %parallel_loop3A_578] {strides = array<i32>} : memref<16x1024xf32, #tpu.memory_space<vmem>>, vector<16xf32>,
        %parallel_loop3A_580 = arith.subf %parallel_loop3A_579, %parallel_loop3A_528 : vector<16xf32>
        %parallel_loop3A_581 = arith.mulf %parallel_loop3A_580, %parallel_loop3A_532 : vector<16xf32>
        %parallel_loop3A_582 = arith.mulf %parallel_loop3A_581, %parallel_loop3A_537 : vector<16xf32>
        %parallel_loop3A_583 = arith.addf %parallel_loop3A_582, %parallel_loop3A_541 : vector<16xf32>
        %parallel_loop3A_584 = arith.constant 16 : i32
        %parallel_loop3A_585 = arith.muli %parallel_loop3A_525, %parallel_loop3A_584 : i32
        %parallel_loop3A_586 = arith.constant 2 : i32
        %parallel_loop3A_587 = arith.index_cast %parallel_loop3A_586 : i32 to index
        %parallel_loop3A_588 = arith.index_cast %parallel_loop3A_585 : i32 to index
        %parallel_loop3A_589 = tpu.vector_load %arg18[%parallel_loop3A_587, %parallel_loop3A_588] {strides = array<i32>} : memref<16x1024xf32, #tpu.memory_space<vmem>>, vector<16xf32>,
        tpu.vector_store %arg18[%parallel_loop3A_587, %parallel_loop3A_588], %parallel_loop3A_583 {strides = array<i32>} : memref<16x1024xf32, #tpu.memory_space<vmem>>, vector<16xf32>,
        %parallel_loop3A_590 = arith.constant 16 : i32
        %parallel_loop3A_591 = arith.muli %parallel_loop3A_525, %parallel_loop3A_590 : i32
        %parallel_loop3A_592 = arith.constant 3 : i32
        %parallel_loop3A_593 = arith.index_cast %parallel_loop3A_592 : i32 to index
        %parallel_loop3A_594 = arith.index_cast %parallel_loop3A_591 : i32 to index
        %parallel_loop3A_595 = tpu.vector_load %arg18[%parallel_loop3A_593, %parallel_loop3A_594] {strides = array<i32>} : memref<16x1024xf32, #tpu.memory_space<vmem>>, vector<16xf32>,
        %parallel_loop3A_596 = arith.subf %parallel_loop3A_595, %parallel_loop3A_529 : vector<16xf32>
        %parallel_loop3A_597 = arith.mulf %parallel_loop3A_596, %parallel_loop3A_533 : vector<16xf32>
        %parallel_loop3A_598 = arith.mulf %parallel_loop3A_597, %parallel_loop3A_537 : vector<16xf32>
        %parallel_loop3A_599 = arith.addf %parallel_loop3A_598, %parallel_loop3A_541 : vector<16xf32>
        %parallel_loop3A_600 = arith.constant 16 : i32
        %parallel_loop3A_601 = arith.muli %parallel_loop3A_525, %parallel_loop3A_600 : i32
        %parallel_loop3A_602 = arith.constant 3 : i32
        %parallel_loop3A_603 = arith.index_cast %parallel_loop3A_602 : i32 to index
        %parallel_loop3A_604 = arith.index_cast %parallel_loop3A_601 : i32 to index
        %parallel_loop3A_605 = tpu.vector_load %arg18[%parallel_loop3A_603, %parallel_loop3A_604] {strides = array<i32>} : memref<16x1024xf32, #tpu.memory_space<vmem>>, vector<16xf32>,
        tpu.vector_store %arg18[%parallel_loop3A_603, %parallel_loop3A_604], %parallel_loop3A_599 {strides = array<i32>} : memref<16x1024xf32, #tpu.memory_space<vmem>>, vector<16xf32>,
        scf.yield %parallel_loop3A_526, %parallel_loop3A_527, %parallel_loop3A_528, %parallel_loop3A_529, %parallel_loop3A_530, %parallel_loop3A_531, %parallel_loop3A_532, %parallel_loop3A_533 : vector<16xf32>, vector<16xf32>, vector<16xf32>, vector<16xf32>, vector<16xf32>, vector<16xf32>, vector<16xf32>, vector<16xf32>
      } {sc.loop_unroll_factor = 2 : i64, sc.parallel_access}
      %get3A_362 = arith.constant 0 : i32
      %get3A_363 = arith.constant 4 : i32
      %get3A_364 = arith.index_cast %get3A_362 : i32 to index
      %get3A_365 = arith.index_cast %get3A_363 : i32 to index
      %get3A_366 = arith.constant 0 : index
      %get3A_367 = tpu.vector_load %arg21[%get3A_364, %get3A_365, %get3A_366] {strides = array<i32>} : memref<2x16x16xf32, #tpu.memory_space<vmem>>, vector<16xf32>,
      %get3A_368 = arith.constant 0 : i32
      %get3A_369 = arith.constant 5 : i32
      %get3A_370 = arith.index_cast %get3A_368 : i32 to index
      %get3A_371 = arith.index_cast %get3A_369 : i32 to index
      %get3A_372 = arith.constant 0 : index
      %get3A_373 = tpu.vector_load %arg21[%get3A_370, %get3A_371, %get3A_372] {strides = array<i32>} : memref<2x16x16xf32, #tpu.memory_space<vmem>>, vector<16xf32>,
      %get3A_374 = arith.constant 0 : i32
      %get3A_375 = arith.constant 6 : i32
      %get3A_376 = arith.index_cast %get3A_374 : i32 to index
      %get3A_377 = arith.index_cast %get3A_375 : i32 to index
      %get3A_378 = arith.constant 0 : index
      %get3A_379 = tpu.vector_load %arg21[%get3A_376, %get3A_377, %get3A_378] {strides = array<i32>} : memref<2x16x16xf32, #tpu.memory_space<vmem>>, vector<16xf32>,
      %get3A_380 = arith.constant 0 : i32
      %get3A_381 = arith.constant 7 : i32
      %get3A_382 = arith.index_cast %get3A_380 : i32 to index
      %get3A_383 = arith.index_cast %get3A_381 : i32 to index
      %get3A_384 = arith.constant 0 : index
      %get3A_385 = tpu.vector_load %arg21[%get3A_382, %get3A_383, %get3A_384] {strides = array<i32>} : memref<2x16x16xf32, #tpu.memory_space<vmem>>, vector<16xf32>,
      %get3A_386 = arith.constant 1 : i32
      %get3A_387 = arith.constant 4 : i32
      %get3A_388 = arith.index_cast %get3A_386 : i32 to index
      %get3A_389 = arith.index_cast %get3A_387 : i32 to index
      %get3A_390 = arith.constant 0 : index
      %get3A_391 = tpu.vector_load %arg21[%get3A_388, %get3A_389, %get3A_390] {strides = array<i32>} : memref<2x16x16xf32, #tpu.memory_space<vmem>>, vector<16xf32>,
      %get3A_392 = arith.constant 1 : i32
      %get3A_393 = arith.constant 5 : i32
      %get3A_394 = arith.index_cast %get3A_392 : i32 to index
      %get3A_395 = arith.index_cast %get3A_393 : i32 to index
      %get3A_396 = arith.constant 0 : index
      %get3A_397 = tpu.vector_load %arg21[%get3A_394, %get3A_395, %get3A_396] {strides = array<i32>} : memref<2x16x16xf32, #tpu.memory_space<vmem>>, vector<16xf32>,
      %get3A_398 = arith.constant 1 : i32
      %get3A_399 = arith.constant 6 : i32
      %get3A_400 = arith.index_cast %get3A_398 : i32 to index
      %get3A_401 = arith.index_cast %get3A_399 : i32 to index
      %get3A_402 = arith.constant 0 : index
      %get3A_403 = tpu.vector_load %arg21[%get3A_400, %get3A_401, %get3A_402] {strides = array<i32>} : memref<2x16x16xf32, #tpu.memory_space<vmem>>, vector<16xf32>,
      %get3A_404 = arith.constant 1 : i32
      %get3A_405 = arith.constant 7 : i32
      %get3A_406 = arith.index_cast %get3A_404 : i32 to index
      %get3A_407 = arith.index_cast %get3A_405 : i32 to index
      %get3A_408 = arith.constant 0 : index
      %get3A_409 = tpu.vector_load %arg21[%get3A_406, %get3A_407, %get3A_408] {strides = array<i32>} : memref<2x16x16xf32, #tpu.memory_space<vmem>>, vector<16xf32>,
      %parallel_loop3A_410 = arith.constant 0 : i32
      %parallel_loop3A_411 = arith.constant 64 : i32
      %parallel_loop3A_412 = arith.constant 1 : i32
      %parallel_loop3A_413:8 = scf.for %parallel_loop3A_525 = %parallel_loop3A_410 to %parallel_loop3A_411 step %parallel_loop3A_412 iter_args(%parallel_loop3A_526 = %get3A_367, %parallel_loop3A_527 = %get3A_373, %parallel_loop3A_528 = %get3A_379, %parallel_loop3A_529 = %get3A_385, %parallel_loop3A_530 = %get3A_391, %parallel_loop3A_531 = %get3A_397, %parallel_loop3A_532 = %get3A_403, %parallel_loop3A_533 = %get3A_409) -> (vector<16xf32>, vector<16xf32>, vector<16xf32>, vector<16xf32>, vector<16xf32>, vector<16xf32>, vector<16xf32>, vector<16xf32>)  : i32 {
        %parallel_loop3A_534 = arith.constant 16 : i32
        %parallel_loop3A_535 = arith.muli %parallel_loop3A_525, %parallel_loop3A_534 : i32
        %parallel_loop3A_536 = arith.index_cast %parallel_loop3A_535 : i32 to index
        %parallel_loop3A_537 = tpu.vector_load %arg22[%parallel_loop3A_536] {strides = array<i32>} : memref<1024xf32, #tpu.memory_space<vmem>>, vector<16xf32>,
        %parallel_loop3A_538 = arith.constant 16 : i32
        %parallel_loop3A_539 = arith.muli %parallel_loop3A_525, %parallel_loop3A_538 : i32
        %parallel_loop3A_540 = arith.index_cast %parallel_loop3A_539 : i32 to index
        %parallel_loop3A_541 = tpu.vector_load %arg23[%parallel_loop3A_540] {strides = array<i32>} : memref<1024xf32, #tpu.memory_space<vmem>>, vector<16xf32>,
        %parallel_loop3A_542 = arith.constant 16 : i32
        %parallel_loop3A_543 = arith.muli %parallel_loop3A_525, %parallel_loop3A_542 : i32
        %parallel_loop3A_544 = arith.constant 4 : i32
        %parallel_loop3A_545 = arith.index_cast %parallel_loop3A_544 : i32 to index
        %parallel_loop3A_546 = arith.index_cast %parallel_loop3A_543 : i32 to index
        %parallel_loop3A_547 = tpu.vector_load %arg18[%parallel_loop3A_545, %parallel_loop3A_546] {strides = array<i32>} : memref<16x1024xf32, #tpu.memory_space<vmem>>, vector<16xf32>,
        %parallel_loop3A_548 = arith.subf %parallel_loop3A_547, %parallel_loop3A_526 : vector<16xf32>
        %parallel_loop3A_549 = arith.mulf %parallel_loop3A_548, %parallel_loop3A_530 : vector<16xf32>
        %parallel_loop3A_550 = arith.mulf %parallel_loop3A_549, %parallel_loop3A_537 : vector<16xf32>
        %parallel_loop3A_551 = arith.addf %parallel_loop3A_550, %parallel_loop3A_541 : vector<16xf32>
        %parallel_loop3A_552 = arith.constant 16 : i32
        %parallel_loop3A_553 = arith.muli %parallel_loop3A_525, %parallel_loop3A_552 : i32
        %parallel_loop3A_554 = arith.constant 4 : i32
        %parallel_loop3A_555 = arith.index_cast %parallel_loop3A_554 : i32 to index
        %parallel_loop3A_556 = arith.index_cast %parallel_loop3A_553 : i32 to index
        %parallel_loop3A_557 = tpu.vector_load %arg18[%parallel_loop3A_555, %parallel_loop3A_556] {strides = array<i32>} : memref<16x1024xf32, #tpu.memory_space<vmem>>, vector<16xf32>,
        tpu.vector_store %arg18[%parallel_loop3A_555, %parallel_loop3A_556], %parallel_loop3A_551 {strides = array<i32>} : memref<16x1024xf32, #tpu.memory_space<vmem>>, vector<16xf32>,
        %parallel_loop3A_558 = arith.constant 16 : i32
        %parallel_loop3A_559 = arith.muli %parallel_loop3A_525, %parallel_loop3A_558 : i32
        %parallel_loop3A_560 = arith.constant 5 : i32
        %parallel_loop3A_561 = arith.index_cast %parallel_loop3A_560 : i32 to index
        %parallel_loop3A_562 = arith.index_cast %parallel_loop3A_559 : i32 to index
        %parallel_loop3A_563 = tpu.vector_load %arg18[%parallel_loop3A_561, %parallel_loop3A_562] {strides = array<i32>} : memref<16x1024xf32, #tpu.memory_space<vmem>>, vector<16xf32>,
        %parallel_loop3A_564 = arith.subf %parallel_loop3A_563, %parallel_loop3A_527 : vector<16xf32>
        %parallel_loop3A_565 = arith.mulf %parallel_loop3A_564, %parallel_loop3A_531 : vector<16xf32>
        %parallel_loop3A_566 = arith.mulf %parallel_loop3A_565, %parallel_loop3A_537 : vector<16xf32>
        %parallel_loop3A_567 = arith.addf %parallel_loop3A_566, %parallel_loop3A_541 : vector<16xf32>
        %parallel_loop3A_568 = arith.constant 16 : i32
        %parallel_loop3A_569 = arith.muli %parallel_loop3A_525, %parallel_loop3A_568 : i32
        %parallel_loop3A_570 = arith.constant 5 : i32
        %parallel_loop3A_571 = arith.index_cast %parallel_loop3A_570 : i32 to index
        %parallel_loop3A_572 = arith.index_cast %parallel_loop3A_569 : i32 to index
        %parallel_loop3A_573 = tpu.vector_load %arg18[%parallel_loop3A_571, %parallel_loop3A_572] {strides = array<i32>} : memref<16x1024xf32, #tpu.memory_space<vmem>>, vector<16xf32>,
        tpu.vector_store %arg18[%parallel_loop3A_571, %parallel_loop3A_572], %parallel_loop3A_567 {strides = array<i32>} : memref<16x1024xf32, #tpu.memory_space<vmem>>, vector<16xf32>,
        %parallel_loop3A_574 = arith.constant 16 : i32
        %parallel_loop3A_575 = arith.muli %parallel_loop3A_525, %parallel_loop3A_574 : i32
        %parallel_loop3A_576 = arith.constant 6 : i32
        %parallel_loop3A_577 = arith.index_cast %parallel_loop3A_576 : i32 to index
        %parallel_loop3A_578 = arith.index_cast %parallel_loop3A_575 : i32 to index
        %parallel_loop3A_579 = tpu.vector_load %arg18[%parallel_loop3A_577, %parallel_loop3A_578] {strides = array<i32>} : memref<16x1024xf32, #tpu.memory_space<vmem>>, vector<16xf32>,
        %parallel_loop3A_580 = arith.subf %parallel_loop3A_579, %parallel_loop3A_528 : vector<16xf32>
        %parallel_loop3A_581 = arith.mulf %parallel_loop3A_580, %parallel_loop3A_532 : vector<16xf32>
        %parallel_loop3A_582 = arith.mulf %parallel_loop3A_581, %parallel_loop3A_537 : vector<16xf32>
        %parallel_loop3A_583 = arith.addf %parallel_loop3A_582, %parallel_loop3A_541 : vector<16xf32>
        %parallel_loop3A_584 = arith.constant 16 : i32
        %parallel_loop3A_585 = arith.muli %parallel_loop3A_525, %parallel_loop3A_584 : i32
        %parallel_loop3A_586 = arith.constant 6 : i32
        %parallel_loop3A_587 = arith.index_cast %parallel_loop3A_586 : i32 to index
        %parallel_loop3A_588 = arith.index_cast %parallel_loop3A_585 : i32 to index
        %parallel_loop3A_589 = tpu.vector_load %arg18[%parallel_loop3A_587, %parallel_loop3A_588] {strides = array<i32>} : memref<16x1024xf32, #tpu.memory_space<vmem>>, vector<16xf32>,
        tpu.vector_store %arg18[%parallel_loop3A_587, %parallel_loop3A_588], %parallel_loop3A_583 {strides = array<i32>} : memref<16x1024xf32, #tpu.memory_space<vmem>>, vector<16xf32>,
        %parallel_loop3A_590 = arith.constant 16 : i32
        %parallel_loop3A_591 = arith.muli %parallel_loop3A_525, %parallel_loop3A_590 : i32
        %parallel_loop3A_592 = arith.constant 7 : i32
        %parallel_loop3A_593 = arith.index_cast %parallel_loop3A_592 : i32 to index
        %parallel_loop3A_594 = arith.index_cast %parallel_loop3A_591 : i32 to index
        %parallel_loop3A_595 = tpu.vector_load %arg18[%parallel_loop3A_593, %parallel_loop3A_594] {strides = array<i32>} : memref<16x1024xf32, #tpu.memory_space<vmem>>, vector<16xf32>,
        %parallel_loop3A_596 = arith.subf %parallel_loop3A_595, %parallel_loop3A_529 : vector<16xf32>
        %parallel_loop3A_597 = arith.mulf %parallel_loop3A_596, %parallel_loop3A_533 : vector<16xf32>
        %parallel_loop3A_598 = arith.mulf %parallel_loop3A_597, %parallel_loop3A_537 : vector<16xf32>
        %parallel_loop3A_599 = arith.addf %parallel_loop3A_598, %parallel_loop3A_541 : vector<16xf32>
        %parallel_loop3A_600 = arith.constant 16 : i32
        %parallel_loop3A_601 = arith.muli %parallel_loop3A_525, %parallel_loop3A_600 : i32
        %parallel_loop3A_602 = arith.constant 7 : i32
        %parallel_loop3A_603 = arith.index_cast %parallel_loop3A_602 : i32 to index
        %parallel_loop3A_604 = arith.index_cast %parallel_loop3A_601 : i32 to index
        %parallel_loop3A_605 = tpu.vector_load %arg18[%parallel_loop3A_603, %parallel_loop3A_604] {strides = array<i32>} : memref<16x1024xf32, #tpu.memory_space<vmem>>, vector<16xf32>,
        tpu.vector_store %arg18[%parallel_loop3A_603, %parallel_loop3A_604], %parallel_loop3A_599 {strides = array<i32>} : memref<16x1024xf32, #tpu.memory_space<vmem>>, vector<16xf32>,
        scf.yield %parallel_loop3A_526, %parallel_loop3A_527, %parallel_loop3A_528, %parallel_loop3A_529, %parallel_loop3A_530, %parallel_loop3A_531, %parallel_loop3A_532, %parallel_loop3A_533 : vector<16xf32>, vector<16xf32>, vector<16xf32>, vector<16xf32>, vector<16xf32>, vector<16xf32>, vector<16xf32>, vector<16xf32>
      } {sc.loop_unroll_factor = 2 : i64, sc.parallel_access}
      %get3A_414 = arith.constant 0 : i32
      %get3A_415 = arith.constant 8 : i32
      %get3A_416 = arith.index_cast %get3A_414 : i32 to index
      %get3A_417 = arith.index_cast %get3A_415 : i32 to index
      %get3A_418 = arith.constant 0 : index
      %get3A_419 = tpu.vector_load %arg21[%get3A_416, %get3A_417, %get3A_418] {strides = array<i32>} : memref<2x16x16xf32, #tpu.memory_space<vmem>>, vector<16xf32>,
      %get3A_420 = arith.constant 0 : i32
      %get3A_421 = arith.constant 9 : i32
      %get3A_422 = arith.index_cast %get3A_420 : i32 to index
      %get3A_423 = arith.index_cast %get3A_421 : i32 to index
      %get3A_424 = arith.constant 0 : index
      %get3A_425 = tpu.vector_load %arg21[%get3A_422, %get3A_423, %get3A_424] {strides = array<i32>} : memref<2x16x16xf32, #tpu.memory_space<vmem>>, vector<16xf32>,
      %get3A_426 = arith.constant 0 : i32
      %get3A_427 = arith.constant 10 : i32
      %get3A_428 = arith.index_cast %get3A_426 : i32 to index
      %get3A_429 = arith.index_cast %get3A_427 : i32 to index
      %get3A_430 = arith.constant 0 : index
      %get3A_431 = tpu.vector_load %arg21[%get3A_428, %get3A_429, %get3A_430] {strides = array<i32>} : memref<2x16x16xf32, #tpu.memory_space<vmem>>, vector<16xf32>,
      %get3A_432 = arith.constant 0 : i32
      %get3A_433 = arith.constant 11 : i32
      %get3A_434 = arith.index_cast %get3A_432 : i32 to index
      %get3A_435 = arith.index_cast %get3A_433 : i32 to index
      %get3A_436 = arith.constant 0 : index
      %get3A_437 = tpu.vector_load %arg21[%get3A_434, %get3A_435, %get3A_436] {strides = array<i32>} : memref<2x16x16xf32, #tpu.memory_space<vmem>>, vector<16xf32>,
      %get3A_438 = arith.constant 1 : i32
      %get3A_439 = arith.constant 8 : i32
      %get3A_440 = arith.index_cast %get3A_438 : i32 to index
      %get3A_441 = arith.index_cast %get3A_439 : i32 to index
      %get3A_442 = arith.constant 0 : index
      %get3A_443 = tpu.vector_load %arg21[%get3A_440, %get3A_441, %get3A_442] {strides = array<i32>} : memref<2x16x16xf32, #tpu.memory_space<vmem>>, vector<16xf32>,
      %get3A_444 = arith.constant 1 : i32
      %get3A_445 = arith.constant 9 : i32
      %get3A_446 = arith.index_cast %get3A_444 : i32 to index
      %get3A_447 = arith.index_cast %get3A_445 : i32 to index
      %get3A_448 = arith.constant 0 : index
      %get3A_449 = tpu.vector_load %arg21[%get3A_446, %get3A_447, %get3A_448] {strides = array<i32>} : memref<2x16x16xf32, #tpu.memory_space<vmem>>, vector<16xf32>,
      %get3A_450 = arith.constant 1 : i32
      %get3A_451 = arith.constant 10 : i32
      %get3A_452 = arith.index_cast %get3A_450 : i32 to index
      %get3A_453 = arith.index_cast %get3A_451 : i32 to index
      %get3A_454 = arith.constant 0 : index
      %get3A_455 = tpu.vector_load %arg21[%get3A_452, %get3A_453, %get3A_454] {strides = array<i32>} : memref<2x16x16xf32, #tpu.memory_space<vmem>>, vector<16xf32>,
      %get3A_456 = arith.constant 1 : i32
      %get3A_457 = arith.constant 11 : i32
      %get3A_458 = arith.index_cast %get3A_456 : i32 to index
      %get3A_459 = arith.index_cast %get3A_457 : i32 to index
      %get3A_460 = arith.constant 0 : index
      %get3A_461 = tpu.vector_load %arg21[%get3A_458, %get3A_459, %get3A_460] {strides = array<i32>} : memref<2x16x16xf32, #tpu.memory_space<vmem>>, vector<16xf32>,
      %parallel_loop3A_462 = arith.constant 0 : i32
      %parallel_loop3A_463 = arith.constant 64 : i32
      %parallel_loop3A_464 = arith.constant 1 : i32
      %parallel_loop3A_465:8 = scf.for %parallel_loop3A_525 = %parallel_loop3A_462 to %parallel_loop3A_463 step %parallel_loop3A_464 iter_args(%parallel_loop3A_526 = %get3A_419, %parallel_loop3A_527 = %get3A_425, %parallel_loop3A_528 = %get3A_431, %parallel_loop3A_529 = %get3A_437, %parallel_loop3A_530 = %get3A_443, %parallel_loop3A_531 = %get3A_449, %parallel_loop3A_532 = %get3A_455, %parallel_loop3A_533 = %get3A_461) -> (vector<16xf32>, vector<16xf32>, vector<16xf32>, vector<16xf32>, vector<16xf32>, vector<16xf32>, vector<16xf32>, vector<16xf32>)  : i32 {
        %parallel_loop3A_534 = arith.constant 16 : i32
        %parallel_loop3A_535 = arith.muli %parallel_loop3A_525, %parallel_loop3A_534 : i32
        %parallel_loop3A_536 = arith.index_cast %parallel_loop3A_535 : i32 to index
        %parallel_loop3A_537 = tpu.vector_load %arg22[%parallel_loop3A_536] {strides = array<i32>} : memref<1024xf32, #tpu.memory_space<vmem>>, vector<16xf32>,
        %parallel_loop3A_538 = arith.constant 16 : i32
        %parallel_loop3A_539 = arith.muli %parallel_loop3A_525, %parallel_loop3A_538 : i32
        %parallel_loop3A_540 = arith.index_cast %parallel_loop3A_539 : i32 to index
        %parallel_loop3A_541 = tpu.vector_load %arg23[%parallel_loop3A_540] {strides = array<i32>} : memref<1024xf32, #tpu.memory_space<vmem>>, vector<16xf32>,
        %parallel_loop3A_542 = arith.constant 16 : i32
        %parallel_loop3A_543 = arith.muli %parallel_loop3A_525, %parallel_loop3A_542 : i32
        %parallel_loop3A_544 = arith.constant 8 : i32
        %parallel_loop3A_545 = arith.index_cast %parallel_loop3A_544 : i32 to index
        %parallel_loop3A_546 = arith.index_cast %parallel_loop3A_543 : i32 to index
        %parallel_loop3A_547 = tpu.vector_load %arg18[%parallel_loop3A_545, %parallel_loop3A_546] {strides = array<i32>} : memref<16x1024xf32, #tpu.memory_space<vmem>>, vector<16xf32>,
        %parallel_loop3A_548 = arith.subf %parallel_loop3A_547, %parallel_loop3A_526 : vector<16xf32>
        %parallel_loop3A_549 = arith.mulf %parallel_loop3A_548, %parallel_loop3A_530 : vector<16xf32>
        %parallel_loop3A_550 = arith.mulf %parallel_loop3A_549, %parallel_loop3A_537 : vector<16xf32>
        %parallel_loop3A_551 = arith.addf %parallel_loop3A_550, %parallel_loop3A_541 : vector<16xf32>
        %parallel_loop3A_552 = arith.constant 16 : i32
        %parallel_loop3A_553 = arith.muli %parallel_loop3A_525, %parallel_loop3A_552 : i32
        %parallel_loop3A_554 = arith.constant 8 : i32
        %parallel_loop3A_555 = arith.index_cast %parallel_loop3A_554 : i32 to index
        %parallel_loop3A_556 = arith.index_cast %parallel_loop3A_553 : i32 to index
        %parallel_loop3A_557 = tpu.vector_load %arg18[%parallel_loop3A_555, %parallel_loop3A_556] {strides = array<i32>} : memref<16x1024xf32, #tpu.memory_space<vmem>>, vector<16xf32>,
        tpu.vector_store %arg18[%parallel_loop3A_555, %parallel_loop3A_556], %parallel_loop3A_551 {strides = array<i32>} : memref<16x1024xf32, #tpu.memory_space<vmem>>, vector<16xf32>,
        %parallel_loop3A_558 = arith.constant 16 : i32
        %parallel_loop3A_559 = arith.muli %parallel_loop3A_525, %parallel_loop3A_558 : i32
        %parallel_loop3A_560 = arith.constant 9 : i32
        %parallel_loop3A_561 = arith.index_cast %parallel_loop3A_560 : i32 to index
        %parallel_loop3A_562 = arith.index_cast %parallel_loop3A_559 : i32 to index
        %parallel_loop3A_563 = tpu.vector_load %arg18[%parallel_loop3A_561, %parallel_loop3A_562] {strides = array<i32>} : memref<16x1024xf32, #tpu.memory_space<vmem>>, vector<16xf32>,
        %parallel_loop3A_564 = arith.subf %parallel_loop3A_563, %parallel_loop3A_527 : vector<16xf32>
        %parallel_loop3A_565 = arith.mulf %parallel_loop3A_564, %parallel_loop3A_531 : vector<16xf32>
        %parallel_loop3A_566 = arith.mulf %parallel_loop3A_565, %parallel_loop3A_537 : vector<16xf32>
        %parallel_loop3A_567 = arith.addf %parallel_loop3A_566, %parallel_loop3A_541 : vector<16xf32>
        %parallel_loop3A_568 = arith.constant 16 : i32
        %parallel_loop3A_569 = arith.muli %parallel_loop3A_525, %parallel_loop3A_568 : i32
        %parallel_loop3A_570 = arith.constant 9 : i32
        %parallel_loop3A_571 = arith.index_cast %parallel_loop3A_570 : i32 to index
        %parallel_loop3A_572 = arith.index_cast %parallel_loop3A_569 : i32 to index
        %parallel_loop3A_573 = tpu.vector_load %arg18[%parallel_loop3A_571, %parallel_loop3A_572] {strides = array<i32>} : memref<16x1024xf32, #tpu.memory_space<vmem>>, vector<16xf32>,
        tpu.vector_store %arg18[%parallel_loop3A_571, %parallel_loop3A_572], %parallel_loop3A_567 {strides = array<i32>} : memref<16x1024xf32, #tpu.memory_space<vmem>>, vector<16xf32>,
        %parallel_loop3A_574 = arith.constant 16 : i32
        %parallel_loop3A_575 = arith.muli %parallel_loop3A_525, %parallel_loop3A_574 : i32
        %parallel_loop3A_576 = arith.constant 10 : i32
        %parallel_loop3A_577 = arith.index_cast %parallel_loop3A_576 : i32 to index
        %parallel_loop3A_578 = arith.index_cast %parallel_loop3A_575 : i32 to index
        %parallel_loop3A_579 = tpu.vector_load %arg18[%parallel_loop3A_577, %parallel_loop3A_578] {strides = array<i32>} : memref<16x1024xf32, #tpu.memory_space<vmem>>, vector<16xf32>,
        %parallel_loop3A_580 = arith.subf %parallel_loop3A_579, %parallel_loop3A_528 : vector<16xf32>
        %parallel_loop3A_581 = arith.mulf %parallel_loop3A_580, %parallel_loop3A_532 : vector<16xf32>
        %parallel_loop3A_582 = arith.mulf %parallel_loop3A_581, %parallel_loop3A_537 : vector<16xf32>
        %parallel_loop3A_583 = arith.addf %parallel_loop3A_582, %parallel_loop3A_541 : vector<16xf32>
        %parallel_loop3A_584 = arith.constant 16 : i32
        %parallel_loop3A_585 = arith.muli %parallel_loop3A_525, %parallel_loop3A_584 : i32
        %parallel_loop3A_586 = arith.constant 10 : i32
        %parallel_loop3A_587 = arith.index_cast %parallel_loop3A_586 : i32 to index
        %parallel_loop3A_588 = arith.index_cast %parallel_loop3A_585 : i32 to index
        %parallel_loop3A_589 = tpu.vector_load %arg18[%parallel_loop3A_587, %parallel_loop3A_588] {strides = array<i32>} : memref<16x1024xf32, #tpu.memory_space<vmem>>, vector<16xf32>,
        tpu.vector_store %arg18[%parallel_loop3A_587, %parallel_loop3A_588], %parallel_loop3A_583 {strides = array<i32>} : memref<16x1024xf32, #tpu.memory_space<vmem>>, vector<16xf32>,
        %parallel_loop3A_590 = arith.constant 16 : i32
        %parallel_loop3A_591 = arith.muli %parallel_loop3A_525, %parallel_loop3A_590 : i32
        %parallel_loop3A_592 = arith.constant 11 : i32
        %parallel_loop3A_593 = arith.index_cast %parallel_loop3A_592 : i32 to index
        %parallel_loop3A_594 = arith.index_cast %parallel_loop3A_591 : i32 to index
        %parallel_loop3A_595 = tpu.vector_load %arg18[%parallel_loop3A_593, %parallel_loop3A_594] {strides = array<i32>} : memref<16x1024xf32, #tpu.memory_space<vmem>>, vector<16xf32>,
        %parallel_loop3A_596 = arith.subf %parallel_loop3A_595, %parallel_loop3A_529 : vector<16xf32>
        %parallel_loop3A_597 = arith.mulf %parallel_loop3A_596, %parallel_loop3A_533 : vector<16xf32>
        %parallel_loop3A_598 = arith.mulf %parallel_loop3A_597, %parallel_loop3A_537 : vector<16xf32>
        %parallel_loop3A_599 = arith.addf %parallel_loop3A_598, %parallel_loop3A_541 : vector<16xf32>
        %parallel_loop3A_600 = arith.constant 16 : i32
        %parallel_loop3A_601 = arith.muli %parallel_loop3A_525, %parallel_loop3A_600 : i32
        %parallel_loop3A_602 = arith.constant 11 : i32
        %parallel_loop3A_603 = arith.index_cast %parallel_loop3A_602 : i32 to index
        %parallel_loop3A_604 = arith.index_cast %parallel_loop3A_601 : i32 to index
        %parallel_loop3A_605 = tpu.vector_load %arg18[%parallel_loop3A_603, %parallel_loop3A_604] {strides = array<i32>} : memref<16x1024xf32, #tpu.memory_space<vmem>>, vector<16xf32>,
        tpu.vector_store %arg18[%parallel_loop3A_603, %parallel_loop3A_604], %parallel_loop3A_599 {strides = array<i32>} : memref<16x1024xf32, #tpu.memory_space<vmem>>, vector<16xf32>,
        scf.yield %parallel_loop3A_526, %parallel_loop3A_527, %parallel_loop3A_528, %parallel_loop3A_529, %parallel_loop3A_530, %parallel_loop3A_531, %parallel_loop3A_532, %parallel_loop3A_533 : vector<16xf32>, vector<16xf32>, vector<16xf32>, vector<16xf32>, vector<16xf32>, vector<16xf32>, vector<16xf32>, vector<16xf32>
      } {sc.loop_unroll_factor = 2 : i64, sc.parallel_access}
      %get3A_466 = arith.constant 0 : i32
      %get3A_467 = arith.constant 12 : i32
      %get3A_468 = arith.index_cast %get3A_466 : i32 to index
      %get3A_469 = arith.index_cast %get3A_467 : i32 to index
      %get3A_470 = arith.constant 0 : index
      %get3A_471 = tpu.vector_load %arg21[%get3A_468, %get3A_469, %get3A_470] {strides = array<i32>} : memref<2x16x16xf32, #tpu.memory_space<vmem>>, vector<16xf32>,
      %get3A_472 = arith.constant 0 : i32
      %get3A_473 = arith.constant 13 : i32
      %get3A_474 = arith.index_cast %get3A_472 : i32 to index
      %get3A_475 = arith.index_cast %get3A_473 : i32 to index
      %get3A_476 = arith.constant 0 : index
      %get3A_477 = tpu.vector_load %arg21[%get3A_474, %get3A_475, %get3A_476] {strides = array<i32>} : memref<2x16x16xf32, #tpu.memory_space<vmem>>, vector<16xf32>,
      %get3A_478 = arith.constant 0 : i32
      %get3A_479 = arith.constant 14 : i32
      %get3A_480 = arith.index_cast %get3A_478 : i32 to index
      %get3A_481 = arith.index_cast %get3A_479 : i32 to index
      %get3A_482 = arith.constant 0 : index
      %get3A_483 = tpu.vector_load %arg21[%get3A_480, %get3A_481, %get3A_482] {strides = array<i32>} : memref<2x16x16xf32, #tpu.memory_space<vmem>>, vector<16xf32>,
      %get3A_484 = arith.constant 0 : i32
      %get3A_485 = arith.constant 15 : i32
      %get3A_486 = arith.index_cast %get3A_484 : i32 to index
      %get3A_487 = arith.index_cast %get3A_485 : i32 to index
      %get3A_488 = arith.constant 0 : index
      %get3A_489 = tpu.vector_load %arg21[%get3A_486, %get3A_487, %get3A_488] {strides = array<i32>} : memref<2x16x16xf32, #tpu.memory_space<vmem>>, vector<16xf32>,
      %get3A_490 = arith.constant 1 : i32
      %get3A_491 = arith.constant 12 : i32
      %get3A_492 = arith.index_cast %get3A_490 : i32 to index
      %get3A_493 = arith.index_cast %get3A_491 : i32 to index
      %get3A_494 = arith.constant 0 : index
      %get3A_495 = tpu.vector_load %arg21[%get3A_492, %get3A_493, %get3A_494] {strides = array<i32>} : memref<2x16x16xf32, #tpu.memory_space<vmem>>, vector<16xf32>,
      %get3A_496 = arith.constant 1 : i32
      %get3A_497 = arith.constant 13 : i32
      %get3A_498 = arith.index_cast %get3A_496 : i32 to index
      %get3A_499 = arith.index_cast %get3A_497 : i32 to index
      %get3A_500 = arith.constant 0 : index
      %get3A_501 = tpu.vector_load %arg21[%get3A_498, %get3A_499, %get3A_500] {strides = array<i32>} : memref<2x16x16xf32, #tpu.memory_space<vmem>>, vector<16xf32>,
      %get3A_502 = arith.constant 1 : i32
      %get3A_503 = arith.constant 14 : i32
      %get3A_504 = arith.index_cast %get3A_502 : i32 to index
      %get3A_505 = arith.index_cast %get3A_503 : i32 to index
      %get3A_506 = arith.constant 0 : index
      %get3A_507 = tpu.vector_load %arg21[%get3A_504, %get3A_505, %get3A_506] {strides = array<i32>} : memref<2x16x16xf32, #tpu.memory_space<vmem>>, vector<16xf32>,
      %get3A_508 = arith.constant 1 : i32
      %get3A_509 = arith.constant 15 : i32
      %get3A_510 = arith.index_cast %get3A_508 : i32 to index
      %get3A_511 = arith.index_cast %get3A_509 : i32 to index
      %get3A_512 = arith.constant 0 : index
      %get3A_513 = tpu.vector_load %arg21[%get3A_510, %get3A_511, %get3A_512] {strides = array<i32>} : memref<2x16x16xf32, #tpu.memory_space<vmem>>, vector<16xf32>,
      %parallel_loop3A_514 = arith.constant 0 : i32
      %parallel_loop3A_515 = arith.constant 64 : i32
      %parallel_loop3A_516 = arith.constant 1 : i32
      %parallel_loop3A_517:8 = scf.for %parallel_loop3A_525 = %parallel_loop3A_514 to %parallel_loop3A_515 step %parallel_loop3A_516 iter_args(%parallel_loop3A_526 = %get3A_471, %parallel_loop3A_527 = %get3A_477, %parallel_loop3A_528 = %get3A_483, %parallel_loop3A_529 = %get3A_489, %parallel_loop3A_530 = %get3A_495, %parallel_loop3A_531 = %get3A_501, %parallel_loop3A_532 = %get3A_507, %parallel_loop3A_533 = %get3A_513) -> (vector<16xf32>, vector<16xf32>, vector<16xf32>, vector<16xf32>, vector<16xf32>, vector<16xf32>, vector<16xf32>, vector<16xf32>)  : i32 {
        %parallel_loop3A_534 = arith.constant 16 : i32
        %parallel_loop3A_535 = arith.muli %parallel_loop3A_525, %parallel_loop3A_534 : i32
        %parallel_loop3A_536 = arith.index_cast %parallel_loop3A_535 : i32 to index
        %parallel_loop3A_537 = tpu.vector_load %arg22[%parallel_loop3A_536] {strides = array<i32>} : memref<1024xf32, #tpu.memory_space<vmem>>, vector<16xf32>,
        %parallel_loop3A_538 = arith.constant 16 : i32
        %parallel_loop3A_539 = arith.muli %parallel_loop3A_525, %parallel_loop3A_538 : i32
        %parallel_loop3A_540 = arith.index_cast %parallel_loop3A_539 : i32 to index
        %parallel_loop3A_541 = tpu.vector_load %arg23[%parallel_loop3A_540] {strides = array<i32>} : memref<1024xf32, #tpu.memory_space<vmem>>, vector<16xf32>,
        %parallel_loop3A_542 = arith.constant 16 : i32
        %parallel_loop3A_543 = arith.muli %parallel_loop3A_525, %parallel_loop3A_542 : i32
        %parallel_loop3A_544 = arith.constant 12 : i32
        %parallel_loop3A_545 = arith.index_cast %parallel_loop3A_544 : i32 to index
        %parallel_loop3A_546 = arith.index_cast %parallel_loop3A_543 : i32 to index
        %parallel_loop3A_547 = tpu.vector_load %arg18[%parallel_loop3A_545, %parallel_loop3A_546] {strides = array<i32>} : memref<16x1024xf32, #tpu.memory_space<vmem>>, vector<16xf32>,
        %parallel_loop3A_548 = arith.subf %parallel_loop3A_547, %parallel_loop3A_526 : vector<16xf32>
        %parallel_loop3A_549 = arith.mulf %parallel_loop3A_548, %parallel_loop3A_530 : vector<16xf32>
        %parallel_loop3A_550 = arith.mulf %parallel_loop3A_549, %parallel_loop3A_537 : vector<16xf32>
        %parallel_loop3A_551 = arith.addf %parallel_loop3A_550, %parallel_loop3A_541 : vector<16xf32>
        %parallel_loop3A_552 = arith.constant 16 : i32
        %parallel_loop3A_553 = arith.muli %parallel_loop3A_525, %parallel_loop3A_552 : i32
        %parallel_loop3A_554 = arith.constant 12 : i32
        %parallel_loop3A_555 = arith.index_cast %parallel_loop3A_554 : i32 to index
        %parallel_loop3A_556 = arith.index_cast %parallel_loop3A_553 : i32 to index
        %parallel_loop3A_557 = tpu.vector_load %arg18[%parallel_loop3A_555, %parallel_loop3A_556] {strides = array<i32>} : memref<16x1024xf32, #tpu.memory_space<vmem>>, vector<16xf32>,
        tpu.vector_store %arg18[%parallel_loop3A_555, %parallel_loop3A_556], %parallel_loop3A_551 {strides = array<i32>} : memref<16x1024xf32, #tpu.memory_space<vmem>>, vector<16xf32>,
        %parallel_loop3A_558 = arith.constant 16 : i32
        %parallel_loop3A_559 = arith.muli %parallel_loop3A_525, %parallel_loop3A_558 : i32
        %parallel_loop3A_560 = arith.constant 13 : i32
        %parallel_loop3A_561 = arith.index_cast %parallel_loop3A_560 : i32 to index
        %parallel_loop3A_562 = arith.index_cast %parallel_loop3A_559 : i32 to index
        %parallel_loop3A_563 = tpu.vector_load %arg18[%parallel_loop3A_561, %parallel_loop3A_562] {strides = array<i32>} : memref<16x1024xf32, #tpu.memory_space<vmem>>, vector<16xf32>,
        %parallel_loop3A_564 = arith.subf %parallel_loop3A_563, %parallel_loop3A_527 : vector<16xf32>
        %parallel_loop3A_565 = arith.mulf %parallel_loop3A_564, %parallel_loop3A_531 : vector<16xf32>
        %parallel_loop3A_566 = arith.mulf %parallel_loop3A_565, %parallel_loop3A_537 : vector<16xf32>
        %parallel_loop3A_567 = arith.addf %parallel_loop3A_566, %parallel_loop3A_541 : vector<16xf32>
        %parallel_loop3A_568 = arith.constant 16 : i32
        %parallel_loop3A_569 = arith.muli %parallel_loop3A_525, %parallel_loop3A_568 : i32
        %parallel_loop3A_570 = arith.constant 13 : i32
        %parallel_loop3A_571 = arith.index_cast %parallel_loop3A_570 : i32 to index
        %parallel_loop3A_572 = arith.index_cast %parallel_loop3A_569 : i32 to index
        %parallel_loop3A_573 = tpu.vector_load %arg18[%parallel_loop3A_571, %parallel_loop3A_572] {strides = array<i32>} : memref<16x1024xf32, #tpu.memory_space<vmem>>, vector<16xf32>,
        tpu.vector_store %arg18[%parallel_loop3A_571, %parallel_loop3A_572], %parallel_loop3A_567 {strides = array<i32>} : memref<16x1024xf32, #tpu.memory_space<vmem>>, vector<16xf32>,
        %parallel_loop3A_574 = arith.constant 16 : i32
        %parallel_loop3A_575 = arith.muli %parallel_loop3A_525, %parallel_loop3A_574 : i32
        %parallel_loop3A_576 = arith.constant 14 : i32
        %parallel_loop3A_577 = arith.index_cast %parallel_loop3A_576 : i32 to index
        %parallel_loop3A_578 = arith.index_cast %parallel_loop3A_575 : i32 to index
        %parallel_loop3A_579 = tpu.vector_load %arg18[%parallel_loop3A_577, %parallel_loop3A_578] {strides = array<i32>} : memref<16x1024xf32, #tpu.memory_space<vmem>>, vector<16xf32>,
        %parallel_loop3A_580 = arith.subf %parallel_loop3A_579, %parallel_loop3A_528 : vector<16xf32>
        %parallel_loop3A_581 = arith.mulf %parallel_loop3A_580, %parallel_loop3A_532 : vector<16xf32>
        %parallel_loop3A_582 = arith.mulf %parallel_loop3A_581, %parallel_loop3A_537 : vector<16xf32>
        %parallel_loop3A_583 = arith.addf %parallel_loop3A_582, %parallel_loop3A_541 : vector<16xf32>
        %parallel_loop3A_584 = arith.constant 16 : i32
        %parallel_loop3A_585 = arith.muli %parallel_loop3A_525, %parallel_loop3A_584 : i32
        %parallel_loop3A_586 = arith.constant 14 : i32
        %parallel_loop3A_587 = arith.index_cast %parallel_loop3A_586 : i32 to index
        %parallel_loop3A_588 = arith.index_cast %parallel_loop3A_585 : i32 to index
        %parallel_loop3A_589 = tpu.vector_load %arg18[%parallel_loop3A_587, %parallel_loop3A_588] {strides = array<i32>} : memref<16x1024xf32, #tpu.memory_space<vmem>>, vector<16xf32>,
        tpu.vector_store %arg18[%parallel_loop3A_587, %parallel_loop3A_588], %parallel_loop3A_583 {strides = array<i32>} : memref<16x1024xf32, #tpu.memory_space<vmem>>, vector<16xf32>,
        %parallel_loop3A_590 = arith.constant 16 : i32
        %parallel_loop3A_591 = arith.muli %parallel_loop3A_525, %parallel_loop3A_590 : i32
        %parallel_loop3A_592 = arith.constant 15 : i32
        %parallel_loop3A_593 = arith.index_cast %parallel_loop3A_592 : i32 to index
        %parallel_loop3A_594 = arith.index_cast %parallel_loop3A_591 : i32 to index
        %parallel_loop3A_595 = tpu.vector_load %arg18[%parallel_loop3A_593, %parallel_loop3A_594] {strides = array<i32>} : memref<16x1024xf32, #tpu.memory_space<vmem>>, vector<16xf32>,
        %parallel_loop3A_596 = arith.subf %parallel_loop3A_595, %parallel_loop3A_529 : vector<16xf32>
        %parallel_loop3A_597 = arith.mulf %parallel_loop3A_596, %parallel_loop3A_533 : vector<16xf32>
        %parallel_loop3A_598 = arith.mulf %parallel_loop3A_597, %parallel_loop3A_537 : vector<16xf32>
        %parallel_loop3A_599 = arith.addf %parallel_loop3A_598, %parallel_loop3A_541 : vector<16xf32>
        %parallel_loop3A_600 = arith.constant 16 : i32
        %parallel_loop3A_601 = arith.muli %parallel_loop3A_525, %parallel_loop3A_600 : i32
        %parallel_loop3A_602 = arith.constant 15 : i32
        %parallel_loop3A_603 = arith.index_cast %parallel_loop3A_602 : i32 to index
        %parallel_loop3A_604 = arith.index_cast %parallel_loop3A_601 : i32 to index
        %parallel_loop3A_605 = tpu.vector_load %arg18[%parallel_loop3A_603, %parallel_loop3A_604] {strides = array<i32>} : memref<16x1024xf32, #tpu.memory_space<vmem>>, vector<16xf32>,
        tpu.vector_store %arg18[%parallel_loop3A_603, %parallel_loop3A_604], %parallel_loop3A_599 {strides = array<i32>} : memref<16x1024xf32, #tpu.memory_space<vmem>>, vector<16xf32>,
        scf.yield %parallel_loop3A_526, %parallel_loop3A_527, %parallel_loop3A_528, %parallel_loop3A_529, %parallel_loop3A_530, %parallel_loop3A_531, %parallel_loop3A_532, %parallel_loop3A_533 : vector<16xf32>, vector<16xf32>, vector<16xf32>, vector<16xf32>, vector<16xf32>, vector<16xf32>, vector<16xf32>, vector<16xf32>
      } {sc.loop_unroll_factor = 2 : i64, sc.parallel_access}
      %mul3A_518 = arith.constant 16 : i32
      %mul3A_519 = arith.muli %add3A_41, %mul3A_518 : i32
      %add3A_520 = arith.addi %mul3A_2, %mul3A_519 : i32
      %dma_start3A_521 = arith.constant 0 : i32
      %dma_start3A_522 = tpu.memref_slice %arg10[%add3A_520, %dma_start3A_521] : memref<16384x1024xf32, #tpu.memory_space<hbm>> -> memref<16x1024xf32, #tpu.memory_space<hbm>>
      %dma_start3A_523 = arith.constant 0 : i32
      %dma_start3A_524 = tpu.memref_slice %arg10[%add3A_520, %dma_start3A_523] : memref<16384x1024xf32, #tpu.memory_space<hbm>> -> memref<16x1024xf32, #tpu.memory_space<hbm>>
      tpu.enqueue_dma source(%arg18 : memref<16x1024xf32, #tpu.memory_space<vmem>>) target(%dma_start3A_524 : memref<16x1024xf32, #tpu.memory_space<hbm>>) target_semaphore(%arg27 : memref<!tpu.dma_semaphore, #tpu.memory_space<semaphore_mem>>)
    }
    %scan3A_23 = arith.constant 16 : i32
    %add3A_24 = arith.constant 480 : i32
    %add3A_25 = arith.addi %mul3A_2, %add3A_24 : i32
    %dma_wait3A = arith.constant 0 : i32
    %dma_wait3A_26 = tpu.memref_slice %arg10[%add3A_25, %dma_wait3A] : memref<16384x1024xf32, #tpu.memory_space<hbm>> -> memref<16x1024xf32, #tpu.memory_space<hbm>>
    %dma_wait3A_27 = arith.constant 0 : i32
    %dma_wait3A_28 = tpu.memref_slice %arg10[%add3A_25, %dma_wait3A_27] : memref<16384x1024xf32, #tpu.memory_space<hbm>> -> memref<16x1024xf32, #tpu.memory_space<hbm>>
    tpu.wait_dma2 semaphore(%arg26 : memref<!tpu.dma_semaphore, #tpu.memory_space<semaphore_mem>>) src(%arg15 : memref<16x1024xf32, #tpu.memory_space<vmem>>) dst(%dma_wait3A_28 : memref<16x1024xf32, #tpu.memory_space<hbm>>)
    %add3A_29 = arith.constant 496 : i32
    %add3A_30 = arith.addi %mul3A_2, %add3A_29 : i32
    %dma_wait3A_31 = arith.constant 0 : i32
    %dma_wait3A_32 = tpu.memref_slice %arg10[%add3A_30, %dma_wait3A_31] : memref<16384x1024xf32, #tpu.memory_space<hbm>> -> memref<16x1024xf32, #tpu.memory_space<hbm>>
    %dma_wait3A_33 = arith.constant 0 : i32
    %dma_wait3A_34 = tpu.memref_slice %arg10[%add3A_30, %dma_wait3A_33] : memref<16384x1024xf32, #tpu.memory_space<hbm>> -> memref<16x1024xf32, #tpu.memory_space<hbm>>
    tpu.wait_dma2 semaphore(%arg27 : memref<!tpu.dma_semaphore, #tpu.memory_space<semaphore_mem>>) src(%arg18 : memref<16x1024xf32, #tpu.memory_space<vmem>>) dst(%dma_wait3A_34 : memref<16x1024xf32, #tpu.memory_space<hbm>>)
    return
  }
}

</mosaic_0001>

<sc_bundles>
// kernel: kernel.3.cloned.1.call-start
scs
__scs_entry_jumppad:
0x0: {  	(pc) =	sbr.rel $0x88, $3  }
0x1: {  	(tag) =	ssettag $0x0;
	lr =	simm.s32 $0x1  }
0x2: {  	[smem:$0x3F9A] =	sst lr;
	_ =	strace $0xD0000000  }
0x3: {  	_ = 	snop  }
0x4: {  	_ = 	snop  }
0x5: {  	_ = 	snop  }
0x6: {  	_ = 	snop  }
0x7: {  	_ = 	snop  }
__scs_overlays_trampoline_lowered:
0x8: {  	[smem:$0x3FA9] =	sst s0  }
0x9: {  	[smem:$0x3FAA] =	sst s1  }
0xa: {  	[smem:$0x3FAB] =	sst s2  }
0xb: {  	[smem:$0x3FAC] =	sst s3  }
0xc: {  	[smem:$0x3FAD] =	sst s4  }
0xd: {  	[smem:$0x3FAE] =	sst s5  }
0xe: {  	[smem:$0x3FAF] =	sst s6  }
0xf: {  	[smem:$0x3FB0] =	sst s7  }
0x10: {  	[smem:$0x3FB1] =	sst s8  }
0x11: {  	[smem:$0x3FB2] =	sst s9;
	s0 =	simm.s32 @!p0 $0x0  }
0x12: {  	s1 =	sld [smem:$0x3F98];
	s0 =	simm.s32 @p0 $0x1  }
0x13: {  	[smem:$0x3FB3] =	sst s0;
	s0 =	simm.s32 @!p1 $0x0  }
0x14: {  	s2 =	sld [smem:$0x3F97];
	s0 =	simm.s32 @p1 $0x1  }
0x15: {  	[smem:$0x3FB4] =	sst s0;
	s0 =	simm.s32 @!p2 $0x0  }
0x16: {  	s3 =	sld [smem:$0x3FDB];
	s0 =	simm.s32 @p2 $0x1  }
0x17: {  	s4 =	simm.s32 $0x1BF5;
	[smem:$0x3FB6] =	sst s0  }
0x18: {  	s0 =	sld [smem:$0x3F99];
	_ =	swait.ge [sflag:s4], $0x0  }
0x19: {  	s7 =	sld [smem:$0x3F9A]  }
0x1a: {  	s8 =	sadd.s32 $0xFFFFE003, lr  }
0x1b: {  	s9 =	sadd.s32 $0xFFFFFEF7, lr;
	s5 =	simm.s32 $0xFFFFFFFF;
	p2 =	slt.u32 s8, $0xFFFFF086  }
0x1c: {  	p1 =	slt.u32 s9, $0xF7A;
	s5 =	simm.s32 @!p2 $0x0  }
0x1d: {  	s5 =	simm.s32 @p1 $0x1;
	p0 =	seq.s32 s7, s2  }
0x1e: {  	s7 =	smul.u32 @!p0 $0xF7A, s2;
	p2 =	seq.s32 @!p0 s5, $0x0  }
0x1f: {  	s9 =	smul.u32 $0xF7A, s1;
	s8 =	simm.s32 @!p0 $0x1BF5;
	p2 =	por !p2, p0  }
0x20: {  	[sflag:s8] =	ssyncset.s32 @!p0 $0xFFFFF086;
	s6 =	sadd.s32 @!p0 s3, s7;
	s7 =	simm.s32 @!p0 $0x108  }
0x21: {  	s3 =	sadd.s32 s3, s9;
	s6 =	sadd.s32 @!p0 $0x88, s6;
	s7 =	simm.s32 @p2 $0x1082  }
0x22: {  	[simem:s7], [sflag:s8] =	dma.local @!p0 [hbm:s6], $0xF7A  }
0x23: {  	s9 =	sor.u32 $0xD0000000, s2;
	s6 =	simm.s32 $0x108;
	_ =	swait.ge @!p0 [sflag:s8], $0x0  }
0x24: {  	s3 =	sadd.s32 $0x88, s3;
	s6 =	simm.s32 @!p1 $0x1082;
	[sflag:s4] =	ssyncset.s32 $0xFFFFF086  }
0x25: {  	[simem:s6], [sflag:s4] =	dma.local [hbm:s3], $0xF7A  }
0x26: {  	[smem:$0x3F9A] =	sst s1;
	(tag) =	ssettag s2;
	_ =	strace s9  }
0x27: {  	s1 =	sld [smem:$0x3FAA]  }
0x28: {  	s2 =	sld [smem:$0x3FAB]  }
0x29: {  	s4 =	sld [smem:$0x3FAD]  }
0x2a: {  	p0 =	seq.s32 s5, $0x0;
	s5 =	sld [smem:$0x3FAE]  }
0x2b: {  	s6 =	sld [smem:$0x3FAF]  }
0x2c: {  	s7 =	sld [smem:$0x3FB0]  }
0x2d: {  	s3 =	simm.s32 $0x108;
	s8 =	sld [smem:$0x3FB1]  }
0x2e: {  	s3 =	simm.s32 @!p0 $0x1082;
	s9 =	sld [smem:$0x3FB2]  }
0x2f: {  	lr =	sadd.s32 s0, s3;
	s0 =	sld [smem:$0x3FA9]  }
0x30: {  	s3 =	sld [smem:$0x3FAC]  }
0x31: {  	[smem:$0x3FB5] =	sst s10  }
0x32: {  	s10 =	sld [smem:$0x3FB3];
	_ =	sdelay $0x3  }
0x33: {  	p0 =	seq.s32 s10, $0x1;
	s10 =	sld [smem:$0x3FB5];
	_ =	sdelay $0x3  }
0x34: {  	[smem:$0x3FB5] =	sst s10  }
0x35: {  	s10 =	sld [smem:$0x3FB4];
	_ =	sdelay $0x3  }
0x36: {  	p1 =	seq.s32 s10, $0x1;
	s10 =	sld [smem:$0x3FB5];
	_ =	sdelay $0x3  }
0x37: {  	[smem:$0x3FB5] =	sst s10  }
0x38: {  	s10 =	sld [smem:$0x3FB6]  }
0x39: {  	_ = 	snop;
	(pc) =	sbr.ind lr, $3  }
0x3a: {  	_ = 	snop  }
0x3b: {  	_ = 	snop  }
0x3c: {  	p2 =	seq.s32 s10, $0x1;
	s10 =	sld [smem:$0x3FB5]  }
0x3d: {  	_ =	shalt  }
0x3e: {  	_ =	shalt  }
0x3f: {  	_ =	shalt  }
0x40: {  	_ =	shalt  }
0x41: {  	_ =	shalt  }
0x42: {  	_ =	shalt  }
0x43: {  	_ =	shalt  }
0x44: {  	_ =	shalt  }
0x45: {  	_ =	shalt  }
0x46: {  	_ =	shalt  }
0x47: {  	_ =	shalt  }
0x48: {  	_ =	shalt  }
0x49: {  	_ =	shalt  }
0x4a: {  	_ =	shalt  }
0x4b: {  	_ =	shalt  }
0x4c: {  	_ =	shalt  }
0x4d: {  	_ =	shalt  }
0x4e: {  	_ =	shalt  }
0x4f: {  	_ =	shalt  }
0x50: {  	_ =	shalt  }
0x51: {  	_ =	shalt  }
0x52: {  	_ =	shalt  }
0x53: {  	_ =	shalt  }
0x54: {  	_ =	shalt  }
0x55: {  	_ =	shalt  }
0x56: {  	_ =	shalt  }
0x57: {  	_ =	shalt  }
0x58: {  	_ =	shalt  }
0x59: {  	_ =	shalt  }
0x5a: {  	_ =	shalt  }
0x5b: {  	_ =	shalt  }
0x5c: {  	_ =	shalt  }
0x5d: {  	_ =	shalt  }
0x5e: {  	_ =	shalt  }
0x5f: {  	_ =	shalt  }
0x60: {  	_ =	shalt  }
0x61: {  	_ =	shalt  }
0x62: {  	_ =	shalt  }
0x63: {  	_ =	shalt  }
0x64: {  	_ =	shalt  }
0x65: {  	_ =	shalt  }
0x66: {  	_ =	shalt  }
0x67: {  	_ =	shalt  }
0x68: {  	_ =	shalt  }
0x69: {  	_ =	shalt  }
0x6a: {  	_ =	shalt  }
0x6b: {  	_ =	shalt  }
0x6c: {  	_ =	shalt  }
0x6d: {  	_ =	shalt  }
0x6e: {  	_ =	shalt  }
0x6f: {  	_ =	shalt  }
0x70: {  	_ =	shalt  }
0x71: {  	_ =	shalt  }
0x72: {  	_ =	shalt  }
0x73: {  	_ =	shalt  }
0x74: {  	_ =	shalt  }
0x75: {  	_ =	shalt  }
0x76: {  	_ =	shalt  }
0x77: {  	_ =	shalt  }
0x78: {  	_ =	shalt  }
0x79: {  	_ =	shalt  }
0x7a: {  	_ =	shalt  }
0x7b: {  	_ =	shalt  }
0x7c: {  	_ =	shalt  }
0x7d: {  	_ =	shalt  }
0x7e: {  	_ =	shalt  }
0x7f: {  	_ =	shalt  }
0x80: {  	_ =	shalt  }
0x81: {  	_ =	shalt  }
0x82: {  	_ =	shalt  }
0x83: {  	_ =	shalt  }
0x84: {  	_ =	shalt  }
0x85: {  	_ =	shalt  }
0x86: {  	_ =	shalt  }
0x87: {  	_ =	shalt  }
.Lfunc_end0:
.L_simem_size_0:
called_computation_lowered:
.L_overlay_start_0:
0x88: {  	s2 =	sld [smem:$0x3FD9]  }
0x89: {  	s3 =	sld [smem:$0x3FFE];
	_ =	sdelay $0x1  }
0x8a: {  	s1 =	srdreg.scid  }
0x8b: {  	s0 =	sand.u32 $0x1, s1  }
0x8c: {  	s17 =	sshll.u32 s0, $0xA;
	s2 =	sadd.s32 s3, s2  }
0x8d: {  	s2 =	sadd.s32 s2, s17  }
0x8e: {  	[smem:$0x3FC1] =	sst s2  }
0x8f: {  	_ = 	snop  }
0x90: {  	s2 =	sld [smem:$0x3FC6]  }
0x91: {  	s18 =	sld [smem:$0x3FC5]  }
0x92: {  	s4 =	sld [smem:$0x3FC4]  }
0x93: {  	s5 =	sld [smem:$0x3FC3]  }
0x94: {  	s6 =	sld [smem:$0x3FD0];
	(tm) =	ssettm $0x1  }
0x95: {  	s7 =	sld [smem:$0x3FFB];
	_ =	sdelay $0x3  }
0x96: {  	_ =	strace s7  }
0x97: {  	s7 =	sld [smem:$0x3FFC];
	_ =	sdelay $0x3  }
0x98: {  	_ =	strace s7  }
0x99: {  	s7 =	sld [smem:$0x3FFD];
	_ =	sdelay $0x3  }
0x9a: {  	_ =	strace s7  }
0x9b: {  	_ =	strace $0x8FFFFFFF  }
0x9c: {  	s19 =	sld [smem:$0x3FDB];
	_ =	sdelay $0x1  }
0x9d: {  	s8 =	simm.s32 $_scs_section_size  }
0x9e: {  	s9 =	simm.s32 $_size__tile_overlayer_lowered;
	s10 =	simm.s32 $_tile_overlayer_lowered  }
0x9f: {  	s22 =	simm.s32 $0x1BFF;
	s21 =	sshll.u32 s10, $0x1;
	s7 =	sadd.s32 s8, s19  }
0xa0: {  	s11 =	simm.s32 $0x0;
	s20 =	sshll.u32 s9, $0x1;
	s9 =	sadd.s32 s21, s7  }
0xa1: {  	[timem:s11], [sflag:s22] =	dma.local [hbm:s9], s20  }
0xa2: {  	_ =	swait.ge [sflag:s22], s20  }
0xa3: {  	s8 =	ssub.s32 $0x0, s20;
	[sflag:s22] =	ssyncset.done $0x0  }
0xa4: {  	[sflag:s22] =	ssyncadd.s32 s8;
	_ =	sdelay $0x1  }
0xa5: {  	s23 =	simm.s32 $0x1B8B  }
0xa6: {  	_ =	swait.ge [sflag:s23], $0x1  }
0xa7: {  	[sflag:s23] =	ssyncset.done $0x0  }
0xa8: {  	s25 =	simm.s32 $0x1B8E;
	s24 =	sld [smem:$0x3FFE];
	[sflag:s23] =	ssyncadd.s32 $0xFFFFFFFF  }
0xa9: {  	s26 =	simm.s32 $execute0_lowered;
	[smem:$0x3FD2] =	sst s25  }
0xaa: {  	s9 =	sshll.u32 s26, $0x1;
	_ =	strace $0x80000046;
	[dreg:$0x1] =	wrdreg $0xFFFFFFFF  }
0xab: {  	s28 =	simm.s32 $_size_execute0_lowered;
	s7 =	sadd.s32 s7, s9;
	[dreg:$0x0] =	wrdreg $0x0  }
0xac: {  	s9 =	sshll.u32 s28, $0x1;
	[dreg:$0x2] =	wrdreg s7  }
0xad: {  	[dreg:$0x3] =	wrdreg s9  }
0xae: {  	[dreg:$0x4] =	wrdreg $0xC0  }
0xaf: {  	_ =	task [dreg:s11], $0x5FFFF  }
0xb0: {  	[dreg:$0x1] =	wrdreg $0xFFFFFFFF  }
0xb1: {  	[dreg:$0x0] =	wrdreg $0x60  }
0xb2: {  	[dreg:$0x2] =	wrdreg s24  }
0xb3: {  	[dreg:$0x3] =	wrdreg s2  }
0xb4: {  	[dreg:$0x4] =	wrdreg s18  }
0xb5: {  	[dreg:$0x5] =	wrdreg s4  }
0xb6: {  	[dreg:$0x6] =	wrdreg s5  }
0xb7: {  	[dreg:$0x7] =	wrdreg s6  }
0xb8: {  	[dreg:$0x8] =	wrdreg $0x9  }
0xb9: {  	_ =	task.clear_ibuf [dreg:s11], $0x9FFFF;
	_ =	strace $0x90000046  }
0xba: {  	s29 =	simm.s32 $0x9;
	_ =	strace $0x80000048  }
0xbb: {  	_ =	swait.ge [sflag:s29], $0x1  }
0xbc: {  	[sflag:s29] =	ssyncadd.s32 $0xFFFFFFFF  }
0xbd: {  	_ =	strace $0x90000048  }
0xbe: {  	_ =	sfence  }
0xbf: {  	s30 =	sld [smem:$0x0];
	_ =	sdelay $0x2  }
0xc0: {  	s31 =	sshll.u32 s1, $0xD;
	s1 =	sshrl.u32 s1, $0x2  }
0xc1: {  	s3 =	sand.u32 $0x4000, s31;
	s1 =	sadd.s32 s1, s30  }
0xc2: {  	s0 =	sor.u32 s3, s0;
	s1 =	sshll.u32 s1, $0x11  }
0xc3: {  	s0 =	sor.u32 s1, s0  }
0xc4: {  	s0 =	sadd.s32 $0x8F2B, s0  }
0xc5: {  	[sflag:s0] =	ssyncadd.remote.s32 $0x1  }
0xc6: {  	_ =	sfence.sel $0xFFFF  }
0xc7: {  	[dreg:$0x0] =	wrdreg $0xFFFFFFFF;
	(pc) =	sbr.abs _section_cstart, $3  }
0xc8: {  	[dreg:$0x1] =	wrdreg $0xFFFFFFFF  }
0xc9: {  	_ =	task.clear_ibuf [dreg:s11], $0x2FFFF;
	_ =	strace $0x9FFFFFFF  }
0xca: {  	(tm) =	ssettm $0x7FFFFFFF  }
0xcb: {  	_ =	shalt  }
tec
execute0_lowered:
.L_overlay_start_1:
0x0: {  	(tag) =	ssettag $0x1  }
0x1: {  	s0 =	rddreg [dreg:$0x0]  }
0x2: {  	s6 =	rddreg [dreg:$0x1]  }
0x3: {  	s7 =	rddreg [dreg:$0x2]  }
0x4: {  	s1 =	rddreg [dreg:$0x5];
	s2 =	srdreg.scid;
	s4 =	simm.s32 $0x0  }
0x5: {  	s3 =	stileid.u32;
	[smem:$0x7FF] =	sst s4;
	s8 =	sadd.s32 $0x1800, s0  }
0x6: {  	s23 =	sadd.s32 $0x100, s6;
	_ =	strace $0x80000047;
	[dreg:$0xb] =	wrdreg s8  }
0x7: {  	s2 =	sand.u32 $0x1, s2;
	s24 =	sadd.s32 $0x200, s6;
	[dreg:$0xf] =	wrdreg s23  }
0x8: {  	s3 =	sshll.u32 s3, $0x1;
	s25 =	sadd.s32 $0x300, s6;
	[dreg:$0x10] =	wrdreg s24  }
0x9: {  	s26 =	sadd.s32 $0x100, s7;
	s29 =	sadd.s32 $0x200, s7;
	[dreg:$0x11] =	wrdreg s25  }
0xa: {  	s19 =	ssub.s32 $0x2, s2;
	s2 =	sor.u32 s2, s3;
	[dreg:$0x13] =	wrdreg s26  }
0xb: {  	s30 =	sadd.s32 $0x300, s7;
	[dreg:$0x14] =	wrdreg s29;
	s5 =	sshll.u32 s2, $0x6  }
0xc: {  	[dreg:$0x15] =	wrdreg s30;
	s21 =	sadd.s32 s0, s5  }
0xd: {  	s20 =	sshrl.u32 s19, $0x1;
	s0 =	sadd.s32 $0x1900, s0;
	[dreg:$0xc] =	wrdreg s21  }
0xe: {  	s22 =	smul.u32 $0x3, s2;
	s5 =	sadd.s32 $0x800, s21;
	[dreg:$0x12] =	wrdreg s0  }
0xf: {  	s28 =	sshll.u32 s2, $0x10;
	s4 =	sadd.s32 $0x1000, s21;
	[dreg:$0xd] =	wrdreg s5  }
0x10: {  	v3 =	vlaneseq.u32;
	s3 =	ssub.s32 s19, s20;
	s0 =	sadd.s32 s1, s28;
	[dreg:$0xe] =	wrdreg s4  }
0x11: {  	vm0 =	vmmov $0xffff;
	v1 =	vand.u32 $0x7, v3;
	v2 =	vshrl.u32 v3, $0x3;
	s31 =	smax.u32 s3, $0x1;
	[dreg:$0x16] =	wrdreg s0  }
0x12: {  	v3 =	vor.u32 $0x8, v3;
	v2 =	vmul.u32 $0x8, v2;
	s2 =	simm.s32 $0x0;
	v0 =	vmov s22;
	[dreg:$0x17] =	wrdreg s31;
	s5 =	simm.s32 $0xA800  }
.LBB2_1:
0x13: {  	[dreg:$0x18] =	wrdreg s2  }
0x14: {  	s0 =	rddreg [dreg:$0x3]  }
0x15: {  	s1 =	simm.s32 $0x0;
	s22 =	simm.s32 $0x15800;
	s23 =	simm.s32 $0x5  }
0x16: {  	[tilespmem:s22], [sflag:$0x5] =	stream.linear.gather [hbm4b:s0+s1], $0x400, $0x38;
	[tilespmem:$0x16000] =	vst v63  }
0x17: {  	_ =	swait.ge [sflag:s23], $0x400  }
0x18: {  	[sflag:s23] =	ssyncset.done $0x0  }
0x19: {  	[sflag:s23] =	ssyncadd.s32 $0xFFFFFC00  }
0x1a: {  	s3 =	simm.s32 $0x15C00;
	s24 =	rddreg [dreg:$0x4]  }
0x1b: {  	[tilespmem:s3], [sflag:$0x5] =	stream.linear.gather [hbm4b:s24+s1], $0x400, $0x38;
	[tilespmem:$0x16000] =	vst v63  }
0x1c: {  	_ =	swait.ge [sflag:s23], $0x400  }
0x1d: {  	[sflag:s23] =	ssyncset.done $0x0  }
0x1e: {  	s25 =	rddreg [dreg:$0xc];
	[sflag:s23] =	ssyncadd.s32 $0xFFFFFC00  }
0x1f: {  	[tilespmem:s1], [sflag:$0x5] =	stream.linear.gather [hbm4b:s25+s1], $0x200, $0x38;
	[tilespmem:$0x16000] =	vst v63  }
0x20: {  	_ =	swait.ge [sflag:s23], $0x200  }
0x21: {  	[sflag:s23] =	ssyncset.done $0x0  }
0x22: {  	s28 =	simm.s32 $0x200;
	s26 =	rddreg [dreg:$0xd];
	[sflag:s23] =	ssyncadd.s32 $0xFFFFFE00  }
0x23: {  	[tilespmem:s28], [sflag:$0x5] =	stream.linear.gather [hbm4b:s26+s1], $0x200, $0x38;
	[tilespmem:$0x16000] =	vst v63  }
0x24: {  	_ =	swait.ge [sflag:s23], $0x200  }
0x25: {  	[sflag:s23] =	ssyncset.done $0x0  }
0x26: {  	s30 =	simm.s32 $0x400;
	s29 =	rddreg [dreg:$0xe];
	[sflag:s23] =	ssyncadd.s32 $0xFFFFFE00  }
0x27: {  	[tilespmem:s30], [sflag:$0x5] =	stream.linear.gather [hbm4b:s29+s1], $0x200, $0x38;
	[tilespmem:$0x16000] =	vst v63  }
0x28: {  	_ =	swait.ge [sflag:s23], $0x200  }
0x29: {  	[sflag:s23] =	ssyncset.done $0x0  }
0x2a: {  	s31 =	simm.s32 $0x220;
	[sflag:s23] =	ssyncadd.s32 $0xFFFFFE00  }
0x2b: {  	v4 =	vld [tilespmem:s31+$0xFFFFFFE0]  }
0x2c: {  	v6 =	vld [tilespmem:s31+$0x0]  }
0x2d: {  	v5 =	vld [tilespmem:s31+$0x10]  }
0x2e: {  	v7 =	vld [tilespmem:s31+$0xFFFFFFF0];
	_ =	sdelay $0x1  }
0x2f: {  	s0 =	simm.s32 $0x620;
	s1 =	simm.s32 $0x260;
	v8 =	vadd.s32 v0, v4  }
0x30: {  	v4 =	vld [tilespmem:s1+$0xFFFFFFE0];
	v9 =	vadd.s32 v0, v6;
	[tilespmem:s0+$0xFFFFFFE0] =	vst v8  }
0x31: {  	v6 =	vld [tilespmem:s1+$0x0];
	v8 =	vadd.s32 v0, v5;
	[tilespmem:s0+$0x0] =	vst v9  }
0x32: {  	s2 =	simm.s32 $0x4;
	v7 =	vadd.s32 v0, v7;
	v5 =	vld [tilespmem:s1+$0x10];
	[tilespmem:s0+$0x10] =	vst v8  }
.LBB2_2:
0x33: {  	s2 =	sadd.s32 $0x4, s2  }
0x34: {  	v8 =	vld [tilespmem:s1+$0xFFFFFFF0];
	[tilespmem:s0+$0xFFFFFFF0] =	vst v7;
	s0 =	sadd.s32 $0x40, s0;
	p0 =	slt.u32 s2, $0x1C  }
.Ltmp0:
0x35: {  	(pc) =	sbr.rel @p0 .LBB2_2-.Ltmp0, $4  }
0x36: {  	s1 =	sadd.s32 $0x40, s1;
	v7 =	vadd.s32 v0, v4  }
0x37: {  	v4 =	vld [tilespmem:s1+$0xFFFFFFE0];
	[tilespmem:s0+$0xFFFFFFE0] =	vst v7;
	v7 =	vadd.s32 v0, v5  }
0x38: {  	v5 =	vld [tilespmem:s1+$0x10];
	v9 =	vadd.s32 v0, v6;
	[tilespmem:s0+$0x10] =	vst v7  }
0x39: {  	v6 =	vld [tilespmem:s1+$0x0];
	v7 =	vadd.s32 v0, v8;
	[tilespmem:s0+$0x0] =	vst v9  }
0x3a: {  	v8 =	vld [tilespmem:s1+$0xFFFFFFF0];
	_ =	sdelay $0x1  }
0x3b: {  	[tilespmem:s0+$0xFFFFFFF0] =	vst v7;
	s28 =	sadd.s32 $0x40, s0;
	v4 =	vadd.s32 v0, v4  }
0x3c: {  	[tilespmem:s28+$0xFFFFFFE0] =	vst v4;
	v4 =	vadd.s32 v0, v5  }
0x3d: {  	v5 =	vadd.s32 v0, v6;
	[tilespmem:s28+$0x10] =	vst v4  }
0x3e: {  	v4 =	vadd.s32 v0, v8;
	[tilespmem:s28+$0x0] =	vst v5  }
0x3f: {  	[tilespmem:s28+$0xFFFFFFF0] =	vst v4  }
0x40: {  	v4 =	vld [tilespmem:$0x0];
	_ =	sdelay $0x4  }
0x41: {  	v5 =	vshll.u32 v4, $0x3  }
0x42: {  	v4 =	vand.u32 $0x7, v4;
	v5 =	vand.u32 $0xFFFFFFC0, v5  }
0x43: {  	v4 =	vor.u32 v4, v5  }
0x44: {  	v5 =	vperm.xlane v4, v1;
	_ =	sdelay $0x1  }
0x45: {  	v5 =	vadd.s32 v2, v5;
	_ =	sdelay $0x3  }
0x46: {  	s6 =	simm.s32 $0x0;
	s29 =	rddreg [dreg:$0x1];
	s30 =	simm.s32 $0x800  }
0x47: {  	[tilespmem:s30], [sflag:$0x1] =	stream.indirect_vreg.gather [hbm4b:s29+s6], $0x80, v5, vm0, $0xb8;
	[tilespmem:$0x16000] =	vst v63  }
0x48: {  	s2 =	simm.s32 $0x1000;
	s31 =	rddreg [dreg:$0xf];
	v4 =	vperm.xlane v4, v3  }
0x49: {  	[tilespmem:s2], [sflag:$0x1] =	stream.indirect_vreg.gather [hbm4b:s31+s6], $0x80, v5, vm0, $0xb8;
	[tilespmem:$0x16000] =	vst v63  }
0x4a: {  	s3 =	simm.s32 $0x1800;
	s7 =	rddreg [dreg:$0x10];
	v4 =	vadd.s32 v2, v4  }
0x4b: {  	[tilespmem:s3], [sflag:$0x1] =	stream.indirect_vreg.gather [hbm4b:s7+s6], $0x80, v5, vm0, $0xb8;
	[tilespmem:$0x16000] =	vst v63  }
0x4c: {  	s4 =	simm.s32 $0x2000;
	s8 =	rddreg [dreg:$0x11]  }
0x4d: {  	[tilespmem:s4], [sflag:$0x1] =	stream.indirect_vreg.gather [hbm4b:s8+s6], $0x80, v5, vm0, $0xb8;
	[tilespmem:$0x16000] =	vst v63  }
0x4e: {  	s9 =	simm.s32 $0x2800  }
0x4f: {  	[tilespmem:s9], [sflag:$0x1] =	stream.indirect_vreg.gather [hbm4b:s29+s6], $0x80, v4, vm0, $0xb8;
	[tilespmem:$0x16000] =	vst v63  }
0x50: {  	s10 =	simm.s32 $0x3000  }
0x51: {  	[tilespmem:s10], [sflag:$0x1] =	stream.indirect_vreg.gather [hbm4b:s31+s6], $0x80, v4, vm0, $0xb8;
	[tilespmem:$0x16000] =	vst v63  }
0x52: {  	s11 =	simm.s32 $0x3800  }
0x53: {  	[tilespmem:s11], [sflag:$0x1] =	stream.indirect_vreg.gather [hbm4b:s7+s6], $0x80, v4, vm0, $0xb8;
	[tilespmem:$0x16000] =	vst v63  }
0x54: {  	s12 =	simm.s32 $0x4000  }
0x55: {  	[tilespmem:s12], [sflag:$0x1] =	stream.indirect_vreg.gather [hbm4b:s8+s6], $0x80, v4, vm0, $0xb8;
	[tilespmem:$0x16000] =	vst v63  }
0x56: {  	v4 =	vld [tilespmem:$0x600];
	_ =	sdelay $0x4  }
0x57: {  	v5 =	vshll.u32 v4, $0x2  }
0x58: {  	v4 =	vand.u32 $0x7, v4;
	v5 =	vand.u32 $0xFFFFFFE0, v5  }
0x59: {  	v4 =	vor.u32 v4, v5  }
0x5a: {  	v5 =	vperm.xlane v4, v1;
	_ =	sdelay $0x1  }
0x5b: {  	v5 =	vadd.s32 v2, v5;
	_ =	sdelay $0x1  }
0x5c: {  	v4 =	vperm.xlane v4, v3;
	_ =	sdelay $0x1  }
0x5d: {  	s14 =	simm.s32 $0x4800;
	s13 =	rddreg [dreg:$0xb];
	v4 =	vadd.s32 v2, v4  }
0x5e: {  	[tilespmem:s14], [sflag:$0x1] =	stream.indirect_vreg.gather [hbm4b:s13+s6], $0x80, v5, vm0, $0xb8;
	[tilespmem:$0x16000] =	vst v63  }
0x5f: {  	s16 =	simm.s32 $0x5000;
	s15 =	rddreg [dreg:$0x12]  }
0x60: {  	[tilespmem:s16], [sflag:$0x1] =	stream.indirect_vreg.gather [hbm4b:s15+s6], $0x80, v5, vm0, $0xb8;
	[tilespmem:$0x16000] =	vst v63  }
0x61: {  	s17 =	simm.s32 $0x5800  }
0x62: {  	[tilespmem:s17], [sflag:$0x1] =	stream.indirect_vreg.gather [hbm4b:s13+s6], $0x80, v4, vm0, $0xb8;
	[tilespmem:$0x16000] =	vst v63  }
0x63: {  	s18 =	simm.s32 $0x6000  }
0x64: {  	[tilespmem:s18], [sflag:$0x1] =	stream.indirect_vreg.gather [hbm4b:s15+s6], $0x80, v4, vm0, $0xb8;
	[tilespmem:$0x16000] =	vst v63  }
0x65: {  	v4 =	vld [tilespmem:$0x400];
	_ =	sdelay $0x4  }
0x66: {  	v5 =	vshll.u32 v4, $0x3  }
0x67: {  	v4 =	vand.u32 $0x7, v4;
	v5 =	vand.u32 $0xFFFFFFC0, v5  }
0x68: {  	v4 =	vor.u32 v4, v5  }
0x69: {  	v5 =	vperm.xlane v4, v1;
	_ =	sdelay $0x1  }
0x6a: {  	v5 =	vadd.s32 v2, v5;
	_ =	sdelay $0x3  }
0x6b: {  	s19 =	rddreg [dreg:$0x2];
	s20 =	simm.s32 $0x6800  }
0x6c: {  	[tilespmem:s20], [sflag:$0x1] =	stream.indirect_vreg.gather [hbm4b:s19+s6], $0x80, v5, vm0, $0xb8;
	[tilespmem:$0x16000] =	vst v63  }
0x6d: {  	s22 =	simm.s32 $0x7000;
	s21 =	rddreg [dreg:$0x13];
	v4 =	vperm.xlane v4, v3  }
0x6e: {  	[tilespmem:s22], [sflag:$0x1] =	stream.indirect_vreg.gather [hbm4b:s21+s6], $0x80, v5, vm0, $0xb8;
	[tilespmem:$0x16000] =	vst v63  }
0x6f: {  	s24 =	simm.s32 $0x7800;
	s23 =	rddreg [dreg:$0x14];
	v4 =	vadd.s32 v2, v4  }
0x70: {  	[tilespmem:s24], [sflag:$0x1] =	stream.indirect_vreg.gather [hbm4b:s23+s6], $0x80, v5, vm0, $0xb8;
	[tilespmem:$0x16000] =	vst v63  }
0x71: {  	s26 =	simm.s32 $0x8000;
	s25 =	rddreg [dreg:$0x15]  }
0x72: {  	[tilespmem:s26], [sflag:$0x1] =	stream.indirect_vreg.gather [hbm4b:s25+s6], $0x80, v5, vm0, $0xb8;
	[tilespmem:$0x16000] =	vst v63  }
0x73: {  	s28 =	simm.s32 $0x8800  }
0x74: {  	[tilespmem:s28], [sflag:$0x1] =	stream.indirect_vreg.gather [hbm4b:s19+s6], $0x80, v4, vm0, $0xb8;
	[tilespmem:$0x16000] =	vst v63  }
0x75: {  	s29 =	simm.s32 $0x9000  }
0x76: {  	[tilespmem:s29], [sflag:$0x1] =	stream.indirect_vreg.gather [hbm4b:s21+s6], $0x80, v4, vm0, $0xb8;
	[tilespmem:$0x16000] =	vst v63  }
0x77: {  	s30 =	simm.s32 $0x9800  }
0x78: {  	[tilespmem:s30], [sflag:$0x1] =	stream.indirect_vreg.gather [hbm4b:s23+s6], $0x80, v4, vm0, $0xb8;
	[tilespmem:$0x16000] =	vst v63  }
0x79: {  	s1 =	simm.s32 $0x0;
	s31 =	simm.s32 $0xA000  }
0x7a: {  	[tilespmem:s31], [sflag:$0x1] =	stream.indirect_vreg.gather [hbm4b:s25+s6], $0x80, v4, vm0, $0xb8;
	[tilespmem:$0x16000] =	vst v63  }
.LBB2_4:
0x7b: {  	p0 =	seq.s32 s1, $0x0  }
0x7c: {  	s0 =	simm.s32 @!p0 $0x4  }
0x7d: {  	_ =	swait.ge @!p0 [sflag:s0], $0x4000  }
0x7e: {  	s7 =	sshll.u32 s1, $0x5;
	[sflag:s0] =	ssyncset.done @!p0 $0x0  }
0x7f: {  	s28 =	sor.u32 $0x10, s7;
	[sflag:s0] =	ssyncadd.s32 @!p0 $0xFFFFC000  }
0x80: {  	v4 =	vld [tilespmem:s28+$0x0];
	_ =	sdelay $0x4  }
0x81: {  	v5 =	vshll.u32 v4, $0x3  }
0x82: {  	v4 =	vand.u32 $0x7, v4;
	v5 =	vand.u32 $0xFFFFFFC0, v5  }
0x83: {  	v4 =	vor.u32 v4, v5  }
0x84: {  	v5 =	vperm.xlane v4, v1;
	_ =	sdelay $0x1  }
0x85: {  	v5 =	vadd.s32 v2, v5;
	_ =	sdelay $0x3  }
0x86: {  	s6 =	simm.s32 $0x0;
	s29 =	rddreg [dreg:$0x1]  }
0x87: {  	[tilespmem:s5], [sflag:$0x2] =	stream.indirect_vreg.gather [hbm4b:s29+s6], $0x80, v5, vm0, $0xb8;
	[tilespmem:$0x16000] =	vst v63  }
0x88: {  	s2 =	simm.s32 $0xB000;
	s30 =	rddreg [dreg:$0xf];
	v4 =	vperm.xlane v4, v3  }
0x89: {  	[tilespmem:s2], [sflag:$0x2] =	stream.indirect_vreg.gather [hbm4b:s30+s6], $0x80, v5, vm0, $0xb8;
	[tilespmem:$0x16000] =	vst v63  }
0x8a: {  	s3 =	simm.s32 $0xB800;
	s31 =	rddreg [dreg:$0x10];
	v4 =	vadd.s32 v2, v4  }
0x8b: {  	[tilespmem:s3], [sflag:$0x2] =	stream.indirect_vreg.gather [hbm4b:s31+s6], $0x80, v5, vm0, $0xb8;
	[tilespmem:$0x16000] =	vst v63  }
0x8c: {  	s4 =	simm.s32 $0xC000;
	s5 =	rddreg [dreg:$0x11]  }
0x8d: {  	[tilespmem:s4], [sflag:$0x2] =	stream.indirect_vreg.gather [hbm4b:s5+s6], $0x80, v5, vm0, $0xb8;
	[tilespmem:$0x16000] =	vst v63  }
0x8e: {  	s8 =	simm.s32 $0xC800  }
0x8f: {  	[tilespmem:s8], [sflag:$0x2] =	stream.indirect_vreg.gather [hbm4b:s29+s6], $0x80, v4, vm0, $0xb8;
	[tilespmem:$0x16000] =	vst v63  }
0x90: {  	s9 =	simm.s32 $0xD000  }
0x91: {  	[tilespmem:s9], [sflag:$0x2] =	stream.indirect_vreg.gather [hbm4b:s30+s6], $0x80, v4, vm0, $0xb8;
	[tilespmem:$0x16000] =	vst v63  }
0x92: {  	s10 =	simm.s32 $0xD800  }
0x93: {  	[tilespmem:s10], [sflag:$0x2] =	stream.indirect_vreg.gather [hbm4b:s31+s6], $0x80, v4, vm0, $0xb8;
	[tilespmem:$0x16000] =	vst v63  }
0x94: {  	s11 =	simm.s32 $0xE000  }
0x95: {  	[tilespmem:s11], [sflag:$0x2] =	stream.indirect_vreg.gather [hbm4b:s5+s6], $0x80, v4, vm0, $0xb8;
	[tilespmem:$0x16000] =	vst v63  }
0x96: {  	v4 =	vld [tilespmem:s7+$0x610];
	_ =	sdelay $0x4  }
0x97: {  	v5 =	vshll.u32 v4, $0x2  }
0x98: {  	v4 =	vand.u32 $0x7, v4;
	v5 =	vand.u32 $0xFFFFFFE0, v5  }
0x99: {  	v4 =	vor.u32 v4, v5  }
0x9a: {  	v5 =	vperm.xlane v4, v1;
	_ =	sdelay $0x1  }
0x9b: {  	v5 =	vadd.s32 v2, v5;
	_ =	sdelay $0x1  }
0x9c: {  	v4 =	vperm.xlane v4, v3;
	_ =	sdelay $0x1  }
0x9d: {  	s13 =	simm.s32 $0xE800;
	s12 =	rddreg [dreg:$0xb];
	v4 =	vadd.s32 v2, v4  }
0x9e: {  	[tilespmem:s13], [sflag:$0x2] =	stream.indirect_vreg.gather [hbm4b:s12+s6], $0x80, v5, vm0, $0xb8;
	[tilespmem:$0x16000] =	vst v63  }
0x9f: {  	s15 =	simm.s32 $0xF000;
	s14 =	rddreg [dreg:$0x12]  }
0xa0: {  	[tilespmem:s15], [sflag:$0x2] =	stream.indirect_vreg.gather [hbm4b:s14+s6], $0x80, v5, vm0, $0xb8;
	[tilespmem:$0x16000] =	vst v63  }
0xa1: {  	s16 =	simm.s32 $0xF800  }
0xa2: {  	[tilespmem:s16], [sflag:$0x2] =	stream.indirect_vreg.gather [hbm4b:s12+s6], $0x80, v4, vm0, $0xb8;
	[tilespmem:$0x16000] =	vst v63  }
0xa3: {  	s17 =	simm.s32 $0x10000  }
0xa4: {  	[tilespmem:s17], [sflag:$0x2] =	stream.indirect_vreg.gather [hbm4b:s14+s6], $0x80, v4, vm0, $0xb8;
	[tilespmem:$0x16000] =	vst v63  }
0xa5: {  	v4 =	vld [tilespmem:s7+$0x410];
	_ =	sdelay $0x4  }
0xa6: {  	v5 =	vshll.u32 v4, $0x3  }
0xa7: {  	v4 =	vand.u32 $0x7, v4;
	v5 =	vand.u32 $0xFFFFFFC0, v5  }
0xa8: {  	v4 =	vor.u32 v4, v5  }
0xa9: {  	v5 =	vperm.xlane v4, v1;
	_ =	sdelay $0x1  }
0xaa: {  	v5 =	vadd.s32 v2, v5;
	_ =	sdelay $0x3  }
0xab: {  	s19 =	simm.s32 $0x10800;
	s18 =	rddreg [dreg:$0x2]  }
0xac: {  	[tilespmem:s19], [sflag:$0x2] =	stream.indirect_vreg.gather [hbm4b:s18+s6], $0x80, v5, vm0, $0xb8;
	[tilespmem:$0x16000] =	vst v63  }
0xad: {  	s21 =	simm.s32 $0x11000;
	s20 =	rddreg [dreg:$0x13];
	v4 =	vperm.xlane v4, v3  }
0xae: {  	[tilespmem:s21], [sflag:$0x2] =	stream.indirect_vreg.gather [hbm4b:s20+s6], $0x80, v5, vm0, $0xb8;
	[tilespmem:$0x16000] =	vst v63  }
0xaf: {  	s23 =	simm.s32 $0x11800;
	s22 =	rddreg [dreg:$0x14];
	v4 =	vadd.s32 v2, v4  }
0xb0: {  	[tilespmem:s23], [sflag:$0x2] =	stream.indirect_vreg.gather [hbm4b:s22+s6], $0x80, v5, vm0, $0xb8;
	[tilespmem:$0x16000] =	vst v63  }
0xb1: {  	s25 =	simm.s32 $0x12000;
	s24 =	rddreg [dreg:$0x15]  }
0xb2: {  	[tilespmem:s25], [sflag:$0x2] =	stream.indirect_vreg.gather [hbm4b:s24+s6], $0x80, v5, vm0, $0xb8;
	[tilespmem:$0x16000] =	vst v63  }
0xb3: {  	s26 =	simm.s32 $0x12800  }
0xb4: {  	[tilespmem:s26], [sflag:$0x2] =	stream.indirect_vreg.gather [hbm4b:s18+s6], $0x80, v4, vm0, $0xb8;
	[tilespmem:$0x16000] =	vst v63  }
0xb5: {  	[dreg:$0x1a] =	wrdreg s28;
	s28 =	simm.s32 $0x13000  }
0xb6: {  	[tilespmem:s28], [sflag:$0x2] =	stream.indirect_vreg.gather [hbm4b:s20+s6], $0x80, v4, vm0, $0xb8;
	[tilespmem:$0x16000] =	vst v63  }
0xb7: {  	[dreg:$0x19] =	wrdreg s1;
	s29 =	simm.s32 $0x13800  }
0xb8: {  	[tilespmem:s29], [sflag:$0x2] =	stream.indirect_vreg.gather [hbm4b:s22+s6], $0x80, v4, vm0, $0xb8;
	[tilespmem:$0x16000] =	vst v63  }
0xb9: {  	[dreg:$0x1b] =	wrdreg s7;
	s30 =	simm.s32 $0x14000;
	s31 =	simm.s32 $0x1  }
0xba: {  	[tilespmem:s30], [sflag:$0x2] =	stream.indirect_vreg.gather [hbm4b:s24+s6], $0x80, v4, vm0, $0xb8;
	[tilespmem:$0x16000] =	vst v63  }
0xbb: {  	_ =	swait.ge [sflag:s31], $0x4000  }
0xbc: {  	[sflag:s31] =	ssyncset.done $0x0  }
0xbd: {  	[sflag:s31] =	ssyncadd.s32 $0xFFFFC000  }
0xbe: {  	_ =	swait.ge [sflag:s31], $0x2000  }
0xbf: {  	[sflag:s31] =	ssyncset.done $0x0  }
0xc0: {  	[sflag:s31] =	ssyncadd.s32 $0xFFFFE000  }
0xc1: {  	_ =	swait.ge [sflag:s31], $0x4000  }
0xc2: {  	[sflag:s31] =	ssyncset.done $0x0  }
0xc3: {  	s8 =	simm.s32 $0x0;
	s9 =	simm.s32 $0x0;
	[sflag:s31] =	ssyncadd.s32 $0xFFFFC000  }
.LBB2_5:
0xc4: {  	s0 =	sshll.u32 s9, $0xC;
	s1 =	sand.u32 $0x7, s8  }
0xc5: {  	s0 =	sand.u32 $0xFFFF8000, s0;
	s1 =	sshll.u32 s1, $0x9  }
0xc6: {  	s0 =	sor.u32 s1, s0  }
0xc7: {  	s0 =	sshrl.u32 s0, $0x2  }
0xc8: {  	s3 =	sadd.s32 $0x6840, s0  }
0xc9: {  	v9 =	vld [tilespmem:s3+$0x20]  }
0xca: {  	v4 =	vld [tilespmem:s3+$0x30]  }
0xcb: {  	s10 =	sshll.u32 s9, $0x7;
	v5 =	vld [tilespmem:s3+$0x0]  }
0xcc: {  	s29 =	sand.u32 $0x380, s10;
	s19 =	sor.u32 $0x840, s0;
	v6 =	vld [tilespmem:s3+$0x10]  }
0xcd: {  	s30 =	sshll.u32 s9, $0x9;
	v7 =	vmov s29;
	v10 =	vld [tilespmem:s19+$0x20]  }
0xce: {  	s1 =	simm.s32 $0x0;
	s0 =	sand.u32 $0x3FFFF000, s30;
	v15 =	vld [tilespmem:s19+$0x30]  }
0xcf: {  	s31 =	sand.u32 $0xC00, s1;
	s2 =	sadd.s32 $0x4800, s0;
	v16 =	vld [tilespmem:s19+$0x0]  }
0xd0: {  	s4 =	sand.u32 $0x40, s1;
	v17 =	vld [tilespmem:s19+$0x10];
	s0 =	sadd.s32 s31, s2  }
0xd1: {  	v25 =	vld [tilespmem:s19+$0xFFFFFFE0];
	s0 =	sadd.s32 s4, s0  }
0xd2: {  	v11 =	vld.idx.msk [tilespmem:v7+s0+$0x30 ss:$0x1], $0xffff  }
0xd3: {  	v18 =	vld.idx.msk [tilespmem:v7+s0+$0x10 ss:$0x1], $0xffff  }
0xd4: {  	v14 =	vld.idx.msk [tilespmem:v7+s0+$0x20 ss:$0x1], $0xffff  }
0xd5: {  	v24 =	vld.idx.msk [tilespmem:v7+s0+$0x0 ss:$0x1], $0xffff  }
0xd6: {  	v26 =	vld [tilespmem:s19+$0xFFFFFFF0]  }
0xd7: {  	v8 =	vimm.f32 $0.0e+00;
	v12 =	vld [tilespmem:s19+$0xFFFFFFC0]  }
0xd8: {  	v13 =	vld [tilespmem:s19+$0xFFFFFFD0];
	v20 =	vunpack.i.u.bf16.f32 v11;
	v19 =	vunpack.i.l.bf16.f32 v11;
	v27 =	vunpack.i.u.bf16.f32 v18  }
0xd9: {  	v11 =	vld [tilespmem:s3+$0xFFFFFFE0];
	v21 =	vunpack.i.u.bf16.f32 v14;
	v22 =	vunpack.i.l.bf16.f32 v14;
	v18 =	vunpack.i.l.bf16.f32 v18  }
0xda: {  	v14 =	vld [tilespmem:s3+$0xFFFFFFC0];
	v23 =	vunpack.i.u.bf16.f32 v24;
	v19 =	vadd.f32 v10, v19;
	v20 =	vadd.f32 v15, v20  }
0xdb: {  	s12 =	simm.s32 $0x0;
	v24 =	vunpack.i.l.bf16.f32 v24;
	v15 =	vld [tilespmem:s3+$0xFFFFFFD0];
	v22 =	vadd.f32 v16, v22;
	v21 =	vadd.f32 v17, v21  }
0xdc: {  	s7 =	sadd.s32 $0x400, s3;
	s11 =	smov.u32 s19;
	s4 =	simm.s32 $0x0;
	v16 =	vadd.f32 v25, v18;
	v17 =	vadd.f32 v26, v27;
	v18 =	vld [tilespmem:s3+$0xFFFFFFF0];
	v10 =	vimm.f32 $0.0e+00  }
.LBB2_6:
0xdd: {  	v25 =	vld [tilespmem:s7+$0x20];
	v12 =	vadd.f32 v12, v24;
	v13 =	vadd.f32 v13, v23  }
0xde: {  	v19 =	vadd.f32 v9, v19;
	v20 =	vadd.f32 v4, v20;
	v4 =	vld [tilespmem:s7+$0x30]  }
0xdf: {  	v22 =	vadd.f32 v5, v22;
	v21 =	vadd.f32 v6, v21;
	v5 =	vld [tilespmem:s7+$0x0]  }
0xe0: {  	s11 =	sadd.s32 $0x400, s11;
	v9 =	vadd.f32 v14, v12;
	v6 =	vld [tilespmem:s7+$0x10];
	v12 =	vadd.f32 v15, v13;
	[tilespmem:s19+$0x20] =	vst v19  }
0xe1: {  	s1 =	sadd.s32 $0x200, s1;
	v11 =	vadd.f32 v11, v16;
	v15 =	vld [tilespmem:s11+$0x20];
	v13 =	vadd.f32 v18, v17;
	[tilespmem:s19+$0x0] =	vst v22  }
0xe2: {  	s12 =	sadd.s32 $0x40, s12;
	s0 =	sand.u32 $0xC00, s1;
	v14 =	vmul.f32 v9, v9;
	v18 =	vadd.f32 v21, v22;
	v16 =	vld [tilespmem:s11+$0x30];
	[tilespmem:s19+$0xFFFFFFC0] =	vst v9;
	v17 =	vmul.f32 v12, v12  }
0xe3: {  	s3 =	sand.u32 $0x40, s12;
	s0 =	sadd.s32 s0, s2;
	v26 =	vmul.f32 v11, v11;
	v24 =	vld [tilespmem:s11+$0x0];
	[tilespmem:s19+$0xFFFFFFD0] =	vst v12;
	v23 =	vadd.f32 v13, v11;
	v27 =	vmul.f32 v13, v13  }
0xe4: {  	s0 =	sadd.s32 s3, s0;
	v12 =	vadd.f32 v12, v9;
	v9 =	vmov v25;
	v28 =	vld [tilespmem:s11+$0x10];
	v14 =	vadd.f32 v17, v14;
	[tilespmem:s19+$0xFFFFFFE0] =	vst v11  }
0xe5: {  	v22 =	vmul.f32 v22, v22;
	v25 =	vmul.f32 v21, v21;
	v11 =	vld.idx.msk [tilespmem:v7+s0+$0x30 ss:$0x1], $0xffff;
	v17 =	vadd.f32 v27, v26  }
0xe6: {  	v8 =	vadd.f32 v12, v8;
	v26 =	vld.idx.msk [tilespmem:v7+s0+$0x20 ss:$0x1], $0xffff;
	v10 =	vadd.f32 v14, v10;
	[tilespmem:s19+$0xFFFFFFF0] =	vst v13  }
0xe7: {  	v12 =	vadd.f32 v25, v22;
	v13 =	vmul.f32 v19, v19;
	v14 =	vmul.f32 v20, v20;
	v27 =	vld.idx.msk [tilespmem:v7+s0+$0x10 ss:$0x1], $0xffff  }
0xe8: {  	s4 =	sadd.s32 $0x4, s4;
	v8 =	vadd.f32 v23, v8;
	v25 =	vld [tilespmem:s11+$0xFFFFFFE0];
	v10 =	vadd.f32 v17, v10;
	[tilespmem:s19+$0x10] =	vst v21  }
0xe9: {  	p0 =	slt.u32 s4, $0x1C;
	v19 =	vadd.f32 v20, v19;
	v14 =	vadd.f32 v14, v13;
	v17 =	vld.idx.msk [tilespmem:v7+s0+$0x0 ss:$0x1], $0xffff;
	[tilespmem:s19+$0x30] =	vst v20;
	s19 =	smov.u32 s11  }
0xea: {  	v8 =	vadd.f32 v18, v8;
	v29 =	vld [tilespmem:s11+$0xFFFFFFF0];
	v10 =	vadd.f32 v12, v10  }
0xeb: {  	v18 =	vunpack.i.u.bf16.f32 v11;
	v12 =	vld [tilespmem:s11+$0xFFFFFFC0]  }
.Ltmp1:
0xec: {  	v20 =	vunpack.i.l.bf16.f32 v11;
	v8 =	vadd.f32 v19, v8;
	v13 =	vld [tilespmem:s11+$0xFFFFFFD0];
	v10 =	vadd.f32 v14, v10;
	(pc) =	sbr.rel @p0 .LBB2_6-.Ltmp1, $4  }
0xed: {  	v21 =	vunpack.i.u.bf16.f32 v26;
	v22 =	vunpack.i.l.bf16.f32 v26;
	v30 =	vunpack.i.u.bf16.f32 v27;
	v11 =	vld [tilespmem:s7+$0xFFFFFFE0]  }
0xee: {  	v19 =	vadd.f32 v15, v20;
	v20 =	vadd.f32 v16, v18;
	v26 =	vunpack.i.l.bf16.f32 v27;
	v14 =	vld [tilespmem:s7+$0xFFFFFFC0]  }
0xef: {  	v22 =	vadd.f32 v24, v22;
	v21 =	vadd.f32 v28, v21;
	v23 =	vunpack.i.u.bf16.f32 v17;
	v15 =	vld [tilespmem:s7+$0xFFFFFFD0]  }
0xf0: {  	v16 =	vadd.f32 v25, v26;
	v24 =	vunpack.i.l.bf16.f32 v17;
	v17 =	vadd.f32 v29, v30;
	v18 =	vld [tilespmem:s7+$0xFFFFFFF0];
	s7 =	sadd.s32 $0x400, s7  }
0xf1: {  	_ = 	snop  }
0xf2: {  	v7 =	vadd.f32 v12, v24;
	v48 =	vadd.f32 v13, v23  }
0xf3: {  	v9 =	vadd.f32 v9, v19;
	v4 =	vadd.f32 v4, v20  }
0xf4: {  	v7 =	vadd.f32 v14, v7;
	v12 =	vadd.f32 v15, v48  }
0xf5: {  	v5 =	vadd.f32 v5, v22;
	v11 =	vadd.f32 v11, v16  }
0xf6: {  	v49 =	vadd.f32 v18, v17;
	v14 =	vmul.f32 v7, v7;
	v15 =	vmul.f32 v12, v12  }
0xf7: {  	v6 =	vadd.f32 v6, v21;
	v51 =	vadd.f32 v12, v7  }
0xf8: {  	v52 =	vmul.f32 v11, v11;
	v53 =	vmul.f32 v49, v49;
	v14 =	vadd.f32 v15, v14  }
0xf9: {  	v54 =	vmul.f32 v5, v5;
	v17 =	vadd.f32 v49, v11;
	v8 =	vadd.f32 v51, v8  }
0xfa: {  	v21 =	vmul.f32 v6, v6;
	v55 =	vadd.f32 v53, v52;
	v10 =	vadd.f32 v14, v10  }
0xfb: {  	v50 =	vadd.f32 v6, v5;
	v57 =	vmul.f32 v9, v9;
	v8 =	vadd.f32 v17, v8  }
0xfc: {  	v58 =	vmul.f32 v4, v4;
	v56 =	vadd.f32 v21, v54;
	v10 =	vadd.f32 v55, v10  }
0xfd: {  	v59 =	vadd.f32 v4, v9;
	v8 =	vadd.f32 v50, v8  }
0xfe: {  	v15 =	vadd.f32 v58, v57;
	v10 =	vadd.f32 v56, v10  }
0xff: {  	v8 =	vadd.f32 v59, v8  }
0x100: {  	v10 =	vadd.f32 v15, v10  }
0x101: {  	(xrf2) =	vadd.scan.msk.f32 $0xffff, v8  }
0x102: {  	(xrf2) =	vadd.scan.msk.f32 $0xffff, v10;
	_ =	sdelay $0x8  }
0x103: {  	v8, _, _ =	vpop (xrf2)  }
0x104: {  	(v2sf) =	vpush v8, $0xF;
	v60, _, _ =	vpop (xrf2)  }
0x105: {  	(v2sf) =	vpush v60, $0xF;
	_ =	sdelay $0xd  }
0x106: {  	s0 =	spop (v2sf)  }
0x107: {  	s0 =	smul.f32 $9.765625000e-04, s0;
	s1 =	spop (v2sf)  }
0x108: {  	s1 =	smul.f32 $9.765625000e-04, s1  }
0x109: {  	s2 =	smul.f32 s0, s0;
	_ =	sdelay $0x1  }
0x10a: {  	s1 =	ssub.f32 s1, s2;
	_ =	sdelay $0x1  }
0x10b: {  	s1 =	sadd.f32 $9.999999740e-06, s1;
	_ =	sdelay $0x1  }
0x10c: {  	v61 =	vmov s1  }
0x10d: {  	v62 =	vshra.s32 v61, $0x1;
	v8 =	vmul.f32 $5.000000000e-01, v61  }
0x10e: {  	v10 =	vsub.s32 $0x5F3759DF, v62  }
0x10f: {  	v63 =	vmul.f32 v10, v8;
	_ =	sdelay $0x1  }
0x110: {  	v14 =	vmul.f32 v10, v63;
	_ =	sdelay $0x1  }
0x111: {  	v14 =	vsub.f32 $1.500000000e+00, v14;
	_ =	sdelay $0x1  }
0x112: {  	v10 =	vmul.f32 v10, v14;
	_ =	sdelay $0x1  }
0x113: {  	v14 =	vmul.f32 v10, v8;
	_ =	sdelay $0x1  }
0x114: {  	v14 =	vmul.f32 v14, v10;
	_ =	sdelay $0x1  }
0x115: {  	v14 =	vsub.f32 $1.500000000e+00, v14;
	_ =	sdelay $0x1  }
0x116: {  	v10 =	vmul.f32 v14, v10;
	_ =	sdelay $0x1  }
0x117: {  	v14 =	vmul.f32 v10, v8;
	_ =	sdelay $0x1  }
0x118: {  	v14 =	vmul.f32 v14, v10;
	_ =	sdelay $0x1  }
0x119: {  	v14 =	vsub.f32 $1.500000000e+00, v14;
	_ =	sdelay $0x1  }
0x11a: {  	v10 =	vmul.f32 v14, v10  }
0x11b: {  	[tilespmem:s19+$0x20] =	vst v9  }
0x11c: {  	[tilespmem:s19+$0x0] =	vst v5;
	v5 =	vmul.f32 v10, v8  }
0x11d: {  	[tilespmem:s19+$0x10] =	vst v6  }
0x11e: {  	s9 =	sadd.s32 $0x1, s9;
	[tilespmem:s19+$0x30] =	vst v4;
	v5 =	vmul.f32 v5, v10  }
0x11f: {  	p0 =	sne.s32 s9, $0x10;
	[tilespmem:s19+$0xFFFFFFE0] =	vst v11  }
.Ltmp2:
0x120: {  	[tilespmem:s19+$0xFFFFFFC0] =	vst v7;
	v5 =	vsub.f32 $1.500000000e+00, v5;
	(pc) =	sbr.rel @p0 .LBB2_5-.Ltmp2, $4  }
0x121: {  	[tilespmem:s19+$0xFFFFFFD0] =	vst v12  }
0x122: {  	s31 =	sand.u32 $0x3FFFFF80, s10;
	[tilespmem:s19+$0xFFFFFFF0] =	vst v49;
	v4 =	vmov s0;
	v5 =	vmul.f32 v5, v10  }
0x123: {  	[tilespmem:s31+$0x14800] =	vst v4  }
0x124: {  	s8 =	sadd.s32 $0x1, s8;
	[tilespmem:s31+$0x15000] =	vst v5  }
0x125: {  	v9 =	vld [tilespmem:$0x14800]  }
0x126: {  	v7 =	vld [tilespmem:$0x14880]  }
0x127: {  	v6 =	vld [tilespmem:$0x14900]  }
0x128: {  	v10 =	vld [tilespmem:$0x14980]  }
0x129: {  	v8 =	vld [tilespmem:$0x15000]  }
0x12a: {  	v5 =	vld [tilespmem:$0x15080]  }
0x12b: {  	v4 =	vld [tilespmem:$0x15100];
	s1 =	simm.s32 $0x0  }
0x12c: {  	s0 =	simm.s32 $0x15C00;
	v11 =	vld [tilespmem:$0x15180];
	s2 =	sand.u32 $0x60, s1;
	s3 =	sand.u32 $0x1C00, s1  }
0x12d: {  	s4 =	simm.s32 $0x15800;
	v15 =	vld [tilespmem:s0+$0x0];
	s25 =	sadd.s32 $0x800, s3;
	s26 =	sor.u32 $0x10, s2  }
0x12e: {  	v14 =	vld [tilespmem:s4+$0x0];
	s4 =	sor.u32 s26, s25  }
0x12f: {  	s0 =	sor.u32 s2, s25;
	v12 =	vld [tilespmem:s4+$0x180]  }
0x130: {  	v13 =	vld [tilespmem:s0+$0x0]  }
0x131: {  	s1 =	sand.u32 $0x380, s1;
	v16 =	vld [tilespmem:s0+$0x80]  }
0x132: {  	s1 =	sor.u32 s1, s26;
	v17 =	vld [tilespmem:s0+$0x100]  }
0x133: {  	v18 =	vld [tilespmem:s1+$0x15800]  }
0x134: {  	v19 =	vld [tilespmem:s0+$0x180]  }
0x135: {  	v24 =	vld [tilespmem:s1+$0x15C00]  }
0x136: {  	v20 =	vld [tilespmem:s4+$0x0]  }
0x137: {  	s28 =	simm.s32 $0x100;
	s29 =	simm.s32 $0x20;
	v21 =	vld [tilespmem:s4+$0x80]  }
0x138: {  	s5 =	sand.u32 $0x60, s29;
	s1 =	sand.u32 $0x1C00, s28;
	v22 =	vld [tilespmem:s4+$0x100];
	v12 =	vsub.f32 v12, v10  }
0x139: {  	s7 =	sor.u32 $0x10, s5;
	s31 =	sadd.s32 $0x800, s1;
	v13 =	vsub.f32 v13, v9  }
0x13a: {  	s1 =	sor.u32 s7, s31;
	v16 =	vsub.f32 v16, v7;
	v17 =	vsub.f32 v17, v6;
	v12 =	vmul.f32 v12, v11  }
0x13b: {  	s2 =	sor.u32 s5, s31;
	v26 =	vld [tilespmem:s1+$0x180];
	v19 =	vsub.f32 v19, v10;
	v20 =	vsub.f32 v20, v9;
	v13 =	vmul.f32 v13, v8  }
0x13c: {  	v27 =	vld [tilespmem:s2+$0x0];
	v21 =	vsub.f32 v21, v7;
	v16 =	vmul.f32 v16, v5;
	v23 =	vmul.f32 v12, v18  }
0x13d: {  	s30 =	simm.s32 $0x15C20;
	v28 =	vld [tilespmem:s2+$0x80];
	v22 =	vsub.f32 v22, v6;
	v17 =	vmul.f32 v17, v4;
	v25 =	vmul.f32 v13, v14  }
0x13e: {  	s6 =	simm.s32 $0x15820;
	v19 =	vmul.f32 v19, v11;
	v12 =	vld [tilespmem:s30+$0x0];
	v16 =	vmul.f32 v16, v14;
	v23 =	vadd.f32 v23, v24  }
0x13f: {  	s3 =	sand.u32 $0x380, s29;
	v20 =	vmul.f32 v20, v8;
	v13 =	vld [tilespmem:s6+$0x0];
	v17 =	vmul.f32 v17, v14;
	v25 =	vadd.f32 v25, v15  }
0x140: {  	s3 =	sor.u32 s3, s7;
	v21 =	vmul.f32 v21, v5;
	v19 =	vmul.f32 v19, v14;
	v29 =	vadd.f32 v16, v15;
	[tilespmem:s4+$0x180] =	vst v23;
	v23 =	vld [tilespmem:s2+$0x100]  }
0x141: {  	v22 =	vmul.f32 v22, v4;
	v14 =	vld [tilespmem:s3+$0x15800];
	v20 =	vmul.f32 v20, v18;
	v17 =	vadd.f32 v17, v15;
	[tilespmem:s0+$0x0] =	vst v25  }
0x142: {  	v19 =	vadd.f32 v19, v15;
	v16 =	vld [tilespmem:s2+$0x180];
	v25 =	vsub.f32 v26, v10;
	[tilespmem:s0+$0x80] =	vst v29;
	v26 =	vmul.f32 v21, v18  }
0x143: {  	v27 =	vsub.f32 v27, v9;
	v30 =	vmul.f32 v22, v18;
	v15 =	vld [tilespmem:s3+$0x15C00];
	v63 =	vadd.f32 v20, v24;
	[tilespmem:s0+$0x100] =	vst v17  }
0x144: {  	s8 =	simm.s32 $0x15840;
	s9 =	simm.s32 $0x200;
	v20 =	vsub.f32 v28, v7;
	v17 =	vld [tilespmem:s1+$0x0];
	[tilespmem:s0+$0x180] =	vst v19;
	v21 =	vmul.f32 v25, v11;
	v19 =	vadd.f32 v26, v24  }
0x145: {  	s10 =	simm.s32 $0x40;
	s11 =	simm.s32 $0x15C40;
	s7 =	simm.s32 $0x2;
	v22 =	vmul.f32 v27, v8;
	v18 =	vld [tilespmem:s1+$0x80];
	[tilespmem:s4+$0x0] =	vst v63;
	v24 =	vadd.f32 v30, v24;
	v23 =	vsub.f32 v23, v6  }
.LBB2_9:
0x146: {  	s0 =	sand.u32 $0x60, s10;
	s3 =	sand.u32 $0x1C00, s9;
	s7 =	sadd.s32 $0x2, s7;
	v20 =	vmul.f32 v20, v5;
	v25 =	vld [tilespmem:s1+$0x100];
	v21 =	vmul.f32 v21, v14;
	[tilespmem:s4+$0x80] =	vst v19;
	v19 =	vmov v14  }
0x147: {  	v26 =	vld [tilespmem:s11+$0x0];
	s3 =	sadd.s32 $0x800, s3;
	s5 =	sor.u32 $0x10, s0;
	p0 =	slt.u32 s7, $0x3E;
	v14 =	vmul.f32 v22, v13;
	v22 =	vmul.f32 v23, v4;
	v16 =	vsub.f32 v16, v10;
	[tilespmem:s4+$0x100] =	vst v24  }
0x148: {  	s4 =	smov.u32 s1;
	v23 =	vld [tilespmem:s8+$0x0];
	s0 =	sor.u32 s0, s3;
	v20 =	vmul.f32 v20, v13;
	v21 =	vadd.f32 v21, v15;
	v24 =	vmov v15;
	s1 =	sor.u32 s5, s3  }
0x149: {  	v15 =	vld [tilespmem:s1+$0x180];
	v22 =	vmul.f32 v22, v13;
	v16 =	vmul.f32 v16, v11;
	v17 =	vsub.f32 v17, v9  }
0x14a: {  	v14 =	vadd.f32 v14, v12;
	v27 =	vld [tilespmem:s0+$0x0];
	v18 =	vsub.f32 v18, v7;
	[tilespmem:s4+$0x180] =	vst v21  }
0x14b: {  	s3 =	sand.u32 $0x380, s10;
	v21 =	vld [tilespmem:s0+$0x80];
	v30 =	vmul.f32 v16, v13;
	v16 =	vmul.f32 v17, v8;
	v17 =	vsub.f32 v25, v6  }
0x14c: {  	s3 =	sor.u32 s3, s5;
	v20 =	vadd.f32 v20, v12;
	v22 =	vadd.f32 v22, v12;
	v25 =	vld [tilespmem:s0+$0x100];
	[tilespmem:s2+$0x0] =	vst v14;
	v18 =	vmul.f32 v18, v5  }
.Ltmp3:
0x14d: {  	v14 =	vld [tilespmem:s3+$0x15800];
	v28 =	vadd.f32 v30, v12;
	v29 =	vmul.f32 v16, v19;
	v17 =	vmul.f32 v17, v4;
	v12 =	vmovc v26;
	(pc) =	sbr.rel @p0 .LBB2_9-.Ltmp3, $4  }
0x14e: {  	v13 =	vmov v23;
	v16 =	vld [tilespmem:s0+$0x180];
	v26 =	vsub.f32 v15, v10;
	[tilespmem:s2+$0x80] =	vst v20;
	v18 =	vmul.f32 v18, v19  }
0x14f: {  	v23 =	vsub.f32 v27, v9;
	v15 =	vld [tilespmem:s3+$0x15C00];
	[tilespmem:s2+$0x100] =	vst v22;
	v27 =	vadd.f32 v29, v24;
	v29 =	vmul.f32 v17, v19  }
0x150: {  	s8 =	sadd.s32 $0x20, s8;
	v20 =	vsub.f32 v21, v7;
	v17 =	vld [tilespmem:s1+$0x0];
	v21 =	vmul.f32 v26, v11;
	[tilespmem:s2+$0x180] =	vst v28;
	v19 =	vadd.f32 v18, v24;
	s2 =	smov.u32 s0  }
0x151: {  	s9 =	sadd.s32 $0x100, s9;
	s11 =	sadd.s32 $0x20, s11;
	s10 =	sadd.s32 $0x20, s10;
	v22 =	vmul.f32 v23, v8;
	v23 =	vsub.f32 v25, v6;
	v18 =	vld [tilespmem:s1+$0x80];
	[tilespmem:s4+$0x0] =	vst v27;
	v24 =	vadd.f32 v29, v24  }
0x152: {  	v25 =	vld [tilespmem:s1+$0x100]  }
0x153: {  	v20 =	vmul.f32 v20, v5;
	v21 =	vmul.f32 v21, v14  }
0x154: {  	v22 =	vmul.f32 v22, v13;
	v23 =	vmul.f32 v23, v4;
	v10 =	vsub.f32 v16, v10  }
0x155: {  	v16 =	vmul.f32 v20, v13;
	v20 =	vadd.f32 v21, v15;
	v9 =	vsub.f32 v17, v9  }
0x156: {  	[tilespmem:s4+$0x80] =	vst v19;
	v17 =	vmul.f32 v23, v13;
	v10 =	vmul.f32 v10, v11;
	v7 =	vsub.f32 v18, v7  }
0x157: {  	[tilespmem:s4+$0x100] =	vst v24;
	v11 =	vadd.f32 v22, v12;
	v8 =	vmul.f32 v9, v8;
	v6 =	vsub.f32 v25, v6  }
0x158: {  	[tilespmem:s1+$0x180] =	vst v20;
	v9 =	vmul.f32 v10, v13;
	v10 =	vadd.f32 v16, v12;
	v5 =	vmul.f32 v7, v5  }
0x159: {  	[tilespmem:s2+$0x0] =	vst v11;
	v7 =	vadd.f32 v17, v12;
	v8 =	vmul.f32 v8, v14;
	v4 =	vmul.f32 v6, v4  }
0x15a: {  	v6 =	vadd.f32 v9, v12;
	[tilespmem:s2+$0x80] =	vst v10;
	v5 =	vmul.f32 v5, v14  }
0x15b: {  	[tilespmem:s2+$0x100] =	vst v7;
	v7 =	vadd.f32 v8, v15;
	v4 =	vmul.f32 v4, v14  }
0x15c: {  	[tilespmem:s2+$0x180] =	vst v6;
	v5 =	vadd.f32 v5, v15  }
0x15d: {  	[tilespmem:s1+$0x0] =	vst v7;
	v4 =	vadd.f32 v4, v15  }
0x15e: {  	[tilespmem:s1+$0x80] =	vst v5  }
0x15f: {  	[tilespmem:s1+$0x100] =	vst v4  }
0x160: {  	v11 =	vld [tilespmem:$0x14A00]  }
0x161: {  	v10 =	vld [tilespmem:$0x14A80]  }
0x162: {  	v6 =	vld [tilespmem:$0x14B00]  }
0x163: {  	s4 =	simm.s32 $0x0;
	v4 =	vld [tilespmem:$0x14B80]  }
0x164: {  	s0 =	sand.u32 $0x60, s4;
	s16 =	sand.u32 $0x1C00, s4;
	v13 =	vld [tilespmem:$0x15200]  }
0x165: {  	s17 =	sor.u32 $0x10, s0;
	s1 =	sadd.s32 $0x800, s16;
	v14 =	vld [tilespmem:$0x15280]  }
0x166: {  	s5 =	sor.u32 s17, s1;
	v8 =	vld [tilespmem:$0x15300]  }
0x167: {  	s3 =	sand.u32 $0x380, s4;
	v5 =	vld [tilespmem:s5+$0x200]  }
0x168: {  	s19 =	simm.s32 $0x100;
	s21 =	simm.s32 $0x20;
	s3 =	sor.u32 s3, s17;
	v7 =	vld [tilespmem:s5+$0x280]  }
0x169: {  	s20 =	sand.u32 $0x60, s21;
	s22 =	sand.u32 $0x1C00, s19;
	v24 =	vld [tilespmem:s3+$0x15800]  }
0x16a: {  	s23 =	simm.s32 $0x15800;
	s6 =	sadd.s32 $0x800, s22;
	s7 =	sor.u32 $0x10, s20;
	v23 =	vld [tilespmem:s3+$0x15C00]  }
0x16b: {  	s18 =	sor.u32 s0, s1;
	v25 =	vld [tilespmem:s23+$0x0];
	s0 =	sor.u32 s7, s6  }
0x16c: {  	v16 =	vld [tilespmem:s0+$0x200];
	v5 =	vsub.f32 v5, v11  }
0x16d: {  	v9 =	vld [tilespmem:s18+$0x200];
	v7 =	vsub.f32 v7, v10  }
0x16e: {  	s10 =	sand.u32 $0x380, s21;
	v18 =	vld [tilespmem:s0+$0x280];
	v15 =	vmul.f32 v5, v13  }
0x16f: {  	s7 =	sor.u32 s10, s7;
	v12 =	vld [tilespmem:s18+$0x280];
	v7 =	vmul.f32 v7, v14  }
0x170: {  	s31 =	sor.u32 s20, s6;
	v26 =	vld [tilespmem:s7+$0x15800];
	v15 =	vmul.f32 v15, v24  }
0x171: {  	s24 =	sand.u32 $0x3, s4;
	v20 =	vld [tilespmem:s31+$0x200];
	v16 =	vsub.f32 v16, v11;
	v7 =	vmul.f32 v7, v24  }
0x172: {  	s8 =	simm.s32 $0x15C00;
	s3 =	sshll.u32 s24, $0x5;
	v27 =	vld [tilespmem:s7+$0x15C00];
	v17 =	vsub.f32 v9, v11;
	v15 =	vadd.f32 v15, v23  }
0x173: {  	s9 =	sadd.s32 $0x0, s3;
	v9 =	vld [tilespmem:s8+$0x0];
	v18 =	vsub.f32 v18, v10;
	v16 =	vmul.f32 v16, v13;
	v19 =	vadd.f32 v7, v23  }
0x174: {  	s1 =	simm.s32 $0x200;
	s23 =	simm.s32 $0x40;
	s3 =	sadd.s32 $0x10, s9;
	v5 =	vld [tilespmem:$0x15380];
	v17 =	vmul.f32 v17, v13;
	[tilespmem:s5+$0x200] =	vst v15  }
0x175: {  	v21 =	vld [tilespmem:s31+$0x280];
	s13 =	sand.u32 $0x60, s23;
	s14 =	sand.u32 $0x1C00, s1;
	s26 =	sor.u32 $0x300, s3;
	v12 =	vsub.f32 v12, v10;
	v18 =	vmul.f32 v18, v14;
	v16 =	vmul.f32 v16, v26;
	[tilespmem:s5+$0x280] =	vst v19  }
0x176: {  	s11 =	simm.s32 $0x1;
	s15 =	sadd.s32 $0x800, s14;
	s16 =	sor.u32 $0x10, s13;
	v15 =	vmul.f32 v17, v25;
	v17 =	vld [tilespmem:s26+$0x800]  }
0x177: {  	s6 =	sand.u32 $0x3, s11;
	s12 =	sor.u32 $0x300, s9;
	s9 =	sor.u32 s16, s15;
	v12 =	vmul.f32 v12, v14;
	v18 =	vmul.f32 v18, v26;
	v16 =	vadd.f32 v16, v27  }
0x178: {  	s7 =	simm.s32 $0x15820;
	s6 =	sshll.u32 s6, $0x5;
	v28 =	vld [tilespmem:s9+$0x280];
	v19 =	vadd.f32 v15, v9  }
0x179: {  	s25 =	simm.s32 $0x15C20;
	s6 =	sadd.s32 $0x100, s6;
	v12 =	vmul.f32 v12, v25;
	v18 =	vadd.f32 v18, v27;
	[tilespmem:s0+$0x200] =	vst v16;
	v15 =	vld [tilespmem:s7+$0x0]  }
0x17a: {  	s11 =	simm.s32 $0x15840;
	s14 =	sadd.s32 $0x10, s6;
	v21 =	vsub.f32 v21, v10;
	v7 =	vld [tilespmem:s25+$0x0];
	[tilespmem:s18+$0x200] =	vst v19;
	v19 =	vsub.f32 v20, v11  }
0x17b: {  	v22 =	vadd.f32 v12, v9;
	v16 =	vld [tilespmem:s11+$0x0];
	[tilespmem:s0+$0x280] =	vst v18;
	s0 =	sor.u32 $0x300, s14;
	v17 =	vsub.f32 v17, v6  }
0x17c: {  	v18 =	vmul.f32 v21, v14;
	v21 =	vld [tilespmem:s0+$0x800];
	v19 =	vmul.f32 v19, v13  }
0x17d: {  	s17 =	sand.u32 $0x380, s23;
	[tilespmem:s18+$0x280] =	vst v22;
	v20 =	vld [tilespmem:s9+$0x200];
	v17 =	vmul.f32 v17, v8  }
0x17e: {  	s11 =	sor.u32 s17, s16;
	v22 =	vld [tilespmem:s12+$0x800];
	v29 =	vmul.f32 v19, v15  }
0x17f: {  	v31 =	vmul.f32 v18, v15;
	v18 =	vld [tilespmem:s11+$0x15C00];
	v17 =	vmul.f32 v17, v24  }
0x180: {  	s15 =	sor.u32 s13, s15;
	v19 =	vld [tilespmem:s11+$0x15800];
	s11 =	simm.s32 $0x300;
	v29 =	vadd.f32 v29, v7  }
0x181: {  	s10 =	simm.s32 $0x15C40;
	s13 =	simm.s32 $0x60;
	v30 =	vld [tilespmem:s15+$0x200];
	s25 =	sand.u32 $0x1C00, s11;
	v17 =	vadd.f32 v17, v23  }
0x182: {  	s24 =	sand.u32 $0x60, s13;
	v12 =	vld [tilespmem:s10+$0x0];
	v20 =	vsub.f32 v20, v11;
	v31 =	vadd.f32 v31, v7;
	s5 =	sadd.s32 $0x800, s25;
	[tilespmem:s31+$0x200] =	vst v29  }
0x183: {  	s10 =	sor.u32 s24, s5;
	v29 =	vld [tilespmem:s15+$0x280];
	[tilespmem:s26+$0x800] =	vst v17;
	v17 =	vsub.f32 v28, v10  }
0x184: {  	s2 =	sor.u32 $0x300, s6;
	v22 =	vsub.f32 v22, v6;
	v20 =	vmul.f32 v20, v13;
	[tilespmem:s31+$0x280] =	vst v31;
	v54 =	vld [tilespmem:s10+$0x200]  }
0x185: {  	s7 =	sor.u32 $0x380, s3;
	v21 =	vsub.f32 v21, v6;
	v53 =	vld [tilespmem:s2+$0x800];
	v32 =	vmul.f32 v17, v14  }
0x186: {  	s22 =	simm.s32 $0x2;
	s18 =	simm.s32 $0x15860;
	v22 =	vmul.f32 v22, v8;
	v33 =	vmul.f32 v20, v19;
	s26 =	sor.u32 $0x10, s24;
	v28 =	vld [tilespmem:s7+$0x800]  }
0x187: {  	s6 =	sand.u32 $0x3, s22;
	v30 =	vsub.f32 v30, v11;
	v21 =	vmul.f32 v21, v8;
	v20 =	vld [tilespmem:s18+$0x0];
	s17 =	sor.u32 s26, s5;
	v31 =	vmul.f32 v32, v19  }
0x188: {  	s31 =	sshll.u32 s6, $0x5;
	v22 =	vmul.f32 v22, v25;
	v33 =	vadd.f32 v33, v18;
	v34 =	vld [tilespmem:s17+$0x200];
	v29 =	vsub.f32 v29, v10  }
0x189: {  	s20 =	simm.s32 $0x15C60;
	v30 =	vmul.f32 v30, v13;
	v21 =	vmul.f32 v21, v26;
	s6 =	sand.u32 $0x380, s13;
	s3 =	sadd.s32 $0x200, s31;
	v35 =	vld [tilespmem:s17+$0x280];
	v31 =	vadd.f32 v31, v18  }
0x18a: {  	s16 =	sadd.s32 $0x10, s3;
	s5 =	sor.u32 s6, s26;
	v17 =	vld [tilespmem:s20+$0x0];
	v37 =	vadd.f32 v22, v9;
	[tilespmem:s9+$0x200] =	vst v33;
	v29 =	vmul.f32 v29, v14  }
0x18b: {  	v30 =	vmul.f32 v30, v16;
	s18 =	sor.u32 $0x300, s16;
	v28 =	vsub.f32 v28, v4;
	[tilespmem:s9+$0x280] =	vst v31;
	v31 =	vadd.f32 v21, v27;
	v21 =	vld [tilespmem:s5+$0x15800]  }
0x18c: {  	s20 =	sor.u32 s4, s4;
	[tilespmem:s12+$0x800] =	vst v37;
	v32 =	vsub.f32 v53, v6;
	v29 =	vmul.f32 v29, v16;
	v36 =	vld [tilespmem:s18+$0x800]  }
0x18d: {  	v30 =	vadd.f32 v30, v12;
	v22 =	vld [tilespmem:s5+$0x15C00];
	v28 =	vmul.f32 v28, v5;
	s9 =	sor.u32 $0x380, s20;
	[tilespmem:s0+$0x800] =	vst v31;
	v31 =	vsub.f32 v34, v11  }
0x18e: {  	s14 =	sor.u32 $0x380, s14;
	v32 =	vmul.f32 v32, v8;
	v35 =	vsub.f32 v35, v10;
	v29 =	vadd.f32 v29, v12;
	v57 =	vld [tilespmem:s9+$0x800]  }
0x18f: {  	s22 =	simm.s32 $0x15880;
	[tilespmem:s15+$0x200] =	vst v30;
	s25 =	simm.s32 $0x400;
	v24 =	vmul.f32 v28, v24;
	v55 =	vld [tilespmem:s14+$0x800];
	v31 =	vmul.f32 v31, v13  }
0x190: {  	s8 =	sor.u32 $0x300, s3;
	s24 =	simm.s32 $0x15C80;
	s5 =	simm.s32 $0x80;
	v32 =	vmul.f32 v32, v15;
	v30 =	vmul.f32 v35, v14;
	v28 =	vld [tilespmem:s10+$0x280];
	[tilespmem:s15+$0x280] =	vst v29;
	v29 =	vsub.f32 v54, v11  }
0x191: {  	s26 =	simm.s32 $0x3;
	s12 =	sand.u32 $0x1C00, s25;
	s31 =	sand.u32 $0x60, s5;
	v58 =	vadd.f32 v24, v23;
	v23 =	vld [tilespmem:s24+$0x0];
	v56 =	vsub.f32 v36, v6;
	v31 =	vmul.f32 v31, v21  }
0x192: {  	s3 =	sadd.s32 $0x800, s12;
	s20 =	sor.u32 $0x10, s31;
	s15 =	sand.u32 $0x3, s26;
	v59 =	vld [tilespmem:s8+$0x800];
	v30 =	vmul.f32 v30, v21;
	v29 =	vmul.f32 v29, v13  }
0x193: {  	v32 =	vadd.f32 v32, v7;
	s4 =	sor.u32 s20, s3;
	v24 =	vld [tilespmem:s22+$0x0];
	s22 =	sshll.u32 s15, $0x5;
	v35 =	vmul.f32 v56, v8;
	v31 =	vadd.f32 v31, v22  }
0x194: {  	v38 =	vld [tilespmem:s4+$0x200];
	s0 =	sadd.s32 $0x300, s22;
	v30 =	vadd.f32 v30, v22;
	v29 =	vmul.f32 v29, v20;
	v34 =	vsub.f32 v55, v4  }
0x195: {  	s28 =	sor.u32 s31, s3;
	s29 =	sadd.s32 $0x10, s0;
	v36 =	vsub.f32 v57, v4;
	v28 =	vsub.f32 v28, v10;
	v35 =	vmul.f32 v35, v19;
	[tilespmem:s17+$0x200] =	vst v31;
	v31 =	vld [tilespmem:s4+$0x280]  }
0x196: {  	s24 =	sand.u32 $0x380, s5;
	s30 =	sor.u32 $0x300, s29;
	[tilespmem:s17+$0x280] =	vst v30;
	v30 =	vld [tilespmem:s28+$0x200];
	v29 =	vadd.f32 v29, v17;
	v34 =	vmul.f32 v34, v5  }
0x197: {  	s1 =	sor.u32 s1, s23;
	s26 =	sor.u32 s19, s21;
	[tilespmem:s2+$0x800] =	vst v32;
	s3 =	sor.u32 s24, s20;
	v60 =	vmul.f32 v36, v5;
	v28 =	vmul.f32 v28, v14;
	v39 =	vld [tilespmem:s30+$0x800];
	v35 =	vadd.f32 v35, v18  }
0x198: {  	s23 =	sor.u32 $0x380, s1;
	s19 =	sor.u32 $0x380, s26;
	v33 =	vsub.f32 v59, v6;
	[tilespmem:s10+$0x200] =	vst v29;
	v34 =	vmul.f32 v34, v26;
	v26 =	vld [tilespmem:s3+$0x15800]  }
0x199: {  	s12 =	simm.s32 $0x4;
	s31 =	sor.u32 s11, s13;
	s26 =	sor.u32 $0x380, s16;
	v62 =	vsub.f32 v38, v11;
	v63 =	vmul.f32 v28, v20;
	v29 =	vmul.f32 v60, v25;
	v25 =	vld [tilespmem:s19+$0x800];
	[tilespmem:s18+$0x800] =	vst v35  }
0x19a: {  	s11 =	simm.s32 $0x15CA0;
	s13 =	simm.s32 $0x500;
	s5 =	sor.u32 s25, s5;
	v40 =	vmul.f32 v33, v8;
	v61 =	vadd.f32 v34, v27;
	v28 =	vld [tilespmem:s26+$0x800];
	v31 =	vsub.f32 v31, v10  }
0x19b: {  	s2 =	simm.s32 $0x158A0;
	s24 =	sor.u32 $0x380, s31;
	s21 =	sor.u32 $0x380, s5;
	[tilespmem:s7+$0x800] =	vst v58;
	v36 =	vmul.f32 v62, v13;
	v27 =	vld [tilespmem:s3+$0x15C00];
	v34 =	vsub.f32 v30, v11;
	v35 =	vadd.f32 v63, v17  }
0x19c: {  	s7 =	simm.s32 $0x8;
	s1 =	sor.u32 $0x300, s0;
	v30 =	vld [tilespmem:s28+$0x280];
	[tilespmem:s14+$0x800] =	vst v61;
	s14 =	simm.s32 $0xA0;
	v32 =	vsub.f32 v39, v6;
	v33 =	vmul.f32 v31, v14;
	v31 =	vmul.f32 v40, v16  }
.LBB2_11:
0x19d: {  	s0 =	sand.u32 $0x60, s14;
	s3 =	sand.u32 $0x1C00, s13;
	s5 =	sand.u32 $0x3, s12;
	v34 =	vmul.f32 v34, v13;
	v36 =	vmul.f32 v36, v26  }
0x19e: {  	[tilespmem:s10+$0x280] =	vst v35;
	v29 =	vadd.f32 v29, v9;
	v9 =	vmovc v7;
	v7 =	vmovc v12;
	v12 =	vmov v17;
	v17 =	vmov v23;
	v23 =	vld [tilespmem:s11+$0x0];
	s10 =	smov.u32 s28;
	s6 =	smov.u32 s25;
	s25 =	smov.u32 s13  }
0x19f: {  	s7 =	sadd.s32 $0x2, s7;
	s3 =	sadd.s32 $0x800, s3;
	s15 =	sor.u32 $0x10, s0;
	v33 =	vmul.f32 v33, v26;
	v35 =	vld [tilespmem:s1+$0x800];
	v32 =	vmul.f32 v32, v8;
	v28 =	vsub.f32 v28, v4  }
0x1a0: {  	p0 =	slt.u32 s7, $0x3E;
	s5 =	sshll.u32 s5, $0x5;
	v31 =	vadd.f32 v31, v7;
	v37 =	vld [tilespmem:s2+$0x0];
	s16 =	sor.u32 s15, s3;
	v34 =	vmul.f32 v34, v24;
	v36 =	vadd.f32 v36, v27;
	[tilespmem:s9+$0x800] =	vst v29  }
0x1a1: {  	s28 =	sor.u32 s0, s3;
	s0 =	sor.u32 s13, s14;
	s3 =	sadd.s32 s5, s6;
	v29 =	vld [tilespmem:s16+$0x200];
	v33 =	vadd.f32 v33, v27;
	v32 =	vmul.f32 v32, v21;
	v28 =	vmul.f32 v28, v5  }
0x1a2: {  	s0 =	sor.u32 $0x380, s0;
	v30 =	vsub.f32 v30, v10;
	s5 =	sor.u32 $0x300, s3;
	s3 =	sadd.s32 $0x10, s3;
	v38 =	vld [tilespmem:s16+$0x280];
	v34 =	vadd.f32 v34, v17;
	[tilespmem:s4+$0x200] =	vst v36  }
0x1a3: {  	s6 =	sand.u32 $0x380, s14;
	s17 =	sor.u32 $0x300, s3;
	v25 =	vsub.f32 v25, v4;
	v36 =	vld [tilespmem:s28+$0x200];
	[tilespmem:s4+$0x280] =	vst v33;
	v32 =	vadd.f32 v32, v22;
	v28 =	vmul.f32 v28, v19;
	s4 =	smov.u32 s16  }
0x1a4: {  	s9 =	smov.u32 s19;
	s19 =	smov.u32 s23;
	s6 =	sor.u32 s6, s15;
	v30 =	vmul.f32 v30, v14;
	v19 =	vmovc v21;
	v21 =	vmov v26;
	[tilespmem:s10+$0x200] =	vst v34;
	v39 =	vld [tilespmem:s17+$0x800];
	v33 =	vsub.f32 v35, v6  }
.Ltmp4:
0x1a5: {  	s23 =	smov.u32 s24;
	s15 =	sor.u32 $0x380, s29;
	v25 =	vmul.f32 v25, v5;
	v26 =	vld [tilespmem:s6+$0x15800];
	[tilespmem:s30+$0x800] =	vst v32;
	v32 =	vadd.f32 v28, v18;
	v18 =	vmovc v22;
	v22 =	vmov v27;
	(pc) =	sbr.rel @p0 .LBB2_11-.Ltmp4, $4  }
0x1a6: {  	s24 =	smov.u32 s21;
	s21 =	smov.u32 s0;
	v40 =	vmul.f32 v30, v24;
	v35 =	vsub.f32 v29, v11;
	v41 =	vmul.f32 v33, v8;
	v28 =	vld [tilespmem:s15+$0x800];
	[tilespmem:s8+$0x800] =	vst v31;
	s8 =	smov.u32 s1  }
0x1a7: {  	s29 =	smov.u32 s3;
	s30 =	smov.u32 s17;
	v29 =	vmul.f32 v25, v15;
	v15 =	vmovc v16;
	v16 =	vmov v20;
	s1 =	smov.u32 s5;
	v27 =	vld [tilespmem:s6+$0x15C00];
	v31 =	vsub.f32 v38, v10;
	[tilespmem:s26+$0x800] =	vst v32  }
0x1a8: {  	s11 =	sadd.s32 $0x20, s11;
	s2 =	sadd.s32 $0x20, s2;
	v20 =	vmovc v24;
	s26 =	smov.u32 s15;
	v34 =	vsub.f32 v36, v11;
	v30 =	vld [tilespmem:s28+$0x280];
	v36 =	vmul.f32 v35, v13;
	v35 =	vadd.f32 v40, v17  }
0x1a9: {  	s12 =	sadd.s32 $0x1, s12;
	s13 =	sadd.s32 $0x100, s13;
	s14 =	sadd.s32 $0x20, s14;
	v24 =	vmovc v37;
	v33 =	vmul.f32 v31, v14;
	v32 =	vsub.f32 v39, v6;
	v31 =	vmul.f32 v41, v16;
	v25 =	vld [tilespmem:s19+$0x800]  }
0x1aa: {  	_ =	sdelay $0x2  }
0x1ab: {  	v10 =	vsub.f32 v30, v10  }
0x1ac: {  	v11 =	vmul.f32 v34, v13;
	v13 =	vmul.f32 v36, v26  }
0x1ad: {  	s0 =	sand.u32 $0x3, s12;
	v30 =	vmul.f32 v33, v26;
	v10 =	vmul.f32 v10, v14  }
0x1ae: {  	s0 =	sshll.u32 s0, $0x5;
	v11 =	vmul.f32 v11, v24;
	v13 =	vadd.f32 v13, v27  }
0x1af: {  	[tilespmem:s10+$0x280] =	vst v35;
	s0 =	sadd.s32 s0, s25;
	v14 =	vadd.f32 v30, v27;
	v10 =	vmul.f32 v10, v24  }
0x1b0: {  	s2 =	sadd.s32 $0x10, s0;
	v11 =	vadd.f32 v11, v23;
	[tilespmem:s4+$0x200] =	vst v13  }
0x1b1: {  	s3 =	sor.u32 $0x300, s2;
	[tilespmem:s4+$0x280] =	vst v14;
	v10 =	vadd.f32 v10, v23  }
0x1b2: {  	[tilespmem:s28+$0x200] =	vst v11;
	v11 =	vld [tilespmem:s3+$0x800]  }
0x1b3: {  	s0 =	sor.u32 $0x300, s0;
	v13 =	vld [tilespmem:s1+$0x800];
	[tilespmem:s28+$0x280] =	vst v10  }
0x1b4: {  	v10 =	vld [tilespmem:s0+$0x800];
	_ =	sdelay $0x2  }
0x1b5: {  	v14 =	vmul.f32 v32, v8;
	v11 =	vsub.f32 v11, v6  }
0x1b6: {  	v13 =	vsub.f32 v13, v6  }
0x1b7: {  	v14 =	vmul.f32 v14, v21;
	v11 =	vmul.f32 v11, v8;
	v6 =	vsub.f32 v10, v6  }
0x1b8: {  	v10 =	vmul.f32 v13, v8  }
0x1b9: {  	v13 =	vadd.f32 v14, v22;
	v11 =	vmul.f32 v11, v26;
	v6 =	vmul.f32 v6, v8  }
0x1ba: {  	v8 =	vadd.f32 v31, v12;
	v10 =	vmul.f32 v10, v20  }
0x1bb: {  	s14 =	sor.u32 $0x380, s29;
	[tilespmem:s30+$0x800] =	vst v13;
	v11 =	vadd.f32 v11, v27;
	v6 =	vmul.f32 v6, v24  }
0x1bc: {  	v13 =	vld [tilespmem:s14+$0x800];
	[tilespmem:s8+$0x800] =	vst v8;
	v8 =	vadd.f32 v10, v17  }
0x1bd: {  	s2 =	sor.u32 $0x380, s2;
	v10 =	vsub.f32 v28, v4;
	[tilespmem:s3+$0x800] =	vst v11;
	v14 =	vld [tilespmem:s23+$0x800];
	v6 =	vadd.f32 v6, v23  }
0x1be: {  	v11 =	vld [tilespmem:s2+$0x800];
	[tilespmem:s1+$0x800] =	vst v8  }
0x1bf: {  	v8 =	vmul.f32 v10, v5;
	v10 =	vld [tilespmem:s24+$0x800];
	[tilespmem:s0+$0x800] =	vst v6  }
0x1c0: {  	v6 =	vsub.f32 v25, v4;
	v25 =	vld [tilespmem:s21+$0x800]  }
0x1c1: {  	v8 =	vmul.f32 v8, v19;
	v13 =	vsub.f32 v13, v4  }
0x1c2: {  	v9 =	vadd.f32 v29, v9;
	v6 =	vmul.f32 v6, v5;
	v14 =	vsub.f32 v14, v4  }
0x1c3: {  	v8 =	vadd.f32 v8, v18;
	v13 =	vmul.f32 v13, v5;
	v11 =	vsub.f32 v11, v4  }
0x1c4: {  	v6 =	vmul.f32 v6, v15;
	v14 =	vmul.f32 v14, v5;
	v10 =	vsub.f32 v10, v4  }
0x1c5: {  	v13 =	vmul.f32 v13, v21;
	v11 =	vmul.f32 v11, v5;
	v4 =	vsub.f32 v25, v4  }
0x1c6: {  	[tilespmem:s9+$0x800] =	vst v9;
	v6 =	vadd.f32 v6, v7;
	v7 =	vmul.f32 v14, v16;
	v9 =	vmul.f32 v10, v5  }
0x1c7: {  	[tilespmem:s26+$0x800] =	vst v8;
	v8 =	vadd.f32 v13, v22;
	v10 =	vmul.f32 v11, v26;
	v4 =	vmul.f32 v4, v5  }
0x1c8: {  	[tilespmem:s19+$0x800] =	vst v6;
	v5 =	vadd.f32 v7, v12;
	v6 =	vmul.f32 v9, v20  }
0x1c9: {  	[tilespmem:s14+$0x800] =	vst v8;
	v7 =	vadd.f32 v10, v27;
	v4 =	vmul.f32 v4, v24  }
0x1ca: {  	[tilespmem:s23+$0x800] =	vst v5;
	v5 =	vadd.f32 v6, v17  }
0x1cb: {  	s15 =	simm.s32 $0x0;
	[tilespmem:s2+$0x800] =	vst v7;
	v4 =	vadd.f32 v4, v23  }
0x1cc: {  	s11 =	sand.u32 $0x1C00, s15;
	s2 =	sand.u32 $0x60, s15;
	[tilespmem:s24+$0x800] =	vst v5  }
0x1cd: {  	s16 =	sadd.s32 $0x2800, s11;
	s7 =	sor.u32 $0x10, s2;
	[tilespmem:s21+$0x800] =	vst v4  }
0x1ce: {  	s17 =	sor.u32 s7, s16;
	v16 =	vld [tilespmem:$0x14C00]  }
0x1cf: {  	v5 =	vld [tilespmem:s17+$0x0]  }
0x1d0: {  	v13 =	vld [tilespmem:$0x14C80]  }
0x1d1: {  	s0 =	sand.u32 $0x380, s15;
	v17 =	vld [tilespmem:$0x15400]  }
0x1d2: {  	s0 =	sor.u32 s0, s7;
	v7 =	vld [tilespmem:$0x14D00]  }
0x1d3: {  	v25 =	vld [tilespmem:s0+$0x15800]  }
0x1d4: {  	v4 =	vld [tilespmem:$0x14D80];
	v5 =	vsub.f32 v5, v16  }
0x1d5: {  	s5 =	sor.u32 s2, s16;
	v24 =	vld [tilespmem:s0+$0x15C00]  }
0x1d6: {  	v6 =	vld [tilespmem:s5+$0x0];
	v5 =	vmul.f32 v5, v17  }
0x1d7: {  	s18 =	simm.s32 $0x100;
	s6 =	simm.s32 $0x20;
	v14 =	vld [tilespmem:$0x15480]  }
0x1d8: {  	s25 =	sand.u32 $0x1C00, s18;
	s4 =	sand.u32 $0x60, s6;
	s19 =	simm.s32 $0x15800;
	v8 =	vld [tilespmem:$0x15500];
	v9 =	vmul.f32 v5, v25  }
0x1d9: {  	s20 =	simm.s32 $0x15C00;
	s1 =	sor.u32 $0x10, s4;
	s21 =	sadd.s32 $0x2800, s25;
	v26 =	vld [tilespmem:s19+$0x0]  }
0x1da: {  	v27 =	vld [tilespmem:s20+$0x0];
	s22 =	sor.u32 s1, s21;
	v9 =	vadd.f32 v9, v24  }
0x1db: {  	s24 =	sadd.s32 $0x2880, s11;
	v10 =	vld [tilespmem:s22+$0x0];
	v6 =	vsub.f32 v6, v16  }
0x1dc: {  	s26 =	sor.u32 s7, s24;
	v5 =	vld [tilespmem:$0x15580];
	[tilespmem:s17+$0x0] =	vst v9  }
0x1dd: {  	v6 =	vmul.f32 v6, v17;
	v11 =	vld [tilespmem:s26+$0x0]  }
0x1de: {  	s6 =	sand.u32 $0x380, s6  }
0x1df: {  	s6 =	sor.u32 s6, s1;
	v9 =	vmul.f32 v6, v26  }
0x1e0: {  	v6 =	vld [tilespmem:s6+$0x15800]  }
0x1e1: {  	v10 =	vsub.f32 v10, v16;
	v12 =	vadd.f32 v9, v27  }
0x1e2: {  	s8 =	sor.u32 s4, s21;
	v9 =	vld [tilespmem:s6+$0x15C00];
	v11 =	vsub.f32 v11, v13  }
0x1e3: {  	s31 =	sor.u32 s2, s24;
	v15 =	vld [tilespmem:s8+$0x0];
	v10 =	vmul.f32 v10, v17;
	[tilespmem:s5+$0x0] =	vst v12  }
0x1e4: {  	s12 =	simm.s32 $0x40;
	s9 =	simm.s32 $0x200;
	v12 =	vld [tilespmem:s31+$0x0];
	v11 =	vmul.f32 v11, v14  }
0x1e5: {  	s24 =	sand.u32 $0x60, s12;
	s21 =	sand.u32 $0x1C00, s9;
	v18 =	vmul.f32 v10, v6  }
0x1e6: {  	s14 =	simm.s32 $0x15820;
	s23 =	sor.u32 $0x10, s24;
	s16 =	sadd.s32 $0x2800, s21;
	v19 =	vmul.f32 v11, v25  }
0x1e7: {  	s13 =	sor.u32 s23, s16;
	v10 =	vld [tilespmem:s14+$0x0];
	v18 =	vadd.f32 v18, v9  }
0x1e8: {  	s15 =	simm.s32 $0x15C20;
	v20 =	vld [tilespmem:s13+$0x0];
	v15 =	vsub.f32 v15, v16;
	s14 =	sadd.s32 $0x2880, s25;
	v19 =	vadd.f32 v19, v24  }
0x1e9: {  	s17 =	sadd.s32 $0x2900, s11;
	[tilespmem:s22+$0x0] =	vst v18;
	v11 =	vld [tilespmem:s15+$0x0];
	s15 =	sor.u32 s1, s14;
	v12 =	vsub.f32 v12, v13  }
0x1ea: {  	v15 =	vmul.f32 v15, v17;
	s18 =	sor.u32 s7, s17;
	v18 =	vld [tilespmem:s15+$0x0];
	[tilespmem:s26+$0x0] =	vst v19  }
0x1eb: {  	s19 =	sand.u32 $0x380, s12;
	v12 =	vmul.f32 v12, v14;
	v19 =	vld [tilespmem:s18+$0x0]  }
0x1ec: {  	s3 =	sor.u32 s19, s23;
	v21 =	vmul.f32 v15, v10  }
0x1ed: {  	v15 =	vld [tilespmem:s3+$0x15800];
	v22 =	vmul.f32 v12, v26  }
0x1ee: {  	v20 =	vsub.f32 v20, v16;
	v21 =	vadd.f32 v21, v11  }
0x1ef: {  	s5 =	sor.u32 s24, s16;
	v12 =	vld [tilespmem:s3+$0x15C00];
	v18 =	vsub.f32 v18, v13;
	v22 =	vadd.f32 v22, v27  }
0x1f0: {  	v20 =	vmul.f32 v20, v17;
	v23 =	vld [tilespmem:s5+$0x0];
	s6 =	sor.u32 s4, s14;
	[tilespmem:s8+$0x0] =	vst v21;
	v19 =	vsub.f32 v19, v7  }
0x1f1: {  	s0 =	sor.u32 s2, s17;
	v21 =	vld [tilespmem:s6+$0x0];
	v18 =	vmul.f32 v18, v14;
	[tilespmem:s31+$0x0] =	vst v22  }
0x1f2: {  	s22 =	simm.s32 $0x300;
	s26 =	simm.s32 $0x60;
	v20 =	vmul.f32 v20, v15;
	v22 =	vld [tilespmem:s0+$0x0];
	v28 =	vmul.f32 v19, v8  }
0x1f3: {  	s20 =	simm.s32 $0x15840;
	s10 =	sand.u32 $0x1C00, s22;
	s31 =	sand.u32 $0x60, s26;
	v29 =	vmul.f32 v18, v6  }
0x1f4: {  	s9 =	sadd.s32 $0x2800, s10;
	s8 =	simm.s32 $0x15C40;
	s19 =	sor.u32 $0x10, s31;
	v20 =	vadd.f32 v20, v12;
	v19 =	vld [tilespmem:s20+$0x0];
	v28 =	vmul.f32 v28, v25  }
0x1f5: {  	v23 =	vsub.f32 v23, v16;
	v18 =	vld [tilespmem:s8+$0x0];
	s16 =	sor.u32 s19, s9;
	s20 =	sadd.s32 $0x2880, s21;
	v29 =	vadd.f32 v29, v9  }
0x1f6: {  	s17 =	sadd.s32 $0x2900, s25;
	v30 =	vld [tilespmem:s16+$0x0];
	[tilespmem:s13+$0x0] =	vst v20;
	s3 =	sor.u32 s23, s20;
	v20 =	vsub.f32 v21, v13;
	v21 =	vadd.f32 v28, v24  }
0x1f7: {  	s22 =	sadd.s32 $0x2980, s11;
	v23 =	vmul.f32 v23, v17;
	[tilespmem:s15+$0x0] =	vst v29;
	s15 =	sor.u32 s1, s17;
	v22 =	vsub.f32 v22, v7;
	v28 =	vld [tilespmem:s3+$0x0]  }
0x1f8: {  	s11 =	sor.u32 s7, s22;
	s12 =	sand.u32 $0x380, s26;
	v29 =	vmul.f32 v20, v14;
	v31 =	vld [tilespmem:s15+$0x0];
	[tilespmem:s18+$0x0] =	vst v21  }
0x1f9: {  	v23 =	vmul.f32 v23, v19;
	s18 =	sor.u32 s12, s19;
	v21 =	vmul.f32 v22, v8;
	v22 =	vld [tilespmem:s11+$0x0]  }
0x1fa: {  	v29 =	vmul.f32 v29, v10;
	s12 =	sor.u32 s31, s9;
	v20 =	vld [tilespmem:s18+$0x15800]  }
0x1fb: {  	v30 =	vsub.f32 v30, v16;
	v23 =	vadd.f32 v23, v18;
	v54 =	vld [tilespmem:s12+$0x0]  }
0x1fc: {  	s26 =	simm.s32 $0x15860;
	v29 =	vadd.f32 v29, v11;
	v55 =	vmul.f32 v21, v26;
	v21 =	vld [tilespmem:s18+$0x15C00];
	v28 =	vsub.f32 v28, v13  }
0x1fd: {  	s13 =	sor.u32 s24, s20;
	s20 =	smov.u32 s23;
	v30 =	vmul.f32 v30, v17;
	v31 =	vsub.f32 v31, v7;
	[tilespmem:s5+$0x0] =	vst v23;
	v23 =	vld [tilespmem:s26+$0x0]  }
0x1fe: {  	s23 =	sor.u32 s4, s17;
	[tilespmem:s6+$0x0] =	vst v29;
	s5 =	simm.s32 $0x400;
	s6 =	simm.s32 $0x80;
	v56 =	vld [tilespmem:s13+$0x0];
	v33 =	vadd.f32 v55, v27;
	v28 =	vmul.f32 v28, v14  }
0x1ff: {  	s8 =	simm.s32 $0x15C60;
	v31 =	vmul.f32 v31, v8;
	s26 =	sand.u32 $0x60, s6;
	s30 =	sand.u32 $0x1C00, s5;
	v29 =	vmul.f32 v30, v20;
	v30 =	vld [tilespmem:s23+$0x0];
	v57 =	vsub.f32 v22, v4  }
0x200: {  	s22 =	sor.u32 s2, s22;
	s2 =	sadd.s32 $0x2800, s30;
	s29 =	sor.u32 $0x10, s26;
	[tilespmem:s0+$0x0] =	vst v33;
	v32 =	vsub.f32 v54, v16;
	v22 =	vld [tilespmem:s8+$0x0];
	v28 =	vmul.f32 v28, v15  }
0x201: {  	s5 =	sand.u32 $0x380, s6;
	v31 =	vmul.f32 v31, v6;
	s14 =	sor.u32 s29, s2;
	v33 =	vld [tilespmem:s22+$0x0];
	v29 =	vadd.f32 v29, v21;
	v59 =	vmul.f32 v57, v5  }
0x202: {  	s9 =	sadd.s32 $0x2880, s10;
	s5 =	sor.u32 s5, s29;
	v58 =	vld [tilespmem:s14+$0x0];
	v32 =	vmul.f32 v32, v17;
	v28 =	vadd.f32 v28, v12  }
0x203: {  	s7 =	sor.u32 s19, s9;
	s8 =	smov.u32 s10;
	v31 =	vadd.f32 v31, v9;
	[tilespmem:s16+$0x0] =	vst v29;
	v29 =	vsub.f32 v56, v13;
	s16 =	sadd.s32 $0x2900, s21;
	v62 =	vmul.f32 v59, v25;
	v25 =	vld [tilespmem:s5+$0x15800]  }
0x204: {  	s10 =	smov.u32 s21;
	s21 =	sadd.s32 $0x2980, s25;
	v60 =	vld [tilespmem:s7+$0x0];
	[tilespmem:s3+$0x0] =	vst v28;
	s28 =	sor.u32 s20, s16;
	v28 =	vsub.f32 v30, v7  }
0x205: {  	[tilespmem:s15+$0x0] =	vst v31;
	v30 =	vmul.f32 v32, v23;
	s25 =	sor.u32 s1, s21;
	v29 =	vmul.f32 v29, v14;
	v61 =	vld [tilespmem:s28+$0x0]  }
0x206: {  	v31 =	vsub.f32 v33, v4;
	v63 =	vld [tilespmem:s25+$0x0];
	v28 =	vmul.f32 v28, v8  }
0x207: {  	v36 =	vsub.f32 v58, v16;
	v30 =	vadd.f32 v30, v22;
	v29 =	vmul.f32 v29, v19  }
0x208: {  	s18 =	sor.u32 s26, s2;
	v33 =	vadd.f32 v62, v24;
	v24 =	vld [tilespmem:s5+$0x15C00];
	v37 =	vmul.f32 v31, v5;
	v28 =	vmul.f32 v28, v10  }
0x209: {  	s17 =	smov.u32 s19;
	s1 =	sor.u32 s31, s9;
	v31 =	vld [tilespmem:s18+$0x0];
	v36 =	vmul.f32 v36, v17;
	[tilespmem:s12+$0x0] =	vst v30;
	v35 =	vsub.f32 v60, v13;
	v29 =	vadd.f32 v29, v18  }
0x20a: {  	s19 =	smov.u32 s31;
	s15 =	simm.s32 $0x15C80;
	[tilespmem:s11+$0x0] =	vst v33;
	s11 =	simm.s32 $0x15880;
	v37 =	vmul.f32 v37, v26;
	v30 =	vld [tilespmem:s1+$0x0];
	v32 =	vsub.f32 v61, v7;
	v38 =	vadd.f32 v28, v11  }
0x20b: {  	s9 =	smov.u32 s24;
	s2 =	sor.u32 s24, s16;
	s4 =	sor.u32 s4, s21;
	v26 =	vld [tilespmem:s11+$0x0];
	v34 =	vmul.f32 v36, v25;
	v28 =	vsub.f32 v63, v4;
	[tilespmem:s13+$0x0] =	vst v29  }
0x20c: {  	s16 =	simm.s32 $0xA0;
	s12 =	simm.s32 $0x8;
	v33 =	vmul.f32 v35, v14;
	v27 =	vadd.f32 v37, v27;
	s13 =	simm.s32 $0x500;
	[tilespmem:s23+$0x0] =	vst v38;
	v29 =	vld [tilespmem:s2+$0x0];
	v32 =	vmul.f32 v32, v8  }
.LBB2_13:
0x20d: {  	s3 =	sand.u32 $0x60, s16;
	s24 =	smov.u32 s20;
	s20 =	sand.u32 $0x1C00, s13  }
0x20e: {  	s12 =	sadd.s32 $0x2, s12;
	s0 =	smov.u32 s2;
	s21 =	smov.u32 s4;
	v33 =	vmul.f32 v33, v20  }
0x20f: {  	v35 =	vld [tilespmem:s4+$0x0];
	v36 =	vmov v22;
	s5 =	sadd.s32 $0x2880, s30;
	s23 =	sadd.s32 $0x2900, s8;
	s11 =	sadd.s32 $0x20, s11;
	v28 =	vmul.f32 v28, v5;
	[tilespmem:s22+$0x0] =	vst v27;
	v31 =	vsub.f32 v31, v16  }
0x210: {  	s13 =	sadd.s32 $0x100, s13;
	v27 =	vmovc v23;
	s4 =	sadd.s32 $0x2800, s20;
	s6 =	sor.u32 $0x10, s3;
	v32 =	vmul.f32 v32, v15;
	v33 =	vadd.f32 v33, v21;
	v23 =	vadd.f32 v34, v24  }
0x211: {  	[dreg:$0x7] =	wrdreg s0;
	p0 =	slt.u32 s12, $0x3E;
	v22 =	vld [tilespmem:s15+$0x0];
	s0 =	sor.u32 s6, s4;
	v28 =	vmul.f32 v28, v6;
	v6 =	vmovc v15;
	v38 =	vsub.f32 v30, v13;
	v31 =	vmul.f32 v31, v17  }
0x212: {  	s31 =	sor.u32 s26, s5;
	s5 =	sor.u32 s29, s5;
	s2 =	sor.u32 s19, s23;
	v58 =	vld [tilespmem:s0+$0x0];
	v30 =	vadd.f32 v32, v12;
	v15 =	vmovc v20;
	v20 =	vmov v25;
	v29 =	vsub.f32 v29, v7;
	[tilespmem:s14+$0x0] =	vst v23  }
0x213: {  	s23 =	sor.u32 s17, s23;
	s22 =	sor.u32 s3, s4;
	v28 =	vadd.f32 v28, v9;
	v25 =	vmul.f32 v31, v26;
	s14 =	sadd.s32 $0x2980, s10;
	v31 =	vmul.f32 v38, v14;
	v59 =	vld [tilespmem:s5+$0x0];
	[tilespmem:s7+$0x0] =	vst v33  }
0x214: {  	s15 =	sadd.s32 $0x20, s15;
	s10 =	sand.u32 $0x380, s16;
	v29 =	vmul.f32 v29, v8;
	s24 =	sor.u32 s24, s14;
	v33 =	vld [tilespmem:s23+$0x0];
	[tilespmem:s28+$0x0] =	vst v30;
	v30 =	vsub.f32 v35, v4  }
0x215: {  	s16 =	sadd.s32 $0x20, s16;
	s4 =	sor.u32 s9, s14;
	s14 =	sor.u32 s10, s6;
	v23 =	vmov v26;
	v26 =	vmul.f32 v31, v27;
	v37 =	vld [tilespmem:s24+$0x0];
	[tilespmem:s25+$0x0] =	vst v28  }
0x216: {  	s9 =	smov.u32 s19;
	s19 =	smov.u32 s26;
	s26 =	smov.u32 s3;
	v60 =	vadd.f32 v25, v22;
	v29 =	vmul.f32 v29, v19;
	v25 =	vld [tilespmem:s14+$0x15800];
	v28 =	vmul.f32 v30, v5  }
.Ltmp5:
0x217: {  	v9 =	vmovc v12;
	v12 =	vmovc v21;
	v21 =	vmov v24;
	s10 =	smov.u32 s8;
	s8 =	smov.u32 s30;
	v31 =	vld [tilespmem:s22+$0x0];
	v30 =	vsub.f32 v58, v16;
	v61 =	vadd.f32 v26, v36;
	(pc) =	sbr.rel @p0 .LBB2_13-.Ltmp5, $4  }
0x218: {  	s30 =	smov.u32 s20;
	s20 =	smov.u32 s17;
	s17 =	smov.u32 s29;
	[tilespmem:s18+$0x0] =	vst v60;
	v24 =	vld [tilespmem:s14+$0x15C00];
	v40 =	vadd.f32 v29, v18;
	v32 =	vsub.f32 v59, v13;
	v62 =	vmul.f32 v28, v10  }
0x219: {  	s29 =	smov.u32 s6;
	s7 =	smov.u32 s5;
	s28 =	smov.u32 s23;
	v26 =	vld [tilespmem:s11+$0x0];
	v10 =	vmovc v19;
	v63 =	vmul.f32 v30, v17;
	v19 =	vmov v27;
	v39 =	vsub.f32 v33, v7  }
0x21a: {  	s25 =	smov.u32 s24;
	v30 =	vld [tilespmem:s31+$0x0];
	[tilespmem:s1+$0x0] =	vst v61;
	s1 =	smov.u32 s31;
	s31 =	rddreg [dreg:$0x7];
	v33 =	vmul.f32 v32, v14;
	v28 =	vsub.f32 v37, v4;
	v27 =	vadd.f32 v62, v11  }
0x21b: {  	s18 =	smov.u32 s22;
	s22 =	smov.u32 s21;
	s14 =	smov.u32 s0;
	v29 =	vld [tilespmem:s2+$0x0];
	[tilespmem:s31+$0x0] =	vst v40;
	v11 =	vmovc v18;
	v18 =	vmov v36;
	v34 =	vmul.f32 v63, v25;
	v32 =	vmul.f32 v39, v8  }
0x21c: {  	v16 =	vsub.f32 v31, v16  }
0x21d: {  	v31 =	vld [tilespmem:s15+$0x0]  }
0x21e: {  	v16 =	vmul.f32 v16, v17;
	_ =	sdelay $0x1  }
0x21f: {  	v16 =	vmul.f32 v16, v26  }
0x220: {  	v17 =	vadd.f32 v34, v24  }
0x221: {  	s0 =	sadd.s32 $0x2880, s30;
	v16 =	vadd.f32 v16, v31  }
0x222: {  	s3 =	sor.u32 s29, s0;
	[tilespmem:s14+$0x0] =	vst v17  }
0x223: {  	s0 =	sor.u32 s26, s0;
	v17 =	vld [tilespmem:s3+$0x0];
	[tilespmem:s18+$0x0] =	vst v16  }
0x224: {  	v16 =	vld [tilespmem:s0+$0x0];
	_ =	sdelay $0x2  }
0x225: {  	v30 =	vsub.f32 v30, v13  }
0x226: {  	v17 =	vsub.f32 v17, v13  }
0x227: {  	v30 =	vmul.f32 v30, v14;
	v13 =	vsub.f32 v16, v13  }
0x228: {  	v17 =	vmul.f32 v17, v14;
	v16 =	vmul.f32 v33, v20  }
0x229: {  	v30 =	vmul.f32 v30, v23;
	v13 =	vmul.f32 v13, v14  }
0x22a: {  	v14 =	vadd.f32 v16, v21;
	v16 =	vmul.f32 v17, v25  }
0x22b: {  	s5 =	sadd.s32 $0x2900, s8;
	v17 =	vadd.f32 v30, v22;
	v13 =	vmul.f32 v13, v26  }
0x22c: {  	s6 =	sor.u32 s17, s5;
	[tilespmem:s7+$0x0] =	vst v14;
	v14 =	vadd.f32 v16, v24  }
0x22d: {  	s13 =	sadd.s32 $0x2900, s30;
	s5 =	sor.u32 s19, s5;
	[tilespmem:s1+$0x0] =	vst v17;
	v16 =	vld [tilespmem:s6+$0x0];
	v13 =	vadd.f32 v13, v31  }
0x22e: {  	s14 =	sor.u32 s29, s13;
	v17 =	vld [tilespmem:s5+$0x0];
	[tilespmem:s3+$0x0] =	vst v14  }
0x22f: {  	s1 =	sor.u32 s26, s13;
	v14 =	vld [tilespmem:s14+$0x0];
	[tilespmem:s0+$0x0] =	vst v13  }
0x230: {  	v13 =	vld [tilespmem:s1+$0x0]  }
0x231: {  	v29 =	vsub.f32 v29, v7  }
0x232: {  	v16 =	vsub.f32 v16, v7  }
0x233: {  	v29 =	vmul.f32 v29, v8;
	v17 =	vsub.f32 v17, v7  }
0x234: {  	v30 =	vmul.f32 v32, v15;
	v16 =	vmul.f32 v16, v8;
	v14 =	vsub.f32 v14, v7  }
0x235: {  	v29 =	vmul.f32 v29, v19;
	v17 =	vmul.f32 v17, v8;
	v7 =	vsub.f32 v13, v7  }
0x236: {  	v30 =	vadd.f32 v30, v12;
	v13 =	vld [tilespmem:s4+$0x0];
	v16 =	vmul.f32 v16, v20;
	v14 =	vmul.f32 v14, v8  }
0x237: {  	s15 =	sadd.s32 $0x2980, s10;
	v29 =	vadd.f32 v29, v18;
	v17 =	vmul.f32 v17, v23;
	v7 =	vmul.f32 v7, v8  }
0x238: {  	s16 =	sor.u32 s20, s15;
	[tilespmem:s28+$0x0] =	vst v30;
	v8 =	vadd.f32 v16, v21;
	v14 =	vmul.f32 v14, v25  }
0x239: {  	s18 =	sadd.s32 $0x2980, s8;
	[tilespmem:s2+$0x0] =	vst v29;
	s0 =	sor.u32 s9, s15;
	v16 =	vld [tilespmem:s16+$0x0];
	v17 =	vadd.f32 v17, v22;
	v7 =	vmul.f32 v7, v26  }
0x23a: {  	s20 =	sor.u32 s17, s18;
	v29 =	vld [tilespmem:s0+$0x0];
	[tilespmem:s6+$0x0] =	vst v8;
	v8 =	vadd.f32 v14, v24  }
0x23b: {  	s21 =	sadd.s32 $0x2980, s30;
	s2 =	sor.u32 s19, s18;
	[tilespmem:s5+$0x0] =	vst v17;
	v13 =	vsub.f32 v13, v4;
	v14 =	vld [tilespmem:s20+$0x0];
	v7 =	vadd.f32 v7, v31  }
0x23c: {  	s23 =	sor.u32 s29, s21;
	v17 =	vmul.f32 v28, v5;
	v28 =	vld [tilespmem:s2+$0x0];
	[tilespmem:s14+$0x0] =	vst v8  }
0x23d: {  	s5 =	sor.u32 s26, s21;
	v8 =	vmul.f32 v13, v5;
	v13 =	vld [tilespmem:s23+$0x0];
	[tilespmem:s1+$0x0] =	vst v7  }
0x23e: {  	v6 =	vmul.f32 v17, v6;
	v7 =	vsub.f32 v16, v4;
	v16 =	vld [tilespmem:s5+$0x0]  }
0x23f: {  	v8 =	vmul.f32 v8, v10;
	v10 =	vsub.f32 v29, v4  }
0x240: {  	v6 =	vadd.f32 v6, v9;
	v7 =	vmul.f32 v7, v5;
	v9 =	vsub.f32 v14, v4  }
0x241: {  	v8 =	vadd.f32 v8, v11;
	v10 =	vmul.f32 v10, v5;
	v11 =	vsub.f32 v28, v4  }
0x242: {  	v7 =	vmul.f32 v7, v15;
	v9 =	vmul.f32 v9, v5;
	v13 =	vsub.f32 v13, v4  }
0x243: {  	[tilespmem:s22+$0x0] =	vst v27;
	v10 =	vmul.f32 v10, v19;
	v11 =	vmul.f32 v11, v5;
	v4 =	vsub.f32 v16, v4  }
0x244: {  	[tilespmem:s25+$0x0] =	vst v6;
	v6 =	vadd.f32 v7, v12;
	v7 =	vmul.f32 v9, v20;
	v9 =	vmul.f32 v13, v5  }
0x245: {  	[tilespmem:s4+$0x0] =	vst v8;
	v8 =	vadd.f32 v10, v18;
	v10 =	vmul.f32 v11, v23;
	v4 =	vmul.f32 v4, v5  }
0x246: {  	[tilespmem:s16+$0x0] =	vst v6;
	v5 =	vadd.f32 v7, v21;
	v6 =	vmul.f32 v9, v25  }
0x247: {  	[tilespmem:s0+$0x0] =	vst v8;
	v7 =	vadd.f32 v10, v22;
	v4 =	vmul.f32 v4, v26  }
0x248: {  	[tilespmem:s20+$0x0] =	vst v5;
	v5 =	vadd.f32 v6, v24  }
0x249: {  	s24 =	simm.s32 $0x0;
	[tilespmem:s2+$0x0] =	vst v7;
	v4 =	vadd.f32 v4, v31  }
0x24a: {  	s11 =	sand.u32 $0x1C00, s24;
	s2 =	sand.u32 $0x60, s24;
	[tilespmem:s23+$0x0] =	vst v5  }
0x24b: {  	s25 =	sadd.s32 $0x2A00, s11;
	s7 =	sor.u32 $0x10, s2;
	[tilespmem:s5+$0x0] =	vst v4  }
0x24c: {  	s26 =	sor.u32 s7, s25;
	v16 =	vld [tilespmem:$0x14E00]  }
0x24d: {  	v5 =	vld [tilespmem:s26+$0x0]  }
0x24e: {  	v13 =	vld [tilespmem:$0x14E80]  }
0x24f: {  	s0 =	sand.u32 $0x380, s24;
	v17 =	vld [tilespmem:$0x15600]  }
0x250: {  	s0 =	sor.u32 s0, s7;
	v7 =	vld [tilespmem:$0x14F00]  }
0x251: {  	v25 =	vld [tilespmem:s0+$0x15800]  }
0x252: {  	s31 =	sor.u32 s2, s25;
	v24 =	vld [tilespmem:s0+$0x15C00];
	v5 =	vsub.f32 v5, v16  }
0x253: {  	v6 =	vld [tilespmem:s31+$0x0]  }
0x254: {  	v4 =	vld [tilespmem:$0x14F80];
	v5 =	vmul.f32 v5, v17  }
0x255: {  	s8 =	simm.s32 $0x100;
	s9 =	simm.s32 $0x20;
	v14 =	vld [tilespmem:$0x15680]  }
0x256: {  	s10 =	simm.s32 $0x15800;
	s4 =	sand.u32 $0x60, s9;
	s25 =	sand.u32 $0x1C00, s8;
	v8 =	vld [tilespmem:$0x15700];
	v9 =	vmul.f32 v5, v25  }
0x257: {  	s12 =	simm.s32 $0x15C00;
	s1 =	sor.u32 $0x10, s4;
	s13 =	sadd.s32 $0x2A00, s25;
	v26 =	vld [tilespmem:s10+$0x0]  }
0x258: {  	v27 =	vld [tilespmem:s12+$0x0];
	s14 =	sor.u32 s1, s13;
	v6 =	vsub.f32 v6, v16;
	v9 =	vadd.f32 v9, v24  }
0x259: {  	s15 =	sadd.s32 $0x2A80, s11;
	v10 =	vld [tilespmem:s14+$0x0]  }
0x25a: {  	s16 =	sor.u32 s7, s15;
	v6 =	vmul.f32 v6, v17;
	v5 =	vld [tilespmem:$0x15780];
	[tilespmem:s26+$0x0] =	vst v9  }
0x25b: {  	s6 =	sand.u32 $0x380, s9;
	v11 =	vld [tilespmem:s16+$0x0]  }
0x25c: {  	s6 =	sor.u32 s6, s1;
	v9 =	vmul.f32 v6, v26  }
0x25d: {  	v6 =	vld [tilespmem:s6+$0x15800]  }
0x25e: {  	v10 =	vsub.f32 v10, v16;
	v12 =	vadd.f32 v9, v27  }
0x25f: {  	s8 =	sor.u32 s4, s13;
	v9 =	vld [tilespmem:s6+$0x15C00]  }
0x260: {  	s17 =	sor.u32 s2, s15;
	v15 =	vld [tilespmem:s8+$0x0];
	v10 =	vmul.f32 v10, v17;
	[tilespmem:s31+$0x0] =	vst v12;
	v11 =	vsub.f32 v11, v13  }
0x261: {  	s18 =	simm.s32 $0x200;
	s19 =	simm.s32 $0x40;
	v12 =	vld [tilespmem:s17+$0x0]  }
0x262: {  	s9 =	sand.u32 $0x1C00, s18;
	s24 =	sand.u32 $0x60, s19;
	v18 =	vmul.f32 v10, v6;
	v11 =	vmul.f32 v11, v14  }
0x263: {  	s21 =	sadd.s32 $0x2A00, s9;
	s23 =	sor.u32 $0x10, s24;
	s12 =	simm.s32 $0x15820  }
0x264: {  	s13 =	sor.u32 s23, s21;
	v10 =	vld [tilespmem:s12+$0x0];
	v18 =	vadd.f32 v18, v9;
	v19 =	vmul.f32 v11, v25  }
0x265: {  	s20 =	simm.s32 $0x15C20;
	s22 =	sadd.s32 $0x2A80, s25;
	v20 =	vld [tilespmem:s13+$0x0];
	v15 =	vsub.f32 v15, v16  }
0x266: {  	s26 =	sor.u32 s1, s22;
	[tilespmem:s14+$0x0] =	vst v18;
	v11 =	vld [tilespmem:s20+$0x0];
	v12 =	vsub.f32 v12, v13;
	v19 =	vadd.f32 v19, v24  }
0x267: {  	v15 =	vmul.f32 v15, v17;
	s31 =	sadd.s32 $0x2B00, s11;
	v18 =	vld [tilespmem:s26+$0x0]  }
0x268: {  	s6 =	sand.u32 $0x380, s19;
	s18 =	sor.u32 s7, s31;
	v12 =	vmul.f32 v12, v14;
	[tilespmem:s16+$0x0] =	vst v19  }
0x269: {  	s3 =	sor.u32 s6, s23;
	v21 =	vmul.f32 v15, v10;
	v19 =	vld [tilespmem:s18+$0x0]  }
0x26a: {  	v15 =	vld [tilespmem:s3+$0x15800];
	v22 =	vmul.f32 v12, v26  }
0x26b: {  	v20 =	vsub.f32 v20, v16;
	v21 =	vadd.f32 v21, v11  }
0x26c: {  	s5 =	sor.u32 s24, s21;
	v12 =	vld [tilespmem:s3+$0x15C00];
	v18 =	vsub.f32 v18, v13;
	v22 =	vadd.f32 v22, v27  }
0x26d: {  	v23 =	vld [tilespmem:s5+$0x0];
	v20 =	vmul.f32 v20, v17;
	s6 =	sor.u32 s4, s22;
	[tilespmem:s8+$0x0] =	vst v21  }
0x26e: {  	s0 =	sor.u32 s2, s31;
	v18 =	vmul.f32 v18, v14;
	v21 =	vld [tilespmem:s6+$0x0];
	[tilespmem:s17+$0x0] =	vst v22;
	v19 =	vsub.f32 v19, v7  }
0x26f: {  	s10 =	simm.s32 $0x15840;
	s12 =	simm.s32 $0x300;
	s14 =	simm.s32 $0x60;
	v20 =	vmul.f32 v20, v15;
	v22 =	vld [tilespmem:s0+$0x0]  }
0x270: {  	s19 =	sand.u32 $0x1C00, s12;
	v29 =	vmul.f32 v18, v6;
	v28 =	vmul.f32 v19, v8;
	v19 =	vld [tilespmem:s10+$0x0];
	s10 =	sand.u32 $0x60, s14  }
0x271: {  	s20 =	sadd.s32 $0x2A00, s19;
	s17 =	simm.s32 $0x15C40;
	v20 =	vadd.f32 v20, v12;
	s28 =	sor.u32 $0x10, s10  }
0x272: {  	v23 =	vsub.f32 v23, v16;
	s22 =	sadd.s32 $0x2A80, s9;
	v18 =	vld [tilespmem:s17+$0x0];
	v29 =	vadd.f32 v29, v9;
	v28 =	vmul.f32 v28, v25;
	s16 =	sor.u32 s28, s20  }
0x273: {  	s21 =	sadd.s32 $0x2B00, s25;
	s3 =	sor.u32 s23, s22;
	[tilespmem:s13+$0x0] =	vst v20;
	v20 =	vsub.f32 v21, v13;
	v30 =	vld [tilespmem:s16+$0x0]  }
0x274: {  	v23 =	vmul.f32 v23, v17;
	s31 =	sor.u32 s1, s21;
	s12 =	sand.u32 $0x380, s14;
	[tilespmem:s26+$0x0] =	vst v29;
	v21 =	vadd.f32 v28, v24;
	v28 =	vld [tilespmem:s3+$0x0]  }
0x275: {  	v22 =	vsub.f32 v22, v7;
	v31 =	vld [tilespmem:s31+$0x0];
	s8 =	sor.u32 s12, s28;
	v29 =	vmul.f32 v20, v14  }
0x276: {  	s26 =	sadd.s32 $0x2B80, s11;
	s12 =	sor.u32 s10, s20;
	v20 =	vld [tilespmem:s8+$0x15800];
	v23 =	vmul.f32 v23, v19  }
0x277: {  	s11 =	sor.u32 s7, s26;
	v56 =	vld [tilespmem:s12+$0x0];
	v29 =	vmul.f32 v29, v10;
	[tilespmem:s18+$0x0] =	vst v21;
	v21 =	vmul.f32 v22, v8  }
0x278: {  	s17 =	simm.s32 $0x400;
	v22 =	vld [tilespmem:s11+$0x0];
	v23 =	vadd.f32 v23, v18;
	v30 =	vsub.f32 v30, v16  }
0x279: {  	s30 =	sand.u32 $0x1C00, s17;
	s14 =	simm.s32 $0x15860;
	s18 =	simm.s32 $0x80;
	v29 =	vadd.f32 v29, v11;
	v57 =	vmul.f32 v21, v26;
	v21 =	vld [tilespmem:s8+$0x15C00];
	v28 =	vsub.f32 v28, v13  }
0x27a: {  	s13 =	sor.u32 s24, s22;
	s22 =	sor.u32 s2, s26;
	s26 =	sand.u32 $0x60, s18;
	[tilespmem:s5+$0x0] =	vst v23;
	v23 =	vld [tilespmem:s14+$0x0];
	v30 =	vmul.f32 v30, v17  }
0x27b: {  	s15 =	sor.u32 s4, s21;
	s2 =	sadd.s32 $0x2A00, s30;
	v31 =	vsub.f32 v31, v7;
	s29 =	sor.u32 $0x10, s26;
	[tilespmem:s6+$0x0] =	vst v29;
	v58 =	vld [tilespmem:s13+$0x0];
	v33 =	vadd.f32 v57, v27;
	v28 =	vmul.f32 v28, v14  }
0x27c: {  	s14 =	sor.u32 s29, s2;
	v29 =	vmul.f32 v30, v20;
	v30 =	vld [tilespmem:s15+$0x0]  }
0x27d: {  	v31 =	vmul.f32 v31, v8;
	v36 =	vld [tilespmem:s14+$0x0];
	[tilespmem:s0+$0x0] =	vst v33;
	v28 =	vmul.f32 v28, v15  }
0x27e: {  	s21 =	simm.s32 $0x15C60;
	v32 =	vsub.f32 v56, v16;
	v33 =	vld [tilespmem:s22+$0x0];
	v29 =	vadd.f32 v29, v21  }
0x27f: {  	s6 =	sadd.s32 $0x2A80, s19;
	v31 =	vmul.f32 v31, v6;
	v35 =	vsub.f32 v22, v4;
	v22 =	vld [tilespmem:s21+$0x0];
	v28 =	vadd.f32 v28, v12  }
0x280: {  	v32 =	vmul.f32 v32, v17;
	s7 =	sor.u32 s28, s6;
	[tilespmem:s16+$0x0] =	vst v29;
	v29 =	vsub.f32 v58, v13;
	s16 =	sadd.s32 $0x2B00, s9  }
0x281: {  	s17 =	smov.u32 s28;
	s5 =	sand.u32 $0x380, s18;
	v31 =	vadd.f32 v31, v9;
	v59 =	vmul.f32 v35, v5;
	v60 =	vld [tilespmem:s7+$0x0];
	[tilespmem:s3+$0x0] =	vst v28;
	s28 =	sor.u32 s23, s16;
	v28 =	vsub.f32 v30, v7  }
0x282: {  	s20 =	smov.u32 s23;
	s5 =	sor.u32 s5, s29;
	s23 =	sadd.s32 $0x2B80, s25;
	v30 =	vmul.f32 v32, v23;
	v29 =	vmul.f32 v29, v14;
	v61 =	vld [tilespmem:s28+$0x0]  }
0x283: {  	[tilespmem:s31+$0x0] =	vst v31;
	v62 =	vmul.f32 v59, v25;
	v25 =	vld [tilespmem:s5+$0x15800];
	s25 =	sor.u32 s1, s23;
	v31 =	vsub.f32 v33, v4;
	v28 =	vmul.f32 v28, v8  }
0x284: {  	v36 =	vsub.f32 v36, v16;
	v63 =	vld [tilespmem:s25+$0x0];
	v30 =	vadd.f32 v30, v22;
	v29 =	vmul.f32 v29, v19  }
0x285: {  	s18 =	sor.u32 s26, s2;
	v33 =	vadd.f32 v62, v24;
	v24 =	vld [tilespmem:s5+$0x15C00];
	v37 =	vmul.f32 v31, v5;
	v28 =	vmul.f32 v28, v10  }
0x286: {  	s8 =	smov.u32 s19;
	v36 =	vmul.f32 v36, v17;
	s1 =	sor.u32 s10, s6;
	v31 =	vld [tilespmem:s18+$0x0];
	[tilespmem:s12+$0x0] =	vst v30;
	v35 =	vsub.f32 v60, v13;
	v29 =	vadd.f32 v29, v18  }
0x287: {  	s19 =	smov.u32 s10;
	s21 =	smov.u32 s24;
	[tilespmem:s11+$0x0] =	vst v33;
	s11 =	simm.s32 $0x15880;
	v37 =	vmul.f32 v37, v26;
	v30 =	vld [tilespmem:s1+$0x0];
	v32 =	vsub.f32 v61, v7;
	v38 =	vadd.f32 v28, v11  }
0x288: {  	s2 =	sor.u32 s24, s16;
	s16 =	simm.s32 $0xA0;
	s4 =	sor.u32 s4, s23;
	v34 =	vmul.f32 v36, v25;
	v26 =	vld [tilespmem:s11+$0x0];
	v33 =	vmul.f32 v35, v14;
	[tilespmem:s13+$0x0] =	vst v29  }
0x289: {  	s12 =	simm.s32 $0x8;
	v28 =	vsub.f32 v63, v4;
	v27 =	vadd.f32 v37, v27;
	s13 =	simm.s32 $0x500;
	[tilespmem:s15+$0x0] =	vst v38;
	s15 =	simm.s32 $0x15C80;
	v29 =	vld [tilespmem:s2+$0x0];
	v32 =	vmul.f32 v32, v8  }
.LBB2_15:
0x28a: {  	s3 =	sand.u32 $0x60, s16  }
0x28b: {  	s24 =	smov.u32 s20;
	s20 =	sand.u32 $0x1C00, s13;
	s12 =	sadd.s32 $0x2, s12  }
0x28c: {  	s0 =	smov.u32 s2;
	s10 =	smov.u32 s4;
	s5 =	sadd.s32 $0x2A80, s30;
	v33 =	vmul.f32 v33, v20  }
0x28d: {  	v35 =	vld [tilespmem:s4+$0x0];
	v36 =	vmov v22;
	s23 =	sadd.s32 $0x2B00, s8;
	s9 =	sadd.s32 $0x2B80, s9;
	s11 =	sadd.s32 $0x20, s11;
	v28 =	vmul.f32 v28, v5;
	[tilespmem:s22+$0x0] =	vst v27;
	v31 =	vsub.f32 v31, v16  }
0x28e: {  	s13 =	sadd.s32 $0x100, s13;
	v27 =	vmovc v23;
	s4 =	sadd.s32 $0x2A00, s20;
	s6 =	sor.u32 $0x10, s3;
	v32 =	vmul.f32 v32, v15;
	v23 =	vadd.f32 v34, v24;
	v33 =	vadd.f32 v33, v21  }
0x28f: {  	[dreg:$0x8] =	wrdreg s0;
	p0 =	slt.u32 s12, $0x3E;
	v22 =	vld [tilespmem:s15+$0x0];
	s31 =	sor.u32 s6, s4;
	v28 =	vmul.f32 v28, v6;
	v6 =	vmovc v15;
	v38 =	vsub.f32 v30, v13;
	v31 =	vmul.f32 v31, v17  }
0x290: {  	s0 =	sor.u32 s26, s5;
	s5 =	sor.u32 s29, s5;
	s2 =	sor.u32 s19, s23;
	v58 =	vld [tilespmem:s31+$0x0];
	v30 =	vadd.f32 v32, v12;
	v15 =	vmovc v20;
	v20 =	vmov v25;
	v29 =	vsub.f32 v29, v7;
	[tilespmem:s14+$0x0] =	vst v23  }
0x291: {  	s23 =	sor.u32 s17, s23;
	s24 =	sor.u32 s24, s9;
	s22 =	sor.u32 s3, s4;
	v28 =	vadd.f32 v28, v9;
	v25 =	vmul.f32 v31, v26;
	v59 =	vld [tilespmem:s5+$0x0];
	[tilespmem:s7+$0x0] =	vst v33;
	v31 =	vmul.f32 v38, v14  }
0x292: {  	s4 =	sor.u32 s21, s9;
	s21 =	smov.u32 s19;
	s14 =	sand.u32 $0x380, s16;
	v29 =	vmul.f32 v29, v8;
	v33 =	vld [tilespmem:s23+$0x0];
	[tilespmem:s28+$0x0] =	vst v30;
	v30 =	vsub.f32 v35, v4  }
0x293: {  	s19 =	smov.u32 s26;
	s26 =	smov.u32 s3;
	s14 =	sor.u32 s14, s6;
	v23 =	vmov v26;
	v37 =	vld [tilespmem:s24+$0x0];
	[tilespmem:s25+$0x0] =	vst v28;
	v26 =	vmul.f32 v31, v27  }
0x294: {  	s9 =	smov.u32 s8;
	s8 =	smov.u32 s30;
	s30 =	smov.u32 s20;
	v60 =	vadd.f32 v25, v22;
	v29 =	vmul.f32 v29, v19;
	v25 =	vld [tilespmem:s14+$0x15800];
	v28 =	vmul.f32 v30, v5  }
.Ltmp6:
0x295: {  	s20 =	smov.u32 s17;
	s17 =	smov.u32 s29;
	v9 =	vmovc v12;
	v12 =	vmovc v21;
	v21 =	vmov v24;
	v31 =	vld [tilespmem:s22+$0x0];
	v30 =	vsub.f32 v58, v16;
	v61 =	vadd.f32 v26, v36;
	(pc) =	sbr.rel @p0 .LBB2_15-.Ltmp6, $4  }
0x296: {  	s29 =	smov.u32 s6;
	s15 =	sadd.s32 $0x20, s15;
	s9 =	smov.u32 s9;
	v24 =	vld [tilespmem:s14+$0x15C00];
	[tilespmem:s18+$0x0] =	vst v60;
	v40 =	vadd.f32 v29, v18;
	v32 =	vsub.f32 v59, v13;
	v62 =	vmul.f32 v28, v10  }
0x297: {  	s16 =	sadd.s32 $0x20, s16;
	s7 =	smov.u32 s5;
	s28 =	smov.u32 s23;
	v10 =	vmovc v19;
	v63 =	vmul.f32 v30, v17;
	v30 =	vld [tilespmem:s0+$0x0];
	v19 =	vmov v27;
	v39 =	vsub.f32 v33, v7  }
0x298: {  	s25 =	smov.u32 s24;
	s14 =	smov.u32 s31;
	s31 =	rddreg [dreg:$0x8];
	v26 =	vld [tilespmem:s11+$0x0];
	[tilespmem:s1+$0x0] =	vst v61;
	v33 =	vmul.f32 v32, v14;
	v28 =	vsub.f32 v37, v4;
	v27 =	vadd.f32 v62, v11  }
0x299: {  	s18 =	smov.u32 s22;
	s22 =	smov.u32 s10;
	s1 =	smov.u32 s0;
	v29 =	vld [tilespmem:s2+$0x0];
	[tilespmem:s31+$0x0] =	vst v40;
	v11 =	vmovc v18;
	v18 =	vmov v36;
	v34 =	vmul.f32 v63, v25;
	v32 =	vmul.f32 v39, v8  }
0x29a: {  	v16 =	vsub.f32 v31, v16  }
0x29b: {  	v31 =	vld [tilespmem:s15+$0x0]  }
0x29c: {  	v16 =	vmul.f32 v16, v17;
	_ =	sdelay $0x1  }
0x29d: {  	v63 =	vadd.f32 v34, v24;
	v16 =	vmul.f32 v16, v26  }
0x29e: {  	s0 =	sadd.s32 $0x2A80, s30  }
0x29f: {  	s3 =	sor.u32 s29, s0;
	[tilespmem:s14+$0x0] =	vst v63;
	v16 =	vadd.f32 v16, v31  }
0x2a0: {  	v17 =	vld [tilespmem:s3+$0x0]  }
0x2a1: {  	s0 =	sor.u32 s26, s0;
	[tilespmem:s18+$0x0] =	vst v16  }
0x2a2: {  	v30 =	vsub.f32 v30, v13;
	v16 =	vld [tilespmem:s0+$0x0];
	_ =	sdelay $0x1  }
0x2a3: {  	v30 =	vmul.f32 v30, v14  }
0x2a4: {  	v35 =	vmul.f32 v33, v20;
	v17 =	vsub.f32 v17, v13  }
0x2a5: {  	v30 =	vmul.f32 v30, v23  }
0x2a6: {  	v36 =	vadd.f32 v35, v21;
	v17 =	vmul.f32 v17, v14;
	v34 =	vsub.f32 v16, v13  }
0x2a7: {  	s5 =	sadd.s32 $0x2B00, s8;
	v38 =	vadd.f32 v30, v22  }
0x2a8: {  	s6 =	sor.u32 s17, s5;
	[tilespmem:s7+$0x0] =	vst v36;
	v37 =	vmul.f32 v17, v25;
	v13 =	vmul.f32 v34, v14  }
0x2a9: {  	s5 =	sor.u32 s19, s5;
	v40 =	vld [tilespmem:s6+$0x0];
	[tilespmem:s1+$0x0] =	vst v38  }
0x2aa: {  	v17 =	vld [tilespmem:s5+$0x0];
	v39 =	vadd.f32 v37, v24;
	v13 =	vmul.f32 v13, v26  }
0x2ab: {  	s15 =	sadd.s32 $0x2B00, s30  }
0x2ac: {  	s16 =	sor.u32 s29, s15;
	[tilespmem:s3+$0x0] =	vst v39;
	v13 =	vadd.f32 v13, v31  }
0x2ad: {  	v29 =	vsub.f32 v29, v7;
	v14 =	vld [tilespmem:s16+$0x0]  }
0x2ae: {  	s1 =	sor.u32 s26, s15;
	v16 =	vsub.f32 v40, v7;
	[tilespmem:s0+$0x0] =	vst v13  }
0x2af: {  	v29 =	vmul.f32 v29, v8;
	v17 =	vsub.f32 v17, v7;
	v13 =	vld [tilespmem:s1+$0x0]  }
0x2b0: {  	v16 =	vmul.f32 v16, v8  }
0x2b1: {  	v29 =	vmul.f32 v29, v19;
	v17 =	vmul.f32 v17, v8  }
0x2b2: {  	v16 =	vmul.f32 v16, v20;
	v14 =	vsub.f32 v14, v7  }
0x2b3: {  	v29 =	vadd.f32 v29, v18;
	v17 =	vmul.f32 v17, v23  }
0x2b4: {  	v43 =	vld [tilespmem:s4+$0x0];
	s18 =	sadd.s32 $0x2B80, s9;
	v44 =	vadd.f32 v16, v21;
	v14 =	vmul.f32 v14, v8;
	v42 =	vsub.f32 v13, v7  }
0x2b5: {  	v41 =	vmul.f32 v32, v15;
	[tilespmem:s2+$0x0] =	vst v29;
	s0 =	sor.u32 s21, s18;
	s21 =	sadd.s32 $0x2B80, s8;
	v17 =	vadd.f32 v17, v22  }
0x2b6: {  	[tilespmem:s6+$0x0] =	vst v44;
	v29 =	vld [tilespmem:s0+$0x0];
	s23 =	sor.u32 s17, s21;
	v14 =	vmul.f32 v14, v25;
	v7 =	vmul.f32 v42, v8  }
0x2b7: {  	v30 =	vadd.f32 v41, v12;
	s2 =	sor.u32 s19, s21;
	v47 =	vld [tilespmem:s23+$0x0];
	[tilespmem:s5+$0x0] =	vst v17  }
0x2b8: {  	v49 =	vld [tilespmem:s2+$0x0];
	v46 =	vadd.f32 v14, v24;
	v7 =	vmul.f32 v7, v26  }
0x2b9: {  	s24 =	sadd.s32 $0x2B80, s30;
	s20 =	sor.u32 s20, s18;
	[tilespmem:s28+$0x0] =	vst v30;
	v13 =	vsub.f32 v43, v4  }
0x2ba: {  	v48 =	vmul.f32 v28, v5;
	s28 =	sor.u32 s29, s24;
	v45 =	vld [tilespmem:s20+$0x0];
	[tilespmem:s16+$0x0] =	vst v46;
	v7 =	vadd.f32 v7, v31  }
0x2bb: {  	v50 =	vmul.f32 v13, v5;
	v51 =	vld [tilespmem:s28+$0x0]  }
0x2bc: {  	v6 =	vmul.f32 v48, v6;
	s5 =	sor.u32 s26, s24;
	v54 =	vsub.f32 v29, v4;
	v55 =	vsub.f32 v47, v4;
	[tilespmem:s1+$0x0] =	vst v7  }
0x2bd: {  	v8 =	vmul.f32 v50, v10;
	v56 =	vsub.f32 v49, v4;
	v53 =	vld [tilespmem:s5+$0x0]  }
0x2be: {  	v6 =	vadd.f32 v6, v9;
	v9 =	vmul.f32 v55, v5;
	v10 =	vmul.f32 v54, v5  }
0x2bf: {  	v52 =	vsub.f32 v45, v4;
	v8 =	vadd.f32 v8, v11;
	v11 =	vmul.f32 v56, v5  }
0x2c0: {  	v58 =	vmul.f32 v9, v20;
	v10 =	vmul.f32 v10, v19;
	v13 =	vsub.f32 v51, v4  }
0x2c1: {  	[tilespmem:s22+$0x0] =	vst v27;
	v7 =	vmul.f32 v52, v5;
	v61 =	vmul.f32 v11, v23  }
0x2c2: {  	[tilespmem:s25+$0x0] =	vst v6;
	v60 =	vadd.f32 v10, v18;
	v59 =	vmul.f32 v13, v5;
	v4 =	vsub.f32 v53, v4  }
0x2c3: {  	[tilespmem:s4+$0x0] =	vst v8;
	v7 =	vmul.f32 v7, v15;
	v63 =	vadd.f32 v61, v22  }
0x2c4: {  	[tilespmem:s0+$0x0] =	vst v60;
	v62 =	vmul.f32 v59, v25;
	v4 =	vmul.f32 v4, v5;
	v5 =	vadd.f32 v58, v21  }
0x2c5: {  	v57 =	vadd.f32 v7, v12;
	[tilespmem:s2+$0x0] =	vst v63  }
0x2c6: {  	[tilespmem:s23+$0x0] =	vst v5;
	v5 =	vadd.f32 v62, v24  }
0x2c7: {  	[tilespmem:s20+$0x0] =	vst v57  }
0x2c8: {  	v4 =	vmul.f32 v4, v26;
	[tilespmem:s28+$0x0] =	vst v5  }
0x2c9: {  	s3 =	rddreg [dreg:$0x19]  }
0x2ca: {  	v4 =	vadd.f32 v4, v31;
	p0 =	seq.s32 s3, $0xF  }
.Ltmp7:
0x2cb: {  	_ = 	snop;
	(pc) =	sbr.rel @p0 .LBB2_18-.Ltmp7, $4  }
0x2cc: {  	[tilespmem:s5+$0x0] =	vst v4  }
0x2cd: {  	s29 =	sshll.u32 s3, $0xC;
	s1 =	rddreg [dreg:$0x16]  }
0x2ce: {  	s30 =	simm.s32 $0x0;
	s31 =	simm.s32 $0x800;
	s0 =	sadd.s32 s29, s1  }
0x2cf: {  	[hbm4b:s0+s30] =	stream.linear.scatter [tilespmem:s31], [sflag:$0x3], $0x4000, $0x38;
	[tilespmem:$0x16000] =	vst v63  }
0x2d0: {  	s0 =	simm.s32 $0x3  }
0x2d1: {  	_ =	swait.ge [sflag:s0], $0x4000  }
0x2d2: {  	[sflag:s0] =	ssyncset.done $0x0  }
0x2d3: {  	s6 =	rddreg [dreg:$0x1b];
	[sflag:s0] =	ssyncadd.s32 $0xFFFFC000  }
0x2d4: {  	v4 =	vld [tilespmem:s6+$0x20];
	_ =	sdelay $0x4  }
0x2d5: {  	v5 =	vshll.u32 v4, $0x3  }
0x2d6: {  	v4 =	vand.u32 $0x7, v4;
	v5 =	vand.u32 $0xFFFFFFC0, v5  }
0x2d7: {  	v4 =	vor.u32 v4, v5  }
0x2d8: {  	v5 =	vperm.xlane v4, v1;
	_ =	sdelay $0x1  }
0x2d9: {  	v5 =	vadd.s32 v2, v5;
	_ =	sdelay $0x3  }
0x2da: {  	s1 =	simm.s32 $0x0;
	s2 =	simm.s32 $0x800;
	s0 =	rddreg [dreg:$0x1]  }
0x2db: {  	[tilespmem:s2], [sflag:$0x1] =	stream.indirect_vreg.gather [hbm4b:s0+s1], $0x80, v5, vm0, $0xb8;
	[tilespmem:$0x16000] =	vst v63  }
0x2dc: {  	s3 =	simm.s32 $0x1000;
	s31 =	rddreg [dreg:$0xf];
	v4 =	vperm.xlane v4, v3  }
0x2dd: {  	[tilespmem:s3], [sflag:$0x1] =	stream.indirect_vreg.gather [hbm4b:s31+s1], $0x80, v5, vm0, $0xb8;
	[tilespmem:$0x16000] =	vst v63  }
0x2de: {  	s4 =	simm.s32 $0x1800;
	s7 =	rddreg [dreg:$0x10];
	v4 =	vadd.s32 v2, v4  }
0x2df: {  	[tilespmem:s4], [sflag:$0x1] =	stream.indirect_vreg.gather [hbm4b:s7+s1], $0x80, v5, vm0, $0xb8;
	[tilespmem:$0x16000] =	vst v63  }
0x2e0: {  	s5 =	simm.s32 $0x2000;
	s8 =	rddreg [dreg:$0x11]  }
0x2e1: {  	[tilespmem:s5], [sflag:$0x1] =	stream.indirect_vreg.gather [hbm4b:s8+s1], $0x80, v5, vm0, $0xb8;
	[tilespmem:$0x16000] =	vst v63  }
0x2e2: {  	s9 =	simm.s32 $0x2800  }
0x2e3: {  	[tilespmem:s9], [sflag:$0x1] =	stream.indirect_vreg.gather [hbm4b:s0+s1], $0x80, v4, vm0, $0xb8;
	[tilespmem:$0x16000] =	vst v63  }
0x2e4: {  	s10 =	simm.s32 $0x3000  }
0x2e5: {  	[tilespmem:s10], [sflag:$0x1] =	stream.indirect_vreg.gather [hbm4b:s31+s1], $0x80, v4, vm0, $0xb8;
	[tilespmem:$0x16000] =	vst v63  }
0x2e6: {  	s11 =	simm.s32 $0x3800  }
0x2e7: {  	[tilespmem:s11], [sflag:$0x1] =	stream.indirect_vreg.gather [hbm4b:s7+s1], $0x80, v4, vm0, $0xb8;
	[tilespmem:$0x16000] =	vst v63  }
0x2e8: {  	s12 =	simm.s32 $0x4000  }
0x2e9: {  	[tilespmem:s12], [sflag:$0x1] =	stream.indirect_vreg.gather [hbm4b:s8+s1], $0x80, v4, vm0, $0xb8;
	[tilespmem:$0x16000] =	vst v63  }
0x2ea: {  	v4 =	vld [tilespmem:s6+$0x620];
	_ =	sdelay $0x4  }
0x2eb: {  	v5 =	vshll.u32 v4, $0x2  }
0x2ec: {  	v4 =	vand.u32 $0x7, v4;
	v5 =	vand.u32 $0xFFFFFFE0, v5  }
0x2ed: {  	v4 =	vor.u32 v4, v5  }
0x2ee: {  	v5 =	vperm.xlane v4, v1;
	_ =	sdelay $0x1  }
0x2ef: {  	v5 =	vadd.s32 v2, v5;
	_ =	sdelay $0x1  }
0x2f0: {  	v4 =	vperm.xlane v4, v3;
	_ =	sdelay $0x1  }
0x2f1: {  	s14 =	simm.s32 $0x4800;
	s13 =	rddreg [dreg:$0xb];
	v4 =	vadd.s32 v2, v4  }
0x2f2: {  	[tilespmem:s14], [sflag:$0x1] =	stream.indirect_vreg.gather [hbm4b:s13+s1], $0x80, v5, vm0, $0xb8;
	[tilespmem:$0x16000] =	vst v63  }
0x2f3: {  	s16 =	simm.s32 $0x5000;
	s15 =	rddreg [dreg:$0x12]  }
0x2f4: {  	[tilespmem:s16], [sflag:$0x1] =	stream.indirect_vreg.gather [hbm4b:s15+s1], $0x80, v5, vm0, $0xb8;
	[tilespmem:$0x16000] =	vst v63  }
0x2f5: {  	s17 =	simm.s32 $0x5800  }
0x2f6: {  	[tilespmem:s17], [sflag:$0x1] =	stream.indirect_vreg.gather [hbm4b:s13+s1], $0x80, v4, vm0, $0xb8;
	[tilespmem:$0x16000] =	vst v63  }
0x2f7: {  	s18 =	simm.s32 $0x6000  }
0x2f8: {  	[tilespmem:s18], [sflag:$0x1] =	stream.indirect_vreg.gather [hbm4b:s15+s1], $0x80, v4, vm0, $0xb8;
	[tilespmem:$0x16000] =	vst v63  }
0x2f9: {  	v4 =	vld [tilespmem:s6+$0x420];
	_ =	sdelay $0x4  }
0x2fa: {  	v5 =	vshll.u32 v4, $0x3  }
0x2fb: {  	v4 =	vand.u32 $0x7, v4;
	v5 =	vand.u32 $0xFFFFFFC0, v5  }
0x2fc: {  	v4 =	vor.u32 v4, v5  }
0x2fd: {  	v5 =	vperm.xlane v4, v1;
	_ =	sdelay $0x1  }
0x2fe: {  	v5 =	vadd.s32 v2, v5;
	_ =	sdelay $0x3  }
0x2ff: {  	s20 =	simm.s32 $0x6800;
	s19 =	rddreg [dreg:$0x2]  }
0x300: {  	[tilespmem:s20], [sflag:$0x1] =	stream.indirect_vreg.gather [hbm4b:s19+s1], $0x80, v5, vm0, $0xb8;
	[tilespmem:$0x16000] =	vst v63  }
0x301: {  	s22 =	simm.s32 $0x7000;
	s21 =	rddreg [dreg:$0x13];
	v4 =	vperm.xlane v4, v3  }
0x302: {  	[tilespmem:s22], [sflag:$0x1] =	stream.indirect_vreg.gather [hbm4b:s21+s1], $0x80, v5, vm0, $0xb8;
	[tilespmem:$0x16000] =	vst v63  }
0x303: {  	s24 =	simm.s32 $0x7800;
	s23 =	rddreg [dreg:$0x14];
	v4 =	vadd.s32 v2, v4  }
0x304: {  	[tilespmem:s24], [sflag:$0x1] =	stream.indirect_vreg.gather [hbm4b:s23+s1], $0x80, v5, vm0, $0xb8;
	[tilespmem:$0x16000] =	vst v63  }
0x305: {  	s26 =	simm.s32 $0x8000;
	s25 =	rddreg [dreg:$0x15]  }
0x306: {  	[tilespmem:s26], [sflag:$0x1] =	stream.indirect_vreg.gather [hbm4b:s25+s1], $0x80, v5, vm0, $0xb8;
	[tilespmem:$0x16000] =	vst v63  }
0x307: {  	s28 =	simm.s32 $0x8800  }
0x308: {  	[tilespmem:s28], [sflag:$0x1] =	stream.indirect_vreg.gather [hbm4b:s19+s1], $0x80, v4, vm0, $0xb8;
	[tilespmem:$0x16000] =	vst v63  }
0x309: {  	s29 =	simm.s32 $0x9000  }
0x30a: {  	[tilespmem:s29], [sflag:$0x1] =	stream.indirect_vreg.gather [hbm4b:s21+s1], $0x80, v4, vm0, $0xb8;
	[tilespmem:$0x16000] =	vst v63  }
0x30b: {  	s30 =	simm.s32 $0x9800  }
0x30c: {  	[tilespmem:s30], [sflag:$0x1] =	stream.indirect_vreg.gather [hbm4b:s23+s1], $0x80, v4, vm0, $0xb8;
	[tilespmem:$0x16000] =	vst v63  }
0x30d: {  	s31 =	simm.s32 $0xA000  }
0x30e: {  	[tilespmem:s31], [sflag:$0x1] =	stream.indirect_vreg.gather [hbm4b:s25+s1], $0x80, v4, vm0, $0xb8;
	[tilespmem:$0x16000] =	vst v63  }
.LBB2_18:
0x30f: {  	s0 =	simm.s32 $0x2  }
0x310: {  	_ =	swait.ge [sflag:s0], $0x4000  }
0x311: {  	[sflag:s0] =	ssyncset.done $0x0  }
0x312: {  	[sflag:s0] =	ssyncadd.s32 $0xFFFFC000  }
0x313: {  	_ =	swait.ge [sflag:s0], $0x2000  }
0x314: {  	[sflag:s0] =	ssyncset.done $0x0  }
0x315: {  	[sflag:s0] =	ssyncadd.s32 $0xFFFFE000  }
0x316: {  	_ =	swait.ge [sflag:s0], $0x4000  }
0x317: {  	s8 =	simm.s32 $0x0;
	[sflag:s0] =	ssyncset.done $0x0  }
0x318: {  	s9 =	simm.s32 $0x0;
	s10 =	simm.s32 $0x0;
	[sflag:s0] =	ssyncadd.s32 $0xFFFFC000  }
.LBB2_19:
0x319: {  	s0 =	sshll.u32 s10, $0xC;
	s1 =	sand.u32 $0x7, s9  }
0x31a: {  	s0 =	sand.u32 $0xFFFF8000, s0;
	s1 =	sshll.u32 s1, $0x9  }
0x31b: {  	s0 =	sor.u32 s1, s0  }
0x31c: {  	s0 =	sshrl.u32 s0, $0x2  }
0x31d: {  	s3 =	sadd.s32 $0x10840, s0  }
0x31e: {  	v9 =	vld [tilespmem:s3+$0x20]  }
0x31f: {  	v4 =	vld [tilespmem:s3+$0x30]  }
0x320: {  	s19 =	sshll.u32 s10, $0x7;
	v5 =	vld [tilespmem:s3+$0x0]  }
0x321: {  	s29 =	sand.u32 $0x380, s19;
	s21 =	sadd.s32 $0xA840, s0;
	v6 =	vld [tilespmem:s3+$0x10]  }
0x322: {  	s30 =	sshll.u32 s10, $0x9;
	v7 =	vmov s29;
	v10 =	vld [tilespmem:s21+$0x20]  }
0x323: {  	s0 =	sand.u32 $0x3FFFF000, s30;
	v15 =	vld [tilespmem:s21+$0x30]  }
0x324: {  	s31 =	sand.u32 $0xC00, s8;
	s1 =	sadd.s32 $0xE800, s0;
	v16 =	vld [tilespmem:s21+$0x0]  }
0x325: {  	s2 =	sand.u32 $0x40, s8;
	v17 =	vld [tilespmem:s21+$0x10];
	s0 =	sadd.s32 s31, s1  }
0x326: {  	v25 =	vld [tilespmem:s21+$0xFFFFFFE0];
	s0 =	sadd.s32 s2, s0  }
0x327: {  	v11 =	vld.idx.msk [tilespmem:v7+s0+$0x30 ss:$0x1], $0xffff  }
0x328: {  	v18 =	vld.idx.msk [tilespmem:v7+s0+$0x10 ss:$0x1], $0xffff  }
0x329: {  	v14 =	vld.idx.msk [tilespmem:v7+s0+$0x20 ss:$0x1], $0xffff  }
0x32a: {  	v24 =	vld.idx.msk [tilespmem:v7+s0+$0x0 ss:$0x1], $0xffff  }
0x32b: {  	v26 =	vld [tilespmem:s21+$0xFFFFFFF0]  }
0x32c: {  	v8 =	vimm.f32 $0.0e+00;
	v12 =	vld [tilespmem:s21+$0xFFFFFFC0]  }
0x32d: {  	v13 =	vld [tilespmem:s21+$0xFFFFFFD0];
	v20 =	vunpack.i.u.bf16.f32 v11;
	v19 =	vunpack.i.l.bf16.f32 v11;
	v27 =	vunpack.i.u.bf16.f32 v18  }
0x32e: {  	v11 =	vld [tilespmem:s3+$0xFFFFFFE0];
	v21 =	vunpack.i.u.bf16.f32 v14;
	v22 =	vunpack.i.l.bf16.f32 v14;
	v18 =	vunpack.i.l.bf16.f32 v18  }
0x32f: {  	v14 =	vld [tilespmem:s3+$0xFFFFFFC0];
	v23 =	vunpack.i.u.bf16.f32 v24;
	v19 =	vadd.f32 v10, v19;
	v20 =	vadd.f32 v15, v20  }
0x330: {  	s11 =	simm.s32 $0x0;
	s12 =	simm.s32 $0x0;
	v24 =	vunpack.i.l.bf16.f32 v24;
	v15 =	vld [tilespmem:s3+$0xFFFFFFD0];
	v22 =	vadd.f32 v16, v22;
	v21 =	vadd.f32 v17, v21  }
0x331: {  	s4 =	sadd.s32 $0x400, s3;
	s7 =	smov.u32 s21;
	s2 =	simm.s32 $0x0;
	v16 =	vadd.f32 v25, v18;
	v17 =	vadd.f32 v26, v27;
	v18 =	vld [tilespmem:s3+$0xFFFFFFF0];
	v10 =	vimm.f32 $0.0e+00  }
.LBB2_20:
0x332: {  	v25 =	vld [tilespmem:s4+$0x20];
	v12 =	vadd.f32 v12, v24;
	v13 =	vadd.f32 v13, v23  }
0x333: {  	v19 =	vadd.f32 v9, v19;
	v20 =	vadd.f32 v4, v20;
	v4 =	vld [tilespmem:s4+$0x30]  }
0x334: {  	v22 =	vadd.f32 v5, v22;
	v21 =	vadd.f32 v6, v21;
	v5 =	vld [tilespmem:s4+$0x0]  }
0x335: {  	s7 =	sadd.s32 $0x400, s7;
	v9 =	vadd.f32 v14, v12;
	v6 =	vld [tilespmem:s4+$0x10];
	v12 =	vadd.f32 v15, v13;
	[tilespmem:s21+$0x20] =	vst v19  }
0x336: {  	s11 =	sadd.s32 $0x200, s11;
	v11 =	vadd.f32 v11, v16;
	v15 =	vld [tilespmem:s7+$0x20];
	v13 =	vadd.f32 v18, v17;
	[tilespmem:s21+$0x0] =	vst v22  }
0x337: {  	s12 =	sadd.s32 $0x40, s12;
	s0 =	sand.u32 $0xC00, s11;
	v14 =	vmul.f32 v9, v9;
	v18 =	vadd.f32 v21, v22;
	v16 =	vld [tilespmem:s7+$0x30];
	[tilespmem:s21+$0xFFFFFFC0] =	vst v9;
	v17 =	vmul.f32 v12, v12  }
0x338: {  	s3 =	sand.u32 $0x40, s12;
	s0 =	sadd.s32 s0, s1;
	v26 =	vmul.f32 v11, v11;
	v24 =	vld [tilespmem:s7+$0x0];
	[tilespmem:s21+$0xFFFFFFD0] =	vst v12;
	v23 =	vadd.f32 v13, v11;
	v27 =	vmul.f32 v13, v13  }
0x339: {  	s0 =	sadd.s32 s3, s0;
	v12 =	vadd.f32 v12, v9;
	v9 =	vmov v25;
	v28 =	vld [tilespmem:s7+$0x10];
	v14 =	vadd.f32 v17, v14;
	[tilespmem:s21+$0xFFFFFFE0] =	vst v11  }
0x33a: {  	v22 =	vmul.f32 v22, v22;
	v25 =	vmul.f32 v21, v21;
	v11 =	vld.idx.msk [tilespmem:v7+s0+$0x30 ss:$0x1], $0xffff;
	v17 =	vadd.f32 v27, v26  }
0x33b: {  	v8 =	vadd.f32 v12, v8;
	v26 =	vld.idx.msk [tilespmem:v7+s0+$0x20 ss:$0x1], $0xffff;
	v10 =	vadd.f32 v14, v10;
	[tilespmem:s21+$0xFFFFFFF0] =	vst v13  }
0x33c: {  	v12 =	vadd.f32 v25, v22;
	v13 =	vmul.f32 v19, v19;
	v14 =	vmul.f32 v20, v20;
	v27 =	vld.idx.msk [tilespmem:v7+s0+$0x10 ss:$0x1], $0xffff  }
0x33d: {  	s2 =	sadd.s32 $0x4, s2;
	v8 =	vadd.f32 v23, v8;
	v25 =	vld [tilespmem:s7+$0xFFFFFFE0];
	v10 =	vadd.f32 v17, v10;
	[tilespmem:s21+$0x10] =	vst v21  }
0x33e: {  	p0 =	slt.u32 s2, $0x1C;
	v19 =	vadd.f32 v20, v19;
	v14 =	vadd.f32 v14, v13;
	v17 =	vld.idx.msk [tilespmem:v7+s0+$0x0 ss:$0x1], $0xffff;
	[tilespmem:s21+$0x30] =	vst v20;
	s21 =	smov.u32 s7  }
0x33f: {  	v8 =	vadd.f32 v18, v8;
	v29 =	vld [tilespmem:s7+$0xFFFFFFF0];
	v10 =	vadd.f32 v12, v10  }
0x340: {  	v18 =	vunpack.i.u.bf16.f32 v11;
	v12 =	vld [tilespmem:s7+$0xFFFFFFC0]  }
.Ltmp8:
0x341: {  	v20 =	vunpack.i.l.bf16.f32 v11;
	v8 =	vadd.f32 v19, v8;
	v13 =	vld [tilespmem:s7+$0xFFFFFFD0];
	v10 =	vadd.f32 v14, v10;
	(pc) =	sbr.rel @p0 .LBB2_20-.Ltmp8, $4  }
0x342: {  	v21 =	vunpack.i.u.bf16.f32 v26;
	v22 =	vunpack.i.l.bf16.f32 v26;
	v30 =	vunpack.i.u.bf16.f32 v27;
	v11 =	vld [tilespmem:s4+$0xFFFFFFE0]  }
0x343: {  	v19 =	vadd.f32 v15, v20;
	v20 =	vadd.f32 v16, v18;
	v26 =	vunpack.i.l.bf16.f32 v27;
	v14 =	vld [tilespmem:s4+$0xFFFFFFC0]  }
0x344: {  	v22 =	vadd.f32 v24, v22;
	v21 =	vadd.f32 v28, v21;
	v23 =	vunpack.i.u.bf16.f32 v17;
	v15 =	vld [tilespmem:s4+$0xFFFFFFD0]  }
0x345: {  	v16 =	vadd.f32 v25, v26;
	v24 =	vunpack.i.l.bf16.f32 v17;
	v17 =	vadd.f32 v29, v30;
	v18 =	vld [tilespmem:s4+$0xFFFFFFF0];
	s4 =	sadd.s32 $0x400, s4  }
0x346: {  	_ = 	snop  }
0x347: {  	v7 =	vadd.f32 v12, v24;
	v48 =	vadd.f32 v13, v23  }
0x348: {  	v9 =	vadd.f32 v9, v19;
	v4 =	vadd.f32 v4, v20  }
0x349: {  	v7 =	vadd.f32 v14, v7;
	v12 =	vadd.f32 v15, v48  }
0x34a: {  	v5 =	vadd.f32 v5, v22;
	v11 =	vadd.f32 v11, v16  }
0x34b: {  	v49 =	vadd.f32 v18, v17;
	v14 =	vmul.f32 v7, v7;
	v15 =	vmul.f32 v12, v12  }
0x34c: {  	v6 =	vadd.f32 v6, v21;
	v51 =	vadd.f32 v12, v7  }
0x34d: {  	v52 =	vmul.f32 v11, v11;
	v53 =	vmul.f32 v49, v49;
	v14 =	vadd.f32 v15, v14  }
0x34e: {  	v54 =	vmul.f32 v5, v5;
	v17 =	vadd.f32 v49, v11;
	v8 =	vadd.f32 v51, v8  }
0x34f: {  	v21 =	vmul.f32 v6, v6;
	v55 =	vadd.f32 v53, v52;
	v10 =	vadd.f32 v14, v10  }
0x350: {  	v50 =	vadd.f32 v6, v5;
	v57 =	vmul.f32 v9, v9;
	v8 =	vadd.f32 v17, v8  }
0x351: {  	v58 =	vmul.f32 v4, v4;
	v56 =	vadd.f32 v21, v54;
	v10 =	vadd.f32 v55, v10  }
0x352: {  	v59 =	vadd.f32 v4, v9;
	v8 =	vadd.f32 v50, v8  }
0x353: {  	v15 =	vadd.f32 v58, v57;
	v10 =	vadd.f32 v56, v10  }
0x354: {  	v8 =	vadd.f32 v59, v8  }
0x355: {  	v10 =	vadd.f32 v15, v10  }
0x356: {  	(xrf2) =	vadd.scan.msk.f32 $0xffff, v8  }
0x357: {  	(xrf2) =	vadd.scan.msk.f32 $0xffff, v10;
	_ =	sdelay $0x8  }
0x358: {  	v8, _, _ =	vpop (xrf2)  }
0x359: {  	(v2sf) =	vpush v8, $0xF;
	v60, _, _ =	vpop (xrf2)  }
0x35a: {  	(v2sf) =	vpush v60, $0xF;
	_ =	sdelay $0xd  }
0x35b: {  	s0 =	spop (v2sf)  }
0x35c: {  	s0 =	smul.f32 $9.765625000e-04, s0;
	s1 =	spop (v2sf)  }
0x35d: {  	s1 =	smul.f32 $9.765625000e-04, s1  }
0x35e: {  	s2 =	smul.f32 s0, s0;
	_ =	sdelay $0x1  }
0x35f: {  	s1 =	ssub.f32 s1, s2;
	_ =	sdelay $0x1  }
0x360: {  	s1 =	sadd.f32 $9.999999740e-06, s1;
	_ =	sdelay $0x1  }
0x361: {  	v61 =	vmov s1  }
0x362: {  	v62 =	vshra.s32 v61, $0x1;
	v8 =	vmul.f32 $5.000000000e-01, v61  }
0x363: {  	v10 =	vsub.s32 $0x5F3759DF, v62  }
0x364: {  	v63 =	vmul.f32 v10, v8;
	_ =	sdelay $0x1  }
0x365: {  	v14 =	vmul.f32 v10, v63;
	_ =	sdelay $0x1  }
0x366: {  	v14 =	vsub.f32 $1.500000000e+00, v14;
	_ =	sdelay $0x1  }
0x367: {  	v10 =	vmul.f32 v10, v14;
	_ =	sdelay $0x1  }
0x368: {  	v14 =	vmul.f32 v10, v8;
	_ =	sdelay $0x1  }
0x369: {  	v14 =	vmul.f32 v14, v10;
	_ =	sdelay $0x1  }
0x36a: {  	v14 =	vsub.f32 $1.500000000e+00, v14;
	_ =	sdelay $0x1  }
0x36b: {  	v10 =	vmul.f32 v14, v10;
	_ =	sdelay $0x1  }
0x36c: {  	v14 =	vmul.f32 v10, v8;
	_ =	sdelay $0x1  }
0x36d: {  	v14 =	vmul.f32 v14, v10;
	_ =	sdelay $0x1  }
0x36e: {  	v14 =	vsub.f32 $1.500000000e+00, v14;
	_ =	sdelay $0x1  }
0x36f: {  	v10 =	vmul.f32 v14, v10  }
0x370: {  	[tilespmem:s21+$0x20] =	vst v9  }
0x371: {  	[tilespmem:s21+$0x0] =	vst v5;
	v5 =	vmul.f32 v10, v8  }
0x372: {  	[tilespmem:s21+$0x10] =	vst v6  }
0x373: {  	s10 =	sadd.s32 $0x1, s10;
	[tilespmem:s21+$0x30] =	vst v4;
	v5 =	vmul.f32 v5, v10  }
0x374: {  	p0 =	sne.s32 s10, $0x10;
	[tilespmem:s21+$0xFFFFFFE0] =	vst v11  }
.Ltmp9:
0x375: {  	[tilespmem:s21+$0xFFFFFFC0] =	vst v7;
	v5 =	vsub.f32 $1.500000000e+00, v5;
	(pc) =	sbr.rel @p0 .LBB2_19-.Ltmp9, $4  }
0x376: {  	[tilespmem:s21+$0xFFFFFFD0] =	vst v12  }
0x377: {  	s31 =	sand.u32 $0x3FFFFF80, s19;
	[tilespmem:s21+$0xFFFFFFF0] =	vst v49;
	v4 =	vmov s0;
	v5 =	vmul.f32 v5, v10  }
0x378: {  	[tilespmem:s31+$0x14800] =	vst v4  }
0x379: {  	s9 =	sadd.s32 $0x1, s9;
	[tilespmem:s31+$0x15000] =	vst v5  }
0x37a: {  	v9 =	vld [tilespmem:$0x14800]  }
0x37b: {  	v7 =	vld [tilespmem:$0x14880]  }
0x37c: {  	v6 =	vld [tilespmem:$0x14900]  }
0x37d: {  	v10 =	vld [tilespmem:$0x14980]  }
0x37e: {  	v8 =	vld [tilespmem:$0x15000]  }
0x37f: {  	v5 =	vld [tilespmem:$0x15080]  }
0x380: {  	v4 =	vld [tilespmem:$0x15100];
	s1 =	simm.s32 $0x0  }
0x381: {  	s0 =	simm.s32 $0x15C00;
	v11 =	vld [tilespmem:$0x15180];
	s2 =	sand.u32 $0x60, s1;
	s3 =	sand.u32 $0x1C00, s1  }
0x382: {  	s4 =	simm.s32 $0x15800;
	v15 =	vld [tilespmem:s0+$0x0];
	s25 =	sadd.s32 $0xA800, s3;
	s26 =	sor.u32 $0x10, s2  }
0x383: {  	v14 =	vld [tilespmem:s4+$0x0];
	s4 =	sor.u32 s26, s25  }
0x384: {  	s0 =	sor.u32 s2, s25;
	v12 =	vld [tilespmem:s4+$0x180]  }
0x385: {  	v13 =	vld [tilespmem:s0+$0x0]  }
0x386: {  	s1 =	sand.u32 $0x380, s1;
	v16 =	vld [tilespmem:s0+$0x80]  }
0x387: {  	s1 =	sor.u32 s1, s26;
	v17 =	vld [tilespmem:s0+$0x100]  }
0x388: {  	v18 =	vld [tilespmem:s1+$0x15800]  }
0x389: {  	v19 =	vld [tilespmem:s0+$0x180]  }
0x38a: {  	v24 =	vld [tilespmem:s1+$0x15C00]  }
0x38b: {  	v20 =	vld [tilespmem:s4+$0x0]  }
0x38c: {  	s28 =	simm.s32 $0x100;
	s29 =	simm.s32 $0x20;
	v21 =	vld [tilespmem:s4+$0x80]  }
0x38d: {  	s5 =	sand.u32 $0x60, s29;
	s1 =	sand.u32 $0x1C00, s28;
	v22 =	vld [tilespmem:s4+$0x100];
	v12 =	vsub.f32 v12, v10  }
0x38e: {  	s7 =	sor.u32 $0x10, s5;
	s31 =	sadd.s32 $0xA800, s1;
	v13 =	vsub.f32 v13, v9  }
0x38f: {  	s1 =	sor.u32 s7, s31;
	v16 =	vsub.f32 v16, v7;
	v17 =	vsub.f32 v17, v6;
	v12 =	vmul.f32 v12, v11  }
0x390: {  	s2 =	sor.u32 s5, s31;
	v26 =	vld [tilespmem:s1+$0x180];
	v19 =	vsub.f32 v19, v10;
	v20 =	vsub.f32 v20, v9;
	v13 =	vmul.f32 v13, v8  }
0x391: {  	v27 =	vld [tilespmem:s2+$0x0];
	v21 =	vsub.f32 v21, v7;
	v16 =	vmul.f32 v16, v5;
	v23 =	vmul.f32 v12, v18  }
0x392: {  	s30 =	simm.s32 $0x15C20;
	v28 =	vld [tilespmem:s2+$0x80];
	v22 =	vsub.f32 v22, v6;
	v17 =	vmul.f32 v17, v4;
	v25 =	vmul.f32 v13, v14  }
0x393: {  	s6 =	simm.s32 $0x15820;
	v19 =	vmul.f32 v19, v11;
	v12 =	vld [tilespmem:s30+$0x0];
	v16 =	vmul.f32 v16, v14;
	v23 =	vadd.f32 v23, v24  }
0x394: {  	s3 =	sand.u32 $0x380, s29;
	v20 =	vmul.f32 v20, v8;
	v13 =	vld [tilespmem:s6+$0x0];
	v17 =	vmul.f32 v17, v14;
	v25 =	vadd.f32 v25, v15  }
0x395: {  	s3 =	sor.u32 s3, s7;
	v21 =	vmul.f32 v21, v5;
	v19 =	vmul.f32 v19, v14;
	v29 =	vadd.f32 v16, v15;
	[tilespmem:s4+$0x180] =	vst v23;
	v23 =	vld [tilespmem:s2+$0x100]  }
0x396: {  	v22 =	vmul.f32 v22, v4;
	v14 =	vld [tilespmem:s3+$0x15800];
	v20 =	vmul.f32 v20, v18;
	v17 =	vadd.f32 v17, v15;
	[tilespmem:s0+$0x0] =	vst v25  }
0x397: {  	v19 =	vadd.f32 v19, v15;
	v16 =	vld [tilespmem:s2+$0x180];
	v25 =	vsub.f32 v26, v10;
	[tilespmem:s0+$0x80] =	vst v29;
	v26 =	vmul.f32 v21, v18  }
0x398: {  	v27 =	vsub.f32 v27, v9;
	v30 =	vmul.f32 v22, v18;
	v15 =	vld [tilespmem:s3+$0x15C00];
	v63 =	vadd.f32 v20, v24;
	[tilespmem:s0+$0x100] =	vst v17  }
0x399: {  	s8 =	simm.s32 $0x15840;
	s9 =	simm.s32 $0x200;
	v20 =	vsub.f32 v28, v7;
	v17 =	vld [tilespmem:s1+$0x0];
	[tilespmem:s0+$0x180] =	vst v19;
	v21 =	vmul.f32 v25, v11;
	v19 =	vadd.f32 v26, v24  }
0x39a: {  	s10 =	simm.s32 $0x40;
	s11 =	simm.s32 $0x15C40;
	s7 =	simm.s32 $0x2;
	v22 =	vmul.f32 v27, v8;
	v18 =	vld [tilespmem:s1+$0x80];
	[tilespmem:s4+$0x0] =	vst v63;
	v24 =	vadd.f32 v30, v24;
	v23 =	vsub.f32 v23, v6  }
.LBB2_23:
0x39b: {  	s0 =	sand.u32 $0x60, s10;
	s3 =	sand.u32 $0x1C00, s9;
	s7 =	sadd.s32 $0x2, s7;
	v20 =	vmul.f32 v20, v5;
	v25 =	vld [tilespmem:s1+$0x100];
	v21 =	vmul.f32 v21, v14;
	[tilespmem:s4+$0x80] =	vst v19;
	v19 =	vmov v14  }
0x39c: {  	v26 =	vld [tilespmem:s11+$0x0];
	s3 =	sadd.s32 $0xA800, s3;
	s5 =	sor.u32 $0x10, s0;
	p0 =	slt.u32 s7, $0x3E;
	v14 =	vmul.f32 v22, v13;
	v22 =	vmul.f32 v23, v4;
	v16 =	vsub.f32 v16, v10;
	[tilespmem:s4+$0x100] =	vst v24  }
0x39d: {  	s4 =	smov.u32 s1;
	v23 =	vld [tilespmem:s8+$0x0];
	s0 =	sor.u32 s0, s3;
	v20 =	vmul.f32 v20, v13;
	v21 =	vadd.f32 v21, v15;
	v24 =	vmov v15;
	s1 =	sor.u32 s5, s3  }
0x39e: {  	v15 =	vld [tilespmem:s1+$0x180];
	v22 =	vmul.f32 v22, v13;
	v16 =	vmul.f32 v16, v11;
	v17 =	vsub.f32 v17, v9  }
0x39f: {  	v14 =	vadd.f32 v14, v12;
	v27 =	vld [tilespmem:s0+$0x0];
	v18 =	vsub.f32 v18, v7;
	[tilespmem:s4+$0x180] =	vst v21  }
0x3a0: {  	s3 =	sand.u32 $0x380, s10;
	v21 =	vld [tilespmem:s0+$0x80];
	v30 =	vmul.f32 v16, v13;
	v16 =	vmul.f32 v17, v8;
	v17 =	vsub.f32 v25, v6  }
0x3a1: {  	s3 =	sor.u32 s3, s5;
	v20 =	vadd.f32 v20, v12;
	v22 =	vadd.f32 v22, v12;
	v25 =	vld [tilespmem:s0+$0x100];
	[tilespmem:s2+$0x0] =	vst v14;
	v18 =	vmul.f32 v18, v5  }
.Ltmp10:
0x3a2: {  	v14 =	vld [tilespmem:s3+$0x15800];
	v28 =	vadd.f32 v30, v12;
	v29 =	vmul.f32 v16, v19;
	v17 =	vmul.f32 v17, v4;
	v12 =	vmovc v26;
	(pc) =	sbr.rel @p0 .LBB2_23-.Ltmp10, $4  }
0x3a3: {  	v13 =	vmov v23;
	v16 =	vld [tilespmem:s0+$0x180];
	v26 =	vsub.f32 v15, v10;
	[tilespmem:s2+$0x80] =	vst v20;
	v18 =	vmul.f32 v18, v19  }
0x3a4: {  	v23 =	vsub.f32 v27, v9;
	v15 =	vld [tilespmem:s3+$0x15C00];
	[tilespmem:s2+$0x100] =	vst v22;
	v27 =	vadd.f32 v29, v24;
	v29 =	vmul.f32 v17, v19  }
0x3a5: {  	s8 =	sadd.s32 $0x20, s8;
	v20 =	vsub.f32 v21, v7;
	v17 =	vld [tilespmem:s1+$0x0];
	v21 =	vmul.f32 v26, v11;
	[tilespmem:s2+$0x180] =	vst v28;
	v19 =	vadd.f32 v18, v24;
	s2 =	smov.u32 s0  }
0x3a6: {  	s9 =	sadd.s32 $0x100, s9;
	s11 =	sadd.s32 $0x20, s11;
	s10 =	sadd.s32 $0x20, s10;
	v22 =	vmul.f32 v23, v8;
	v23 =	vsub.f32 v25, v6;
	v18 =	vld [tilespmem:s1+$0x80];
	[tilespmem:s4+$0x0] =	vst v27;
	v24 =	vadd.f32 v29, v24  }
0x3a7: {  	v25 =	vld [tilespmem:s1+$0x100]  }
0x3a8: {  	v20 =	vmul.f32 v20, v5;
	v21 =	vmul.f32 v21, v14  }
0x3a9: {  	v22 =	vmul.f32 v22, v13;
	v23 =	vmul.f32 v23, v4;
	v10 =	vsub.f32 v16, v10  }
0x3aa: {  	v16 =	vmul.f32 v20, v13;
	v20 =	vadd.f32 v21, v15;
	v9 =	vsub.f32 v17, v9  }
0x3ab: {  	[tilespmem:s4+$0x80] =	vst v19;
	v17 =	vmul.f32 v23, v13;
	v10 =	vmul.f32 v10, v11;
	v7 =	vsub.f32 v18, v7  }
0x3ac: {  	[tilespmem:s4+$0x100] =	vst v24;
	v11 =	vadd.f32 v22, v12;
	v8 =	vmul.f32 v9, v8;
	v6 =	vsub.f32 v25, v6  }
0x3ad: {  	[tilespmem:s1+$0x180] =	vst v20;
	v9 =	vmul.f32 v10, v13;
	v10 =	vadd.f32 v16, v12;
	v5 =	vmul.f32 v7, v5  }
0x3ae: {  	[tilespmem:s2+$0x0] =	vst v11;
	v7 =	vadd.f32 v17, v12;
	v8 =	vmul.f32 v8, v14;
	v4 =	vmul.f32 v6, v4  }
0x3af: {  	v6 =	vadd.f32 v9, v12;
	[tilespmem:s2+$0x80] =	vst v10;
	v5 =	vmul.f32 v5, v14  }
0x3b0: {  	[tilespmem:s2+$0x100] =	vst v7;
	v7 =	vadd.f32 v8, v15;
	v4 =	vmul.f32 v4, v14  }
0x3b1: {  	[tilespmem:s2+$0x180] =	vst v6;
	v5 =	vadd.f32 v5, v15  }
0x3b2: {  	[tilespmem:s1+$0x0] =	vst v7;
	v4 =	vadd.f32 v4, v15  }
0x3b3: {  	[tilespmem:s1+$0x80] =	vst v5  }
0x3b4: {  	[tilespmem:s1+$0x100] =	vst v4  }
0x3b5: {  	v11 =	vld [tilespmem:$0x14A00]  }
0x3b6: {  	v10 =	vld [tilespmem:$0x14A80]  }
0x3b7: {  	v6 =	vld [tilespmem:$0x14B00]  }
0x3b8: {  	s4 =	simm.s32 $0x0;
	v4 =	vld [tilespmem:$0x14B80]  }
0x3b9: {  	s0 =	sand.u32 $0x60, s4;
	s18 =	sand.u32 $0x1C00, s4;
	v13 =	vld [tilespmem:$0x15200]  }
0x3ba: {  	s19 =	sor.u32 $0x10, s0;
	s1 =	sadd.s32 $0xA800, s18;
	v14 =	vld [tilespmem:$0x15280]  }
0x3bb: {  	s5 =	sor.u32 s19, s1;
	v8 =	vld [tilespmem:$0x15300]  }
0x3bc: {  	s3 =	sand.u32 $0x380, s4;
	v5 =	vld [tilespmem:s5+$0x200]  }
0x3bd: {  	s3 =	sor.u32 s3, s19;
	v7 =	vld [tilespmem:s5+$0x280]  }
0x3be: {  	v24 =	vld [tilespmem:s3+$0x15800]  }
0x3bf: {  	s21 =	simm.s32 $0x20;
	s24 =	simm.s32 $0x15800;
	v23 =	vld [tilespmem:s3+$0x15C00];
	s19 =	simm.s32 $0x100  }
0x3c0: {  	s22 =	sand.u32 $0x60, s21;
	s20 =	sor.u32 s0, s1;
	v25 =	vld [tilespmem:s24+$0x0];
	s23 =	sand.u32 $0x1C00, s19  }
0x3c1: {  	s7 =	sor.u32 $0x10, s22;
	v9 =	vld [tilespmem:s20+$0x200];
	s6 =	sadd.s32 $0xA800, s23;
	v5 =	vsub.f32 v5, v11  }
0x3c2: {  	v12 =	vld [tilespmem:s20+$0x280];
	s0 =	sor.u32 s7, s6;
	v7 =	vsub.f32 v7, v10  }
0x3c3: {  	s10 =	sand.u32 $0x380, s21;
	v18 =	vld [tilespmem:s0+$0x280];
	v15 =	vmul.f32 v5, v13  }
0x3c4: {  	s7 =	sor.u32 s10, s7;
	v16 =	vld [tilespmem:s0+$0x200];
	v7 =	vmul.f32 v7, v14  }
0x3c5: {  	v26 =	vld [tilespmem:s7+$0x15800];
	v15 =	vmul.f32 v15, v24  }
0x3c6: {  	s25 =	sand.u32 $0x3, s4;
	s31 =	sor.u32 s22, s6;
	v27 =	vld [tilespmem:s7+$0x15C00];
	v7 =	vmul.f32 v7, v24  }
0x3c7: {  	s8 =	simm.s32 $0x15C00;
	s3 =	sshll.u32 s25, $0x5;
	v21 =	vld [tilespmem:s31+$0x280];
	v17 =	vsub.f32 v9, v11;
	v15 =	vadd.f32 v15, v23  }
0x3c8: {  	s9 =	sadd.s32 $0x0, s3;
	v9 =	vld [tilespmem:s8+$0x0];
	v18 =	vsub.f32 v18, v10;
	v19 =	vadd.f32 v7, v23  }
0x3c9: {  	s3 =	sadd.s32 $0x10, s9;
	v5 =	vld [tilespmem:$0x15380];
	v17 =	vmul.f32 v17, v13;
	[tilespmem:s5+$0x200] =	vst v15  }
0x3ca: {  	s1 =	simm.s32 $0x200;
	s30 =	sor.u32 $0x300, s3;
	v20 =	vld [tilespmem:s31+$0x200];
	v16 =	vsub.f32 v16, v11;
	v18 =	vmul.f32 v18, v14;
	[tilespmem:s5+$0x280] =	vst v19  }
0x3cb: {  	s16 =	sand.u32 $0x1C00, s1;
	s22 =	simm.s32 $0x40;
	v12 =	vsub.f32 v12, v10;
	v15 =	vmul.f32 v17, v25;
	v17 =	vld [tilespmem:s30+$0xA800]  }
0x3cc: {  	s11 =	simm.s32 $0x15820;
	s17 =	sadd.s32 $0xA800, s16;
	s15 =	sand.u32 $0x60, s22;
	v16 =	vmul.f32 v16, v13;
	v18 =	vmul.f32 v18, v26  }
0x3cd: {  	s14 =	simm.s32 $0x1;
	s18 =	sor.u32 $0x10, s15;
	s15 =	sor.u32 s15, s17;
	v12 =	vmul.f32 v12, v14;
	v19 =	vadd.f32 v15, v9;
	v15 =	vld [tilespmem:s11+$0x0]  }
0x3ce: {  	s26 =	simm.s32 $0x15C20;
	s6 =	sand.u32 $0x3, s14;
	v30 =	vld [tilespmem:s15+$0x200];
	v21 =	vsub.f32 v21, v10;
	v16 =	vmul.f32 v16, v26;
	v18 =	vadd.f32 v18, v27  }
0x3cf: {  	s12 =	sor.u32 $0x300, s9;
	s6 =	sshll.u32 s6, $0x5;
	s9 =	sor.u32 s18, s17;
	v12 =	vmul.f32 v12, v25;
	v7 =	vld [tilespmem:s26+$0x0];
	[tilespmem:s20+$0x200] =	vst v19;
	v19 =	vsub.f32 v20, v11  }
0x3d0: {  	s6 =	sadd.s32 $0x100, s6;
	v28 =	vld [tilespmem:s9+$0x280];
	v16 =	vadd.f32 v16, v27;
	[tilespmem:s0+$0x280] =	vst v18;
	v18 =	vmul.f32 v21, v14;
	v17 =	vsub.f32 v17, v6  }
0x3d1: {  	s14 =	sadd.s32 $0x10, s6;
	v22 =	vadd.f32 v12, v9;
	s11 =	simm.s32 $0x15840;
	v20 =	vld [tilespmem:s9+$0x200];
	v19 =	vmul.f32 v19, v13  }
0x3d2: {  	[tilespmem:s0+$0x200] =	vst v16;
	v16 =	vld [tilespmem:s11+$0x0];
	s0 =	sor.u32 $0x300, s14;
	v31 =	vmul.f32 v18, v15;
	v17 =	vmul.f32 v17, v8  }
0x3d3: {  	[tilespmem:s20+$0x280] =	vst v22;
	s20 =	sand.u32 $0x380, s22;
	v21 =	vld [tilespmem:s0+$0xA800];
	v29 =	vmul.f32 v19, v15  }
0x3d4: {  	v22 =	vld [tilespmem:s12+$0xA800];
	s11 =	sor.u32 s20, s18;
	v31 =	vadd.f32 v31, v7;
	v17 =	vmul.f32 v17, v24  }
0x3d5: {  	s13 =	simm.s32 $0x15C40;
	v19 =	vld [tilespmem:s11+$0x15800];
	v29 =	vadd.f32 v29, v7  }
0x3d6: {  	v12 =	vld [tilespmem:s13+$0x0];
	v20 =	vsub.f32 v20, v11;
	[tilespmem:s31+$0x280] =	vst v31;
	v17 =	vadd.f32 v17, v23  }
0x3d7: {  	v18 =	vld [tilespmem:s11+$0x15C00];
	[tilespmem:s31+$0x200] =	vst v29  }
0x3d8: {  	s24 =	simm.s32 $0x15C60;
	s2 =	sor.u32 $0x300, s6;
	v20 =	vmul.f32 v20, v13;
	v29 =	vld [tilespmem:s15+$0x280];
	[tilespmem:s30+$0xA800] =	vst v17;
	v17 =	vsub.f32 v28, v10  }
0x3d9: {  	s23 =	simm.s32 $0x15860;
	s13 =	simm.s32 $0x60;
	s11 =	simm.s32 $0x300;
	v22 =	vsub.f32 v22, v6;
	v53 =	vld [tilespmem:s2+$0xA800]  }
0x3da: {  	s7 =	sor.u32 $0x380, s3;
	s26 =	sand.u32 $0x60, s13;
	v21 =	vsub.f32 v21, v6;
	v33 =	vmul.f32 v20, v19;
	v20 =	vld [tilespmem:s23+$0x0];
	s30 =	sand.u32 $0x1C00, s11;
	v32 =	vmul.f32 v17, v14  }
0x3db: {  	s25 =	simm.s32 $0x2;
	s31 =	sor.u32 $0x10, s26;
	v22 =	vmul.f32 v22, v8;
	v28 =	vld [tilespmem:s7+$0xA800];
	s5 =	sadd.s32 $0xA800, s30  }
0x3dc: {  	s6 =	sand.u32 $0x3, s25;
	v30 =	vsub.f32 v30, v11;
	v21 =	vmul.f32 v21, v8;
	v17 =	vld [tilespmem:s24+$0x0];
	s17 =	sor.u32 s31, s5;
	v31 =	vmul.f32 v32, v19  }
0x3dd: {  	s20 =	sshll.u32 s6, $0x5;
	v22 =	vmul.f32 v22, v25;
	v33 =	vadd.f32 v33, v18;
	v34 =	vld [tilespmem:s17+$0x200];
	v29 =	vsub.f32 v29, v10  }
0x3de: {  	v30 =	vmul.f32 v30, v13;
	s3 =	sadd.s32 $0x200, s20;
	v21 =	vmul.f32 v21, v26;
	s23 =	sand.u32 $0x380, s13;
	s10 =	sor.u32 s26, s5;
	v35 =	vld [tilespmem:s17+$0x280];
	v31 =	vadd.f32 v31, v18  }
0x3df: {  	s16 =	sadd.s32 $0x10, s3;
	s5 =	sor.u32 s23, s31;
	v37 =	vadd.f32 v22, v9;
	[tilespmem:s9+$0x200] =	vst v33;
	v54 =	vld [tilespmem:s10+$0x200];
	v29 =	vmul.f32 v29, v14  }
0x3e0: {  	s18 =	sor.u32 $0x300, s16;
	v30 =	vmul.f32 v30, v16;
	v28 =	vsub.f32 v28, v4;
	[tilespmem:s9+$0x280] =	vst v31;
	v31 =	vadd.f32 v21, v27;
	v21 =	vld [tilespmem:s5+$0x15800]  }
0x3e1: {  	s24 =	sor.u32 s4, s4;
	[tilespmem:s12+$0xA800] =	vst v37;
	v32 =	vsub.f32 v53, v6;
	v29 =	vmul.f32 v29, v16;
	v36 =	vld [tilespmem:s18+$0xA800]  }
0x3e2: {  	v30 =	vadd.f32 v30, v12;
	v22 =	vld [tilespmem:s5+$0x15C00];
	v28 =	vmul.f32 v28, v5;
	s9 =	sor.u32 $0x380, s24;
	[tilespmem:s0+$0xA800] =	vst v31;
	v31 =	vsub.f32 v34, v11  }
0x3e3: {  	s14 =	sor.u32 $0x380, s14;
	v32 =	vmul.f32 v32, v8;
	v35 =	vsub.f32 v35, v10;
	v29 =	vadd.f32 v29, v12;
	v57 =	vld [tilespmem:s9+$0xA800]  }
0x3e4: {  	s25 =	simm.s32 $0x15880;
	s8 =	sor.u32 $0x300, s3;
	[tilespmem:s15+$0x200] =	vst v30;
	v24 =	vmul.f32 v28, v24;
	v55 =	vld [tilespmem:s14+$0xA800];
	v31 =	vmul.f32 v31, v13  }
0x3e5: {  	s26 =	simm.s32 $0x15C80;
	s24 =	simm.s32 $0x400;
	s5 =	simm.s32 $0x80;
	v32 =	vmul.f32 v32, v15;
	v28 =	vld [tilespmem:s10+$0x280];
	v30 =	vmul.f32 v35, v14;
	[tilespmem:s15+$0x280] =	vst v29;
	v29 =	vsub.f32 v54, v11  }
0x3e6: {  	s30 =	simm.s32 $0x3;
	s31 =	sand.u32 $0x60, s5;
	s12 =	sand.u32 $0x1C00, s24;
	v58 =	vadd.f32 v24, v23;
	v23 =	vld [tilespmem:s26+$0x0];
	v56 =	vsub.f32 v36, v6;
	v31 =	vmul.f32 v31, v21  }
0x3e7: {  	s3 =	sadd.s32 $0xA800, s12;
	s20 =	sor.u32 $0x10, s31;
	s15 =	sand.u32 $0x3, s30;
	v59 =	vld [tilespmem:s8+$0xA800];
	v30 =	vmul.f32 v30, v21;
	v29 =	vmul.f32 v29, v13  }
0x3e8: {  	v32 =	vadd.f32 v32, v7;
	s4 =	sor.u32 s20, s3;
	v24 =	vld [tilespmem:s25+$0x0];
	s23 =	sshll.u32 s15, $0x5;
	v35 =	vmul.f32 v56, v8;
	v31 =	vadd.f32 v31, v22  }
0x3e9: {  	v38 =	vld [tilespmem:s4+$0x200];
	s0 =	sadd.s32 $0x300, s23;
	v30 =	vadd.f32 v30, v22;
	v29 =	vmul.f32 v29, v20;
	v34 =	vsub.f32 v55, v4  }
0x3ea: {  	s28 =	sor.u32 s31, s3;
	s26 =	sadd.s32 $0x10, s0;
	v36 =	vsub.f32 v57, v4;
	v28 =	vsub.f32 v28, v10;
	v35 =	vmul.f32 v35, v19;
	[tilespmem:s17+$0x200] =	vst v31;
	v31 =	vld [tilespmem:s4+$0x280]  }
0x3eb: {  	s25 =	sand.u32 $0x380, s5;
	s29 =	sor.u32 $0x300, s26;
	[tilespmem:s17+$0x280] =	vst v30;
	v30 =	vld [tilespmem:s28+$0x200];
	v29 =	vadd.f32 v29, v17;
	v34 =	vmul.f32 v34, v5  }
0x3ec: {  	s1 =	sor.u32 s1, s22;
	s30 =	sor.u32 s19, s21;
	[tilespmem:s2+$0xA800] =	vst v32;
	s3 =	sor.u32 s25, s20;
	v60 =	vmul.f32 v36, v5;
	v28 =	vmul.f32 v28, v14;
	v39 =	vld [tilespmem:s29+$0xA800];
	v35 =	vadd.f32 v35, v18  }
0x3ed: {  	s22 =	sor.u32 $0x380, s1;
	s19 =	sor.u32 $0x380, s30;
	v33 =	vsub.f32 v59, v6;
	[tilespmem:s10+$0x200] =	vst v29;
	v34 =	vmul.f32 v34, v26;
	v26 =	vld [tilespmem:s3+$0x15800]  }
0x3ee: {  	s12 =	simm.s32 $0x4;
	s31 =	sor.u32 s11, s13;
	s25 =	sor.u32 $0x380, s16;
	v62 =	vsub.f32 v38, v11;
	v63 =	vmul.f32 v28, v20;
	v29 =	vmul.f32 v60, v25;
	v25 =	vld [tilespmem:s19+$0xA800];
	[tilespmem:s18+$0xA800] =	vst v35  }
0x3ef: {  	s11 =	simm.s32 $0x15CA0;
	s13 =	simm.s32 $0x500;
	s5 =	sor.u32 s24, s5;
	v40 =	vmul.f32 v33, v8;
	v61 =	vadd.f32 v34, v27;
	v28 =	vld [tilespmem:s25+$0xA800];
	v31 =	vsub.f32 v31, v10  }
0x3f0: {  	s2 =	simm.s32 $0x158A0;
	s23 =	sor.u32 $0x380, s31;
	s21 =	sor.u32 $0x380, s5;
	[tilespmem:s7+$0xA800] =	vst v58;
	v36 =	vmul.f32 v62, v13;
	v27 =	vld [tilespmem:s3+$0x15C00];
	v34 =	vsub.f32 v30, v11;
	v35 =	vadd.f32 v63, v17  }
0x3f1: {  	s7 =	simm.s32 $0x8;
	s1 =	sor.u32 $0x300, s0;
	v30 =	vld [tilespmem:s28+$0x280];
	[tilespmem:s14+$0xA800] =	vst v61;
	s14 =	simm.s32 $0xA0;
	v32 =	vsub.f32 v39, v6;
	v33 =	vmul.f32 v31, v14;
	v31 =	vmul.f32 v40, v16  }
.LBB2_25:
0x3f2: {  	s0 =	sand.u32 $0x60, s14;
	s3 =	sand.u32 $0x1C00, s13;
	s5 =	sand.u32 $0x3, s12;
	v34 =	vmul.f32 v34, v13;
	v36 =	vmul.f32 v36, v26  }
0x3f3: {  	[tilespmem:s10+$0x280] =	vst v35;
	v29 =	vadd.f32 v29, v9;
	v9 =	vmovc v7;
	v7 =	vmovc v12;
	v12 =	vmov v17;
	v17 =	vmov v23;
	v23 =	vld [tilespmem:s11+$0x0];
	s10 =	smov.u32 s28;
	s6 =	smov.u32 s24;
	s24 =	smov.u32 s13  }
0x3f4: {  	s7 =	sadd.s32 $0x2, s7;
	s3 =	sadd.s32 $0xA800, s3;
	s15 =	sor.u32 $0x10, s0;
	v33 =	vmul.f32 v33, v26;
	v35 =	vld [tilespmem:s1+$0xA800];
	v32 =	vmul.f32 v32, v8;
	v28 =	vsub.f32 v28, v4  }
0x3f5: {  	p0 =	slt.u32 s7, $0x3E;
	s5 =	sshll.u32 s5, $0x5;
	v31 =	vadd.f32 v31, v7;
	v37 =	vld [tilespmem:s2+$0x0];
	s16 =	sor.u32 s15, s3;
	v34 =	vmul.f32 v34, v24;
	v36 =	vadd.f32 v36, v27;
	[tilespmem:s9+$0xA800] =	vst v29  }
0x3f6: {  	s28 =	sor.u32 s0, s3;
	s0 =	sor.u32 s13, s14;
	s3 =	sadd.s32 s5, s6;
	v29 =	vld [tilespmem:s16+$0x200];
	v33 =	vadd.f32 v33, v27;
	v32 =	vmul.f32 v32, v21;
	v28 =	vmul.f32 v28, v5  }
0x3f7: {  	s0 =	sor.u32 $0x380, s0;
	v30 =	vsub.f32 v30, v10;
	s5 =	sor.u32 $0x300, s3;
	s3 =	sadd.s32 $0x10, s3;
	v38 =	vld [tilespmem:s16+$0x280];
	v34 =	vadd.f32 v34, v17;
	[tilespmem:s4+$0x200] =	vst v36  }
0x3f8: {  	s6 =	sand.u32 $0x380, s14;
	s17 =	sor.u32 $0x300, s3;
	v25 =	vsub.f32 v25, v4;
	v36 =	vld [tilespmem:s28+$0x200];
	[tilespmem:s4+$0x280] =	vst v33;
	v32 =	vadd.f32 v32, v22;
	v28 =	vmul.f32 v28, v19;
	s4 =	smov.u32 s16  }
0x3f9: {  	s9 =	smov.u32 s19;
	s19 =	smov.u32 s22;
	s6 =	sor.u32 s6, s15;
	v30 =	vmul.f32 v30, v14;
	v19 =	vmovc v21;
	v21 =	vmov v26;
	[tilespmem:s10+$0x200] =	vst v34;
	v39 =	vld [tilespmem:s17+$0xA800];
	v33 =	vsub.f32 v35, v6  }
.Ltmp11:
0x3fa: {  	s22 =	smov.u32 s23;
	s15 =	sor.u32 $0x380, s26;
	v25 =	vmul.f32 v25, v5;
	v26 =	vld [tilespmem:s6+$0x15800];
	[tilespmem:s29+$0xA800] =	vst v32;
	v32 =	vadd.f32 v28, v18;
	v18 =	vmovc v22;
	v22 =	vmov v27;
	(pc) =	sbr.rel @p0 .LBB2_25-.Ltmp11, $4  }
0x3fb: {  	s23 =	smov.u32 s21;
	s21 =	smov.u32 s0;
	v40 =	vmul.f32 v30, v24;
	v35 =	vsub.f32 v29, v11;
	v41 =	vmul.f32 v33, v8;
	v28 =	vld [tilespmem:s15+$0xA800];
	[tilespmem:s8+$0xA800] =	vst v31;
	s8 =	smov.u32 s1  }
0x3fc: {  	s26 =	smov.u32 s3;
	s29 =	smov.u32 s17;
	v29 =	vmul.f32 v25, v15;
	v15 =	vmovc v16;
	v16 =	vmov v20;
	s1 =	smov.u32 s5;
	v27 =	vld [tilespmem:s6+$0x15C00];
	v31 =	vsub.f32 v38, v10;
	[tilespmem:s25+$0xA800] =	vst v32  }
0x3fd: {  	s11 =	sadd.s32 $0x20, s11;
	s2 =	sadd.s32 $0x20, s2;
	v20 =	vmovc v24;
	s25 =	smov.u32 s15;
	v34 =	vsub.f32 v36, v11;
	v30 =	vld [tilespmem:s28+$0x280];
	v36 =	vmul.f32 v35, v13;
	v35 =	vadd.f32 v40, v17  }
0x3fe: {  	s12 =	sadd.s32 $0x1, s12;
	s13 =	sadd.s32 $0x100, s13;
	s14 =	sadd.s32 $0x20, s14;
	v24 =	vmovc v37;
	v33 =	vmul.f32 v31, v14;
	v32 =	vsub.f32 v39, v6;
	v31 =	vmul.f32 v41, v16;
	v25 =	vld [tilespmem:s19+$0xA800]  }
0x3ff: {  	_ =	sdelay $0x2  }
0x400: {  	v10 =	vsub.f32 v30, v10  }
0x401: {  	v11 =	vmul.f32 v34, v13;
	v13 =	vmul.f32 v36, v26  }
0x402: {  	s0 =	sand.u32 $0x3, s12;
	v30 =	vmul.f32 v33, v26;
	v10 =	vmul.f32 v10, v14  }
0x403: {  	s0 =	sshll.u32 s0, $0x5;
	v11 =	vmul.f32 v11, v24;
	v13 =	vadd.f32 v13, v27  }
0x404: {  	[tilespmem:s10+$0x280] =	vst v35;
	s0 =	sadd.s32 s0, s24;
	v14 =	vadd.f32 v30, v27;
	v10 =	vmul.f32 v10, v24  }
0x405: {  	s2 =	sadd.s32 $0x10, s0;
	v11 =	vadd.f32 v11, v23;
	[tilespmem:s4+$0x200] =	vst v13  }
0x406: {  	s3 =	sor.u32 $0x300, s2;
	[tilespmem:s4+$0x280] =	vst v14;
	v10 =	vadd.f32 v10, v23  }
0x407: {  	[tilespmem:s28+$0x200] =	vst v11;
	v11 =	vld [tilespmem:s3+$0xA800]  }
0x408: {  	s0 =	sor.u32 $0x300, s0;
	v13 =	vld [tilespmem:s1+$0xA800];
	[tilespmem:s28+$0x280] =	vst v10  }
0x409: {  	v10 =	vld [tilespmem:s0+$0xA800];
	_ =	sdelay $0x2  }
0x40a: {  	v14 =	vmul.f32 v32, v8;
	v11 =	vsub.f32 v11, v6  }
0x40b: {  	v13 =	vsub.f32 v13, v6  }
0x40c: {  	v14 =	vmul.f32 v14, v21;
	v11 =	vmul.f32 v11, v8;
	v6 =	vsub.f32 v10, v6  }
0x40d: {  	v10 =	vmul.f32 v13, v8  }
0x40e: {  	v13 =	vadd.f32 v14, v22;
	v11 =	vmul.f32 v11, v26;
	v6 =	vmul.f32 v6, v8  }
0x40f: {  	v8 =	vadd.f32 v31, v12;
	v10 =	vmul.f32 v10, v20  }
0x410: {  	s7 =	sor.u32 $0x380, s26;
	[tilespmem:s29+$0xA800] =	vst v13;
	v11 =	vadd.f32 v11, v27;
	v6 =	vmul.f32 v6, v24  }
0x411: {  	v13 =	vld [tilespmem:s7+$0xA800];
	[tilespmem:s8+$0xA800] =	vst v8;
	v8 =	vadd.f32 v10, v17  }
0x412: {  	s2 =	sor.u32 $0x380, s2;
	v10 =	vsub.f32 v28, v4;
	[tilespmem:s3+$0xA800] =	vst v11;
	v14 =	vld [tilespmem:s22+$0xA800];
	v6 =	vadd.f32 v6, v23  }
0x413: {  	v11 =	vld [tilespmem:s2+$0xA800];
	[tilespmem:s1+$0xA800] =	vst v8  }
0x414: {  	v8 =	vmul.f32 v10, v5;
	v10 =	vld [tilespmem:s23+$0xA800];
	[tilespmem:s0+$0xA800] =	vst v6  }
0x415: {  	v6 =	vsub.f32 v25, v4;
	v25 =	vld [tilespmem:s21+$0xA800]  }
0x416: {  	v8 =	vmul.f32 v8, v19;
	v13 =	vsub.f32 v13, v4  }
0x417: {  	v9 =	vadd.f32 v29, v9;
	v6 =	vmul.f32 v6, v5;
	v14 =	vsub.f32 v14, v4  }
0x418: {  	v8 =	vadd.f32 v8, v18;
	v13 =	vmul.f32 v13, v5;
	v11 =	vsub.f32 v11, v4  }
0x419: {  	v6 =	vmul.f32 v6, v15;
	v14 =	vmul.f32 v14, v5;
	v10 =	vsub.f32 v10, v4  }
0x41a: {  	v13 =	vmul.f32 v13, v21;
	v11 =	vmul.f32 v11, v5;
	v4 =	vsub.f32 v25, v4  }
0x41b: {  	[tilespmem:s9+$0xA800] =	vst v9;
	v6 =	vadd.f32 v6, v7;
	v7 =	vmul.f32 v14, v16;
	v9 =	vmul.f32 v10, v5  }
0x41c: {  	[tilespmem:s25+$0xA800] =	vst v8;
	v8 =	vadd.f32 v13, v22;
	v10 =	vmul.f32 v11, v26;
	v4 =	vmul.f32 v4, v5  }
0x41d: {  	[tilespmem:s19+$0xA800] =	vst v6;
	v5 =	vadd.f32 v7, v12;
	v6 =	vmul.f32 v9, v20  }
0x41e: {  	[tilespmem:s7+$0xA800] =	vst v8;
	v7 =	vadd.f32 v10, v27;
	v4 =	vmul.f32 v4, v24  }
0x41f: {  	[tilespmem:s22+$0xA800] =	vst v5;
	v5 =	vadd.f32 v6, v17  }
0x420: {  	s9 =	simm.s32 $0x0;
	[tilespmem:s2+$0xA800] =	vst v7;
	v4 =	vadd.f32 v4, v23  }
0x421: {  	s11 =	sand.u32 $0x1C00, s9;
	s2 =	sand.u32 $0x60, s9;
	[tilespmem:s23+$0xA800] =	vst v5  }
0x422: {  	s10 =	sadd.s32 $0xC800, s11;
	s7 =	sor.u32 $0x10, s2;
	[tilespmem:s21+$0xA800] =	vst v4  }
0x423: {  	s12 =	sor.u32 s7, s10;
	v16 =	vld [tilespmem:$0x14C00]  }
0x424: {  	v5 =	vld [tilespmem:s12+$0x0]  }
0x425: {  	v13 =	vld [tilespmem:$0x14C80]  }
0x426: {  	s0 =	sand.u32 $0x380, s9;
	v17 =	vld [tilespmem:$0x15400]  }
0x427: {  	s0 =	sor.u32 s0, s7;
	v7 =	vld [tilespmem:$0x14D00]  }
0x428: {  	s5 =	sor.u32 s2, s10;
	v25 =	vld [tilespmem:s0+$0x15800]  }
0x429: {  	v6 =	vld [tilespmem:s5+$0x0]  }
0x42a: {  	s13 =	simm.s32 $0x100;
	s6 =	simm.s32 $0x20;
	v4 =	vld [tilespmem:$0x14D80];
	v5 =	vsub.f32 v5, v16  }
0x42b: {  	s4 =	sand.u32 $0x60, s6;
	s25 =	sand.u32 $0x1C00, s13;
	v24 =	vld [tilespmem:s0+$0x15C00]  }
0x42c: {  	s14 =	simm.s32 $0x15800;
	s1 =	sor.u32 $0x10, s4;
	s16 =	sadd.s32 $0xC800, s25;
	v14 =	vld [tilespmem:$0x15480];
	v5 =	vmul.f32 v5, v17  }
0x42d: {  	s17 =	sor.u32 s1, s16;
	v26 =	vld [tilespmem:s14+$0x0]  }
0x42e: {  	s15 =	simm.s32 $0x15C00;
	v10 =	vld [tilespmem:s17+$0x0];
	v6 =	vsub.f32 v6, v16;
	v9 =	vmul.f32 v5, v25  }
0x42f: {  	v27 =	vld [tilespmem:s15+$0x0]  }
0x430: {  	s6 =	sand.u32 $0x380, s6;
	v8 =	vld [tilespmem:$0x15500];
	v6 =	vmul.f32 v6, v17;
	v9 =	vadd.f32 v9, v24  }
0x431: {  	s18 =	sadd.s32 $0xC880, s11;
	s6 =	sor.u32 s6, s1;
	v5 =	vld [tilespmem:$0x15580]  }
0x432: {  	s19 =	sor.u32 s7, s18;
	[tilespmem:s12+$0x0] =	vst v9;
	v9 =	vmul.f32 v6, v26;
	v6 =	vld [tilespmem:s6+$0x15800]  }
0x433: {  	v10 =	vsub.f32 v10, v16;
	v11 =	vld [tilespmem:s19+$0x0]  }
0x434: {  	v12 =	vadd.f32 v9, v27;
	v9 =	vld [tilespmem:s6+$0x15C00]  }
0x435: {  	v10 =	vmul.f32 v10, v17  }
0x436: {  	s8 =	sor.u32 s4, s16;
	s22 =	simm.s32 $0x40;
	s21 =	simm.s32 $0x200  }
0x437: {  	s23 =	sand.u32 $0x60, s22;
	v15 =	vld [tilespmem:s8+$0x0];
	s9 =	sand.u32 $0x1C00, s21;
	v18 =	vmul.f32 v10, v6  }
0x438: {  	s20 =	sor.u32 s2, s18;
	s24 =	sor.u32 $0x10, s23;
	s31 =	sadd.s32 $0xC800, s9;
	[tilespmem:s5+$0x0] =	vst v12;
	v11 =	vsub.f32 v11, v13  }
0x439: {  	s13 =	sor.u32 s24, s31;
	v12 =	vld [tilespmem:s20+$0x0];
	v18 =	vadd.f32 v18, v9  }
0x43a: {  	s26 =	simm.s32 $0x15820;
	s14 =	sadd.s32 $0xC880, s25;
	v20 =	vld [tilespmem:s13+$0x0];
	v11 =	vmul.f32 v11, v14  }
0x43b: {  	s15 =	sor.u32 s1, s14;
	v10 =	vld [tilespmem:s26+$0x0];
	[tilespmem:s17+$0x0] =	vst v18  }
0x43c: {  	s30 =	simm.s32 $0x15C20;
	v15 =	vsub.f32 v15, v16;
	v19 =	vmul.f32 v11, v25;
	v18 =	vld [tilespmem:s15+$0x0]  }
0x43d: {  	v11 =	vld [tilespmem:s30+$0x0]  }
0x43e: {  	s16 =	sand.u32 $0x380, s22;
	v15 =	vmul.f32 v15, v17;
	v12 =	vsub.f32 v12, v13;
	v19 =	vadd.f32 v19, v24  }
0x43f: {  	s3 =	sor.u32 s16, s24;
	s5 =	sadd.s32 $0xC900, s11  }
0x440: {  	s18 =	sor.u32 s7, s5;
	v21 =	vmul.f32 v15, v10;
	v15 =	vld [tilespmem:s3+$0x15800];
	v12 =	vmul.f32 v12, v14;
	[tilespmem:s19+$0x0] =	vst v19  }
0x441: {  	v19 =	vld [tilespmem:s18+$0x0];
	v18 =	vsub.f32 v18, v13  }
0x442: {  	v20 =	vsub.f32 v20, v16;
	v22 =	vmul.f32 v12, v26;
	v21 =	vadd.f32 v21, v11  }
0x443: {  	s17 =	sor.u32 s23, s31;
	v12 =	vld [tilespmem:s3+$0x15C00];
	v18 =	vmul.f32 v18, v14  }
0x444: {  	v20 =	vmul.f32 v20, v17;
	s6 =	sor.u32 s4, s14;
	v23 =	vld [tilespmem:s17+$0x0];
	v22 =	vadd.f32 v22, v27;
	[tilespmem:s8+$0x0] =	vst v21  }
0x445: {  	v21 =	vld [tilespmem:s6+$0x0];
	v29 =	vmul.f32 v18, v6  }
0x446: {  	s22 =	simm.s32 $0x15C40;
	s0 =	sor.u32 s2, s5;
	v20 =	vmul.f32 v20, v15;
	[tilespmem:s20+$0x0] =	vst v22;
	v19 =	vsub.f32 v19, v7  }
0x447: {  	s21 =	simm.s32 $0x60;
	s19 =	simm.s32 $0x15840;
	s20 =	simm.s32 $0x300;
	v22 =	vld [tilespmem:s0+$0x0];
	v29 =	vadd.f32 v29, v9  }
0x448: {  	s10 =	sand.u32 $0x60, s21;
	s31 =	sadd.s32 $0xC900, s25;
	v20 =	vadd.f32 v20, v12;
	v28 =	vmul.f32 v19, v8;
	v19 =	vld [tilespmem:s19+$0x0];
	s19 =	sand.u32 $0x1C00, s20  }
0x449: {  	s28 =	sor.u32 $0x10, s10;
	s30 =	sor.u32 s1, s31;
	v23 =	vsub.f32 v23, v16;
	v18 =	vld [tilespmem:s22+$0x0];
	s26 =	sadd.s32 $0xC800, s19;
	[tilespmem:s15+$0x0] =	vst v29  }
0x44a: {  	[tilespmem:s13+$0x0] =	vst v20;
	s20 =	sadd.s32 $0xC880, s9;
	v20 =	vsub.f32 v21, v13;
	v28 =	vmul.f32 v28, v25;
	s16 =	sor.u32 s28, s26;
	v31 =	vld [tilespmem:s30+$0x0]  }
0x44b: {  	v23 =	vmul.f32 v23, v17;
	s3 =	sor.u32 s24, s20;
	v30 =	vld [tilespmem:s16+$0x0]  }
0x44c: {  	s12 =	sand.u32 $0x380, s21;
	v29 =	vmul.f32 v20, v14;
	v21 =	vadd.f32 v28, v24;
	v28 =	vld [tilespmem:s3+$0x0]  }
0x44d: {  	s15 =	sor.u32 s12, s28;
	v22 =	vsub.f32 v22, v7;
	v23 =	vmul.f32 v23, v19  }
0x44e: {  	s8 =	sadd.s32 $0xC980, s11;
	s12 =	sor.u32 s10, s26;
	v20 =	vld [tilespmem:s15+$0x15800];
	v29 =	vmul.f32 v29, v10  }
0x44f: {  	s11 =	sor.u32 s7, s8;
	v54 =	vld [tilespmem:s12+$0x0];
	[tilespmem:s18+$0x0] =	vst v21;
	v21 =	vmul.f32 v22, v8;
	v23 =	vadd.f32 v23, v18;
	v31 =	vsub.f32 v31, v7  }
0x450: {  	v22 =	vld [tilespmem:s11+$0x0];
	v29 =	vadd.f32 v29, v11;
	v30 =	vsub.f32 v30, v16  }
0x451: {  	s13 =	sor.u32 s23, s20;
	v55 =	vmul.f32 v21, v26;
	v21 =	vld [tilespmem:s15+$0x15C00];
	[tilespmem:s17+$0x0] =	vst v23;
	v28 =	vsub.f32 v28, v13;
	v31 =	vmul.f32 v31, v8  }
0x452: {  	s21 =	simm.s32 $0x80;
	s17 =	simm.s32 $0x15860;
	v30 =	vmul.f32 v30, v17;
	v56 =	vld [tilespmem:s13+$0x0]  }
0x453: {  	s20 =	smov.u32 s24;
	s18 =	simm.s32 $0x400;
	s15 =	sor.u32 s4, s31;
	[tilespmem:s6+$0x0] =	vst v29;
	v33 =	vadd.f32 v55, v27;
	v23 =	vld [tilespmem:s17+$0x0];
	v28 =	vmul.f32 v28, v14;
	v31 =	vmul.f32 v31, v6  }
0x454: {  	s24 =	sand.u32 $0x60, s21;
	s29 =	sand.u32 $0x1C00, s18;
	s31 =	simm.s32 $0x15C60;
	v29 =	vmul.f32 v30, v20;
	v30 =	vld [tilespmem:s15+$0x0]  }
0x455: {  	s22 =	sor.u32 s2, s8;
	s26 =	sor.u32 $0x10, s24;
	s2 =	sadd.s32 $0xC800, s29;
	[tilespmem:s0+$0x0] =	vst v33;
	v57 =	vsub.f32 v22, v4;
	v22 =	vld [tilespmem:s31+$0x0];
	v28 =	vmul.f32 v28, v15;
	v31 =	vadd.f32 v31, v9  }
0x456: {  	v32 =	vsub.f32 v54, v16;
	s14 =	sor.u32 s26, s2;
	s31 =	sadd.s32 $0xC980, s25;
	v33 =	vld [tilespmem:s22+$0x0];
	v29 =	vadd.f32 v29, v21  }
0x457: {  	s6 =	sadd.s32 $0xC880, s19;
	v58 =	vld [tilespmem:s14+$0x0];
	s25 =	sor.u32 s1, s31;
	v28 =	vadd.f32 v28, v12;
	[tilespmem:s30+$0x0] =	vst v31  }
0x458: {  	v32 =	vmul.f32 v32, v17;
	s7 =	sor.u32 s28, s6;
	[tilespmem:s16+$0x0] =	vst v29;
	v29 =	vsub.f32 v56, v13;
	s16 =	sadd.s32 $0xC900, s9;
	v63 =	vld [tilespmem:s25+$0x0]  }
0x459: {  	s5 =	sand.u32 $0x380, s21;
	s17 =	smov.u32 s28;
	v59 =	vmul.f32 v57, v5;
	v60 =	vld [tilespmem:s7+$0x0];
	[tilespmem:s3+$0x0] =	vst v28;
	s28 =	sor.u32 s20, s16;
	v28 =	vsub.f32 v30, v7  }
0x45a: {  	s5 =	sor.u32 s5, s26;
	v30 =	vmul.f32 v32, v23;
	v29 =	vmul.f32 v29, v14;
	v61 =	vld [tilespmem:s28+$0x0]  }
0x45b: {  	v62 =	vmul.f32 v59, v25;
	v25 =	vld [tilespmem:s5+$0x15800];
	v31 =	vsub.f32 v33, v4;
	v28 =	vmul.f32 v28, v8  }
0x45c: {  	v36 =	vsub.f32 v58, v16;
	v30 =	vadd.f32 v30, v22;
	v29 =	vmul.f32 v29, v19  }
0x45d: {  	s18 =	sor.u32 s24, s2;
	v33 =	vadd.f32 v62, v24;
	v24 =	vld [tilespmem:s5+$0x15C00];
	v37 =	vmul.f32 v31, v5;
	v28 =	vmul.f32 v28, v10  }
0x45e: {  	s8 =	smov.u32 s19;
	s1 =	sor.u32 s10, s6;
	v36 =	vmul.f32 v36, v17;
	v31 =	vld [tilespmem:s18+$0x0];
	[tilespmem:s12+$0x0] =	vst v30;
	v35 =	vsub.f32 v60, v13;
	v29 =	vadd.f32 v29, v18  }
0x45f: {  	s21 =	smov.u32 s23;
	s19 =	smov.u32 s10;
	[tilespmem:s11+$0x0] =	vst v33;
	s11 =	simm.s32 $0x15880;
	v37 =	vmul.f32 v37, v26;
	v30 =	vld [tilespmem:s1+$0x0];
	v32 =	vsub.f32 v61, v7;
	v38 =	vadd.f32 v28, v11  }
0x460: {  	s4 =	sor.u32 s4, s31;
	s2 =	sor.u32 s23, s16;
	s16 =	simm.s32 $0xA0;
	v34 =	vmul.f32 v36, v25;
	v26 =	vld [tilespmem:s11+$0x0];
	v28 =	vsub.f32 v63, v4;
	[tilespmem:s13+$0x0] =	vst v29  }
0x461: {  	s12 =	simm.s32 $0x8;
	v33 =	vmul.f32 v35, v14;
	v27 =	vadd.f32 v37, v27;
	s13 =	simm.s32 $0x500;
	[tilespmem:s15+$0x0] =	vst v38;
	s15 =	simm.s32 $0x15C80;
	v29 =	vld [tilespmem:s2+$0x0];
	v32 =	vmul.f32 v32, v8  }
.LBB2_27:
0x462: {  	s3 =	sand.u32 $0x60, s16  }
0x463: {  	s23 =	smov.u32 s20;
	s20 =	sand.u32 $0x1C00, s13;
	s12 =	sadd.s32 $0x2, s12  }
0x464: {  	s0 =	smov.u32 s2;
	s10 =	smov.u32 s4;
	s5 =	sadd.s32 $0xC880, s29;
	v33 =	vmul.f32 v33, v20  }
0x465: {  	v35 =	vld [tilespmem:s4+$0x0];
	v36 =	vmov v22;
	s9 =	sadd.s32 $0xC980, s9;
	s11 =	sadd.s32 $0x20, s11;
	s13 =	sadd.s32 $0x100, s13;
	v28 =	vmul.f32 v28, v5;
	[tilespmem:s22+$0x0] =	vst v27;
	v31 =	vsub.f32 v31, v16  }
0x466: {  	v27 =	vmovc v23;
	[dreg:$0x9] =	wrdreg s0;
	s4 =	sadd.s32 $0xC800, s20;
	s6 =	sor.u32 $0x10, s3;
	v32 =	vmul.f32 v32, v15;
	v33 =	vadd.f32 v33, v21;
	v23 =	vadd.f32 v34, v24  }
0x467: {  	p0 =	slt.u32 s12, $0x3E;
	s0 =	sor.u32 s24, s5;
	v22 =	vld [tilespmem:s15+$0x0];
	s30 =	sor.u32 s6, s4;
	v28 =	vmul.f32 v28, v6;
	v6 =	vmovc v15;
	v38 =	vsub.f32 v30, v13;
	v31 =	vmul.f32 v31, v17  }
0x468: {  	s5 =	sor.u32 s26, s5;
	s22 =	sadd.s32 $0xC900, s8;
	s23 =	sor.u32 s23, s9;
	v58 =	vld [tilespmem:s30+$0x0];
	v30 =	vadd.f32 v32, v12;
	v15 =	vmovc v20;
	v20 =	vmov v25;
	v29 =	vsub.f32 v29, v7;
	[tilespmem:s14+$0x0] =	vst v23  }
0x469: {  	s31 =	sor.u32 s3, s4;
	s2 =	sor.u32 s19, s22;
	s22 =	sor.u32 s17, s22;
	v28 =	vadd.f32 v28, v9;
	v25 =	vmul.f32 v31, v26;
	v31 =	vmul.f32 v38, v14;
	v59 =	vld [tilespmem:s5+$0x0];
	[tilespmem:s7+$0x0] =	vst v33  }
0x46a: {  	s4 =	sor.u32 s21, s9;
	s21 =	smov.u32 s19;
	s14 =	sand.u32 $0x380, s16;
	v29 =	vmul.f32 v29, v8;
	v33 =	vld [tilespmem:s22+$0x0];
	[tilespmem:s28+$0x0] =	vst v30;
	v30 =	vsub.f32 v35, v4  }
0x46b: {  	s19 =	smov.u32 s24;
	s24 =	smov.u32 s3;
	s14 =	sor.u32 s14, s6;
	v23 =	vmov v26;
	v26 =	vmul.f32 v31, v27;
	v37 =	vld [tilespmem:s23+$0x0];
	[tilespmem:s25+$0x0] =	vst v28  }
0x46c: {  	s9 =	smov.u32 s8;
	s8 =	smov.u32 s29;
	s29 =	smov.u32 s20;
	v60 =	vadd.f32 v25, v22;
	v29 =	vmul.f32 v29, v19;
	v25 =	vld [tilespmem:s14+$0x15800];
	v28 =	vmul.f32 v30, v5  }
.Ltmp12:
0x46d: {  	s20 =	smov.u32 s17;
	s17 =	smov.u32 s26;
	v9 =	vmovc v12;
	v12 =	vmovc v21;
	v21 =	vmov v24;
	v31 =	vld [tilespmem:s31+$0x0];
	v30 =	vsub.f32 v58, v16;
	v61 =	vadd.f32 v26, v36;
	(pc) =	sbr.rel @p0 .LBB2_27-.Ltmp12, $4  }
0x46e: {  	s26 =	smov.u32 s6;
	s15 =	sadd.s32 $0x20, s15;
	s9 =	smov.u32 s9;
	[tilespmem:s18+$0x0] =	vst v60;
	v24 =	vld [tilespmem:s14+$0x15C00];
	v40 =	vadd.f32 v29, v18;
	v32 =	vsub.f32 v59, v13;
	v62 =	vmul.f32 v28, v10  }
0x46f: {  	s16 =	sadd.s32 $0x20, s16;
	s7 =	smov.u32 s5;
	s28 =	smov.u32 s22;
	v26 =	vld [tilespmem:s11+$0x0];
	v10 =	vmovc v19;
	v63 =	vmul.f32 v30, v17;
	v19 =	vmov v27;
	v39 =	vsub.f32 v33, v7  }
0x470: {  	s22 =	smov.u32 s10;
	s18 =	smov.u32 s31;
	s31 =	rddreg [dreg:$0x9];
	v30 =	vld [tilespmem:s0+$0x0];
	[tilespmem:s1+$0x0] =	vst v61;
	v33 =	vmul.f32 v32, v14;
	v28 =	vsub.f32 v37, v4;
	v27 =	vadd.f32 v62, v11  }
0x471: {  	s25 =	smov.u32 s23;
	s14 =	smov.u32 s30;
	s1 =	smov.u32 s0;
	v29 =	vld [tilespmem:s2+$0x0];
	[tilespmem:s31+$0x0] =	vst v40;
	v11 =	vmovc v18;
	v18 =	vmov v36;
	v34 =	vmul.f32 v63, v25;
	v32 =	vmul.f32 v39, v8  }
0x472: {  	v16 =	vsub.f32 v31, v16  }
0x473: {  	v31 =	vld [tilespmem:s15+$0x0]  }
0x474: {  	v16 =	vmul.f32 v16, v17;
	_ =	sdelay $0x1  }
0x475: {  	v16 =	vmul.f32 v16, v26  }
0x476: {  	v17 =	vadd.f32 v34, v24  }
0x477: {  	s0 =	sadd.s32 $0xC880, s29;
	v16 =	vadd.f32 v16, v31  }
0x478: {  	s3 =	sor.u32 s26, s0;
	[tilespmem:s14+$0x0] =	vst v17  }
0x479: {  	s0 =	sor.u32 s24, s0;
	v17 =	vld [tilespmem:s3+$0x0];
	[tilespmem:s18+$0x0] =	vst v16  }
0x47a: {  	v16 =	vld [tilespmem:s0+$0x0];
	_ =	sdelay $0x2  }
0x47b: {  	v30 =	vsub.f32 v30, v13  }
0x47c: {  	v17 =	vsub.f32 v17, v13  }
0x47d: {  	v30 =	vmul.f32 v30, v14;
	v13 =	vsub.f32 v16, v13  }
0x47e: {  	v17 =	vmul.f32 v17, v14;
	v16 =	vmul.f32 v33, v20  }
0x47f: {  	v30 =	vmul.f32 v30, v23;
	v13 =	vmul.f32 v13, v14  }
0x480: {  	v14 =	vadd.f32 v16, v21;
	v16 =	vmul.f32 v17, v25  }
0x481: {  	s5 =	sadd.s32 $0xC900, s8;
	v17 =	vadd.f32 v30, v22;
	v13 =	vmul.f32 v13, v26  }
0x482: {  	s6 =	sor.u32 s17, s5;
	[tilespmem:s7+$0x0] =	vst v14;
	v14 =	vadd.f32 v16, v24  }
0x483: {  	s13 =	sadd.s32 $0xC900, s29;
	s5 =	sor.u32 s19, s5;
	[tilespmem:s1+$0x0] =	vst v17;
	v16 =	vld [tilespmem:s6+$0x0];
	v13 =	vadd.f32 v13, v31  }
0x484: {  	s14 =	sor.u32 s26, s13;
	v17 =	vld [tilespmem:s5+$0x0];
	[tilespmem:s3+$0x0] =	vst v14  }
0x485: {  	s1 =	sor.u32 s24, s13;
	v14 =	vld [tilespmem:s14+$0x0];
	[tilespmem:s0+$0x0] =	vst v13  }
0x486: {  	v13 =	vld [tilespmem:s1+$0x0]  }
0x487: {  	v29 =	vsub.f32 v29, v7  }
0x488: {  	v16 =	vsub.f32 v16, v7  }
0x489: {  	v29 =	vmul.f32 v29, v8;
	v17 =	vsub.f32 v17, v7  }
0x48a: {  	v30 =	vmul.f32 v32, v15;
	v16 =	vmul.f32 v16, v8;
	v14 =	vsub.f32 v14, v7  }
0x48b: {  	v29 =	vmul.f32 v29, v19;
	v17 =	vmul.f32 v17, v8;
	v7 =	vsub.f32 v13, v7  }
0x48c: {  	v30 =	vadd.f32 v30, v12;
	v13 =	vld [tilespmem:s4+$0x0];
	v16 =	vmul.f32 v16, v20;
	v14 =	vmul.f32 v14, v8  }
0x48d: {  	s15 =	sadd.s32 $0xC980, s9;
	v29 =	vadd.f32 v29, v18;
	v17 =	vmul.f32 v17, v23;
	v7 =	vmul.f32 v7, v8  }
0x48e: {  	s16 =	sor.u32 s20, s15;
	[tilespmem:s28+$0x0] =	vst v30;
	v8 =	vadd.f32 v16, v21;
	v14 =	vmul.f32 v14, v25  }
0x48f: {  	s18 =	sadd.s32 $0xC980, s8;
	[tilespmem:s2+$0x0] =	vst v29;
	s0 =	sor.u32 s21, s15;
	v16 =	vld [tilespmem:s16+$0x0];
	v17 =	vadd.f32 v17, v22;
	v7 =	vmul.f32 v7, v26  }
0x490: {  	s20 =	sor.u32 s17, s18;
	v29 =	vld [tilespmem:s0+$0x0];
	[tilespmem:s6+$0x0] =	vst v8;
	v8 =	vadd.f32 v14, v24  }
0x491: {  	s2 =	sor.u32 s19, s18;
	s21 =	sadd.s32 $0xC980, s29;
	[tilespmem:s5+$0x0] =	vst v17;
	v13 =	vsub.f32 v13, v4;
	v14 =	vld [tilespmem:s20+$0x0];
	v7 =	vadd.f32 v7, v31  }
0x492: {  	s23 =	sor.u32 s26, s21;
	v17 =	vmul.f32 v28, v5;
	v28 =	vld [tilespmem:s2+$0x0];
	[tilespmem:s14+$0x0] =	vst v8  }
0x493: {  	s5 =	sor.u32 s24, s21;
	v8 =	vmul.f32 v13, v5;
	v13 =	vld [tilespmem:s23+$0x0];
	[tilespmem:s1+$0x0] =	vst v7  }
0x494: {  	v6 =	vmul.f32 v17, v6;
	v7 =	vsub.f32 v16, v4;
	v16 =	vld [tilespmem:s5+$0x0]  }
0x495: {  	v8 =	vmul.f32 v8, v10;
	v10 =	vsub.f32 v29, v4  }
0x496: {  	v6 =	vadd.f32 v6, v9;
	v7 =	vmul.f32 v7, v5;
	v9 =	vsub.f32 v14, v4  }
0x497: {  	v8 =	vadd.f32 v8, v11;
	v10 =	vmul.f32 v10, v5;
	v11 =	vsub.f32 v28, v4  }
0x498: {  	v7 =	vmul.f32 v7, v15;
	v9 =	vmul.f32 v9, v5;
	v13 =	vsub.f32 v13, v4  }
0x499: {  	[tilespmem:s22+$0x0] =	vst v27;
	v10 =	vmul.f32 v10, v19;
	v11 =	vmul.f32 v11, v5;
	v4 =	vsub.f32 v16, v4  }
0x49a: {  	[tilespmem:s25+$0x0] =	vst v6;
	v6 =	vadd.f32 v7, v12;
	v7 =	vmul.f32 v9, v20;
	v9 =	vmul.f32 v13, v5  }
0x49b: {  	[tilespmem:s4+$0x0] =	vst v8;
	v8 =	vadd.f32 v10, v18;
	v10 =	vmul.f32 v11, v23;
	v4 =	vmul.f32 v4, v5  }
0x49c: {  	[tilespmem:s16+$0x0] =	vst v6;
	v5 =	vadd.f32 v7, v21;
	v6 =	vmul.f32 v9, v25  }
0x49d: {  	[tilespmem:s0+$0x0] =	vst v8;
	v7 =	vadd.f32 v10, v22;
	v4 =	vmul.f32 v4, v26  }
0x49e: {  	[tilespmem:s20+$0x0] =	vst v5;
	v5 =	vadd.f32 v6, v24  }
0x49f: {  	s25 =	simm.s32 $0x0;
	[tilespmem:s2+$0x0] =	vst v7;
	v4 =	vadd.f32 v4, v31  }
0x4a0: {  	s11 =	sand.u32 $0x1C00, s25;
	s2 =	sand.u32 $0x60, s25;
	[tilespmem:s23+$0x0] =	vst v5  }
0x4a1: {  	s26 =	sadd.s32 $0xCA00, s11;
	s7 =	sor.u32 $0x10, s2;
	[tilespmem:s5+$0x0] =	vst v4  }
0x4a2: {  	s30 =	sor.u32 s7, s26;
	v16 =	vld [tilespmem:$0x14E00]  }
0x4a3: {  	v5 =	vld [tilespmem:s30+$0x0]  }
0x4a4: {  	v13 =	vld [tilespmem:$0x14E80]  }
0x4a5: {  	s0 =	sand.u32 $0x380, s25;
	v17 =	vld [tilespmem:$0x15600]  }
0x4a6: {  	s0 =	sor.u32 s0, s7;
	v7 =	vld [tilespmem:$0x14F00]  }
0x4a7: {  	v25 =	vld [tilespmem:s0+$0x15800]  }
0x4a8: {  	v4 =	vld [tilespmem:$0x14F80];
	v5 =	vsub.f32 v5, v16  }
0x4a9: {  	s31 =	sor.u32 s2, s26;
	v24 =	vld [tilespmem:s0+$0x15C00]  }
0x4aa: {  	v6 =	vld [tilespmem:s31+$0x0];
	v5 =	vmul.f32 v5, v17  }
0x4ab: {  	s10 =	simm.s32 $0x100;
	s12 =	simm.s32 $0x20;
	v14 =	vld [tilespmem:$0x15680]  }
0x4ac: {  	s13 =	simm.s32 $0x15800;
	s4 =	sand.u32 $0x60, s12;
	s25 =	sand.u32 $0x1C00, s10;
	v8 =	vld [tilespmem:$0x15700];
	v9 =	vmul.f32 v5, v25  }
0x4ad: {  	s14 =	simm.s32 $0x15C00;
	s1 =	sor.u32 $0x10, s4;
	s15 =	sadd.s32 $0xCA00, s25;
	v26 =	vld [tilespmem:s13+$0x0]  }
0x4ae: {  	s16 =	sor.u32 s1, s15;
	v27 =	vld [tilespmem:s14+$0x0];
	v9 =	vadd.f32 v9, v24  }
0x4af: {  	s17 =	sadd.s32 $0xCA80, s11;
	v10 =	vld [tilespmem:s16+$0x0];
	v6 =	vsub.f32 v6, v16  }
0x4b0: {  	s18 =	sor.u32 s7, s17;
	v5 =	vld [tilespmem:$0x15780];
	[tilespmem:s30+$0x0] =	vst v9  }
0x4b1: {  	v6 =	vmul.f32 v6, v17;
	v11 =	vld [tilespmem:s18+$0x0]  }
0x4b2: {  	s6 =	sand.u32 $0x380, s12  }
0x4b3: {  	s6 =	sor.u32 s6, s1;
	v9 =	vmul.f32 v6, v26  }
0x4b4: {  	s8 =	sor.u32 s4, s15;
	v6 =	vld [tilespmem:s6+$0x15800]  }
0x4b5: {  	v15 =	vld [tilespmem:s8+$0x0];
	v10 =	vsub.f32 v10, v16;
	v12 =	vadd.f32 v9, v27  }
0x4b6: {  	v9 =	vld [tilespmem:s6+$0x15C00];
	v11 =	vsub.f32 v11, v13  }
0x4b7: {  	s19 =	simm.s32 $0x200;
	s20 =	simm.s32 $0x40;
	s10 =	sor.u32 s2, s17;
	v10 =	vmul.f32 v10, v17;
	[tilespmem:s31+$0x0] =	vst v12  }
0x4b8: {  	s9 =	sand.u32 $0x1C00, s19;
	s23 =	sand.u32 $0x60, s20;
	v12 =	vld [tilespmem:s10+$0x0];
	v11 =	vmul.f32 v11, v14  }
0x4b9: {  	s22 =	sadd.s32 $0xCA00, s9;
	s12 =	simm.s32 $0x15820;
	s24 =	sor.u32 $0x10, s23;
	v18 =	vmul.f32 v10, v6  }
0x4ba: {  	s13 =	sor.u32 s24, s22;
	v10 =	vld [tilespmem:s12+$0x0];
	v19 =	vmul.f32 v11, v25  }
0x4bb: {  	s21 =	simm.s32 $0x15C20;
	v20 =	vld [tilespmem:s13+$0x0];
	v15 =	vsub.f32 v15, v16;
	v18 =	vadd.f32 v18, v9  }
0x4bc: {  	s26 =	sadd.s32 $0xCA80, s25;
	v11 =	vld [tilespmem:s21+$0x0];
	v19 =	vadd.f32 v19, v24  }
0x4bd: {  	v15 =	vmul.f32 v15, v17;
	s30 =	sor.u32 s1, s26;
	s31 =	sadd.s32 $0xCB00, s11;
	[tilespmem:s16+$0x0] =	vst v18;
	v12 =	vsub.f32 v12, v13  }
0x4be: {  	s16 =	sand.u32 $0x380, s20;
	v18 =	vld [tilespmem:s30+$0x0];
	[tilespmem:s18+$0x0] =	vst v19;
	s18 =	sor.u32 s7, s31  }
0x4bf: {  	v21 =	vmul.f32 v15, v10;
	s3 =	sor.u32 s16, s24;
	v12 =	vmul.f32 v12, v14;
	v19 =	vld [tilespmem:s18+$0x0]  }
0x4c0: {  	v15 =	vld [tilespmem:s3+$0x15800]  }
0x4c1: {  	v20 =	vsub.f32 v20, v16;
	v22 =	vmul.f32 v12, v26;
	v21 =	vadd.f32 v21, v11  }
0x4c2: {  	s5 =	sor.u32 s23, s22;
	v12 =	vld [tilespmem:s3+$0x15C00]  }
0x4c3: {  	v23 =	vld [tilespmem:s5+$0x0];
	v20 =	vmul.f32 v20, v17;
	s6 =	sor.u32 s4, s26;
	v18 =	vsub.f32 v18, v13;
	v22 =	vadd.f32 v22, v27;
	[tilespmem:s8+$0x0] =	vst v21  }
0x4c4: {  	v21 =	vld [tilespmem:s6+$0x0];
	v19 =	vsub.f32 v19, v7  }
0x4c5: {  	s19 =	simm.s32 $0x300;
	s0 =	sor.u32 s2, s31;
	s20 =	simm.s32 $0x60;
	v20 =	vmul.f32 v20, v15;
	v18 =	vmul.f32 v18, v14;
	[tilespmem:s10+$0x0] =	vst v22  }
0x4c6: {  	s19 =	sand.u32 $0x1C00, s19;
	s17 =	simm.s32 $0x15840;
	s10 =	sand.u32 $0x60, s20;
	v22 =	vld [tilespmem:s0+$0x0];
	v28 =	vmul.f32 v19, v8  }
0x4c7: {  	s22 =	sadd.s32 $0xCA00, s19;
	s21 =	simm.s32 $0x15C40;
	v29 =	vmul.f32 v18, v6;
	s28 =	sor.u32 $0x10, s10;
	v20 =	vadd.f32 v20, v12;
	v19 =	vld [tilespmem:s17+$0x0]  }
0x4c8: {  	v23 =	vsub.f32 v23, v16;
	s26 =	sadd.s32 $0xCA80, s9;
	v18 =	vld [tilespmem:s21+$0x0];
	s16 =	sor.u32 s28, s22;
	v28 =	vmul.f32 v28, v25  }
0x4c9: {  	s12 =	sand.u32 $0x380, s20;
	s3 =	sor.u32 s24, s26;
	v29 =	vadd.f32 v29, v9;
	v30 =	vld [tilespmem:s16+$0x0];
	[tilespmem:s13+$0x0] =	vst v20;
	v20 =	vsub.f32 v21, v13  }
0x4ca: {  	v23 =	vmul.f32 v23, v17;
	s31 =	sadd.s32 $0xCB00, s25;
	s15 =	sor.u32 s12, s28;
	s12 =	sor.u32 s10, s22;
	v21 =	vadd.f32 v28, v24;
	v28 =	vld [tilespmem:s3+$0x0]  }
0x4cb: {  	v56 =	vld [tilespmem:s12+$0x0];
	[tilespmem:s30+$0x0] =	vst v29;
	s30 =	sor.u32 s1, s31;
	v22 =	vsub.f32 v22, v7;
	v29 =	vmul.f32 v20, v14  }
0x4cc: {  	s8 =	sadd.s32 $0xCB80, s11;
	v31 =	vld [tilespmem:s30+$0x0];
	v23 =	vmul.f32 v23, v19  }
0x4cd: {  	s11 =	sor.u32 s7, s8;
	v20 =	vld [tilespmem:s15+$0x15800];
	v29 =	vmul.f32 v29, v10;
	[tilespmem:s18+$0x0] =	vst v21;
	v21 =	vmul.f32 v22, v8  }
0x4ce: {  	s20 =	smov.u32 s24;
	s21 =	simm.s32 $0x80;
	v30 =	vsub.f32 v30, v16;
	v22 =	vld [tilespmem:s11+$0x0];
	v23 =	vadd.f32 v23, v18  }
0x4cf: {  	s22 =	sor.u32 s2, s8;
	s17 =	simm.s32 $0x15860;
	s18 =	simm.s32 $0x400;
	v29 =	vadd.f32 v29, v11;
	v57 =	vmul.f32 v21, v26;
	v21 =	vld [tilespmem:s15+$0x15C00];
	v28 =	vsub.f32 v28, v13  }
0x4d0: {  	s24 =	sand.u32 $0x60, s21;
	s13 =	sor.u32 s23, s26;
	v30 =	vmul.f32 v30, v17;
	s29 =	sand.u32 $0x1C00, s18;
	[tilespmem:s5+$0x0] =	vst v23;
	v23 =	vld [tilespmem:s17+$0x0]  }
0x4d1: {  	s26 =	sor.u32 $0x10, s24;
	v31 =	vsub.f32 v31, v7;
	s15 =	sor.u32 s4, s31;
	s2 =	sadd.s32 $0xCA00, s29;
	[tilespmem:s6+$0x0] =	vst v29;
	v58 =	vld [tilespmem:s13+$0x0];
	v33 =	vadd.f32 v57, v27;
	v28 =	vmul.f32 v28, v14  }
0x4d2: {  	v29 =	vmul.f32 v30, v20;
	s14 =	sor.u32 s26, s2;
	v30 =	vld [tilespmem:s15+$0x0]  }
0x4d3: {  	v31 =	vmul.f32 v31, v8;
	v36 =	vld [tilespmem:s14+$0x0];
	[tilespmem:s0+$0x0] =	vst v33;
	v28 =	vmul.f32 v28, v15  }
0x4d4: {  	v32 =	vsub.f32 v56, v16;
	s31 =	simm.s32 $0x15C60;
	v33 =	vld [tilespmem:s22+$0x0];
	v29 =	vadd.f32 v29, v21  }
0x4d5: {  	s6 =	sadd.s32 $0xCA80, s19;
	v31 =	vmul.f32 v31, v6;
	v35 =	vsub.f32 v22, v4;
	v22 =	vld [tilespmem:s31+$0x0];
	v28 =	vadd.f32 v28, v12  }
0x4d6: {  	v32 =	vmul.f32 v32, v17;
	s7 =	sor.u32 s28, s6;
	[tilespmem:s16+$0x0] =	vst v29;
	v29 =	vsub.f32 v58, v13;
	s16 =	sadd.s32 $0xCB00, s9  }
0x4d7: {  	s17 =	smov.u32 s28;
	s5 =	sand.u32 $0x380, s21;
	v31 =	vadd.f32 v31, v9;
	v59 =	vmul.f32 v35, v5;
	v60 =	vld [tilespmem:s7+$0x0];
	s28 =	sor.u32 s20, s16;
	[tilespmem:s3+$0x0] =	vst v28;
	v28 =	vsub.f32 v30, v7  }
0x4d8: {  	s5 =	sor.u32 s5, s26;
	s31 =	sadd.s32 $0xCB80, s25;
	v30 =	vmul.f32 v32, v23;
	v29 =	vmul.f32 v29, v14;
	v61 =	vld [tilespmem:s28+$0x0]  }
0x4d9: {  	s25 =	sor.u32 s1, s31;
	[tilespmem:s30+$0x0] =	vst v31;
	v62 =	vmul.f32 v59, v25;
	v25 =	vld [tilespmem:s5+$0x15800];
	v31 =	vsub.f32 v33, v4;
	v28 =	vmul.f32 v28, v8  }
0x4da: {  	v36 =	vsub.f32 v36, v16;
	v63 =	vld [tilespmem:s25+$0x0];
	v30 =	vadd.f32 v30, v22;
	v29 =	vmul.f32 v29, v19  }
0x4db: {  	s18 =	sor.u32 s24, s2;
	v33 =	vadd.f32 v62, v24;
	v24 =	vld [tilespmem:s5+$0x15C00];
	v37 =	vmul.f32 v31, v5;
	v28 =	vmul.f32 v28, v10  }
0x4dc: {  	s8 =	smov.u32 s19;
	s1 =	sor.u32 s10, s6;
	v36 =	vmul.f32 v36, v17;
	v31 =	vld [tilespmem:s18+$0x0];
	[tilespmem:s12+$0x0] =	vst v30;
	v35 =	vsub.f32 v60, v13;
	v29 =	vadd.f32 v29, v18  }
0x4dd: {  	s19 =	smov.u32 s10;
	s21 =	smov.u32 s23;
	[tilespmem:s11+$0x0] =	vst v33;
	s11 =	simm.s32 $0x15880;
	v37 =	vmul.f32 v37, v26;
	v30 =	vld [tilespmem:s1+$0x0];
	v32 =	vsub.f32 v61, v7;
	v38 =	vadd.f32 v28, v11  }
0x4de: {  	s4 =	sor.u32 s4, s31;
	s2 =	sor.u32 s23, s16;
	s16 =	simm.s32 $0xA0;
	v34 =	vmul.f32 v36, v25;
	v26 =	vld [tilespmem:s11+$0x0];
	v33 =	vmul.f32 v35, v14;
	[tilespmem:s13+$0x0] =	vst v29  }
0x4df: {  	s12 =	simm.s32 $0x8;
	v28 =	vsub.f32 v63, v4;
	s13 =	simm.s32 $0x500;
	v27 =	vadd.f32 v37, v27;
	v29 =	vld [tilespmem:s2+$0x0];
	[tilespmem:s15+$0x0] =	vst v38;
	s15 =	simm.s32 $0x15C80;
	v32 =	vmul.f32 v32, v8  }
.LBB2_29:
0x4e0: {  	s3 =	sand.u32 $0x60, s16  }
0x4e1: {  	s23 =	smov.u32 s20;
	s20 =	sand.u32 $0x1C00, s13;
	s12 =	sadd.s32 $0x2, s12  }
0x4e2: {  	s0 =	smov.u32 s2;
	s10 =	smov.u32 s4;
	s5 =	sadd.s32 $0xCA80, s29;
	v33 =	vmul.f32 v33, v20  }
0x4e3: {  	v35 =	vld [tilespmem:s4+$0x0];
	v36 =	vmov v22;
	s9 =	sadd.s32 $0xCB80, s9;
	s11 =	sadd.s32 $0x20, s11;
	s13 =	sadd.s32 $0x100, s13;
	v28 =	vmul.f32 v28, v5;
	[tilespmem:s22+$0x0] =	vst v27;
	v31 =	vsub.f32 v31, v16  }
0x4e4: {  	v27 =	vmovc v23;
	[dreg:$0xa] =	wrdreg s0;
	s4 =	sadd.s32 $0xCA00, s20;
	s6 =	sor.u32 $0x10, s3;
	v32 =	vmul.f32 v32, v15;
	v33 =	vadd.f32 v33, v21;
	v23 =	vadd.f32 v34, v24  }
0x4e5: {  	p0 =	slt.u32 s12, $0x3E;
	s0 =	sor.u32 s24, s5;
	v22 =	vld [tilespmem:s15+$0x0];
	s30 =	sor.u32 s6, s4;
	v28 =	vmul.f32 v28, v6;
	v6 =	vmovc v15;
	v38 =	vsub.f32 v30, v13;
	v31 =	vmul.f32 v31, v17  }
0x4e6: {  	s5 =	sor.u32 s26, s5;
	s22 =	sadd.s32 $0xCB00, s8;
	s23 =	sor.u32 s23, s9;
	v58 =	vld [tilespmem:s30+$0x0];
	v30 =	vadd.f32 v32, v12;
	v15 =	vmovc v20;
	v20 =	vmov v25;
	v29 =	vsub.f32 v29, v7;
	[tilespmem:s14+$0x0] =	vst v23  }
0x4e7: {  	s31 =	sor.u32 s3, s4;
	s2 =	sor.u32 s19, s22;
	s22 =	sor.u32 s17, s22;
	v28 =	vadd.f32 v28, v9;
	v25 =	vmul.f32 v31, v26;
	v31 =	vmul.f32 v38, v14;
	v59 =	vld [tilespmem:s5+$0x0];
	[tilespmem:s7+$0x0] =	vst v33  }
0x4e8: {  	s4 =	sor.u32 s21, s9;
	s21 =	smov.u32 s19;
	s14 =	sand.u32 $0x380, s16;
	v29 =	vmul.f32 v29, v8;
	v33 =	vld [tilespmem:s22+$0x0];
	[tilespmem:s28+$0x0] =	vst v30;
	v30 =	vsub.f32 v35, v4  }
0x4e9: {  	s19 =	smov.u32 s24;
	s24 =	smov.u32 s3;
	s14 =	sor.u32 s14, s6;
	v23 =	vmov v26;
	v26 =	vmul.f32 v31, v27;
	v37 =	vld [tilespmem:s23+$0x0];
	[tilespmem:s25+$0x0] =	vst v28  }
0x4ea: {  	s9 =	smov.u32 s8;
	s8 =	smov.u32 s29;
	s29 =	smov.u32 s20;
	v60 =	vadd.f32 v25, v22;
	v29 =	vmul.f32 v29, v19;
	v25 =	vld [tilespmem:s14+$0x15800];
	v28 =	vmul.f32 v30, v5  }
.Ltmp13:
0x4eb: {  	s20 =	smov.u32 s17;
	s17 =	smov.u32 s26;
	v9 =	vmovc v12;
	v12 =	vmovc v21;
	v21 =	vmov v24;
	v31 =	vld [tilespmem:s31+$0x0];
	v30 =	vsub.f32 v58, v16;
	v61 =	vadd.f32 v26, v36;
	(pc) =	sbr.rel @p0 .LBB2_29-.Ltmp13, $4  }
0x4ec: {  	s26 =	smov.u32 s6;
	s15 =	sadd.s32 $0x20, s15;
	s9 =	smov.u32 s9;
	[tilespmem:s18+$0x0] =	vst v60;
	v24 =	vld [tilespmem:s14+$0x15C00];
	v40 =	vadd.f32 v29, v18;
	v32 =	vsub.f32 v59, v13;
	v62 =	vmul.f32 v28, v10  }
0x4ed: {  	s16 =	sadd.s32 $0x20, s16;
	s7 =	smov.u32 s5;
	s28 =	smov.u32 s22;
	v26 =	vld [tilespmem:s11+$0x0];
	v10 =	vmovc v19;
	v63 =	vmul.f32 v30, v17;
	v19 =	vmov v27;
	v39 =	vsub.f32 v33, v7  }
0x4ee: {  	s22 =	smov.u32 s10;
	s18 =	smov.u32 s31;
	s31 =	rddreg [dreg:$0xa];
	v30 =	vld [tilespmem:s0+$0x0];
	[tilespmem:s1+$0x0] =	vst v61;
	v33 =	vmul.f32 v32, v14;
	v28 =	vsub.f32 v37, v4;
	v27 =	vadd.f32 v62, v11  }
0x4ef: {  	s25 =	smov.u32 s23;
	s14 =	smov.u32 s30;
	s1 =	smov.u32 s0;
	v29 =	vld [tilespmem:s2+$0x0];
	[tilespmem:s31+$0x0] =	vst v40;
	v11 =	vmovc v18;
	v18 =	vmov v36;
	v34 =	vmul.f32 v63, v25;
	v32 =	vmul.f32 v39, v8  }
0x4f0: {  	v16 =	vsub.f32 v31, v16  }
0x4f1: {  	v31 =	vld [tilespmem:s15+$0x0]  }
0x4f2: {  	v16 =	vmul.f32 v16, v17;
	_ =	sdelay $0x1  }
0x4f3: {  	v16 =	vmul.f32 v16, v26  }
0x4f4: {  	v63 =	vadd.f32 v34, v24  }
0x4f5: {  	s0 =	sadd.s32 $0xCA80, s29;
	v16 =	vadd.f32 v16, v31  }
0x4f6: {  	s3 =	sor.u32 s26, s0;
	[tilespmem:s14+$0x0] =	vst v63  }
0x4f7: {  	s0 =	sor.u32 s24, s0;
	v17 =	vld [tilespmem:s3+$0x0];
	[tilespmem:s18+$0x0] =	vst v16  }
0x4f8: {  	v16 =	vld [tilespmem:s0+$0x0]  }
0x4f9: {  	v30 =	vsub.f32 v30, v13;
	_ =	sdelay $0x1  }
0x4fa: {  	v30 =	vmul.f32 v30, v14  }
0x4fb: {  	v17 =	vsub.f32 v17, v13  }
0x4fc: {  	v30 =	vmul.f32 v30, v23;
	v34 =	vsub.f32 v16, v13  }
0x4fd: {  	v35 =	vmul.f32 v33, v20;
	v17 =	vmul.f32 v17, v14  }
0x4fe: {  	v38 =	vadd.f32 v30, v22;
	v13 =	vmul.f32 v34, v14  }
0x4ff: {  	s5 =	sadd.s32 $0xCB00, s8;
	v36 =	vadd.f32 v35, v21;
	v37 =	vmul.f32 v17, v25  }
0x500: {  	s6 =	sor.u32 s17, s5;
	s5 =	sor.u32 s19, s5;
	[tilespmem:s1+$0x0] =	vst v38;
	v13 =	vmul.f32 v13, v26  }
0x501: {  	[tilespmem:s7+$0x0] =	vst v36;
	v17 =	vld [tilespmem:s5+$0x0];
	v39 =	vadd.f32 v37, v24  }
0x502: {  	s15 =	sadd.s32 $0xCB00, s29;
	v40 =	vld [tilespmem:s6+$0x0];
	v13 =	vadd.f32 v13, v31  }
0x503: {  	s16 =	sor.u32 s26, s15;
	[tilespmem:s3+$0x0] =	vst v39  }
0x504: {  	s1 =	sor.u32 s24, s15;
	v14 =	vld [tilespmem:s16+$0x0];
	[tilespmem:s0+$0x0] =	vst v13  }
0x505: {  	v29 =	vsub.f32 v29, v7;
	v13 =	vld [tilespmem:s1+$0x0]  }
0x506: {  	v17 =	vsub.f32 v17, v7  }
0x507: {  	v29 =	vmul.f32 v29, v8;
	v16 =	vsub.f32 v40, v7  }
0x508: {  	v17 =	vmul.f32 v17, v8  }
0x509: {  	v29 =	vmul.f32 v29, v19;
	v16 =	vmul.f32 v16, v8;
	v14 =	vsub.f32 v14, v7  }
0x50a: {  	v17 =	vmul.f32 v17, v23;
	v42 =	vsub.f32 v13, v7  }
0x50b: {  	v43 =	vld [tilespmem:s4+$0x0];
	v29 =	vadd.f32 v29, v18;
	v16 =	vmul.f32 v16, v20;
	v14 =	vmul.f32 v14, v8  }
0x50c: {  	v41 =	vmul.f32 v32, v15;
	s18 =	sadd.s32 $0xCB80, s9;
	v17 =	vadd.f32 v17, v22;
	v7 =	vmul.f32 v42, v8  }
0x50d: {  	[tilespmem:s2+$0x0] =	vst v29;
	v44 =	vadd.f32 v16, v21;
	s0 =	sor.u32 s21, s18;
	s21 =	sadd.s32 $0xCB80, s8;
	v14 =	vmul.f32 v14, v25  }
0x50e: {  	v30 =	vadd.f32 v41, v12;
	v29 =	vld [tilespmem:s0+$0x0];
	s2 =	sor.u32 s19, s21;
	[tilespmem:s5+$0x0] =	vst v17;
	v7 =	vmul.f32 v7, v26  }
0x50f: {  	[tilespmem:s6+$0x0] =	vst v44;
	s23 =	sor.u32 s17, s21;
	v49 =	vld [tilespmem:s2+$0x0];
	v46 =	vadd.f32 v14, v24  }
0x510: {  	s20 =	sor.u32 s20, s18;
	[tilespmem:s28+$0x0] =	vst v30;
	s28 =	sadd.s32 $0xCB80, s29;
	v47 =	vld [tilespmem:s23+$0x0];
	v13 =	vsub.f32 v43, v4;
	v7 =	vadd.f32 v7, v31  }
0x511: {  	v48 =	vmul.f32 v28, v5;
	v45 =	vld [tilespmem:s20+$0x0];
	s29 =	sor.u32 s26, s28;
	[tilespmem:s16+$0x0] =	vst v46  }
0x512: {  	s5 =	sor.u32 s24, s28;
	v50 =	vmul.f32 v13, v5;
	v51 =	vld [tilespmem:s29+$0x0];
	[tilespmem:s1+$0x0] =	vst v7  }
0x513: {  	v6 =	vmul.f32 v48, v6;
	v54 =	vsub.f32 v29, v4;
	v53 =	vld [tilespmem:s5+$0x0]  }
0x514: {  	v8 =	vmul.f32 v50, v10;
	v56 =	vsub.f32 v49, v4  }
0x515: {  	v6 =	vadd.f32 v6, v9;
	v55 =	vsub.f32 v47, v4;
	v10 =	vmul.f32 v54, v5  }
0x516: {  	v52 =	vsub.f32 v45, v4;
	v8 =	vadd.f32 v8, v11;
	v11 =	vmul.f32 v56, v5  }
0x517: {  	v9 =	vmul.f32 v55, v5;
	v10 =	vmul.f32 v10, v19;
	v13 =	vsub.f32 v51, v4  }
0x518: {  	[tilespmem:s22+$0x0] =	vst v27;
	v7 =	vmul.f32 v52, v5;
	v61 =	vmul.f32 v11, v23;
	v4 =	vsub.f32 v53, v4  }
0x519: {  	[tilespmem:s25+$0x0] =	vst v6;
	v58 =	vmul.f32 v9, v20;
	v60 =	vadd.f32 v10, v18;
	v59 =	vmul.f32 v13, v5  }
0x51a: {  	[tilespmem:s4+$0x0] =	vst v8;
	v7 =	vmul.f32 v7, v15;
	v63 =	vadd.f32 v61, v22;
	v4 =	vmul.f32 v4, v5  }
0x51b: {  	[tilespmem:s0+$0x0] =	vst v60;
	v62 =	vmul.f32 v59, v25;
	v5 =	vadd.f32 v58, v21  }
0x51c: {  	v57 =	vadd.f32 v7, v12;
	[tilespmem:s2+$0x0] =	vst v63;
	v4 =	vmul.f32 v4, v26  }
0x51d: {  	[tilespmem:s23+$0x0] =	vst v5;
	v5 =	vadd.f32 v62, v24  }
0x51e: {  	[tilespmem:s20+$0x0] =	vst v57;
	v4 =	vadd.f32 v4, v31  }
0x51f: {  	[tilespmem:s29+$0x0] =	vst v5  }
0x520: {  	s0 =	rddreg [dreg:$0x1a];
	[tilespmem:s5+$0x0] =	vst v4  }
0x521: {  	s1 =	rddreg [dreg:$0x16]  }
0x522: {  	s0 =	sshll.u32 s0, $0x7;
	s31 =	rddreg [dreg:$0x19]  }
0x523: {  	s0 =	sadd.s32 s0, s1;
	s1 =	sadd.s32 $0x1, s31  }
0x524: {  	p0 =	sne.s32 s1, $0x10  }
.Ltmp14:
0x525: {  	_ = 	snop;
	(pc) =	sbr.rel @p0 .LBB2_4-.Ltmp14, $3  }
0x526: {  	_ =	sdelay $0x1  }
0x527: {  	s30 =	simm.s32 $0x0;
	s5 =	simm.s32 $0xA800  }
0x528: {  	[hbm4b:s0+s30] =	stream.linear.scatter [tilespmem:s5], [sflag:$0x4], $0x4000, $0x38;
	[tilespmem:$0x16000] =	vst v63  }
0x529: {  	s0 =	simm.s32 $0x3  }
0x52a: {  	_ =	swait.ge [sflag:s0], $0x4000  }
0x52b: {  	[sflag:s0] =	ssyncset.done $0x0  }
0x52c: {  	s1 =	simm.s32 $0x4;
	[sflag:s0] =	ssyncadd.s32 $0xFFFFC000  }
0x52d: {  	_ =	swait.ge [sflag:s1], $0x4000  }
0x52e: {  	s2 =	rddreg [dreg:$0x18]  }
0x52f: {  	s31 =	rddreg [dreg:$0x17];
	s2 =	sadd.s32 $0x1, s2  }
0x530: {  	p0 =	sne.s32 s2, s31  }
.Ltmp15:
0x531: {  	_ = 	snop;
	(pc) =	sbr.rel @p0 .LBB2_1-.Ltmp15, $3  }
0x532: {  	_ =	sdelay $0x1  }
0x533: {  	[sflag:s1] =	ssyncset.done $0x0  }
0x534: {  	[sflag:s1] =	ssyncadd.s32 $0xFFFFC000  }
0x535: {  	_ =	sfence.sel $0x180000  }
0x536: {  	[bflag:$0x0] =	sbarrier.arrive $0xFFFF  }
0x537: {  	_ =	strace $0x90000047  }
0x538: {  	s0 =	stileid.u32;
	[bflag:$0x2] =	sbarrier.arrive $0xFFFF  }
0x539: {  	p0 =	sne.s32 s0, $0x0;
	s0 =	rddreg [dreg:$0x6]  }
0x53a: {  	s0 =	sadd.s32 @!p0 $0x100000, s0  }
0x53b: {  	[sflag:s0] =	ssyncadd.tile.s32 @!p0 $0x1;
	_ =	shalt  }
.Lfunc_end2:
_tile_overlayer_lowered:
.L_overlay_start_2:
0x53c: {  	(tag) =	ssettag $0x2  }
0x53d: {  	s0 =	rddreg [dreg:$0x0];
	s2 =	stileid.u32  }
0x53e: {  	s1 =	rddreg [dreg:$0x1];
	p0 =	sne.s32 s2, $0x0  }
0x53f: {  	s3 =	rddreg [dreg:$0x2];
	[bflag:$0x3] =	sbarrier.arrive $0xFFFF;
	s2 =	simm.s32 @!p0 $0x1C05  }
0x540: {  	[timem:s3], [sflag:s2] =	dma.local @!p0 [hbm:s0], s1  }
0x541: {  	s0 =	simm.s32 @!p0 $0x5  }
0x542: {  	_ =	swait.ge @!p0 [sflag:s0], s1  }
0x543: {  	s1 =	ssub.s32 @!p0 $0x0, s1;
	[sflag:s0] =	ssyncset.done @!p0 $0x0  }
0x544: {  	[sflag:s0] =	ssyncadd.s32 @!p0 s1  }
0x545: {  	[bflag:$0x3] =	sbarrier.arrive $0xFFFF  }
0x546: {  	_ =	shalt  }

</sc_bundles>
